<compile_context>
chip_gen: v7x
topology: tpu7x:2x2x1
jax: 0.10.2.dev20260603
libtpu: 0.0.44.dev20260713+nightly
codegen_flags: <defaults>
</compile_context>

<pallas_src>
import functools
import jax
import jax.numpy as jnp
from jax import lax
from jax.experimental import pallas as pl
from jax.experimental.pallas import tpu as pltpu
from jax.experimental.pallas import tpu_sc as plsc

B, D, O, E = 8192, 768, 768, 8
NBUK = 64
GP = 128
CAPP = B + 4096
NBLK = CAPP // GP
NBLKP = 128
NC, NS, L = 2, 16, 16
NW = NC * NS
TPT = B // NW
TBG = 512
NBG = B // TBG
XCH = 64
NCH = TPT // XCH



def _gate_body(x_ref, wg_ref, bg_ref,
               pid_ref, wa_ref, wb_ref, prefix_ref, ps_ref,
               bea_ref, beb_ref, vcnt_ref, acc_v):
    i = pl.program_id(0)
    x = x_ref[...]
    logits = lax.dot_general(
        x, wg_ref[...], (((1,), (0,)), ((), ())),
        preferred_element_type=jnp.float32,
    ) + bg_ref[...][None, :]
    col = lax.broadcasted_iota(jnp.int32, (TBG, E), 1)
    m0 = jnp.max(logits, axis=1, keepdims=True)
    i0 = jnp.min(jnp.where(logits == m0, col, E), axis=1, keepdims=True)
    masked = jnp.where(col == i0, -jnp.inf, logits)
    m1 = jnp.max(masked, axis=1, keepdims=True)
    i1 = jnp.min(jnp.where(masked == m1, col, E), axis=1, keepdims=True)
    d = jnp.exp(m1 - m0)
    p0 = 1.0 / (1.0 + d)
    p1 = d / (1.0 + d)
    i0s, i1s = i0[:, 0], i1[:, 0]
    p0s, p1s = p0[:, 0], p1[:, 0]
    a = jnp.minimum(i0s, i1s)
    bmx = jnp.maximum(i0s, i1s)
    pid = a * E + bmx
    pid_ref[...] = pid
    first_is_a = i0s < i1s
    wa_ref[...] = jnp.where(first_is_a, p0s, p1s)
    wb_ref[...] = jnp.where(first_is_a, p1s, p0s)

    buk = lax.broadcasted_iota(jnp.int32, (TBG, NBUK), 1)
    oh = (pid[:, None] == buk).astype(jnp.int32)
    half = lax.broadcasted_iota(jnp.int32, (TBG, NBUK), 0) < (TBG // 2)
    h0 = jnp.sum(jnp.where(half, oh, 0), axis=0)
    h1 = jnp.sum(jnp.where(half, 0, oh), axis=0)

    @pl.when(i == 0)
    def _():
        acc_v[...] = jnp.zeros((NBUK,), jnp.int32)

    prev = acc_v[...]
    prefix_ref[0, 0, :] = prev
    prefix_ref[0, 1, :] = prev + h0
    acc_v[...] = prev + h0 + h1

    @pl.when(i == NBG - 1)
    def _():
        counts = prev + h0 + h1
        padded = ((counts + GP - 1) // GP) * GP
        r64 = lax.broadcasted_iota(jnp.int32, (NBUK, NBUK), 0)
        c64 = lax.broadcasted_iota(jnp.int32, (NBUK, NBUK), 1)
        tri = (r64 <= c64).astype(jnp.float32)
        ends = lax.dot_general(
            padded.astype(jnp.float32)[None, :], tri,
            (((1,), (0,)), ((), ())),
            precision=jax.lax.Precision.HIGHEST,
            preferred_element_type=jnp.float32,
        )[0].astype(jnp.int32)
        ps = ends - padded
        ps_ref[...] = ps
        blk = lax.broadcasted_iota(jnp.int32, (NBLKP,), 0) * GP
        below = (ends[None, :] <= blk[:, None]).astype(jnp.int32)
        bk = jnp.minimum(jnp.sum(below, axis=1), NBUK - 1)
        sel = bk[:, None] == lax.broadcasted_iota(jnp.int32, (NBLKP, NBUK), 1)
        c_at = jnp.sum(jnp.where(sel, counts[None, :], 0), axis=1)
        ps_at = jnp.sum(jnp.where(sel, ps[None, :], 0), axis=1)
        bea_ref[...] = bk // E
        beb_ref[...] = bk % E
        vcnt_ref[...] = jnp.clip(c_at - (blk - ps_at), 0, GP)


def _gate(x, Wg, bg):
    return pl.pallas_call(
        _gate_body,
        grid=(NBG,),
        in_specs=[
            pl.BlockSpec((TBG, D), lambda i: (i, 0)),
            pl.BlockSpec((D, E), lambda i: (0, 0)),
            pl.BlockSpec((E,), lambda i: (0,)),
        ],
        out_specs=[
            pl.BlockSpec((TBG,), lambda i: (i,)),
            pl.BlockSpec((TBG,), lambda i: (i,)),
            pl.BlockSpec((TBG,), lambda i: (i,)),
            pl.BlockSpec((1, 2, NBUK), lambda i: (i, 0, 0)),
            pl.BlockSpec((NBUK,), lambda i: (0,)),
            pl.BlockSpec((NBLKP,), lambda i: (0,)),
            pl.BlockSpec((NBLKP,), lambda i: (0,)),
            pl.BlockSpec((NBLKP,), lambda i: (0,)),
        ],
        out_shape=[
            jax.ShapeDtypeStruct((B,), jnp.int32),
            jax.ShapeDtypeStruct((B,), jnp.float32),
            jax.ShapeDtypeStruct((B,), jnp.float32),
            jax.ShapeDtypeStruct((NBG, 2, NBUK), jnp.int32),
            jax.ShapeDtypeStruct((NBUK,), jnp.int32),
            jax.ShapeDtypeStruct((NBLKP,), jnp.int32),
            jax.ShapeDtypeStruct((NBLKP,), jnp.int32),
            jax.ShapeDtypeStruct((NBLKP,), jnp.int32),
        ],
        scratch_shapes=[pltpu.VMEM((NBUK,), jnp.int32)],
    )(x, Wg, bg)



def _route_body(pid_hbm, wa_hbm, wb_hbm, start_hbm,
                tok_hbm, swa_hbm, swb_hbm, pos_hbm,
                pid_v, wa_v, wb_v, start_v, cnt_v, pos_v,
                idx_v, tok_v, tmp_v, sem_s):
    c = lax.axis_index("c")
    s = lax.axis_index("s")
    wid = s * NC + c
    base = wid * TPT
    iota = lax.iota(jnp.int32, L)

    pltpu.sync_copy(pid_hbm.at[pl.ds(base, TPT)], pid_v)
    pltpu.sync_copy(wa_hbm.at[pl.ds(base, TPT)], wa_v)
    pltpu.sync_copy(wb_hbm.at[pl.ds(base, TPT)], wb_v)
    pltpu.sync_copy(start_hbm.at[wid], start_v)

    for k in range(NBUK // L):
        cnt_v[pl.ds(k * L, L)] = jnp.zeros((L,), jnp.int32)

    for ci in range(NCH):
        for k in range(XCH // L):
            j = ci * XCH + k * L
            p = pid_v[pl.ds(j, L)]
            sk, sv = plsc.sort_key_val(p, iota)
            tmp_v[...] = sk
            prevk = plsc.load_gather(tmp_v, [jnp.maximum(iota - 1, 0)])
            nextk = plsc.load_gather(tmp_v, [jnp.minimum(iota + 1, L - 1)])
            is_start = (iota == 0) | (sk != prevk)
            is_end = (iota == L - 1) | (sk != nextk)
            lb = plsc.cummax(jnp.where(is_start, iota, 0))
            rank = iota - lb
            cbase = plsc.load_gather(cnt_v, [sk])
            sbase = plsc.load_gather(start_v, [sk])
            slot = sbase + cbase + rank
            plsc.store_scatter(cnt_v, [sk], cbase + rank + 1, mask=is_end)
            plsc.store_scatter(tmp_v, [sv], slot)
            slot_t = tmp_v[...]
            pos_v[pl.ds(j, L)] = slot_t
            idx_v[ci, pl.ds(k * L, L)] = slot_t
            tok_v[ci, pl.ds(k * L, L)] = base + j + iota

    scats = []
    for ci in range(NCH):
        scats.append(pltpu.async_copy(
            tok_v.at[ci], tok_hbm.at[idx_v.at[ci]], sem_s))
        scats.append(pltpu.async_copy(
            wa_v.at[pl.ds(ci * XCH, XCH)], swa_hbm.at[idx_v.at[ci]], sem_s))
        scats.append(pltpu.async_copy(
            wb_v.at[pl.ds(ci * XCH, XCH)], swb_hbm.at[idx_v.at[ci]], sem_s))
    pltpu.sync_copy(pos_v, pos_hbm.at[pl.ds(base, TPT)])
    for d_ in scats:
        d_.wait()


def _route(pid, wa, wb, start_all):
    mesh = plsc.VectorSubcoreMesh(core_axis_name="c", subcore_axis_name="s")
    f = pl.kernel(
        _route_body,
        out_type=[
            jax.ShapeDtypeStruct((CAPP,), jnp.int32),
            jax.ShapeDtypeStruct((CAPP,), jnp.float32),
            jax.ShapeDtypeStruct((CAPP,), jnp.float32),
            jax.ShapeDtypeStruct((B,), jnp.int32),
        ],
        mesh=mesh,
        scratch_types=[
            pltpu.VMEM((TPT,), jnp.int32),
            pltpu.VMEM((TPT,), jnp.float32),
            pltpu.VMEM((TPT,), jnp.float32),
            pltpu.VMEM((NBUK,), jnp.int32),
            pltpu.VMEM((NBUK,), jnp.int32),
            pltpu.VMEM((TPT,), jnp.int32),
            pltpu.VMEM((NCH, XCH), jnp.int32),
            pltpu.VMEM((NCH, XCH), jnp.int32),
            pltpu.VMEM((L,), jnp.int32),
            pltpu.SemaphoreType.DMA,
        ],
        compiler_params=pltpu.CompilerParams(needs_layout_passes=False),
    )
    return f(pid, wa, wb, start_all)



SPT = CAPP // NW
GCH = 64
NCHG = SPT // GCH

def _gatherx_body(x_hbm, tok_hbm, xg_hbm, tki_v, rows_v, sem_g, sem_st):
    c = lax.axis_index("c")
    s = lax.axis_index("s")
    wid = s * NC + c
    sbase = wid * SPT
    pltpu.sync_copy(tok_hbm.at[wid], tki_v)
    for ci in range(NCHG):
        for k in range(GCH // L):
            v = tki_v[ci, pl.ds(k * L, L)]
            tki_v[ci, pl.ds(k * L, L)] = jnp.clip(v, 0, B - 1)
    gets = [None] * NCHG
    puts = [None] * NCHG
    gets[0] = pltpu.async_copy(
        x_hbm.at[tki_v.at[0]], rows_v.at[0], sem_g)
    for ci in range(NCHG):
        gets[ci].wait()
        puts[ci] = pltpu.async_copy(
            rows_v.at[ci % 2], xg_hbm.at[pl.ds(sbase + ci * GCH, GCH)],
            sem_st)
        if ci + 1 < NCHG:
            if ci >= 1:
                puts[ci - 1].wait()
            gets[ci + 1] = pltpu.async_copy(
                x_hbm.at[tki_v.at[ci + 1]], rows_v.at[(ci + 1) % 2], sem_g)
    puts[NCHG - 2].wait()
    puts[NCHG - 1].wait()


def _gatherx(x, tok):
    mesh = plsc.VectorSubcoreMesh(core_axis_name="c", subcore_axis_name="s")
    f = pl.kernel(
        _gatherx_body,
        out_type=jax.ShapeDtypeStruct((CAPP, D), jnp.float32),
        mesh=mesh,
        scratch_types=[
            pltpu.VMEM((NCHG, GCH), jnp.int32),
            pltpu.VMEM((2, GCH, D), jnp.float32),
            pltpu.SemaphoreType.DMA,
            pltpu.SemaphoreType.DMA,
        ],
    )
    return f(x, tok.reshape(NW, NCHG, GCH))



def _mm_body(bea_ref, beb_ref, vcnt_ref, xg_ref, swa_ref, swb_ref,
             we_ref, be_ref, z_ref):
    i = pl.program_id(0)
    ea = bea_ref[i]
    eb = beb_ref[i]
    xgb = xg_ref[...]
    ya = lax.dot_general(xgb, we_ref[ea], (((1,), (0,)), ((), ())),
                         preferred_element_type=jnp.float32)
    yb = lax.dot_general(xgb, we_ref[eb], (((1,), (0,)), ((), ())),
                         preferred_element_type=jnp.float32)
    wa = swa_ref[...][:, None]
    wb = swb_ref[...][:, None]
    z = wa * (ya + be_ref[ea][None, :]) + wb * (yb + be_ref[eb][None, :])
    row = lax.broadcasted_iota(jnp.int32, (GP, O), 0)
    z_ref[...] = jnp.where(row < vcnt_ref[i], z, 0.0)


def _mm(bea, beb, vcnt, xg, swa, swb, We, be):
    grid_spec = pltpu.PrefetchScalarGridSpec(
        num_scalar_prefetch=3,
        grid=(NBLK,),
        in_specs=[
            pl.BlockSpec((GP, D), lambda i, *_: (i, 0)),
            pl.BlockSpec((GP,), lambda i, *_: (i,)),
            pl.BlockSpec((GP,), lambda i, *_: (i,)),
            pl.BlockSpec((E, D, O), lambda i, *_: (0, 0, 0)),
            pl.BlockSpec((E, O), lambda i, *_: (0, 0)),
        ],
        out_specs=pl.BlockSpec((GP, O), lambda i, *_: (i, 0)),
    )
    return pl.pallas_call(
        _mm_body,
        grid_spec=grid_spec,
        out_shape=jax.ShapeDtypeStruct((CAPP, O), jnp.float32),
    )(bea, beb, vcnt, xg, swa, swb, We, be)



def _perm_body(z_hbm, pos_hbm, out_hbm, pidx_v, rows_v, sem_g, sem_st):
    c = lax.axis_index("c")
    s = lax.axis_index("s")
    wid = s * NC + c
    base = wid * TPT
    pltpu.sync_copy(pos_hbm.at[wid], pidx_v)
    gets = [None] * NCH
    puts = [None] * NCH
    gets[0] = pltpu.async_copy(z_hbm.at[pidx_v.at[0]], rows_v.at[0], sem_g)
    for ci in range(NCH):
        gets[ci].wait()
        puts[ci] = pltpu.async_copy(
            rows_v.at[ci % 2], out_hbm.at[pl.ds(base + ci * XCH, XCH)],
            sem_st)
        if ci + 1 < NCH:
            if ci >= 1:
                puts[ci - 1].wait()
            gets[ci + 1] = pltpu.async_copy(
                z_hbm.at[pidx_v.at[ci + 1]], rows_v.at[(ci + 1) % 2], sem_g)
    puts[NCH - 2].wait()
    puts[NCH - 1].wait()


def _perm(z, pos3):
    mesh = plsc.VectorSubcoreMesh(core_axis_name="c", subcore_axis_name="s")
    f = pl.kernel(
        _perm_body,
        out_type=jax.ShapeDtypeStruct((B, O), jnp.float32),
        mesh=mesh,
        scratch_types=[
            pltpu.VMEM((NCH, XCH), jnp.int32),
            pltpu.VMEM((2, XCH, D), jnp.float32),
            pltpu.SemaphoreType.DMA,
            pltpu.SemaphoreType.DMA,
        ],
    )
    return f(z, pos3)



def kernel(insample_y, Wg, bg, We, be):
    pid, wa, wb, prefix, ps, bea, beb, vcnt = _gate(insample_y, Wg, bg)
    start_all = ps[None, :] + prefix.reshape(NW, NBUK)
    tok, swa, swb, pos = _route(pid, wa, wb, start_all)
    xg = _gatherx(insample_y, tok)
    z = _mm(bea, beb, vcnt, xg, swa, swb, We, be)
    return _perm(z, pos.reshape(NW, NCH, XCH))

# --- scband reference (transcript-rebuilt; emitter-appended) ---
"""Pipeline reference for scband-sparse-pooling-24257975288243 (READ-ONLY COPY).

The authoritative reference and input builder live on the scoring server;
editing this copy changes nothing except your own understanding.
"""

import jax, jax.numpy as jnp
import numpy as np

B, D, O, E, K = 8192, 768, 768, 8, 2

def setup_inputs(seed: int = 0) -> dict:
    key = jax.random.key(seed)
    ks = jax.random.split(key, 4)
    insample_y = jax.random.normal(ks[0], (B, D), dtype=jnp.float32)
    Wg = jax.random.normal(ks[1], (D, E), dtype=jnp.float32) * 0.02
    bg = jnp.zeros((E,), dtype=jnp.float32)
    We = jax.random.normal(ks[2], (E, D, O), dtype=jnp.float32) * 0.02
    be = jnp.zeros((E, O), dtype=jnp.float32)
    return {"insample_y": insample_y, "Wg": Wg, "bg": bg, "We": We, "be": be}

def reference(insample_y, Wg, bg, We, be):
    # gate(insample_y) -> logits over experts
    gate_logits = insample_y @ Wg + bg
    # top-k expert selection per token
    topk_values, topk_indices = jax.lax.top_k(gate_logits, K)
    # softmax over the selected top-k logits (dim=1)
    gate_probs = jax.nn.softmax(topk_values, axis=1)
    weighted_sum = jnp.zeros((insample_y.shape[0], O), dtype=jnp.float32)
    for expert_idx in range(E):
        expert_mask = (topk_indices == expert_idx).astype(jnp.float32)
        expert_weight = (gate_probs * expert_mask).sum(axis=1)
        expert_output = insample_y @ We[expert_idx] + be[expert_idx]
        weighted_sum = weighted_sum + expert_output * expert_weight[:, None]
    return weighted_sum

if __name__ == "__main__":
    import jax
    _d = setup_inputs()
    print(jax.jit(kernel)(*tuple(_d.values())))

</pallas_src>

<mosaic_0001>
#map = affine_map<(d0, d1) -> (0)>
#map1 = affine_map<(d0, d1) -> (0, 0)>
module attributes {stable_mosaic.version = 14 : i64} {
  func.func @_route_body(%arg0: i32, %arg1: i32, %arg2: memref<8192xi32, #tpu.memory_space<hbm>>, %arg3: memref<8192xf32, #tpu.memory_space<hbm>>, %arg4: memref<8192xf32, #tpu.memory_space<hbm>>, %arg5: memref<32x64xi32, #tpu.memory_space<hbm>>, %arg6: memref<12288xi32, #tpu.memory_space<hbm>>, %arg7: memref<12288xf32, #tpu.memory_space<hbm>>, %arg8: memref<12288xf32, #tpu.memory_space<hbm>>, %arg9: memref<8192xi32, #tpu.memory_space<hbm>>, %arg10: memref<256xi32, #tpu.memory_space<vmem>>, %arg11: memref<256xf32, #tpu.memory_space<vmem>>, %arg12: memref<256xf32, #tpu.memory_space<vmem>>, %arg13: memref<64xi32, #tpu.memory_space<vmem>>, %arg14: memref<64xi32, #tpu.memory_space<vmem>>, %arg15: memref<256xi32, #tpu.memory_space<vmem>>, %arg16: memref<4x64xi32, #tpu.memory_space<vmem>>, %arg17: memref<4x64xi32, #tpu.memory_space<vmem>>, %arg18: memref<16xi32, #tpu.memory_space<vmem>>, %arg19: memref<!tpu.dma_semaphore, #tpu.memory_space<semaphore_mem>>) attributes {dimension_semantics = [#tpu.dimension_semantics<core_parallel>, #tpu.dimension_semantics<subcore_parallel>], iteration_bounds = array<i64: 2, 16>, scalar_prefetch = 0 : i64, scratch_operands = 10 : i64, tpu.core_type = #tpu.core_type<sc_vector_subcore>, window_params = [{transform_indices = #map}, {transform_indices = #map}, {transform_indices = #map}, {transform_indices = #map1}, {transform_indices = #map}, {transform_indices = #map}, {transform_indices = #map}, {transform_indices = #map}]} {
    %mul3A = arith.constant 2 : i32
    %mul3A_0 = arith.muli %arg1, %mul3A : i32
    %add3A = arith.addi %mul3A_0, %arg0 : i32
    %mul3A_1 = arith.constant 256 : i32
    %mul3A_2 = arith.muli %add3A, %mul3A_1 : i32
    %iota3A = tpu.iota {dimensions = array<i32: 0>} : vector<16xi32>
    "tpu.region"() ({
      %run_scoped3A = tpu.sem_alloc : memref<!tpu.dma_semaphore, #tpu.memory_space<semaphore_mem>>
      %dma_start3A_1347 = tpu.memref_slice %arg2[%mul3A_2] : memref<8192xi32, #tpu.memory_space<hbm>> -> memref<256xi32, #tpu.memory_space<hbm>>
      %dma_start3A_1348 = tpu.memref_slice %arg2[%mul3A_2] : memref<8192xi32, #tpu.memory_space<hbm>> -> memref<256xi32, #tpu.memory_space<hbm>>
      tpu.enqueue_dma source(%dma_start3A_1348 : memref<256xi32, #tpu.memory_space<hbm>>) target(%arg10 : memref<256xi32, #tpu.memory_space<vmem>>) target_semaphore(%run_scoped3A : memref<!tpu.dma_semaphore, #tpu.memory_space<semaphore_mem>>)
      %dma_wait3A_1349 = tpu.memref_slice %arg2[%mul3A_2] : memref<8192xi32, #tpu.memory_space<hbm>> -> memref<256xi32, #tpu.memory_space<hbm>>
      %dma_wait3A_1350 = tpu.memref_slice %arg2[%mul3A_2] : memref<8192xi32, #tpu.memory_space<hbm>> -> memref<256xi32, #tpu.memory_space<hbm>>
      tpu.wait_dma2 semaphore(%run_scoped3A : memref<!tpu.dma_semaphore, #tpu.memory_space<semaphore_mem>>) src(%dma_wait3A_1350 : memref<256xi32, #tpu.memory_space<hbm>>) dst(%arg10 : memref<256xi32, #tpu.memory_space<vmem>>)
      tpu.yield
    }) : () -> ()
    "tpu.region"() ({
      %run_scoped3A = tpu.sem_alloc : memref<!tpu.dma_semaphore, #tpu.memory_space<semaphore_mem>>
      %dma_start3A_1347 = tpu.memref_slice %arg3[%mul3A_2] : memref<8192xf32, #tpu.memory_space<hbm>> -> memref<256xf32, #tpu.memory_space<hbm>>
      %dma_start3A_1348 = tpu.memref_slice %arg3[%mul3A_2] : memref<8192xf32, #tpu.memory_space<hbm>> -> memref<256xf32, #tpu.memory_space<hbm>>
      tpu.enqueue_dma source(%dma_start3A_1348 : memref<256xf32, #tpu.memory_space<hbm>>) target(%arg11 : memref<256xf32, #tpu.memory_space<vmem>>) target_semaphore(%run_scoped3A : memref<!tpu.dma_semaphore, #tpu.memory_space<semaphore_mem>>)
      %dma_wait3A_1349 = tpu.memref_slice %arg3[%mul3A_2] : memref<8192xf32, #tpu.memory_space<hbm>> -> memref<256xf32, #tpu.memory_space<hbm>>
      %dma_wait3A_1350 = tpu.memref_slice %arg3[%mul3A_2] : memref<8192xf32, #tpu.memory_space<hbm>> -> memref<256xf32, #tpu.memory_space<hbm>>
      tpu.wait_dma2 semaphore(%run_scoped3A : memref<!tpu.dma_semaphore, #tpu.memory_space<semaphore_mem>>) src(%dma_wait3A_1350 : memref<256xf32, #tpu.memory_space<hbm>>) dst(%arg11 : memref<256xf32, #tpu.memory_space<vmem>>)
      tpu.yield
    }) : () -> ()
    "tpu.region"() ({
      %run_scoped3A = tpu.sem_alloc : memref<!tpu.dma_semaphore, #tpu.memory_space<semaphore_mem>>
      %dma_start3A_1347 = tpu.memref_slice %arg4[%mul3A_2] : memref<8192xf32, #tpu.memory_space<hbm>> -> memref<256xf32, #tpu.memory_space<hbm>>
      %dma_start3A_1348 = tpu.memref_slice %arg4[%mul3A_2] : memref<8192xf32, #tpu.memory_space<hbm>> -> memref<256xf32, #tpu.memory_space<hbm>>
      tpu.enqueue_dma source(%dma_start3A_1348 : memref<256xf32, #tpu.memory_space<hbm>>) target(%arg12 : memref<256xf32, #tpu.memory_space<vmem>>) target_semaphore(%run_scoped3A : memref<!tpu.dma_semaphore, #tpu.memory_space<semaphore_mem>>)
      %dma_wait3A_1349 = tpu.memref_slice %arg4[%mul3A_2] : memref<8192xf32, #tpu.memory_space<hbm>> -> memref<256xf32, #tpu.memory_space<hbm>>
      %dma_wait3A_1350 = tpu.memref_slice %arg4[%mul3A_2] : memref<8192xf32, #tpu.memory_space<hbm>> -> memref<256xf32, #tpu.memory_space<hbm>>
      tpu.wait_dma2 semaphore(%run_scoped3A : memref<!tpu.dma_semaphore, #tpu.memory_space<semaphore_mem>>) src(%dma_wait3A_1350 : memref<256xf32, #tpu.memory_space<hbm>>) dst(%arg12 : memref<256xf32, #tpu.memory_space<vmem>>)
      tpu.yield
    }) : () -> ()
    "tpu.region"() ({
      %run_scoped3A = tpu.sem_alloc : memref<!tpu.dma_semaphore, #tpu.memory_space<semaphore_mem>>
      %dma_start3A_1347 = arith.constant 0 : i32
      %dma_start3A_1348 = tpu.memref_slice %arg5[%add3A, %dma_start3A_1347] : memref<32x64xi32, #tpu.memory_space<hbm>> -> memref<1x64xi32, #tpu.memory_space<hbm>>
      %dma_start3A_1349 = tpu.memref_squeeze %dma_start3A_1348 : memref<1x64xi32, #tpu.memory_space<hbm>> -> memref<64xi32, #tpu.memory_space<hbm>>
      %dma_start3A_1350 = arith.constant 0 : i32
      %dma_start3A_1351 = tpu.memref_slice %arg5[%add3A, %dma_start3A_1350] : memref<32x64xi32, #tpu.memory_space<hbm>> -> memref<1x64xi32, #tpu.memory_space<hbm>>
      %dma_start3A_1352 = tpu.memref_squeeze %dma_start3A_1351 : memref<1x64xi32, #tpu.memory_space<hbm>> -> memref<64xi32, #tpu.memory_space<hbm>>
      tpu.enqueue_dma source(%dma_start3A_1352 : memref<64xi32, #tpu.memory_space<hbm>>) target(%arg13 : memref<64xi32, #tpu.memory_space<vmem>>) target_semaphore(%run_scoped3A : memref<!tpu.dma_semaphore, #tpu.memory_space<semaphore_mem>>)
      %dma_wait3A_1353 = arith.constant 0 : i32
      %dma_wait3A_1354 = tpu.memref_slice %arg5[%add3A, %dma_wait3A_1353] : memref<32x64xi32, #tpu.memory_space<hbm>> -> memref<1x64xi32, #tpu.memory_space<hbm>>
      %dma_wait3A_1355 = tpu.memref_squeeze %dma_wait3A_1354 : memref<1x64xi32, #tpu.memory_space<hbm>> -> memref<64xi32, #tpu.memory_space<hbm>>
      %dma_wait3A_1356 = arith.constant 0 : i32
      %dma_wait3A_1357 = tpu.memref_slice %arg5[%add3A, %dma_wait3A_1356] : memref<32x64xi32, #tpu.memory_space<hbm>> -> memref<1x64xi32, #tpu.memory_space<hbm>>
      %dma_wait3A_1358 = tpu.memref_squeeze %dma_wait3A_1357 : memref<1x64xi32, #tpu.memory_space<hbm>> -> memref<64xi32, #tpu.memory_space<hbm>>
      tpu.wait_dma2 semaphore(%run_scoped3A : memref<!tpu.dma_semaphore, #tpu.memory_space<semaphore_mem>>) src(%dma_wait3A_1358 : memref<64xi32, #tpu.memory_space<hbm>>) dst(%arg13 : memref<64xi32, #tpu.memory_space<vmem>>)
      tpu.yield
    }) : () -> ()
    %broadcast_in_dim3A = arith.constant 0 : i32
    %broadcast_in_dim3A_3 = vector.broadcast %broadcast_in_dim3A : i32 to vector<16xi32>
    %swap3A = arith.constant 0 : index
    %swap3A_4 = tpu.vector_load %arg14[%swap3A] {strides = array<i32>} : memref<64xi32, #tpu.memory_space<vmem>>, vector<16xi32>,
    tpu.vector_store %arg14[%swap3A], %broadcast_in_dim3A_3 {strides = array<i32>} : memref<64xi32, #tpu.memory_space<vmem>>, vector<16xi32>,
    %broadcast_in_dim3A_5 = arith.constant 0 : i32
    %broadcast_in_dim3A_6 = vector.broadcast %broadcast_in_dim3A_5 : i32 to vector<16xi32>
    %swap3A_7 = arith.constant 16 : index
    %swap3A_8 = tpu.vector_load %arg14[%swap3A_7] {strides = array<i32>} : memref<64xi32, #tpu.memory_space<vmem>>, vector<16xi32>,
    tpu.vector_store %arg14[%swap3A_7], %broadcast_in_dim3A_6 {strides = array<i32>} : memref<64xi32, #tpu.memory_space<vmem>>, vector<16xi32>,
    %broadcast_in_dim3A_9 = arith.constant 0 : i32
    %broadcast_in_dim3A_10 = vector.broadcast %broadcast_in_dim3A_9 : i32 to vector<16xi32>
    %swap3A_11 = arith.constant 32 : index
    %swap3A_12 = tpu.vector_load %arg14[%swap3A_11] {strides = array<i32>} : memref<64xi32, #tpu.memory_space<vmem>>, vector<16xi32>,
    tpu.vector_store %arg14[%swap3A_11], %broadcast_in_dim3A_10 {strides = array<i32>} : memref<64xi32, #tpu.memory_space<vmem>>, vector<16xi32>,
    %broadcast_in_dim3A_13 = arith.constant 0 : i32
    %broadcast_in_dim3A_14 = vector.broadcast %broadcast_in_dim3A_13 : i32 to vector<16xi32>
    %swap3A_15 = arith.constant 48 : index
    %swap3A_16 = tpu.vector_load %arg14[%swap3A_15] {strides = array<i32>} : memref<64xi32, #tpu.memory_space<vmem>>, vector<16xi32>,
    tpu.vector_store %arg14[%swap3A_15], %broadcast_in_dim3A_14 {strides = array<i32>} : memref<64xi32, #tpu.memory_space<vmem>>, vector<16xi32>,
    %get3A = arith.constant 0 : index
    %get3A_17 = tpu.vector_load %arg10[%get3A] {strides = array<i32>} : memref<256xi32, #tpu.memory_space<vmem>>, vector<16xi32>,
    %masked_sort3A = arith.constant dense<true> : vector<16xi1>
    %masked_sort3A_18 = arith.constant -2147483648 : i32
    %masked_sort3A_19 = vector.broadcast %masked_sort3A_18 : i32 to vector<16xi32>
    %masked_sort3A_20 = arith.xori %get3A_17, %masked_sort3A_19 : vector<16xi32>
    %masked_sort3A_21, %masked_sort3A_22, %masked_sort3A_23 = tpu.sort %masked_sort3A_20, %iota3A masked %masked_sort3A : (vector<16xi32>, vector<16xi32>, vector<16xi1>) -> (vector<16xi1>, vector<16xi32>, vector<16xi32>)
    %masked_sort3A_24 = arith.xori %masked_sort3A_22, %masked_sort3A_19 : vector<16xi32>
    %swap3A_25 = arith.constant 0 : index
    %swap3A_26 = tpu.vector_load %arg18[%swap3A_25] {strides = array<i32>} : memref<16xi32, #tpu.memory_space<vmem>>, vector<16xi32>,
    tpu.vector_store %arg18[%swap3A_25], %masked_sort3A_24 {strides = array<i32>} : memref<16xi32, #tpu.memory_space<vmem>>, vector<16xi32>,
    %sub3A = arith.constant 1 : i32
    %sub3A_27 = vector.broadcast %sub3A : i32 to vector<16xi32>
    %sub3A_28 = arith.subi %iota3A, %sub3A_27 : vector<16xi32>
    %max3A = arith.constant 0 : i32
    %max3A_29 = vector.broadcast %max3A : i32 to vector<16xi32>
    %max3A_30 = arith.maxsi %sub3A_28, %max3A_29 : vector<16xi32>
    %gather3A = tpu.vector_load_idx %arg18[%max3A_30] : memref<16xi32, #tpu.memory_space<vmem>>[vector<16xi32>], vector<16xi32>,
    %add3A_31 = arith.constant 1 : i32
    %add3A_32 = vector.broadcast %add3A_31 : i32 to vector<16xi32>
    %add3A_33 = arith.addi %iota3A, %add3A_32 : vector<16xi32>
    %min3A = arith.constant 15 : i32
    %min3A_34 = vector.broadcast %min3A : i32 to vector<16xi32>
    %min3A_35 = arith.minsi %add3A_33, %min3A_34 : vector<16xi32>
    %gather3A_36 = tpu.vector_load_idx %arg18[%min3A_35] : memref<16xi32, #tpu.memory_space<vmem>>[vector<16xi32>], vector<16xi32>,
    %eq3A = arith.constant 0 : i32
    %eq3A_37 = vector.broadcast %eq3A : i32 to vector<16xi32>
    %eq3A_38 = arith.cmpi eq, %iota3A, %eq3A_37 : vector<16xi32>
    %ne3A = arith.cmpi ne, %masked_sort3A_24, %gather3A : vector<16xi32>
    %or3A = arith.ori %eq3A_38, %ne3A : vector<16xi1>
    %eq3A_39 = arith.constant 15 : i32
    %eq3A_40 = vector.broadcast %eq3A_39 : i32 to vector<16xi32>
    %eq3A_41 = arith.cmpi eq, %iota3A, %eq3A_40 : vector<16xi32>
    %ne3A_42 = arith.cmpi ne, %masked_sort3A_24, %gather3A_36 : vector<16xi32>
    %or3A_43 = arith.ori %eq3A_41, %ne3A_42 : vector<16xi1>
    %jit3A = arith.constant 0 : i32
    %broadcast_in_dim3A_44 = vector.broadcast %jit3A : i32 to vector<16xi32>
    %select_n3A = arith.select %or3A, %iota3A, %broadcast_in_dim3A_44 : vector<16xi1>, vector<16xi32>
    %broadcast_in_dim3A_45 = arith.constant true
    %broadcast_in_dim3A_46 = vector.broadcast %broadcast_in_dim3A_45 : i1 to vector<16xi1>
    %masked_cummax3A = arith.constant -2147483648 : i32
    %masked_cummax3A_47 = vector.broadcast %masked_cummax3A : i32 to vector<16xi32>
    %masked_cummax3A_48 = arith.xori %select_n3A, %masked_cummax3A_47 : vector<16xi32>
    %masked_cummax3A_49 = tpu.scan <max>, %masked_cummax3A_48 masked %broadcast_in_dim3A_46 : vector<16xi32>, vector<16xi1> -> vector<16xi32>
    %masked_cummax3A_50 = arith.xori %masked_cummax3A_49, %masked_cummax3A_47 : vector<16xi32>
    %sub3A_51 = arith.subi %iota3A, %masked_cummax3A_50 : vector<16xi32>
    %gather3A_52 = tpu.vector_load_idx %arg14[%masked_sort3A_24] : memref<64xi32, #tpu.memory_space<vmem>>[vector<16xi32>], vector<16xi32>,
    %gather3A_53 = tpu.vector_load_idx %arg13[%masked_sort3A_24] : memref<64xi32, #tpu.memory_space<vmem>>[vector<16xi32>], vector<16xi32>,
    %add3A_54 = arith.addi %gather3A_53, %gather3A_52 : vector<16xi32>
    %add3A_55 = arith.addi %add3A_54, %sub3A_51 : vector<16xi32>
    %add3A_56 = arith.addi %gather3A_52, %sub3A_51 : vector<16xi32>
    %add3A_57 = arith.constant 1 : i32
    %add3A_58 = vector.broadcast %add3A_57 : i32 to vector<16xi32>
    %add3A_59 = arith.addi %add3A_56, %add3A_58 : vector<16xi32>
    tpu.vector_store_idx %arg14[%masked_sort3A_24], %add3A_59 masked %or3A_43 : memref<64xi32, #tpu.memory_space<vmem>>[vector<16xi32>], vector<16xi32>, vector<16xi1>
    tpu.vector_store_idx %arg18[%masked_sort3A_23], %add3A_55 : memref<16xi32, #tpu.memory_space<vmem>>[vector<16xi32>], vector<16xi32>,
    %get3A_60 = arith.constant 0 : index
    %get3A_61 = tpu.vector_load %arg18[%get3A_60] {strides = array<i32>} : memref<16xi32, #tpu.memory_space<vmem>>, vector<16xi32>,
    %swap3A_62 = arith.constant 0 : index
    %swap3A_63 = tpu.vector_load %arg15[%swap3A_62] {strides = array<i32>} : memref<256xi32, #tpu.memory_space<vmem>>, vector<16xi32>,
    tpu.vector_store %arg15[%swap3A_62], %get3A_61 {strides = array<i32>} : memref<256xi32, #tpu.memory_space<vmem>>, vector<16xi32>,
    %swap3A_64 = arith.constant 0 : i32
    %swap3A_65 = arith.index_cast %swap3A_64 : i32 to index
    %swap3A_66 = arith.constant 0 : index
    %swap3A_67 = tpu.vector_load %arg16[%swap3A_65, %swap3A_66] {strides = array<i32>} : memref<4x64xi32, #tpu.memory_space<vmem>>, vector<16xi32>,
    tpu.vector_store %arg16[%swap3A_65, %swap3A_66], %get3A_61 {strides = array<i32>} : memref<4x64xi32, #tpu.memory_space<vmem>>, vector<16xi32>,
    %add3A_68 = arith.constant 0 : i32
    %add3A_69 = arith.addi %mul3A_2, %add3A_68 : i32
    %add3A_70 = vector.broadcast %add3A_69 : i32 to vector<16xi32>
    %add3A_71 = arith.addi %add3A_70, %iota3A : vector<16xi32>
    %swap3A_72 = arith.constant 0 : i32
    %swap3A_73 = arith.index_cast %swap3A_72 : i32 to index
    %swap3A_74 = arith.constant 0 : index
    %swap3A_75 = tpu.vector_load %arg17[%swap3A_73, %swap3A_74] {strides = array<i32>} : memref<4x64xi32, #tpu.memory_space<vmem>>, vector<16xi32>,
    tpu.vector_store %arg17[%swap3A_73, %swap3A_74], %add3A_71 {strides = array<i32>} : memref<4x64xi32, #tpu.memory_space<vmem>>, vector<16xi32>,
    %get3A_76 = arith.constant 16 : index
    %get3A_77 = tpu.vector_load %arg10[%get3A_76] {strides = array<i32>} : memref<256xi32, #tpu.memory_space<vmem>>, vector<16xi32>,
    %masked_sort3A_78 = arith.constant dense<true> : vector<16xi1>
    %masked_sort3A_79 = arith.constant -2147483648 : i32
    %masked_sort3A_80 = vector.broadcast %masked_sort3A_79 : i32 to vector<16xi32>
    %masked_sort3A_81 = arith.xori %get3A_77, %masked_sort3A_80 : vector<16xi32>
    %masked_sort3A_82, %masked_sort3A_83, %masked_sort3A_84 = tpu.sort %masked_sort3A_81, %iota3A masked %masked_sort3A_78 : (vector<16xi32>, vector<16xi32>, vector<16xi1>) -> (vector<16xi1>, vector<16xi32>, vector<16xi32>)
    %masked_sort3A_85 = arith.xori %masked_sort3A_83, %masked_sort3A_80 : vector<16xi32>
    %swap3A_86 = arith.constant 0 : index
    %swap3A_87 = tpu.vector_load %arg18[%swap3A_86] {strides = array<i32>} : memref<16xi32, #tpu.memory_space<vmem>>, vector<16xi32>,
    tpu.vector_store %arg18[%swap3A_86], %masked_sort3A_85 {strides = array<i32>} : memref<16xi32, #tpu.memory_space<vmem>>, vector<16xi32>,
    %sub3A_88 = arith.constant 1 : i32
    %sub3A_89 = vector.broadcast %sub3A_88 : i32 to vector<16xi32>
    %sub3A_90 = arith.subi %iota3A, %sub3A_89 : vector<16xi32>
    %max3A_91 = arith.constant 0 : i32
    %max3A_92 = vector.broadcast %max3A_91 : i32 to vector<16xi32>
    %max3A_93 = arith.maxsi %sub3A_90, %max3A_92 : vector<16xi32>
    %gather3A_94 = tpu.vector_load_idx %arg18[%max3A_93] : memref<16xi32, #tpu.memory_space<vmem>>[vector<16xi32>], vector<16xi32>,
    %add3A_95 = arith.constant 1 : i32
    %add3A_96 = vector.broadcast %add3A_95 : i32 to vector<16xi32>
    %add3A_97 = arith.addi %iota3A, %add3A_96 : vector<16xi32>
    %min3A_98 = arith.constant 15 : i32
    %min3A_99 = vector.broadcast %min3A_98 : i32 to vector<16xi32>
    %min3A_100 = arith.minsi %add3A_97, %min3A_99 : vector<16xi32>
    %gather3A_101 = tpu.vector_load_idx %arg18[%min3A_100] : memref<16xi32, #tpu.memory_space<vmem>>[vector<16xi32>], vector<16xi32>,
    %eq3A_102 = arith.constant 0 : i32
    %eq3A_103 = vector.broadcast %eq3A_102 : i32 to vector<16xi32>
    %eq3A_104 = arith.cmpi eq, %iota3A, %eq3A_103 : vector<16xi32>
    %ne3A_105 = arith.cmpi ne, %masked_sort3A_85, %gather3A_94 : vector<16xi32>
    %or3A_106 = arith.ori %eq3A_104, %ne3A_105 : vector<16xi1>
    %eq3A_107 = arith.constant 15 : i32
    %eq3A_108 = vector.broadcast %eq3A_107 : i32 to vector<16xi32>
    %eq3A_109 = arith.cmpi eq, %iota3A, %eq3A_108 : vector<16xi32>
    %ne3A_110 = arith.cmpi ne, %masked_sort3A_85, %gather3A_101 : vector<16xi32>
    %or3A_111 = arith.ori %eq3A_109, %ne3A_110 : vector<16xi1>
    %jit3A_112 = arith.constant 0 : i32
    %broadcast_in_dim3A_113 = vector.broadcast %jit3A_112 : i32 to vector<16xi32>
    %select_n3A_114 = arith.select %or3A_106, %iota3A, %broadcast_in_dim3A_113 : vector<16xi1>, vector<16xi32>
    %broadcast_in_dim3A_115 = arith.constant true
    %broadcast_in_dim3A_116 = vector.broadcast %broadcast_in_dim3A_115 : i1 to vector<16xi1>
    %masked_cummax3A_117 = arith.constant -2147483648 : i32
    %masked_cummax3A_118 = vector.broadcast %masked_cummax3A_117 : i32 to vector<16xi32>
    %masked_cummax3A_119 = arith.xori %select_n3A_114, %masked_cummax3A_118 : vector<16xi32>
    %masked_cummax3A_120 = tpu.scan <max>, %masked_cummax3A_119 masked %broadcast_in_dim3A_116 : vector<16xi32>, vector<16xi1> -> vector<16xi32>
    %masked_cummax3A_121 = arith.xori %masked_cummax3A_120, %masked_cummax3A_118 : vector<16xi32>
    %sub3A_122 = arith.subi %iota3A, %masked_cummax3A_121 : vector<16xi32>
    %gather3A_123 = tpu.vector_load_idx %arg14[%masked_sort3A_85] : memref<64xi32, #tpu.memory_space<vmem>>[vector<16xi32>], vector<16xi32>,
    %gather3A_124 = tpu.vector_load_idx %arg13[%masked_sort3A_85] : memref<64xi32, #tpu.memory_space<vmem>>[vector<16xi32>], vector<16xi32>,
    %add3A_125 = arith.addi %gather3A_124, %gather3A_123 : vector<16xi32>
    %add3A_126 = arith.addi %add3A_125, %sub3A_122 : vector<16xi32>
    %add3A_127 = arith.addi %gather3A_123, %sub3A_122 : vector<16xi32>
    %add3A_128 = arith.constant 1 : i32
    %add3A_129 = vector.broadcast %add3A_128 : i32 to vector<16xi32>
    %add3A_130 = arith.addi %add3A_127, %add3A_129 : vector<16xi32>
    tpu.vector_store_idx %arg14[%masked_sort3A_85], %add3A_130 masked %or3A_111 : memref<64xi32, #tpu.memory_space<vmem>>[vector<16xi32>], vector<16xi32>, vector<16xi1>
    tpu.vector_store_idx %arg18[%masked_sort3A_84], %add3A_126 : memref<16xi32, #tpu.memory_space<vmem>>[vector<16xi32>], vector<16xi32>,
    %get3A_131 = arith.constant 0 : index
    %get3A_132 = tpu.vector_load %arg18[%get3A_131] {strides = array<i32>} : memref<16xi32, #tpu.memory_space<vmem>>, vector<16xi32>,
    %swap3A_133 = arith.constant 16 : index
    %swap3A_134 = tpu.vector_load %arg15[%swap3A_133] {strides = array<i32>} : memref<256xi32, #tpu.memory_space<vmem>>, vector<16xi32>,
    tpu.vector_store %arg15[%swap3A_133], %get3A_132 {strides = array<i32>} : memref<256xi32, #tpu.memory_space<vmem>>, vector<16xi32>,
    %swap3A_135 = arith.constant 0 : i32
    %swap3A_136 = arith.index_cast %swap3A_135 : i32 to index
    %swap3A_137 = arith.constant 16 : index
    %swap3A_138 = tpu.vector_load %arg16[%swap3A_136, %swap3A_137] {strides = array<i32>} : memref<4x64xi32, #tpu.memory_space<vmem>>, vector<16xi32>,
    tpu.vector_store %arg16[%swap3A_136, %swap3A_137], %get3A_132 {strides = array<i32>} : memref<4x64xi32, #tpu.memory_space<vmem>>, vector<16xi32>,
    %add3A_139 = arith.constant 16 : i32
    %add3A_140 = arith.addi %mul3A_2, %add3A_139 : i32
    %add3A_141 = vector.broadcast %add3A_140 : i32 to vector<16xi32>
    %add3A_142 = arith.addi %add3A_141, %iota3A : vector<16xi32>
    %swap3A_143 = arith.constant 0 : i32
    %swap3A_144 = arith.index_cast %swap3A_143 : i32 to index
    %swap3A_145 = arith.constant 16 : index
    %swap3A_146 = tpu.vector_load %arg17[%swap3A_144, %swap3A_145] {strides = array<i32>} : memref<4x64xi32, #tpu.memory_space<vmem>>, vector<16xi32>,
    tpu.vector_store %arg17[%swap3A_144, %swap3A_145], %add3A_142 {strides = array<i32>} : memref<4x64xi32, #tpu.memory_space<vmem>>, vector<16xi32>,
    %get3A_147 = arith.constant 32 : index
    %get3A_148 = tpu.vector_load %arg10[%get3A_147] {strides = array<i32>} : memref<256xi32, #tpu.memory_space<vmem>>, vector<16xi32>,
    %masked_sort3A_149 = arith.constant dense<true> : vector<16xi1>
    %masked_sort3A_150 = arith.constant -2147483648 : i32
    %masked_sort3A_151 = vector.broadcast %masked_sort3A_150 : i32 to vector<16xi32>
    %masked_sort3A_152 = arith.xori %get3A_148, %masked_sort3A_151 : vector<16xi32>
    %masked_sort3A_153, %masked_sort3A_154, %masked_sort3A_155 = tpu.sort %masked_sort3A_152, %iota3A masked %masked_sort3A_149 : (vector<16xi32>, vector<16xi32>, vector<16xi1>) -> (vector<16xi1>, vector<16xi32>, vector<16xi32>)
    %masked_sort3A_156 = arith.xori %masked_sort3A_154, %masked_sort3A_151 : vector<16xi32>
    %swap3A_157 = arith.constant 0 : index
    %swap3A_158 = tpu.vector_load %arg18[%swap3A_157] {strides = array<i32>} : memref<16xi32, #tpu.memory_space<vmem>>, vector<16xi32>,
    tpu.vector_store %arg18[%swap3A_157], %masked_sort3A_156 {strides = array<i32>} : memref<16xi32, #tpu.memory_space<vmem>>, vector<16xi32>,
    %sub3A_159 = arith.constant 1 : i32
    %sub3A_160 = vector.broadcast %sub3A_159 : i32 to vector<16xi32>
    %sub3A_161 = arith.subi %iota3A, %sub3A_160 : vector<16xi32>
    %max3A_162 = arith.constant 0 : i32
    %max3A_163 = vector.broadcast %max3A_162 : i32 to vector<16xi32>
    %max3A_164 = arith.maxsi %sub3A_161, %max3A_163 : vector<16xi32>
    %gather3A_165 = tpu.vector_load_idx %arg18[%max3A_164] : memref<16xi32, #tpu.memory_space<vmem>>[vector<16xi32>], vector<16xi32>,
    %add3A_166 = arith.constant 1 : i32
    %add3A_167 = vector.broadcast %add3A_166 : i32 to vector<16xi32>
    %add3A_168 = arith.addi %iota3A, %add3A_167 : vector<16xi32>
    %min3A_169 = arith.constant 15 : i32
    %min3A_170 = vector.broadcast %min3A_169 : i32 to vector<16xi32>
    %min3A_171 = arith.minsi %add3A_168, %min3A_170 : vector<16xi32>
    %gather3A_172 = tpu.vector_load_idx %arg18[%min3A_171] : memref<16xi32, #tpu.memory_space<vmem>>[vector<16xi32>], vector<16xi32>,
    %eq3A_173 = arith.constant 0 : i32
    %eq3A_174 = vector.broadcast %eq3A_173 : i32 to vector<16xi32>
    %eq3A_175 = arith.cmpi eq, %iota3A, %eq3A_174 : vector<16xi32>
    %ne3A_176 = arith.cmpi ne, %masked_sort3A_156, %gather3A_165 : vector<16xi32>
    %or3A_177 = arith.ori %eq3A_175, %ne3A_176 : vector<16xi1>
    %eq3A_178 = arith.constant 15 : i32
    %eq3A_179 = vector.broadcast %eq3A_178 : i32 to vector<16xi32>
    %eq3A_180 = arith.cmpi eq, %iota3A, %eq3A_179 : vector<16xi32>
    %ne3A_181 = arith.cmpi ne, %masked_sort3A_156, %gather3A_172 : vector<16xi32>
    %or3A_182 = arith.ori %eq3A_180, %ne3A_181 : vector<16xi1>
    %jit3A_183 = arith.constant 0 : i32
    %broadcast_in_dim3A_184 = vector.broadcast %jit3A_183 : i32 to vector<16xi32>
    %select_n3A_185 = arith.select %or3A_177, %iota3A, %broadcast_in_dim3A_184 : vector<16xi1>, vector<16xi32>
    %broadcast_in_dim3A_186 = arith.constant true
    %broadcast_in_dim3A_187 = vector.broadcast %broadcast_in_dim3A_186 : i1 to vector<16xi1>
    %masked_cummax3A_188 = arith.constant -2147483648 : i32
    %masked_cummax3A_189 = vector.broadcast %masked_cummax3A_188 : i32 to vector<16xi32>
    %masked_cummax3A_190 = arith.xori %select_n3A_185, %masked_cummax3A_189 : vector<16xi32>
    %masked_cummax3A_191 = tpu.scan <max>, %masked_cummax3A_190 masked %broadcast_in_dim3A_187 : vector<16xi32>, vector<16xi1> -> vector<16xi32>
    %masked_cummax3A_192 = arith.xori %masked_cummax3A_191, %masked_cummax3A_189 : vector<16xi32>
    %sub3A_193 = arith.subi %iota3A, %masked_cummax3A_192 : vector<16xi32>
    %gather3A_194 = tpu.vector_load_idx %arg14[%masked_sort3A_156] : memref<64xi32, #tpu.memory_space<vmem>>[vector<16xi32>], vector<16xi32>,
    %gather3A_195 = tpu.vector_load_idx %arg13[%masked_sort3A_156] : memref<64xi32, #tpu.memory_space<vmem>>[vector<16xi32>], vector<16xi32>,
    %add3A_196 = arith.addi %gather3A_195, %gather3A_194 : vector<16xi32>
    %add3A_197 = arith.addi %add3A_196, %sub3A_193 : vector<16xi32>
    %add3A_198 = arith.addi %gather3A_194, %sub3A_193 : vector<16xi32>
    %add3A_199 = arith.constant 1 : i32
    %add3A_200 = vector.broadcast %add3A_199 : i32 to vector<16xi32>
    %add3A_201 = arith.addi %add3A_198, %add3A_200 : vector<16xi32>
    tpu.vector_store_idx %arg14[%masked_sort3A_156], %add3A_201 masked %or3A_182 : memref<64xi32, #tpu.memory_space<vmem>>[vector<16xi32>], vector<16xi32>, vector<16xi1>
    tpu.vector_store_idx %arg18[%masked_sort3A_155], %add3A_197 : memref<16xi32, #tpu.memory_space<vmem>>[vector<16xi32>], vector<16xi32>,
    %get3A_202 = arith.constant 0 : index
    %get3A_203 = tpu.vector_load %arg18[%get3A_202] {strides = array<i32>} : memref<16xi32, #tpu.memory_space<vmem>>, vector<16xi32>,
    %swap3A_204 = arith.constant 32 : index
    %swap3A_205 = tpu.vector_load %arg15[%swap3A_204] {strides = array<i32>} : memref<256xi32, #tpu.memory_space<vmem>>, vector<16xi32>,
    tpu.vector_store %arg15[%swap3A_204], %get3A_203 {strides = array<i32>} : memref<256xi32, #tpu.memory_space<vmem>>, vector<16xi32>,
    %swap3A_206 = arith.constant 0 : i32
    %swap3A_207 = arith.index_cast %swap3A_206 : i32 to index
    %swap3A_208 = arith.constant 32 : index
    %swap3A_209 = tpu.vector_load %arg16[%swap3A_207, %swap3A_208] {strides = array<i32>} : memref<4x64xi32, #tpu.memory_space<vmem>>, vector<16xi32>,
    tpu.vector_store %arg16[%swap3A_207, %swap3A_208], %get3A_203 {strides = array<i32>} : memref<4x64xi32, #tpu.memory_space<vmem>>, vector<16xi32>,
    %add3A_210 = arith.constant 32 : i32
    %add3A_211 = arith.addi %mul3A_2, %add3A_210 : i32
    %add3A_212 = vector.broadcast %add3A_211 : i32 to vector<16xi32>
    %add3A_213 = arith.addi %add3A_212, %iota3A : vector<16xi32>
    %swap3A_214 = arith.constant 0 : i32
    %swap3A_215 = arith.index_cast %swap3A_214 : i32 to index
    %swap3A_216 = arith.constant 32 : index
    %swap3A_217 = tpu.vector_load %arg17[%swap3A_215, %swap3A_216] {strides = array<i32>} : memref<4x64xi32, #tpu.memory_space<vmem>>, vector<16xi32>,
    tpu.vector_store %arg17[%swap3A_215, %swap3A_216], %add3A_213 {strides = array<i32>} : memref<4x64xi32, #tpu.memory_space<vmem>>, vector<16xi32>,
    %get3A_218 = arith.constant 48 : index
    %get3A_219 = tpu.vector_load %arg10[%get3A_218] {strides = array<i32>} : memref<256xi32, #tpu.memory_space<vmem>>, vector<16xi32>,
    %masked_sort3A_220 = arith.constant dense<true> : vector<16xi1>
    %masked_sort3A_221 = arith.constant -2147483648 : i32
    %masked_sort3A_222 = vector.broadcast %masked_sort3A_221 : i32 to vector<16xi32>
    %masked_sort3A_223 = arith.xori %get3A_219, %masked_sort3A_222 : vector<16xi32>
    %masked_sort3A_224, %masked_sort3A_225, %masked_sort3A_226 = tpu.sort %masked_sort3A_223, %iota3A masked %masked_sort3A_220 : (vector<16xi32>, vector<16xi32>, vector<16xi1>) -> (vector<16xi1>, vector<16xi32>, vector<16xi32>)
    %masked_sort3A_227 = arith.xori %masked_sort3A_225, %masked_sort3A_222 : vector<16xi32>
    %swap3A_228 = arith.constant 0 : index
    %swap3A_229 = tpu.vector_load %arg18[%swap3A_228] {strides = array<i32>} : memref<16xi32, #tpu.memory_space<vmem>>, vector<16xi32>,
    tpu.vector_store %arg18[%swap3A_228], %masked_sort3A_227 {strides = array<i32>} : memref<16xi32, #tpu.memory_space<vmem>>, vector<16xi32>,
    %sub3A_230 = arith.constant 1 : i32
    %sub3A_231 = vector.broadcast %sub3A_230 : i32 to vector<16xi32>
    %sub3A_232 = arith.subi %iota3A, %sub3A_231 : vector<16xi32>
    %max3A_233 = arith.constant 0 : i32
    %max3A_234 = vector.broadcast %max3A_233 : i32 to vector<16xi32>
    %max3A_235 = arith.maxsi %sub3A_232, %max3A_234 : vector<16xi32>
    %gather3A_236 = tpu.vector_load_idx %arg18[%max3A_235] : memref<16xi32, #tpu.memory_space<vmem>>[vector<16xi32>], vector<16xi32>,
    %add3A_237 = arith.constant 1 : i32
    %add3A_238 = vector.broadcast %add3A_237 : i32 to vector<16xi32>
    %add3A_239 = arith.addi %iota3A, %add3A_238 : vector<16xi32>
    %min3A_240 = arith.constant 15 : i32
    %min3A_241 = vector.broadcast %min3A_240 : i32 to vector<16xi32>
    %min3A_242 = arith.minsi %add3A_239, %min3A_241 : vector<16xi32>
    %gather3A_243 = tpu.vector_load_idx %arg18[%min3A_242] : memref<16xi32, #tpu.memory_space<vmem>>[vector<16xi32>], vector<16xi32>,
    %eq3A_244 = arith.constant 0 : i32
    %eq3A_245 = vector.broadcast %eq3A_244 : i32 to vector<16xi32>
    %eq3A_246 = arith.cmpi eq, %iota3A, %eq3A_245 : vector<16xi32>
    %ne3A_247 = arith.cmpi ne, %masked_sort3A_227, %gather3A_236 : vector<16xi32>
    %or3A_248 = arith.ori %eq3A_246, %ne3A_247 : vector<16xi1>
    %eq3A_249 = arith.constant 15 : i32
    %eq3A_250 = vector.broadcast %eq3A_249 : i32 to vector<16xi32>
    %eq3A_251 = arith.cmpi eq, %iota3A, %eq3A_250 : vector<16xi32>
    %ne3A_252 = arith.cmpi ne, %masked_sort3A_227, %gather3A_243 : vector<16xi32>
    %or3A_253 = arith.ori %eq3A_251, %ne3A_252 : vector<16xi1>
    %jit3A_254 = arith.constant 0 : i32
    %broadcast_in_dim3A_255 = vector.broadcast %jit3A_254 : i32 to vector<16xi32>
    %select_n3A_256 = arith.select %or3A_248, %iota3A, %broadcast_in_dim3A_255 : vector<16xi1>, vector<16xi32>
    %broadcast_in_dim3A_257 = arith.constant true
    %broadcast_in_dim3A_258 = vector.broadcast %broadcast_in_dim3A_257 : i1 to vector<16xi1>
    %masked_cummax3A_259 = arith.constant -2147483648 : i32
    %masked_cummax3A_260 = vector.broadcast %masked_cummax3A_259 : i32 to vector<16xi32>
    %masked_cummax3A_261 = arith.xori %select_n3A_256, %masked_cummax3A_260 : vector<16xi32>
    %masked_cummax3A_262 = tpu.scan <max>, %masked_cummax3A_261 masked %broadcast_in_dim3A_258 : vector<16xi32>, vector<16xi1> -> vector<16xi32>
    %masked_cummax3A_263 = arith.xori %masked_cummax3A_262, %masked_cummax3A_260 : vector<16xi32>
    %sub3A_264 = arith.subi %iota3A, %masked_cummax3A_263 : vector<16xi32>
    %gather3A_265 = tpu.vector_load_idx %arg14[%masked_sort3A_227] : memref<64xi32, #tpu.memory_space<vmem>>[vector<16xi32>], vector<16xi32>,
    %gather3A_266 = tpu.vector_load_idx %arg13[%masked_sort3A_227] : memref<64xi32, #tpu.memory_space<vmem>>[vector<16xi32>], vector<16xi32>,
    %add3A_267 = arith.addi %gather3A_266, %gather3A_265 : vector<16xi32>
    %add3A_268 = arith.addi %add3A_267, %sub3A_264 : vector<16xi32>
    %add3A_269 = arith.addi %gather3A_265, %sub3A_264 : vector<16xi32>
    %add3A_270 = arith.constant 1 : i32
    %add3A_271 = vector.broadcast %add3A_270 : i32 to vector<16xi32>
    %add3A_272 = arith.addi %add3A_269, %add3A_271 : vector<16xi32>
    tpu.vector_store_idx %arg14[%masked_sort3A_227], %add3A_272 masked %or3A_253 : memref<64xi32, #tpu.memory_space<vmem>>[vector<16xi32>], vector<16xi32>, vector<16xi1>
    tpu.vector_store_idx %arg18[%masked_sort3A_226], %add3A_268 : memref<16xi32, #tpu.memory_space<vmem>>[vector<16xi32>], vector<16xi32>,
    %get3A_273 = arith.constant 0 : index
    %get3A_274 = tpu.vector_load %arg18[%get3A_273] {strides = array<i32>} : memref<16xi32, #tpu.memory_space<vmem>>, vector<16xi32>,
    %swap3A_275 = arith.constant 48 : index
    %swap3A_276 = tpu.vector_load %arg15[%swap3A_275] {strides = array<i32>} : memref<256xi32, #tpu.memory_space<vmem>>, vector<16xi32>,
    tpu.vector_store %arg15[%swap3A_275], %get3A_274 {strides = array<i32>} : memref<256xi32, #tpu.memory_space<vmem>>, vector<16xi32>,
    %swap3A_277 = arith.constant 0 : i32
    %swap3A_278 = arith.index_cast %swap3A_277 : i32 to index
    %swap3A_279 = arith.constant 48 : index
    %swap3A_280 = tpu.vector_load %arg16[%swap3A_278, %swap3A_279] {strides = array<i32>} : memref<4x64xi32, #tpu.memory_space<vmem>>, vector<16xi32>,
    tpu.vector_store %arg16[%swap3A_278, %swap3A_279], %get3A_274 {strides = array<i32>} : memref<4x64xi32, #tpu.memory_space<vmem>>, vector<16xi32>,
    %add3A_281 = arith.constant 48 : i32
    %add3A_282 = arith.addi %mul3A_2, %add3A_281 : i32
    %add3A_283 = vector.broadcast %add3A_282 : i32 to vector<16xi32>
    %add3A_284 = arith.addi %add3A_283, %iota3A : vector<16xi32>
    %swap3A_285 = arith.constant 0 : i32
    %swap3A_286 = arith.index_cast %swap3A_285 : i32 to index
    %swap3A_287 = arith.constant 48 : index
    %swap3A_288 = tpu.vector_load %arg17[%swap3A_286, %swap3A_287] {strides = array<i32>} : memref<4x64xi32, #tpu.memory_space<vmem>>, vector<16xi32>,
    tpu.vector_store %arg17[%swap3A_286, %swap3A_287], %add3A_284 {strides = array<i32>} : memref<4x64xi32, #tpu.memory_space<vmem>>, vector<16xi32>,
    %get3A_289 = arith.constant 64 : index
    %get3A_290 = tpu.vector_load %arg10[%get3A_289] {strides = array<i32>} : memref<256xi32, #tpu.memory_space<vmem>>, vector<16xi32>,
    %masked_sort3A_291 = arith.constant dense<true> : vector<16xi1>
    %masked_sort3A_292 = arith.constant -2147483648 : i32
    %masked_sort3A_293 = vector.broadcast %masked_sort3A_292 : i32 to vector<16xi32>
    %masked_sort3A_294 = arith.xori %get3A_290, %masked_sort3A_293 : vector<16xi32>
    %masked_sort3A_295, %masked_sort3A_296, %masked_sort3A_297 = tpu.sort %masked_sort3A_294, %iota3A masked %masked_sort3A_291 : (vector<16xi32>, vector<16xi32>, vector<16xi1>) -> (vector<16xi1>, vector<16xi32>, vector<16xi32>)
    %masked_sort3A_298 = arith.xori %masked_sort3A_296, %masked_sort3A_293 : vector<16xi32>
    %swap3A_299 = arith.constant 0 : index
    %swap3A_300 = tpu.vector_load %arg18[%swap3A_299] {strides = array<i32>} : memref<16xi32, #tpu.memory_space<vmem>>, vector<16xi32>,
    tpu.vector_store %arg18[%swap3A_299], %masked_sort3A_298 {strides = array<i32>} : memref<16xi32, #tpu.memory_space<vmem>>, vector<16xi32>,
    %sub3A_301 = arith.constant 1 : i32
    %sub3A_302 = vector.broadcast %sub3A_301 : i32 to vector<16xi32>
    %sub3A_303 = arith.subi %iota3A, %sub3A_302 : vector<16xi32>
    %max3A_304 = arith.constant 0 : i32
    %max3A_305 = vector.broadcast %max3A_304 : i32 to vector<16xi32>
    %max3A_306 = arith.maxsi %sub3A_303, %max3A_305 : vector<16xi32>
    %gather3A_307 = tpu.vector_load_idx %arg18[%max3A_306] : memref<16xi32, #tpu.memory_space<vmem>>[vector<16xi32>], vector<16xi32>,
    %add3A_308 = arith.constant 1 : i32
    %add3A_309 = vector.broadcast %add3A_308 : i32 to vector<16xi32>
    %add3A_310 = arith.addi %iota3A, %add3A_309 : vector<16xi32>
    %min3A_311 = arith.constant 15 : i32
    %min3A_312 = vector.broadcast %min3A_311 : i32 to vector<16xi32>
    %min3A_313 = arith.minsi %add3A_310, %min3A_312 : vector<16xi32>
    %gather3A_314 = tpu.vector_load_idx %arg18[%min3A_313] : memref<16xi32, #tpu.memory_space<vmem>>[vector<16xi32>], vector<16xi32>,
    %eq3A_315 = arith.constant 0 : i32
    %eq3A_316 = vector.broadcast %eq3A_315 : i32 to vector<16xi32>
    %eq3A_317 = arith.cmpi eq, %iota3A, %eq3A_316 : vector<16xi32>
    %ne3A_318 = arith.cmpi ne, %masked_sort3A_298, %gather3A_307 : vector<16xi32>
    %or3A_319 = arith.ori %eq3A_317, %ne3A_318 : vector<16xi1>
    %eq3A_320 = arith.constant 15 : i32
    %eq3A_321 = vector.broadcast %eq3A_320 : i32 to vector<16xi32>
    %eq3A_322 = arith.cmpi eq, %iota3A, %eq3A_321 : vector<16xi32>
    %ne3A_323 = arith.cmpi ne, %masked_sort3A_298, %gather3A_314 : vector<16xi32>
    %or3A_324 = arith.ori %eq3A_322, %ne3A_323 : vector<16xi1>
    %jit3A_325 = arith.constant 0 : i32
    %broadcast_in_dim3A_326 = vector.broadcast %jit3A_325 : i32 to vector<16xi32>
    %select_n3A_327 = arith.select %or3A_319, %iota3A, %broadcast_in_dim3A_326 : vector<16xi1>, vector<16xi32>
    %broadcast_in_dim3A_328 = arith.constant true
    %broadcast_in_dim3A_329 = vector.broadcast %broadcast_in_dim3A_328 : i1 to vector<16xi1>
    %masked_cummax3A_330 = arith.constant -2147483648 : i32
    %masked_cummax3A_331 = vector.broadcast %masked_cummax3A_330 : i32 to vector<16xi32>
    %masked_cummax3A_332 = arith.xori %select_n3A_327, %masked_cummax3A_331 : vector<16xi32>
    %masked_cummax3A_333 = tpu.scan <max>, %masked_cummax3A_332 masked %broadcast_in_dim3A_329 : vector<16xi32>, vector<16xi1> -> vector<16xi32>
    %masked_cummax3A_334 = arith.xori %masked_cummax3A_333, %masked_cummax3A_331 : vector<16xi32>
    %sub3A_335 = arith.subi %iota3A, %masked_cummax3A_334 : vector<16xi32>
    %gather3A_336 = tpu.vector_load_idx %arg14[%masked_sort3A_298] : memref<64xi32, #tpu.memory_space<vmem>>[vector<16xi32>], vector<16xi32>,
    %gather3A_337 = tpu.vector_load_idx %arg13[%masked_sort3A_298] : memref<64xi32, #tpu.memory_space<vmem>>[vector<16xi32>], vector<16xi32>,
    %add3A_338 = arith.addi %gather3A_337, %gather3A_336 : vector<16xi32>
    %add3A_339 = arith.addi %add3A_338, %sub3A_335 : vector<16xi32>
    %add3A_340 = arith.addi %gather3A_336, %sub3A_335 : vector<16xi32>
    %add3A_341 = arith.constant 1 : i32
    %add3A_342 = vector.broadcast %add3A_341 : i32 to vector<16xi32>
    %add3A_343 = arith.addi %add3A_340, %add3A_342 : vector<16xi32>
    tpu.vector_store_idx %arg14[%masked_sort3A_298], %add3A_343 masked %or3A_324 : memref<64xi32, #tpu.memory_space<vmem>>[vector<16xi32>], vector<16xi32>, vector<16xi1>
    tpu.vector_store_idx %arg18[%masked_sort3A_297], %add3A_339 : memref<16xi32, #tpu.memory_space<vmem>>[vector<16xi32>], vector<16xi32>,
    %get3A_344 = arith.constant 0 : index
    %get3A_345 = tpu.vector_load %arg18[%get3A_344] {strides = array<i32>} : memref<16xi32, #tpu.memory_space<vmem>>, vector<16xi32>,
    %swap3A_346 = arith.constant 64 : index
    %swap3A_347 = tpu.vector_load %arg15[%swap3A_346] {strides = array<i32>} : memref<256xi32, #tpu.memory_space<vmem>>, vector<16xi32>,
    tpu.vector_store %arg15[%swap3A_346], %get3A_345 {strides = array<i32>} : memref<256xi32, #tpu.memory_space<vmem>>, vector<16xi32>,
    %swap3A_348 = arith.constant 1 : i32
    %swap3A_349 = arith.index_cast %swap3A_348 : i32 to index
    %swap3A_350 = arith.constant 0 : index
    %swap3A_351 = tpu.vector_load %arg16[%swap3A_349, %swap3A_350] {strides = array<i32>} : memref<4x64xi32, #tpu.memory_space<vmem>>, vector<16xi32>,
    tpu.vector_store %arg16[%swap3A_349, %swap3A_350], %get3A_345 {strides = array<i32>} : memref<4x64xi32, #tpu.memory_space<vmem>>, vector<16xi32>,
    %add3A_352 = arith.constant 64 : i32
    %add3A_353 = arith.addi %mul3A_2, %add3A_352 : i32
    %add3A_354 = vector.broadcast %add3A_353 : i32 to vector<16xi32>
    %add3A_355 = arith.addi %add3A_354, %iota3A : vector<16xi32>
    %swap3A_356 = arith.constant 1 : i32
    %swap3A_357 = arith.index_cast %swap3A_356 : i32 to index
    %swap3A_358 = arith.constant 0 : index
    %swap3A_359 = tpu.vector_load %arg17[%swap3A_357, %swap3A_358] {strides = array<i32>} : memref<4x64xi32, #tpu.memory_space<vmem>>, vector<16xi32>,
    tpu.vector_store %arg17[%swap3A_357, %swap3A_358], %add3A_355 {strides = array<i32>} : memref<4x64xi32, #tpu.memory_space<vmem>>, vector<16xi32>,
    %get3A_360 = arith.constant 80 : index
    %get3A_361 = tpu.vector_load %arg10[%get3A_360] {strides = array<i32>} : memref<256xi32, #tpu.memory_space<vmem>>, vector<16xi32>,
    %masked_sort3A_362 = arith.constant dense<true> : vector<16xi1>
    %masked_sort3A_363 = arith.constant -2147483648 : i32
    %masked_sort3A_364 = vector.broadcast %masked_sort3A_363 : i32 to vector<16xi32>
    %masked_sort3A_365 = arith.xori %get3A_361, %masked_sort3A_364 : vector<16xi32>
    %masked_sort3A_366, %masked_sort3A_367, %masked_sort3A_368 = tpu.sort %masked_sort3A_365, %iota3A masked %masked_sort3A_362 : (vector<16xi32>, vector<16xi32>, vector<16xi1>) -> (vector<16xi1>, vector<16xi32>, vector<16xi32>)
    %masked_sort3A_369 = arith.xori %masked_sort3A_367, %masked_sort3A_364 : vector<16xi32>
    %swap3A_370 = arith.constant 0 : index
    %swap3A_371 = tpu.vector_load %arg18[%swap3A_370] {strides = array<i32>} : memref<16xi32, #tpu.memory_space<vmem>>, vector<16xi32>,
    tpu.vector_store %arg18[%swap3A_370], %masked_sort3A_369 {strides = array<i32>} : memref<16xi32, #tpu.memory_space<vmem>>, vector<16xi32>,
    %sub3A_372 = arith.constant 1 : i32
    %sub3A_373 = vector.broadcast %sub3A_372 : i32 to vector<16xi32>
    %sub3A_374 = arith.subi %iota3A, %sub3A_373 : vector<16xi32>
    %max3A_375 = arith.constant 0 : i32
    %max3A_376 = vector.broadcast %max3A_375 : i32 to vector<16xi32>
    %max3A_377 = arith.maxsi %sub3A_374, %max3A_376 : vector<16xi32>
    %gather3A_378 = tpu.vector_load_idx %arg18[%max3A_377] : memref<16xi32, #tpu.memory_space<vmem>>[vector<16xi32>], vector<16xi32>,
    %add3A_379 = arith.constant 1 : i32
    %add3A_380 = vector.broadcast %add3A_379 : i32 to vector<16xi32>
    %add3A_381 = arith.addi %iota3A, %add3A_380 : vector<16xi32>
    %min3A_382 = arith.constant 15 : i32
    %min3A_383 = vector.broadcast %min3A_382 : i32 to vector<16xi32>
    %min3A_384 = arith.minsi %add3A_381, %min3A_383 : vector<16xi32>
    %gather3A_385 = tpu.vector_load_idx %arg18[%min3A_384] : memref<16xi32, #tpu.memory_space<vmem>>[vector<16xi32>], vector<16xi32>,
    %eq3A_386 = arith.constant 0 : i32
    %eq3A_387 = vector.broadcast %eq3A_386 : i32 to vector<16xi32>
    %eq3A_388 = arith.cmpi eq, %iota3A, %eq3A_387 : vector<16xi32>
    %ne3A_389 = arith.cmpi ne, %masked_sort3A_369, %gather3A_378 : vector<16xi32>
    %or3A_390 = arith.ori %eq3A_388, %ne3A_389 : vector<16xi1>
    %eq3A_391 = arith.constant 15 : i32
    %eq3A_392 = vector.broadcast %eq3A_391 : i32 to vector<16xi32>
    %eq3A_393 = arith.cmpi eq, %iota3A, %eq3A_392 : vector<16xi32>
    %ne3A_394 = arith.cmpi ne, %masked_sort3A_369, %gather3A_385 : vector<16xi32>
    %or3A_395 = arith.ori %eq3A_393, %ne3A_394 : vector<16xi1>
    %jit3A_396 = arith.constant 0 : i32
    %broadcast_in_dim3A_397 = vector.broadcast %jit3A_396 : i32 to vector<16xi32>
    %select_n3A_398 = arith.select %or3A_390, %iota3A, %broadcast_in_dim3A_397 : vector<16xi1>, vector<16xi32>
    %broadcast_in_dim3A_399 = arith.constant true
    %broadcast_in_dim3A_400 = vector.broadcast %broadcast_in_dim3A_399 : i1 to vector<16xi1>
    %masked_cummax3A_401 = arith.constant -2147483648 : i32
    %masked_cummax3A_402 = vector.broadcast %masked_cummax3A_401 : i32 to vector<16xi32>
    %masked_cummax3A_403 = arith.xori %select_n3A_398, %masked_cummax3A_402 : vector<16xi32>
    %masked_cummax3A_404 = tpu.scan <max>, %masked_cummax3A_403 masked %broadcast_in_dim3A_400 : vector<16xi32>, vector<16xi1> -> vector<16xi32>
    %masked_cummax3A_405 = arith.xori %masked_cummax3A_404, %masked_cummax3A_402 : vector<16xi32>
    %sub3A_406 = arith.subi %iota3A, %masked_cummax3A_405 : vector<16xi32>
    %gather3A_407 = tpu.vector_load_idx %arg14[%masked_sort3A_369] : memref<64xi32, #tpu.memory_space<vmem>>[vector<16xi32>], vector<16xi32>,
    %gather3A_408 = tpu.vector_load_idx %arg13[%masked_sort3A_369] : memref<64xi32, #tpu.memory_space<vmem>>[vector<16xi32>], vector<16xi32>,
    %add3A_409 = arith.addi %gather3A_408, %gather3A_407 : vector<16xi32>
    %add3A_410 = arith.addi %add3A_409, %sub3A_406 : vector<16xi32>
    %add3A_411 = arith.addi %gather3A_407, %sub3A_406 : vector<16xi32>
    %add3A_412 = arith.constant 1 : i32
    %add3A_413 = vector.broadcast %add3A_412 : i32 to vector<16xi32>
    %add3A_414 = arith.addi %add3A_411, %add3A_413 : vector<16xi32>
    tpu.vector_store_idx %arg14[%masked_sort3A_369], %add3A_414 masked %or3A_395 : memref<64xi32, #tpu.memory_space<vmem>>[vector<16xi32>], vector<16xi32>, vector<16xi1>
    tpu.vector_store_idx %arg18[%masked_sort3A_368], %add3A_410 : memref<16xi32, #tpu.memory_space<vmem>>[vector<16xi32>], vector<16xi32>,
    %get3A_415 = arith.constant 0 : index
    %get3A_416 = tpu.vector_load %arg18[%get3A_415] {strides = array<i32>} : memref<16xi32, #tpu.memory_space<vmem>>, vector<16xi32>,
    %swap3A_417 = arith.constant 80 : index
    %swap3A_418 = tpu.vector_load %arg15[%swap3A_417] {strides = array<i32>} : memref<256xi32, #tpu.memory_space<vmem>>, vector<16xi32>,
    tpu.vector_store %arg15[%swap3A_417], %get3A_416 {strides = array<i32>} : memref<256xi32, #tpu.memory_space<vmem>>, vector<16xi32>,
    %swap3A_419 = arith.constant 1 : i32
    %swap3A_420 = arith.index_cast %swap3A_419 : i32 to index
    %swap3A_421 = arith.constant 16 : index
    %swap3A_422 = tpu.vector_load %arg16[%swap3A_420, %swap3A_421] {strides = array<i32>} : memref<4x64xi32, #tpu.memory_space<vmem>>, vector<16xi32>,
    tpu.vector_store %arg16[%swap3A_420, %swap3A_421], %get3A_416 {strides = array<i32>} : memref<4x64xi32, #tpu.memory_space<vmem>>, vector<16xi32>,
    %add3A_423 = arith.constant 80 : i32
    %add3A_424 = arith.addi %mul3A_2, %add3A_423 : i32
    %add3A_425 = vector.broadcast %add3A_424 : i32 to vector<16xi32>
    %add3A_426 = arith.addi %add3A_425, %iota3A : vector<16xi32>
    %swap3A_427 = arith.constant 1 : i32
    %swap3A_428 = arith.index_cast %swap3A_427 : i32 to index
    %swap3A_429 = arith.constant 16 : index
    %swap3A_430 = tpu.vector_load %arg17[%swap3A_428, %swap3A_429] {strides = array<i32>} : memref<4x64xi32, #tpu.memory_space<vmem>>, vector<16xi32>,
    tpu.vector_store %arg17[%swap3A_428, %swap3A_429], %add3A_426 {strides = array<i32>} : memref<4x64xi32, #tpu.memory_space<vmem>>, vector<16xi32>,
    %get3A_431 = arith.constant 96 : index
    %get3A_432 = tpu.vector_load %arg10[%get3A_431] {strides = array<i32>} : memref<256xi32, #tpu.memory_space<vmem>>, vector<16xi32>,
    %masked_sort3A_433 = arith.constant dense<true> : vector<16xi1>
    %masked_sort3A_434 = arith.constant -2147483648 : i32
    %masked_sort3A_435 = vector.broadcast %masked_sort3A_434 : i32 to vector<16xi32>
    %masked_sort3A_436 = arith.xori %get3A_432, %masked_sort3A_435 : vector<16xi32>
    %masked_sort3A_437, %masked_sort3A_438, %masked_sort3A_439 = tpu.sort %masked_sort3A_436, %iota3A masked %masked_sort3A_433 : (vector<16xi32>, vector<16xi32>, vector<16xi1>) -> (vector<16xi1>, vector<16xi32>, vector<16xi32>)
    %masked_sort3A_440 = arith.xori %masked_sort3A_438, %masked_sort3A_435 : vector<16xi32>
    %swap3A_441 = arith.constant 0 : index
    %swap3A_442 = tpu.vector_load %arg18[%swap3A_441] {strides = array<i32>} : memref<16xi32, #tpu.memory_space<vmem>>, vector<16xi32>,
    tpu.vector_store %arg18[%swap3A_441], %masked_sort3A_440 {strides = array<i32>} : memref<16xi32, #tpu.memory_space<vmem>>, vector<16xi32>,
    %sub3A_443 = arith.constant 1 : i32
    %sub3A_444 = vector.broadcast %sub3A_443 : i32 to vector<16xi32>
    %sub3A_445 = arith.subi %iota3A, %sub3A_444 : vector<16xi32>
    %max3A_446 = arith.constant 0 : i32
    %max3A_447 = vector.broadcast %max3A_446 : i32 to vector<16xi32>
    %max3A_448 = arith.maxsi %sub3A_445, %max3A_447 : vector<16xi32>
    %gather3A_449 = tpu.vector_load_idx %arg18[%max3A_448] : memref<16xi32, #tpu.memory_space<vmem>>[vector<16xi32>], vector<16xi32>,
    %add3A_450 = arith.constant 1 : i32
    %add3A_451 = vector.broadcast %add3A_450 : i32 to vector<16xi32>
    %add3A_452 = arith.addi %iota3A, %add3A_451 : vector<16xi32>
    %min3A_453 = arith.constant 15 : i32
    %min3A_454 = vector.broadcast %min3A_453 : i32 to vector<16xi32>
    %min3A_455 = arith.minsi %add3A_452, %min3A_454 : vector<16xi32>
    %gather3A_456 = tpu.vector_load_idx %arg18[%min3A_455] : memref<16xi32, #tpu.memory_space<vmem>>[vector<16xi32>], vector<16xi32>,
    %eq3A_457 = arith.constant 0 : i32
    %eq3A_458 = vector.broadcast %eq3A_457 : i32 to vector<16xi32>
    %eq3A_459 = arith.cmpi eq, %iota3A, %eq3A_458 : vector<16xi32>
    %ne3A_460 = arith.cmpi ne, %masked_sort3A_440, %gather3A_449 : vector<16xi32>
    %or3A_461 = arith.ori %eq3A_459, %ne3A_460 : vector<16xi1>
    %eq3A_462 = arith.constant 15 : i32
    %eq3A_463 = vector.broadcast %eq3A_462 : i32 to vector<16xi32>
    %eq3A_464 = arith.cmpi eq, %iota3A, %eq3A_463 : vector<16xi32>
    %ne3A_465 = arith.cmpi ne, %masked_sort3A_440, %gather3A_456 : vector<16xi32>
    %or3A_466 = arith.ori %eq3A_464, %ne3A_465 : vector<16xi1>
    %jit3A_467 = arith.constant 0 : i32
    %broadcast_in_dim3A_468 = vector.broadcast %jit3A_467 : i32 to vector<16xi32>
    %select_n3A_469 = arith.select %or3A_461, %iota3A, %broadcast_in_dim3A_468 : vector<16xi1>, vector<16xi32>
    %broadcast_in_dim3A_470 = arith.constant true
    %broadcast_in_dim3A_471 = vector.broadcast %broadcast_in_dim3A_470 : i1 to vector<16xi1>
    %masked_cummax3A_472 = arith.constant -2147483648 : i32
    %masked_cummax3A_473 = vector.broadcast %masked_cummax3A_472 : i32 to vector<16xi32>
    %masked_cummax3A_474 = arith.xori %select_n3A_469, %masked_cummax3A_473 : vector<16xi32>
    %masked_cummax3A_475 = tpu.scan <max>, %masked_cummax3A_474 masked %broadcast_in_dim3A_471 : vector<16xi32>, vector<16xi1> -> vector<16xi32>
    %masked_cummax3A_476 = arith.xori %masked_cummax3A_475, %masked_cummax3A_473 : vector<16xi32>
    %sub3A_477 = arith.subi %iota3A, %masked_cummax3A_476 : vector<16xi32>
    %gather3A_478 = tpu.vector_load_idx %arg14[%masked_sort3A_440] : memref<64xi32, #tpu.memory_space<vmem>>[vector<16xi32>], vector<16xi32>,
    %gather3A_479 = tpu.vector_load_idx %arg13[%masked_sort3A_440] : memref<64xi32, #tpu.memory_space<vmem>>[vector<16xi32>], vector<16xi32>,
    %add3A_480 = arith.addi %gather3A_479, %gather3A_478 : vector<16xi32>
    %add3A_481 = arith.addi %add3A_480, %sub3A_477 : vector<16xi32>
    %add3A_482 = arith.addi %gather3A_478, %sub3A_477 : vector<16xi32>
    %add3A_483 = arith.constant 1 : i32
    %add3A_484 = vector.broadcast %add3A_483 : i32 to vector<16xi32>
    %add3A_485 = arith.addi %add3A_482, %add3A_484 : vector<16xi32>
    tpu.vector_store_idx %arg14[%masked_sort3A_440], %add3A_485 masked %or3A_466 : memref<64xi32, #tpu.memory_space<vmem>>[vector<16xi32>], vector<16xi32>, vector<16xi1>
    tpu.vector_store_idx %arg18[%masked_sort3A_439], %add3A_481 : memref<16xi32, #tpu.memory_space<vmem>>[vector<16xi32>], vector<16xi32>,
    %get3A_486 = arith.constant 0 : index
    %get3A_487 = tpu.vector_load %arg18[%get3A_486] {strides = array<i32>} : memref<16xi32, #tpu.memory_space<vmem>>, vector<16xi32>,
    %swap3A_488 = arith.constant 96 : index
    %swap3A_489 = tpu.vector_load %arg15[%swap3A_488] {strides = array<i32>} : memref<256xi32, #tpu.memory_space<vmem>>, vector<16xi32>,
    tpu.vector_store %arg15[%swap3A_488], %get3A_487 {strides = array<i32>} : memref<256xi32, #tpu.memory_space<vmem>>, vector<16xi32>,
    %swap3A_490 = arith.constant 1 : i32
    %swap3A_491 = arith.index_cast %swap3A_490 : i32 to index
    %swap3A_492 = arith.constant 32 : index
    %swap3A_493 = tpu.vector_load %arg16[%swap3A_491, %swap3A_492] {strides = array<i32>} : memref<4x64xi32, #tpu.memory_space<vmem>>, vector<16xi32>,
    tpu.vector_store %arg16[%swap3A_491, %swap3A_492], %get3A_487 {strides = array<i32>} : memref<4x64xi32, #tpu.memory_space<vmem>>, vector<16xi32>,
    %add3A_494 = arith.constant 96 : i32
    %add3A_495 = arith.addi %mul3A_2, %add3A_494 : i32
    %add3A_496 = vector.broadcast %add3A_495 : i32 to vector<16xi32>
    %add3A_497 = arith.addi %add3A_496, %iota3A : vector<16xi32>
    %swap3A_498 = arith.constant 1 : i32
    %swap3A_499 = arith.index_cast %swap3A_498 : i32 to index
    %swap3A_500 = arith.constant 32 : index
    %swap3A_501 = tpu.vector_load %arg17[%swap3A_499, %swap3A_500] {strides = array<i32>} : memref<4x64xi32, #tpu.memory_space<vmem>>, vector<16xi32>,
    tpu.vector_store %arg17[%swap3A_499, %swap3A_500], %add3A_497 {strides = array<i32>} : memref<4x64xi32, #tpu.memory_space<vmem>>, vector<16xi32>,
    %get3A_502 = arith.constant 112 : index
    %get3A_503 = tpu.vector_load %arg10[%get3A_502] {strides = array<i32>} : memref<256xi32, #tpu.memory_space<vmem>>, vector<16xi32>,
    %masked_sort3A_504 = arith.constant dense<true> : vector<16xi1>
    %masked_sort3A_505 = arith.constant -2147483648 : i32
    %masked_sort3A_506 = vector.broadcast %masked_sort3A_505 : i32 to vector<16xi32>
    %masked_sort3A_507 = arith.xori %get3A_503, %masked_sort3A_506 : vector<16xi32>
    %masked_sort3A_508, %masked_sort3A_509, %masked_sort3A_510 = tpu.sort %masked_sort3A_507, %iota3A masked %masked_sort3A_504 : (vector<16xi32>, vector<16xi32>, vector<16xi1>) -> (vector<16xi1>, vector<16xi32>, vector<16xi32>)
    %masked_sort3A_511 = arith.xori %masked_sort3A_509, %masked_sort3A_506 : vector<16xi32>
    %swap3A_512 = arith.constant 0 : index
    %swap3A_513 = tpu.vector_load %arg18[%swap3A_512] {strides = array<i32>} : memref<16xi32, #tpu.memory_space<vmem>>, vector<16xi32>,
    tpu.vector_store %arg18[%swap3A_512], %masked_sort3A_511 {strides = array<i32>} : memref<16xi32, #tpu.memory_space<vmem>>, vector<16xi32>,
    %sub3A_514 = arith.constant 1 : i32
    %sub3A_515 = vector.broadcast %sub3A_514 : i32 to vector<16xi32>
    %sub3A_516 = arith.subi %iota3A, %sub3A_515 : vector<16xi32>
    %max3A_517 = arith.constant 0 : i32
    %max3A_518 = vector.broadcast %max3A_517 : i32 to vector<16xi32>
    %max3A_519 = arith.maxsi %sub3A_516, %max3A_518 : vector<16xi32>
    %gather3A_520 = tpu.vector_load_idx %arg18[%max3A_519] : memref<16xi32, #tpu.memory_space<vmem>>[vector<16xi32>], vector<16xi32>,
    %add3A_521 = arith.constant 1 : i32
    %add3A_522 = vector.broadcast %add3A_521 : i32 to vector<16xi32>
    %add3A_523 = arith.addi %iota3A, %add3A_522 : vector<16xi32>
    %min3A_524 = arith.constant 15 : i32
    %min3A_525 = vector.broadcast %min3A_524 : i32 to vector<16xi32>
    %min3A_526 = arith.minsi %add3A_523, %min3A_525 : vector<16xi32>
    %gather3A_527 = tpu.vector_load_idx %arg18[%min3A_526] : memref<16xi32, #tpu.memory_space<vmem>>[vector<16xi32>], vector<16xi32>,
    %eq3A_528 = arith.constant 0 : i32
    %eq3A_529 = vector.broadcast %eq3A_528 : i32 to vector<16xi32>
    %eq3A_530 = arith.cmpi eq, %iota3A, %eq3A_529 : vector<16xi32>
    %ne3A_531 = arith.cmpi ne, %masked_sort3A_511, %gather3A_520 : vector<16xi32>
    %or3A_532 = arith.ori %eq3A_530, %ne3A_531 : vector<16xi1>
    %eq3A_533 = arith.constant 15 : i32
    %eq3A_534 = vector.broadcast %eq3A_533 : i32 to vector<16xi32>
    %eq3A_535 = arith.cmpi eq, %iota3A, %eq3A_534 : vector<16xi32>
    %ne3A_536 = arith.cmpi ne, %masked_sort3A_511, %gather3A_527 : vector<16xi32>
    %or3A_537 = arith.ori %eq3A_535, %ne3A_536 : vector<16xi1>
    %jit3A_538 = arith.constant 0 : i32
    %broadcast_in_dim3A_539 = vector.broadcast %jit3A_538 : i32 to vector<16xi32>
    %select_n3A_540 = arith.select %or3A_532, %iota3A, %broadcast_in_dim3A_539 : vector<16xi1>, vector<16xi32>
    %broadcast_in_dim3A_541 = arith.constant true
    %broadcast_in_dim3A_542 = vector.broadcast %broadcast_in_dim3A_541 : i1 to vector<16xi1>
    %masked_cummax3A_543 = arith.constant -2147483648 : i32
    %masked_cummax3A_544 = vector.broadcast %masked_cummax3A_543 : i32 to vector<16xi32>
    %masked_cummax3A_545 = arith.xori %select_n3A_540, %masked_cummax3A_544 : vector<16xi32>
    %masked_cummax3A_546 = tpu.scan <max>, %masked_cummax3A_545 masked %broadcast_in_dim3A_542 : vector<16xi32>, vector<16xi1> -> vector<16xi32>
    %masked_cummax3A_547 = arith.xori %masked_cummax3A_546, %masked_cummax3A_544 : vector<16xi32>
    %sub3A_548 = arith.subi %iota3A, %masked_cummax3A_547 : vector<16xi32>
    %gather3A_549 = tpu.vector_load_idx %arg14[%masked_sort3A_511] : memref<64xi32, #tpu.memory_space<vmem>>[vector<16xi32>], vector<16xi32>,
    %gather3A_550 = tpu.vector_load_idx %arg13[%masked_sort3A_511] : memref<64xi32, #tpu.memory_space<vmem>>[vector<16xi32>], vector<16xi32>,
    %add3A_551 = arith.addi %gather3A_550, %gather3A_549 : vector<16xi32>
    %add3A_552 = arith.addi %add3A_551, %sub3A_548 : vector<16xi32>
    %add3A_553 = arith.addi %gather3A_549, %sub3A_548 : vector<16xi32>
    %add3A_554 = arith.constant 1 : i32
    %add3A_555 = vector.broadcast %add3A_554 : i32 to vector<16xi32>
    %add3A_556 = arith.addi %add3A_553, %add3A_555 : vector<16xi32>
    tpu.vector_store_idx %arg14[%masked_sort3A_511], %add3A_556 masked %or3A_537 : memref<64xi32, #tpu.memory_space<vmem>>[vector<16xi32>], vector<16xi32>, vector<16xi1>
    tpu.vector_store_idx %arg18[%masked_sort3A_510], %add3A_552 : memref<16xi32, #tpu.memory_space<vmem>>[vector<16xi32>], vector<16xi32>,
    %get3A_557 = arith.constant 0 : index
    %get3A_558 = tpu.vector_load %arg18[%get3A_557] {strides = array<i32>} : memref<16xi32, #tpu.memory_space<vmem>>, vector<16xi32>,
    %swap3A_559 = arith.constant 112 : index
    %swap3A_560 = tpu.vector_load %arg15[%swap3A_559] {strides = array<i32>} : memref<256xi32, #tpu.memory_space<vmem>>, vector<16xi32>,
    tpu.vector_store %arg15[%swap3A_559], %get3A_558 {strides = array<i32>} : memref<256xi32, #tpu.memory_space<vmem>>, vector<16xi32>,
    %swap3A_561 = arith.constant 1 : i32
    %swap3A_562 = arith.index_cast %swap3A_561 : i32 to index
    %swap3A_563 = arith.constant 48 : index
    %swap3A_564 = tpu.vector_load %arg16[%swap3A_562, %swap3A_563] {strides = array<i32>} : memref<4x64xi32, #tpu.memory_space<vmem>>, vector<16xi32>,
    tpu.vector_store %arg16[%swap3A_562, %swap3A_563], %get3A_558 {strides = array<i32>} : memref<4x64xi32, #tpu.memory_space<vmem>>, vector<16xi32>,
    %add3A_565 = arith.constant 112 : i32
    %add3A_566 = arith.addi %mul3A_2, %add3A_565 : i32
    %add3A_567 = vector.broadcast %add3A_566 : i32 to vector<16xi32>
    %add3A_568 = arith.addi %add3A_567, %iota3A : vector<16xi32>
    %swap3A_569 = arith.constant 1 : i32
    %swap3A_570 = arith.index_cast %swap3A_569 : i32 to index
    %swap3A_571 = arith.constant 48 : index
    %swap3A_572 = tpu.vector_load %arg17[%swap3A_570, %swap3A_571] {strides = array<i32>} : memref<4x64xi32, #tpu.memory_space<vmem>>, vector<16xi32>,
    tpu.vector_store %arg17[%swap3A_570, %swap3A_571], %add3A_568 {strides = array<i32>} : memref<4x64xi32, #tpu.memory_space<vmem>>, vector<16xi32>,
    %get3A_573 = arith.constant 128 : index
    %get3A_574 = tpu.vector_load %arg10[%get3A_573] {strides = array<i32>} : memref<256xi32, #tpu.memory_space<vmem>>, vector<16xi32>,
    %masked_sort3A_575 = arith.constant dense<true> : vector<16xi1>
    %masked_sort3A_576 = arith.constant -2147483648 : i32
    %masked_sort3A_577 = vector.broadcast %masked_sort3A_576 : i32 to vector<16xi32>
    %masked_sort3A_578 = arith.xori %get3A_574, %masked_sort3A_577 : vector<16xi32>
    %masked_sort3A_579, %masked_sort3A_580, %masked_sort3A_581 = tpu.sort %masked_sort3A_578, %iota3A masked %masked_sort3A_575 : (vector<16xi32>, vector<16xi32>, vector<16xi1>) -> (vector<16xi1>, vector<16xi32>, vector<16xi32>)
    %masked_sort3A_582 = arith.xori %masked_sort3A_580, %masked_sort3A_577 : vector<16xi32>
    %swap3A_583 = arith.constant 0 : index
    %swap3A_584 = tpu.vector_load %arg18[%swap3A_583] {strides = array<i32>} : memref<16xi32, #tpu.memory_space<vmem>>, vector<16xi32>,
    tpu.vector_store %arg18[%swap3A_583], %masked_sort3A_582 {strides = array<i32>} : memref<16xi32, #tpu.memory_space<vmem>>, vector<16xi32>,
    %sub3A_585 = arith.constant 1 : i32
    %sub3A_586 = vector.broadcast %sub3A_585 : i32 to vector<16xi32>
    %sub3A_587 = arith.subi %iota3A, %sub3A_586 : vector<16xi32>
    %max3A_588 = arith.constant 0 : i32
    %max3A_589 = vector.broadcast %max3A_588 : i32 to vector<16xi32>
    %max3A_590 = arith.maxsi %sub3A_587, %max3A_589 : vector<16xi32>
    %gather3A_591 = tpu.vector_load_idx %arg18[%max3A_590] : memref<16xi32, #tpu.memory_space<vmem>>[vector<16xi32>], vector<16xi32>,
    %add3A_592 = arith.constant 1 : i32
    %add3A_593 = vector.broadcast %add3A_592 : i32 to vector<16xi32>
    %add3A_594 = arith.addi %iota3A, %add3A_593 : vector<16xi32>
    %min3A_595 = arith.constant 15 : i32
    %min3A_596 = vector.broadcast %min3A_595 : i32 to vector<16xi32>
    %min3A_597 = arith.minsi %add3A_594, %min3A_596 : vector<16xi32>
    %gather3A_598 = tpu.vector_load_idx %arg18[%min3A_597] : memref<16xi32, #tpu.memory_space<vmem>>[vector<16xi32>], vector<16xi32>,
    %eq3A_599 = arith.constant 0 : i32
    %eq3A_600 = vector.broadcast %eq3A_599 : i32 to vector<16xi32>
    %eq3A_601 = arith.cmpi eq, %iota3A, %eq3A_600 : vector<16xi32>
    %ne3A_602 = arith.cmpi ne, %masked_sort3A_582, %gather3A_591 : vector<16xi32>
    %or3A_603 = arith.ori %eq3A_601, %ne3A_602 : vector<16xi1>
    %eq3A_604 = arith.constant 15 : i32
    %eq3A_605 = vector.broadcast %eq3A_604 : i32 to vector<16xi32>
    %eq3A_606 = arith.cmpi eq, %iota3A, %eq3A_605 : vector<16xi32>
    %ne3A_607 = arith.cmpi ne, %masked_sort3A_582, %gather3A_598 : vector<16xi32>
    %or3A_608 = arith.ori %eq3A_606, %ne3A_607 : vector<16xi1>
    %jit3A_609 = arith.constant 0 : i32
    %broadcast_in_dim3A_610 = vector.broadcast %jit3A_609 : i32 to vector<16xi32>
    %select_n3A_611 = arith.select %or3A_603, %iota3A, %broadcast_in_dim3A_610 : vector<16xi1>, vector<16xi32>
    %broadcast_in_dim3A_612 = arith.constant true
    %broadcast_in_dim3A_613 = vector.broadcast %broadcast_in_dim3A_612 : i1 to vector<16xi1>
    %masked_cummax3A_614 = arith.constant -2147483648 : i32
    %masked_cummax3A_615 = vector.broadcast %masked_cummax3A_614 : i32 to vector<16xi32>
    %masked_cummax3A_616 = arith.xori %select_n3A_611, %masked_cummax3A_615 : vector<16xi32>
    %masked_cummax3A_617 = tpu.scan <max>, %masked_cummax3A_616 masked %broadcast_in_dim3A_613 : vector<16xi32>, vector<16xi1> -> vector<16xi32>
    %masked_cummax3A_618 = arith.xori %masked_cummax3A_617, %masked_cummax3A_615 : vector<16xi32>
    %sub3A_619 = arith.subi %iota3A, %masked_cummax3A_618 : vector<16xi32>
    %gather3A_620 = tpu.vector_load_idx %arg14[%masked_sort3A_582] : memref<64xi32, #tpu.memory_space<vmem>>[vector<16xi32>], vector<16xi32>,
    %gather3A_621 = tpu.vector_load_idx %arg13[%masked_sort3A_582] : memref<64xi32, #tpu.memory_space<vmem>>[vector<16xi32>], vector<16xi32>,
    %add3A_622 = arith.addi %gather3A_621, %gather3A_620 : vector<16xi32>
    %add3A_623 = arith.addi %add3A_622, %sub3A_619 : vector<16xi32>
    %add3A_624 = arith.addi %gather3A_620, %sub3A_619 : vector<16xi32>
    %add3A_625 = arith.constant 1 : i32
    %add3A_626 = vector.broadcast %add3A_625 : i32 to vector<16xi32>
    %add3A_627 = arith.addi %add3A_624, %add3A_626 : vector<16xi32>
    tpu.vector_store_idx %arg14[%masked_sort3A_582], %add3A_627 masked %or3A_608 : memref<64xi32, #tpu.memory_space<vmem>>[vector<16xi32>], vector<16xi32>, vector<16xi1>
    tpu.vector_store_idx %arg18[%masked_sort3A_581], %add3A_623 : memref<16xi32, #tpu.memory_space<vmem>>[vector<16xi32>], vector<16xi32>,
    %get3A_628 = arith.constant 0 : index
    %get3A_629 = tpu.vector_load %arg18[%get3A_628] {strides = array<i32>} : memref<16xi32, #tpu.memory_space<vmem>>, vector<16xi32>,
    %swap3A_630 = arith.constant 128 : index
    %swap3A_631 = tpu.vector_load %arg15[%swap3A_630] {strides = array<i32>} : memref<256xi32, #tpu.memory_space<vmem>>, vector<16xi32>,
    tpu.vector_store %arg15[%swap3A_630], %get3A_629 {strides = array<i32>} : memref<256xi32, #tpu.memory_space<vmem>>, vector<16xi32>,
    %swap3A_632 = arith.constant 2 : i32
    %swap3A_633 = arith.index_cast %swap3A_632 : i32 to index
    %swap3A_634 = arith.constant 0 : index
    %swap3A_635 = tpu.vector_load %arg16[%swap3A_633, %swap3A_634] {strides = array<i32>} : memref<4x64xi32, #tpu.memory_space<vmem>>, vector<16xi32>,
    tpu.vector_store %arg16[%swap3A_633, %swap3A_634], %get3A_629 {strides = array<i32>} : memref<4x64xi32, #tpu.memory_space<vmem>>, vector<16xi32>,
    %add3A_636 = arith.constant 128 : i32
    %add3A_637 = arith.addi %mul3A_2, %add3A_636 : i32
    %add3A_638 = vector.broadcast %add3A_637 : i32 to vector<16xi32>
    %add3A_639 = arith.addi %add3A_638, %iota3A : vector<16xi32>
    %swap3A_640 = arith.constant 2 : i32
    %swap3A_641 = arith.index_cast %swap3A_640 : i32 to index
    %swap3A_642 = arith.constant 0 : index
    %swap3A_643 = tpu.vector_load %arg17[%swap3A_641, %swap3A_642] {strides = array<i32>} : memref<4x64xi32, #tpu.memory_space<vmem>>, vector<16xi32>,
    tpu.vector_store %arg17[%swap3A_641, %swap3A_642], %add3A_639 {strides = array<i32>} : memref<4x64xi32, #tpu.memory_space<vmem>>, vector<16xi32>,
    %get3A_644 = arith.constant 144 : index
    %get3A_645 = tpu.vector_load %arg10[%get3A_644] {strides = array<i32>} : memref<256xi32, #tpu.memory_space<vmem>>, vector<16xi32>,
    %masked_sort3A_646 = arith.constant dense<true> : vector<16xi1>
    %masked_sort3A_647 = arith.constant -2147483648 : i32
    %masked_sort3A_648 = vector.broadcast %masked_sort3A_647 : i32 to vector<16xi32>
    %masked_sort3A_649 = arith.xori %get3A_645, %masked_sort3A_648 : vector<16xi32>
    %masked_sort3A_650, %masked_sort3A_651, %masked_sort3A_652 = tpu.sort %masked_sort3A_649, %iota3A masked %masked_sort3A_646 : (vector<16xi32>, vector<16xi32>, vector<16xi1>) -> (vector<16xi1>, vector<16xi32>, vector<16xi32>)
    %masked_sort3A_653 = arith.xori %masked_sort3A_651, %masked_sort3A_648 : vector<16xi32>
    %swap3A_654 = arith.constant 0 : index
    %swap3A_655 = tpu.vector_load %arg18[%swap3A_654] {strides = array<i32>} : memref<16xi32, #tpu.memory_space<vmem>>, vector<16xi32>,
    tpu.vector_store %arg18[%swap3A_654], %masked_sort3A_653 {strides = array<i32>} : memref<16xi32, #tpu.memory_space<vmem>>, vector<16xi32>,
    %sub3A_656 = arith.constant 1 : i32
    %sub3A_657 = vector.broadcast %sub3A_656 : i32 to vector<16xi32>
    %sub3A_658 = arith.subi %iota3A, %sub3A_657 : vector<16xi32>
    %max3A_659 = arith.constant 0 : i32
    %max3A_660 = vector.broadcast %max3A_659 : i32 to vector<16xi32>
    %max3A_661 = arith.maxsi %sub3A_658, %max3A_660 : vector<16xi32>
    %gather3A_662 = tpu.vector_load_idx %arg18[%max3A_661] : memref<16xi32, #tpu.memory_space<vmem>>[vector<16xi32>], vector<16xi32>,
    %add3A_663 = arith.constant 1 : i32
    %add3A_664 = vector.broadcast %add3A_663 : i32 to vector<16xi32>
    %add3A_665 = arith.addi %iota3A, %add3A_664 : vector<16xi32>
    %min3A_666 = arith.constant 15 : i32
    %min3A_667 = vector.broadcast %min3A_666 : i32 to vector<16xi32>
    %min3A_668 = arith.minsi %add3A_665, %min3A_667 : vector<16xi32>
    %gather3A_669 = tpu.vector_load_idx %arg18[%min3A_668] : memref<16xi32, #tpu.memory_space<vmem>>[vector<16xi32>], vector<16xi32>,
    %eq3A_670 = arith.constant 0 : i32
    %eq3A_671 = vector.broadcast %eq3A_670 : i32 to vector<16xi32>
    %eq3A_672 = arith.cmpi eq, %iota3A, %eq3A_671 : vector<16xi32>
    %ne3A_673 = arith.cmpi ne, %masked_sort3A_653, %gather3A_662 : vector<16xi32>
    %or3A_674 = arith.ori %eq3A_672, %ne3A_673 : vector<16xi1>
    %eq3A_675 = arith.constant 15 : i32
    %eq3A_676 = vector.broadcast %eq3A_675 : i32 to vector<16xi32>
    %eq3A_677 = arith.cmpi eq, %iota3A, %eq3A_676 : vector<16xi32>
    %ne3A_678 = arith.cmpi ne, %masked_sort3A_653, %gather3A_669 : vector<16xi32>
    %or3A_679 = arith.ori %eq3A_677, %ne3A_678 : vector<16xi1>
    %jit3A_680 = arith.constant 0 : i32
    %broadcast_in_dim3A_681 = vector.broadcast %jit3A_680 : i32 to vector<16xi32>
    %select_n3A_682 = arith.select %or3A_674, %iota3A, %broadcast_in_dim3A_681 : vector<16xi1>, vector<16xi32>
    %broadcast_in_dim3A_683 = arith.constant true
    %broadcast_in_dim3A_684 = vector.broadcast %broadcast_in_dim3A_683 : i1 to vector<16xi1>
    %masked_cummax3A_685 = arith.constant -2147483648 : i32
    %masked_cummax3A_686 = vector.broadcast %masked_cummax3A_685 : i32 to vector<16xi32>
    %masked_cummax3A_687 = arith.xori %select_n3A_682, %masked_cummax3A_686 : vector<16xi32>
    %masked_cummax3A_688 = tpu.scan <max>, %masked_cummax3A_687 masked %broadcast_in_dim3A_684 : vector<16xi32>, vector<16xi1> -> vector<16xi32>
    %masked_cummax3A_689 = arith.xori %masked_cummax3A_688, %masked_cummax3A_686 : vector<16xi32>
    %sub3A_690 = arith.subi %iota3A, %masked_cummax3A_689 : vector<16xi32>
    %gather3A_691 = tpu.vector_load_idx %arg14[%masked_sort3A_653] : memref<64xi32, #tpu.memory_space<vmem>>[vector<16xi32>], vector<16xi32>,
    %gather3A_692 = tpu.vector_load_idx %arg13[%masked_sort3A_653] : memref<64xi32, #tpu.memory_space<vmem>>[vector<16xi32>], vector<16xi32>,
    %add3A_693 = arith.addi %gather3A_692, %gather3A_691 : vector<16xi32>
    %add3A_694 = arith.addi %add3A_693, %sub3A_690 : vector<16xi32>
    %add3A_695 = arith.addi %gather3A_691, %sub3A_690 : vector<16xi32>
    %add3A_696 = arith.constant 1 : i32
    %add3A_697 = vector.broadcast %add3A_696 : i32 to vector<16xi32>
    %add3A_698 = arith.addi %add3A_695, %add3A_697 : vector<16xi32>
    tpu.vector_store_idx %arg14[%masked_sort3A_653], %add3A_698 masked %or3A_679 : memref<64xi32, #tpu.memory_space<vmem>>[vector<16xi32>], vector<16xi32>, vector<16xi1>
    tpu.vector_store_idx %arg18[%masked_sort3A_652], %add3A_694 : memref<16xi32, #tpu.memory_space<vmem>>[vector<16xi32>], vector<16xi32>,
    %get3A_699 = arith.constant 0 : index
    %get3A_700 = tpu.vector_load %arg18[%get3A_699] {strides = array<i32>} : memref<16xi32, #tpu.memory_space<vmem>>, vector<16xi32>,
    %swap3A_701 = arith.constant 144 : index
    %swap3A_702 = tpu.vector_load %arg15[%swap3A_701] {strides = array<i32>} : memref<256xi32, #tpu.memory_space<vmem>>, vector<16xi32>,
    tpu.vector_store %arg15[%swap3A_701], %get3A_700 {strides = array<i32>} : memref<256xi32, #tpu.memory_space<vmem>>, vector<16xi32>,
    %swap3A_703 = arith.constant 2 : i32
    %swap3A_704 = arith.index_cast %swap3A_703 : i32 to index
    %swap3A_705 = arith.constant 16 : index
    %swap3A_706 = tpu.vector_load %arg16[%swap3A_704, %swap3A_705] {strides = array<i32>} : memref<4x64xi32, #tpu.memory_space<vmem>>, vector<16xi32>,
    tpu.vector_store %arg16[%swap3A_704, %swap3A_705], %get3A_700 {strides = array<i32>} : memref<4x64xi32, #tpu.memory_space<vmem>>, vector<16xi32>,
    %add3A_707 = arith.constant 144 : i32
    %add3A_708 = arith.addi %mul3A_2, %add3A_707 : i32
    %add3A_709 = vector.broadcast %add3A_708 : i32 to vector<16xi32>
    %add3A_710 = arith.addi %add3A_709, %iota3A : vector<16xi32>
    %swap3A_711 = arith.constant 2 : i32
    %swap3A_712 = arith.index_cast %swap3A_711 : i32 to index
    %swap3A_713 = arith.constant 16 : index
    %swap3A_714 = tpu.vector_load %arg17[%swap3A_712, %swap3A_713] {strides = array<i32>} : memref<4x64xi32, #tpu.memory_space<vmem>>, vector<16xi32>,
    tpu.vector_store %arg17[%swap3A_712, %swap3A_713], %add3A_710 {strides = array<i32>} : memref<4x64xi32, #tpu.memory_space<vmem>>, vector<16xi32>,
    %get3A_715 = arith.constant 160 : index
    %get3A_716 = tpu.vector_load %arg10[%get3A_715] {strides = array<i32>} : memref<256xi32, #tpu.memory_space<vmem>>, vector<16xi32>,
    %masked_sort3A_717 = arith.constant dense<true> : vector<16xi1>
    %masked_sort3A_718 = arith.constant -2147483648 : i32
    %masked_sort3A_719 = vector.broadcast %masked_sort3A_718 : i32 to vector<16xi32>
    %masked_sort3A_720 = arith.xori %get3A_716, %masked_sort3A_719 : vector<16xi32>
    %masked_sort3A_721, %masked_sort3A_722, %masked_sort3A_723 = tpu.sort %masked_sort3A_720, %iota3A masked %masked_sort3A_717 : (vector<16xi32>, vector<16xi32>, vector<16xi1>) -> (vector<16xi1>, vector<16xi32>, vector<16xi32>)
    %masked_sort3A_724 = arith.xori %masked_sort3A_722, %masked_sort3A_719 : vector<16xi32>
    %swap3A_725 = arith.constant 0 : index
    %swap3A_726 = tpu.vector_load %arg18[%swap3A_725] {strides = array<i32>} : memref<16xi32, #tpu.memory_space<vmem>>, vector<16xi32>,
    tpu.vector_store %arg18[%swap3A_725], %masked_sort3A_724 {strides = array<i32>} : memref<16xi32, #tpu.memory_space<vmem>>, vector<16xi32>,
    %sub3A_727 = arith.constant 1 : i32
    %sub3A_728 = vector.broadcast %sub3A_727 : i32 to vector<16xi32>
    %sub3A_729 = arith.subi %iota3A, %sub3A_728 : vector<16xi32>
    %max3A_730 = arith.constant 0 : i32
    %max3A_731 = vector.broadcast %max3A_730 : i32 to vector<16xi32>
    %max3A_732 = arith.maxsi %sub3A_729, %max3A_731 : vector<16xi32>
    %gather3A_733 = tpu.vector_load_idx %arg18[%max3A_732] : memref<16xi32, #tpu.memory_space<vmem>>[vector<16xi32>], vector<16xi32>,
    %add3A_734 = arith.constant 1 : i32
    %add3A_735 = vector.broadcast %add3A_734 : i32 to vector<16xi32>
    %add3A_736 = arith.addi %iota3A, %add3A_735 : vector<16xi32>
    %min3A_737 = arith.constant 15 : i32
    %min3A_738 = vector.broadcast %min3A_737 : i32 to vector<16xi32>
    %min3A_739 = arith.minsi %add3A_736, %min3A_738 : vector<16xi32>
    %gather3A_740 = tpu.vector_load_idx %arg18[%min3A_739] : memref<16xi32, #tpu.memory_space<vmem>>[vector<16xi32>], vector<16xi32>,
    %eq3A_741 = arith.constant 0 : i32
    %eq3A_742 = vector.broadcast %eq3A_741 : i32 to vector<16xi32>
    %eq3A_743 = arith.cmpi eq, %iota3A, %eq3A_742 : vector<16xi32>
    %ne3A_744 = arith.cmpi ne, %masked_sort3A_724, %gather3A_733 : vector<16xi32>
    %or3A_745 = arith.ori %eq3A_743, %ne3A_744 : vector<16xi1>
    %eq3A_746 = arith.constant 15 : i32
    %eq3A_747 = vector.broadcast %eq3A_746 : i32 to vector<16xi32>
    %eq3A_748 = arith.cmpi eq, %iota3A, %eq3A_747 : vector<16xi32>
    %ne3A_749 = arith.cmpi ne, %masked_sort3A_724, %gather3A_740 : vector<16xi32>
    %or3A_750 = arith.ori %eq3A_748, %ne3A_749 : vector<16xi1>
    %jit3A_751 = arith.constant 0 : i32
    %broadcast_in_dim3A_752 = vector.broadcast %jit3A_751 : i32 to vector<16xi32>
    %select_n3A_753 = arith.select %or3A_745, %iota3A, %broadcast_in_dim3A_752 : vector<16xi1>, vector<16xi32>
    %broadcast_in_dim3A_754 = arith.constant true
    %broadcast_in_dim3A_755 = vector.broadcast %broadcast_in_dim3A_754 : i1 to vector<16xi1>
    %masked_cummax3A_756 = arith.constant -2147483648 : i32
    %masked_cummax3A_757 = vector.broadcast %masked_cummax3A_756 : i32 to vector<16xi32>
    %masked_cummax3A_758 = arith.xori %select_n3A_753, %masked_cummax3A_757 : vector<16xi32>
    %masked_cummax3A_759 = tpu.scan <max>, %masked_cummax3A_758 masked %broadcast_in_dim3A_755 : vector<16xi32>, vector<16xi1> -> vector<16xi32>
    %masked_cummax3A_760 = arith.xori %masked_cummax3A_759, %masked_cummax3A_757 : vector<16xi32>
    %sub3A_761 = arith.subi %iota3A, %masked_cummax3A_760 : vector<16xi32>
    %gather3A_762 = tpu.vector_load_idx %arg14[%masked_sort3A_724] : memref<64xi32, #tpu.memory_space<vmem>>[vector<16xi32>], vector<16xi32>,
    %gather3A_763 = tpu.vector_load_idx %arg13[%masked_sort3A_724] : memref<64xi32, #tpu.memory_space<vmem>>[vector<16xi32>], vector<16xi32>,
    %add3A_764 = arith.addi %gather3A_763, %gather3A_762 : vector<16xi32>
    %add3A_765 = arith.addi %add3A_764, %sub3A_761 : vector<16xi32>
    %add3A_766 = arith.addi %gather3A_762, %sub3A_761 : vector<16xi32>
    %add3A_767 = arith.constant 1 : i32
    %add3A_768 = vector.broadcast %add3A_767 : i32 to vector<16xi32>
    %add3A_769 = arith.addi %add3A_766, %add3A_768 : vector<16xi32>
    tpu.vector_store_idx %arg14[%masked_sort3A_724], %add3A_769 masked %or3A_750 : memref<64xi32, #tpu.memory_space<vmem>>[vector<16xi32>], vector<16xi32>, vector<16xi1>
    tpu.vector_store_idx %arg18[%masked_sort3A_723], %add3A_765 : memref<16xi32, #tpu.memory_space<vmem>>[vector<16xi32>], vector<16xi32>,
    %get3A_770 = arith.constant 0 : index
    %get3A_771 = tpu.vector_load %arg18[%get3A_770] {strides = array<i32>} : memref<16xi32, #tpu.memory_space<vmem>>, vector<16xi32>,
    %swap3A_772 = arith.constant 160 : index
    %swap3A_773 = tpu.vector_load %arg15[%swap3A_772] {strides = array<i32>} : memref<256xi32, #tpu.memory_space<vmem>>, vector<16xi32>,
    tpu.vector_store %arg15[%swap3A_772], %get3A_771 {strides = array<i32>} : memref<256xi32, #tpu.memory_space<vmem>>, vector<16xi32>,
    %swap3A_774 = arith.constant 2 : i32
    %swap3A_775 = arith.index_cast %swap3A_774 : i32 to index
    %swap3A_776 = arith.constant 32 : index
    %swap3A_777 = tpu.vector_load %arg16[%swap3A_775, %swap3A_776] {strides = array<i32>} : memref<4x64xi32, #tpu.memory_space<vmem>>, vector<16xi32>,
    tpu.vector_store %arg16[%swap3A_775, %swap3A_776], %get3A_771 {strides = array<i32>} : memref<4x64xi32, #tpu.memory_space<vmem>>, vector<16xi32>,
    %add3A_778 = arith.constant 160 : i32
    %add3A_779 = arith.addi %mul3A_2, %add3A_778 : i32
    %add3A_780 = vector.broadcast %add3A_779 : i32 to vector<16xi32>
    %add3A_781 = arith.addi %add3A_780, %iota3A : vector<16xi32>
    %swap3A_782 = arith.constant 2 : i32
    %swap3A_783 = arith.index_cast %swap3A_782 : i32 to index
    %swap3A_784 = arith.constant 32 : index
    %swap3A_785 = tpu.vector_load %arg17[%swap3A_783, %swap3A_784] {strides = array<i32>} : memref<4x64xi32, #tpu.memory_space<vmem>>, vector<16xi32>,
    tpu.vector_store %arg17[%swap3A_783, %swap3A_784], %add3A_781 {strides = array<i32>} : memref<4x64xi32, #tpu.memory_space<vmem>>, vector<16xi32>,
    %get3A_786 = arith.constant 176 : index
    %get3A_787 = tpu.vector_load %arg10[%get3A_786] {strides = array<i32>} : memref<256xi32, #tpu.memory_space<vmem>>, vector<16xi32>,
    %masked_sort3A_788 = arith.constant dense<true> : vector<16xi1>
    %masked_sort3A_789 = arith.constant -2147483648 : i32
    %masked_sort3A_790 = vector.broadcast %masked_sort3A_789 : i32 to vector<16xi32>
    %masked_sort3A_791 = arith.xori %get3A_787, %masked_sort3A_790 : vector<16xi32>
    %masked_sort3A_792, %masked_sort3A_793, %masked_sort3A_794 = tpu.sort %masked_sort3A_791, %iota3A masked %masked_sort3A_788 : (vector<16xi32>, vector<16xi32>, vector<16xi1>) -> (vector<16xi1>, vector<16xi32>, vector<16xi32>)
    %masked_sort3A_795 = arith.xori %masked_sort3A_793, %masked_sort3A_790 : vector<16xi32>
    %swap3A_796 = arith.constant 0 : index
    %swap3A_797 = tpu.vector_load %arg18[%swap3A_796] {strides = array<i32>} : memref<16xi32, #tpu.memory_space<vmem>>, vector<16xi32>,
    tpu.vector_store %arg18[%swap3A_796], %masked_sort3A_795 {strides = array<i32>} : memref<16xi32, #tpu.memory_space<vmem>>, vector<16xi32>,
    %sub3A_798 = arith.constant 1 : i32
    %sub3A_799 = vector.broadcast %sub3A_798 : i32 to vector<16xi32>
    %sub3A_800 = arith.subi %iota3A, %sub3A_799 : vector<16xi32>
    %max3A_801 = arith.constant 0 : i32
    %max3A_802 = vector.broadcast %max3A_801 : i32 to vector<16xi32>
    %max3A_803 = arith.maxsi %sub3A_800, %max3A_802 : vector<16xi32>
    %gather3A_804 = tpu.vector_load_idx %arg18[%max3A_803] : memref<16xi32, #tpu.memory_space<vmem>>[vector<16xi32>], vector<16xi32>,
    %add3A_805 = arith.constant 1 : i32
    %add3A_806 = vector.broadcast %add3A_805 : i32 to vector<16xi32>
    %add3A_807 = arith.addi %iota3A, %add3A_806 : vector<16xi32>
    %min3A_808 = arith.constant 15 : i32
    %min3A_809 = vector.broadcast %min3A_808 : i32 to vector<16xi32>
    %min3A_810 = arith.minsi %add3A_807, %min3A_809 : vector<16xi32>
    %gather3A_811 = tpu.vector_load_idx %arg18[%min3A_810] : memref<16xi32, #tpu.memory_space<vmem>>[vector<16xi32>], vector<16xi32>,
    %eq3A_812 = arith.constant 0 : i32
    %eq3A_813 = vector.broadcast %eq3A_812 : i32 to vector<16xi32>
    %eq3A_814 = arith.cmpi eq, %iota3A, %eq3A_813 : vector<16xi32>
    %ne3A_815 = arith.cmpi ne, %masked_sort3A_795, %gather3A_804 : vector<16xi32>
    %or3A_816 = arith.ori %eq3A_814, %ne3A_815 : vector<16xi1>
    %eq3A_817 = arith.constant 15 : i32
    %eq3A_818 = vector.broadcast %eq3A_817 : i32 to vector<16xi32>
    %eq3A_819 = arith.cmpi eq, %iota3A, %eq3A_818 : vector<16xi32>
    %ne3A_820 = arith.cmpi ne, %masked_sort3A_795, %gather3A_811 : vector<16xi32>
    %or3A_821 = arith.ori %eq3A_819, %ne3A_820 : vector<16xi1>
    %jit3A_822 = arith.constant 0 : i32
    %broadcast_in_dim3A_823 = vector.broadcast %jit3A_822 : i32 to vector<16xi32>
    %select_n3A_824 = arith.select %or3A_816, %iota3A, %broadcast_in_dim3A_823 : vector<16xi1>, vector<16xi32>
    %broadcast_in_dim3A_825 = arith.constant true
    %broadcast_in_dim3A_826 = vector.broadcast %broadcast_in_dim3A_825 : i1 to vector<16xi1>
    %masked_cummax3A_827 = arith.constant -2147483648 : i32
    %masked_cummax3A_828 = vector.broadcast %masked_cummax3A_827 : i32 to vector<16xi32>
    %masked_cummax3A_829 = arith.xori %select_n3A_824, %masked_cummax3A_828 : vector<16xi32>
    %masked_cummax3A_830 = tpu.scan <max>, %masked_cummax3A_829 masked %broadcast_in_dim3A_826 : vector<16xi32>, vector<16xi1> -> vector<16xi32>
    %masked_cummax3A_831 = arith.xori %masked_cummax3A_830, %masked_cummax3A_828 : vector<16xi32>
    %sub3A_832 = arith.subi %iota3A, %masked_cummax3A_831 : vector<16xi32>
    %gather3A_833 = tpu.vector_load_idx %arg14[%masked_sort3A_795] : memref<64xi32, #tpu.memory_space<vmem>>[vector<16xi32>], vector<16xi32>,
    %gather3A_834 = tpu.vector_load_idx %arg13[%masked_sort3A_795] : memref<64xi32, #tpu.memory_space<vmem>>[vector<16xi32>], vector<16xi32>,
    %add3A_835 = arith.addi %gather3A_834, %gather3A_833 : vector<16xi32>
    %add3A_836 = arith.addi %add3A_835, %sub3A_832 : vector<16xi32>
    %add3A_837 = arith.addi %gather3A_833, %sub3A_832 : vector<16xi32>
    %add3A_838 = arith.constant 1 : i32
    %add3A_839 = vector.broadcast %add3A_838 : i32 to vector<16xi32>
    %add3A_840 = arith.addi %add3A_837, %add3A_839 : vector<16xi32>
    tpu.vector_store_idx %arg14[%masked_sort3A_795], %add3A_840 masked %or3A_821 : memref<64xi32, #tpu.memory_space<vmem>>[vector<16xi32>], vector<16xi32>, vector<16xi1>
    tpu.vector_store_idx %arg18[%masked_sort3A_794], %add3A_836 : memref<16xi32, #tpu.memory_space<vmem>>[vector<16xi32>], vector<16xi32>,
    %get3A_841 = arith.constant 0 : index
    %get3A_842 = tpu.vector_load %arg18[%get3A_841] {strides = array<i32>} : memref<16xi32, #tpu.memory_space<vmem>>, vector<16xi32>,
    %swap3A_843 = arith.constant 176 : index
    %swap3A_844 = tpu.vector_load %arg15[%swap3A_843] {strides = array<i32>} : memref<256xi32, #tpu.memory_space<vmem>>, vector<16xi32>,
    tpu.vector_store %arg15[%swap3A_843], %get3A_842 {strides = array<i32>} : memref<256xi32, #tpu.memory_space<vmem>>, vector<16xi32>,
    %swap3A_845 = arith.constant 2 : i32
    %swap3A_846 = arith.index_cast %swap3A_845 : i32 to index
    %swap3A_847 = arith.constant 48 : index
    %swap3A_848 = tpu.vector_load %arg16[%swap3A_846, %swap3A_847] {strides = array<i32>} : memref<4x64xi32, #tpu.memory_space<vmem>>, vector<16xi32>,
    tpu.vector_store %arg16[%swap3A_846, %swap3A_847], %get3A_842 {strides = array<i32>} : memref<4x64xi32, #tpu.memory_space<vmem>>, vector<16xi32>,
    %add3A_849 = arith.constant 176 : i32
    %add3A_850 = arith.addi %mul3A_2, %add3A_849 : i32
    %add3A_851 = vector.broadcast %add3A_850 : i32 to vector<16xi32>
    %add3A_852 = arith.addi %add3A_851, %iota3A : vector<16xi32>
    %swap3A_853 = arith.constant 2 : i32
    %swap3A_854 = arith.index_cast %swap3A_853 : i32 to index
    %swap3A_855 = arith.constant 48 : index
    %swap3A_856 = tpu.vector_load %arg17[%swap3A_854, %swap3A_855] {strides = array<i32>} : memref<4x64xi32, #tpu.memory_space<vmem>>, vector<16xi32>,
    tpu.vector_store %arg17[%swap3A_854, %swap3A_855], %add3A_852 {strides = array<i32>} : memref<4x64xi32, #tpu.memory_space<vmem>>, vector<16xi32>,
    %get3A_857 = arith.constant 192 : index
    %get3A_858 = tpu.vector_load %arg10[%get3A_857] {strides = array<i32>} : memref<256xi32, #tpu.memory_space<vmem>>, vector<16xi32>,
    %masked_sort3A_859 = arith.constant dense<true> : vector<16xi1>
    %masked_sort3A_860 = arith.constant -2147483648 : i32
    %masked_sort3A_861 = vector.broadcast %masked_sort3A_860 : i32 to vector<16xi32>
    %masked_sort3A_862 = arith.xori %get3A_858, %masked_sort3A_861 : vector<16xi32>
    %masked_sort3A_863, %masked_sort3A_864, %masked_sort3A_865 = tpu.sort %masked_sort3A_862, %iota3A masked %masked_sort3A_859 : (vector<16xi32>, vector<16xi32>, vector<16xi1>) -> (vector<16xi1>, vector<16xi32>, vector<16xi32>)
    %masked_sort3A_866 = arith.xori %masked_sort3A_864, %masked_sort3A_861 : vector<16xi32>
    %swap3A_867 = arith.constant 0 : index
    %swap3A_868 = tpu.vector_load %arg18[%swap3A_867] {strides = array<i32>} : memref<16xi32, #tpu.memory_space<vmem>>, vector<16xi32>,
    tpu.vector_store %arg18[%swap3A_867], %masked_sort3A_866 {strides = array<i32>} : memref<16xi32, #tpu.memory_space<vmem>>, vector<16xi32>,
    %sub3A_869 = arith.constant 1 : i32
    %sub3A_870 = vector.broadcast %sub3A_869 : i32 to vector<16xi32>
    %sub3A_871 = arith.subi %iota3A, %sub3A_870 : vector<16xi32>
    %max3A_872 = arith.constant 0 : i32
    %max3A_873 = vector.broadcast %max3A_872 : i32 to vector<16xi32>
    %max3A_874 = arith.maxsi %sub3A_871, %max3A_873 : vector<16xi32>
    %gather3A_875 = tpu.vector_load_idx %arg18[%max3A_874] : memref<16xi32, #tpu.memory_space<vmem>>[vector<16xi32>], vector<16xi32>,
    %add3A_876 = arith.constant 1 : i32
    %add3A_877 = vector.broadcast %add3A_876 : i32 to vector<16xi32>
    %add3A_878 = arith.addi %iota3A, %add3A_877 : vector<16xi32>
    %min3A_879 = arith.constant 15 : i32
    %min3A_880 = vector.broadcast %min3A_879 : i32 to vector<16xi32>
    %min3A_881 = arith.minsi %add3A_878, %min3A_880 : vector<16xi32>
    %gather3A_882 = tpu.vector_load_idx %arg18[%min3A_881] : memref<16xi32, #tpu.memory_space<vmem>>[vector<16xi32>], vector<16xi32>,
    %eq3A_883 = arith.constant 0 : i32
    %eq3A_884 = vector.broadcast %eq3A_883 : i32 to vector<16xi32>
    %eq3A_885 = arith.cmpi eq, %iota3A, %eq3A_884 : vector<16xi32>
    %ne3A_886 = arith.cmpi ne, %masked_sort3A_866, %gather3A_875 : vector<16xi32>
    %or3A_887 = arith.ori %eq3A_885, %ne3A_886 : vector<16xi1>
    %eq3A_888 = arith.constant 15 : i32
    %eq3A_889 = vector.broadcast %eq3A_888 : i32 to vector<16xi32>
    %eq3A_890 = arith.cmpi eq, %iota3A, %eq3A_889 : vector<16xi32>
    %ne3A_891 = arith.cmpi ne, %masked_sort3A_866, %gather3A_882 : vector<16xi32>
    %or3A_892 = arith.ori %eq3A_890, %ne3A_891 : vector<16xi1>
    %jit3A_893 = arith.constant 0 : i32
    %broadcast_in_dim3A_894 = vector.broadcast %jit3A_893 : i32 to vector<16xi32>
    %select_n3A_895 = arith.select %or3A_887, %iota3A, %broadcast_in_dim3A_894 : vector<16xi1>, vector<16xi32>
    %broadcast_in_dim3A_896 = arith.constant true
    %broadcast_in_dim3A_897 = vector.broadcast %broadcast_in_dim3A_896 : i1 to vector<16xi1>
    %masked_cummax3A_898 = arith.constant -2147483648 : i32
    %masked_cummax3A_899 = vector.broadcast %masked_cummax3A_898 : i32 to vector<16xi32>
    %masked_cummax3A_900 = arith.xori %select_n3A_895, %masked_cummax3A_899 : vector<16xi32>
    %masked_cummax3A_901 = tpu.scan <max>, %masked_cummax3A_900 masked %broadcast_in_dim3A_897 : vector<16xi32>, vector<16xi1> -> vector<16xi32>
    %masked_cummax3A_902 = arith.xori %masked_cummax3A_901, %masked_cummax3A_899 : vector<16xi32>
    %sub3A_903 = arith.subi %iota3A, %masked_cummax3A_902 : vector<16xi32>
    %gather3A_904 = tpu.vector_load_idx %arg14[%masked_sort3A_866] : memref<64xi32, #tpu.memory_space<vmem>>[vector<16xi32>], vector<16xi32>,
    %gather3A_905 = tpu.vector_load_idx %arg13[%masked_sort3A_866] : memref<64xi32, #tpu.memory_space<vmem>>[vector<16xi32>], vector<16xi32>,
    %add3A_906 = arith.addi %gather3A_905, %gather3A_904 : vector<16xi32>
    %add3A_907 = arith.addi %add3A_906, %sub3A_903 : vector<16xi32>
    %add3A_908 = arith.addi %gather3A_904, %sub3A_903 : vector<16xi32>
    %add3A_909 = arith.constant 1 : i32
    %add3A_910 = vector.broadcast %add3A_909 : i32 to vector<16xi32>
    %add3A_911 = arith.addi %add3A_908, %add3A_910 : vector<16xi32>
    tpu.vector_store_idx %arg14[%masked_sort3A_866], %add3A_911 masked %or3A_892 : memref<64xi32, #tpu.memory_space<vmem>>[vector<16xi32>], vector<16xi32>, vector<16xi1>
    tpu.vector_store_idx %arg18[%masked_sort3A_865], %add3A_907 : memref<16xi32, #tpu.memory_space<vmem>>[vector<16xi32>], vector<16xi32>,
    %get3A_912 = arith.constant 0 : index
    %get3A_913 = tpu.vector_load %arg18[%get3A_912] {strides = array<i32>} : memref<16xi32, #tpu.memory_space<vmem>>, vector<16xi32>,
    %swap3A_914 = arith.constant 192 : index
    %swap3A_915 = tpu.vector_load %arg15[%swap3A_914] {strides = array<i32>} : memref<256xi32, #tpu.memory_space<vmem>>, vector<16xi32>,
    tpu.vector_store %arg15[%swap3A_914], %get3A_913 {strides = array<i32>} : memref<256xi32, #tpu.memory_space<vmem>>, vector<16xi32>,
    %swap3A_916 = arith.constant 3 : i32
    %swap3A_917 = arith.index_cast %swap3A_916 : i32 to index
    %swap3A_918 = arith.constant 0 : index
    %swap3A_919 = tpu.vector_load %arg16[%swap3A_917, %swap3A_918] {strides = array<i32>} : memref<4x64xi32, #tpu.memory_space<vmem>>, vector<16xi32>,
    tpu.vector_store %arg16[%swap3A_917, %swap3A_918], %get3A_913 {strides = array<i32>} : memref<4x64xi32, #tpu.memory_space<vmem>>, vector<16xi32>,
    %add3A_920 = arith.constant 192 : i32
    %add3A_921 = arith.addi %mul3A_2, %add3A_920 : i32
    %add3A_922 = vector.broadcast %add3A_921 : i32 to vector<16xi32>
    %add3A_923 = arith.addi %add3A_922, %iota3A : vector<16xi32>
    %swap3A_924 = arith.constant 3 : i32
    %swap3A_925 = arith.index_cast %swap3A_924 : i32 to index
    %swap3A_926 = arith.constant 0 : index
    %swap3A_927 = tpu.vector_load %arg17[%swap3A_925, %swap3A_926] {strides = array<i32>} : memref<4x64xi32, #tpu.memory_space<vmem>>, vector<16xi32>,
    tpu.vector_store %arg17[%swap3A_925, %swap3A_926], %add3A_923 {strides = array<i32>} : memref<4x64xi32, #tpu.memory_space<vmem>>, vector<16xi32>,
    %get3A_928 = arith.constant 208 : index
    %get3A_929 = tpu.vector_load %arg10[%get3A_928] {strides = array<i32>} : memref<256xi32, #tpu.memory_space<vmem>>, vector<16xi32>,
    %masked_sort3A_930 = arith.constant dense<true> : vector<16xi1>
    %masked_sort3A_931 = arith.constant -2147483648 : i32
    %masked_sort3A_932 = vector.broadcast %masked_sort3A_931 : i32 to vector<16xi32>
    %masked_sort3A_933 = arith.xori %get3A_929, %masked_sort3A_932 : vector<16xi32>
    %masked_sort3A_934, %masked_sort3A_935, %masked_sort3A_936 = tpu.sort %masked_sort3A_933, %iota3A masked %masked_sort3A_930 : (vector<16xi32>, vector<16xi32>, vector<16xi1>) -> (vector<16xi1>, vector<16xi32>, vector<16xi32>)
    %masked_sort3A_937 = arith.xori %masked_sort3A_935, %masked_sort3A_932 : vector<16xi32>
    %swap3A_938 = arith.constant 0 : index
    %swap3A_939 = tpu.vector_load %arg18[%swap3A_938] {strides = array<i32>} : memref<16xi32, #tpu.memory_space<vmem>>, vector<16xi32>,
    tpu.vector_store %arg18[%swap3A_938], %masked_sort3A_937 {strides = array<i32>} : memref<16xi32, #tpu.memory_space<vmem>>, vector<16xi32>,
    %sub3A_940 = arith.constant 1 : i32
    %sub3A_941 = vector.broadcast %sub3A_940 : i32 to vector<16xi32>
    %sub3A_942 = arith.subi %iota3A, %sub3A_941 : vector<16xi32>
    %max3A_943 = arith.constant 0 : i32
    %max3A_944 = vector.broadcast %max3A_943 : i32 to vector<16xi32>
    %max3A_945 = arith.maxsi %sub3A_942, %max3A_944 : vector<16xi32>
    %gather3A_946 = tpu.vector_load_idx %arg18[%max3A_945] : memref<16xi32, #tpu.memory_space<vmem>>[vector<16xi32>], vector<16xi32>,
    %add3A_947 = arith.constant 1 : i32
    %add3A_948 = vector.broadcast %add3A_947 : i32 to vector<16xi32>
    %add3A_949 = arith.addi %iota3A, %add3A_948 : vector<16xi32>
    %min3A_950 = arith.constant 15 : i32
    %min3A_951 = vector.broadcast %min3A_950 : i32 to vector<16xi32>
    %min3A_952 = arith.minsi %add3A_949, %min3A_951 : vector<16xi32>
    %gather3A_953 = tpu.vector_load_idx %arg18[%min3A_952] : memref<16xi32, #tpu.memory_space<vmem>>[vector<16xi32>], vector<16xi32>,
    %eq3A_954 = arith.constant 0 : i32
    %eq3A_955 = vector.broadcast %eq3A_954 : i32 to vector<16xi32>
    %eq3A_956 = arith.cmpi eq, %iota3A, %eq3A_955 : vector<16xi32>
    %ne3A_957 = arith.cmpi ne, %masked_sort3A_937, %gather3A_946 : vector<16xi32>
    %or3A_958 = arith.ori %eq3A_956, %ne3A_957 : vector<16xi1>
    %eq3A_959 = arith.constant 15 : i32
    %eq3A_960 = vector.broadcast %eq3A_959 : i32 to vector<16xi32>
    %eq3A_961 = arith.cmpi eq, %iota3A, %eq3A_960 : vector<16xi32>
    %ne3A_962 = arith.cmpi ne, %masked_sort3A_937, %gather3A_953 : vector<16xi32>
    %or3A_963 = arith.ori %eq3A_961, %ne3A_962 : vector<16xi1>
    %jit3A_964 = arith.constant 0 : i32
    %broadcast_in_dim3A_965 = vector.broadcast %jit3A_964 : i32 to vector<16xi32>
    %select_n3A_966 = arith.select %or3A_958, %iota3A, %broadcast_in_dim3A_965 : vector<16xi1>, vector<16xi32>
    %broadcast_in_dim3A_967 = arith.constant true
    %broadcast_in_dim3A_968 = vector.broadcast %broadcast_in_dim3A_967 : i1 to vector<16xi1>
    %masked_cummax3A_969 = arith.constant -2147483648 : i32
    %masked_cummax3A_970 = vector.broadcast %masked_cummax3A_969 : i32 to vector<16xi32>
    %masked_cummax3A_971 = arith.xori %select_n3A_966, %masked_cummax3A_970 : vector<16xi32>
    %masked_cummax3A_972 = tpu.scan <max>, %masked_cummax3A_971 masked %broadcast_in_dim3A_968 : vector<16xi32>, vector<16xi1> -> vector<16xi32>
    %masked_cummax3A_973 = arith.xori %masked_cummax3A_972, %masked_cummax3A_970 : vector<16xi32>
    %sub3A_974 = arith.subi %iota3A, %masked_cummax3A_973 : vector<16xi32>
    %gather3A_975 = tpu.vector_load_idx %arg14[%masked_sort3A_937] : memref<64xi32, #tpu.memory_space<vmem>>[vector<16xi32>], vector<16xi32>,
    %gather3A_976 = tpu.vector_load_idx %arg13[%masked_sort3A_937] : memref<64xi32, #tpu.memory_space<vmem>>[vector<16xi32>], vector<16xi32>,
    %add3A_977 = arith.addi %gather3A_976, %gather3A_975 : vector<16xi32>
    %add3A_978 = arith.addi %add3A_977, %sub3A_974 : vector<16xi32>
    %add3A_979 = arith.addi %gather3A_975, %sub3A_974 : vector<16xi32>
    %add3A_980 = arith.constant 1 : i32
    %add3A_981 = vector.broadcast %add3A_980 : i32 to vector<16xi32>
    %add3A_982 = arith.addi %add3A_979, %add3A_981 : vector<16xi32>
    tpu.vector_store_idx %arg14[%masked_sort3A_937], %add3A_982 masked %or3A_963 : memref<64xi32, #tpu.memory_space<vmem>>[vector<16xi32>], vector<16xi32>, vector<16xi1>
    tpu.vector_store_idx %arg18[%masked_sort3A_936], %add3A_978 : memref<16xi32, #tpu.memory_space<vmem>>[vector<16xi32>], vector<16xi32>,
    %get3A_983 = arith.constant 0 : index
    %get3A_984 = tpu.vector_load %arg18[%get3A_983] {strides = array<i32>} : memref<16xi32, #tpu.memory_space<vmem>>, vector<16xi32>,
    %swap3A_985 = arith.constant 208 : index
    %swap3A_986 = tpu.vector_load %arg15[%swap3A_985] {strides = array<i32>} : memref<256xi32, #tpu.memory_space<vmem>>, vector<16xi32>,
    tpu.vector_store %arg15[%swap3A_985], %get3A_984 {strides = array<i32>} : memref<256xi32, #tpu.memory_space<vmem>>, vector<16xi32>,
    %swap3A_987 = arith.constant 3 : i32
    %swap3A_988 = arith.index_cast %swap3A_987 : i32 to index
    %swap3A_989 = arith.constant 16 : index
    %swap3A_990 = tpu.vector_load %arg16[%swap3A_988, %swap3A_989] {strides = array<i32>} : memref<4x64xi32, #tpu.memory_space<vmem>>, vector<16xi32>,
    tpu.vector_store %arg16[%swap3A_988, %swap3A_989], %get3A_984 {strides = array<i32>} : memref<4x64xi32, #tpu.memory_space<vmem>>, vector<16xi32>,
    %add3A_991 = arith.constant 208 : i32
    %add3A_992 = arith.addi %mul3A_2, %add3A_991 : i32
    %add3A_993 = vector.broadcast %add3A_992 : i32 to vector<16xi32>
    %add3A_994 = arith.addi %add3A_993, %iota3A : vector<16xi32>
    %swap3A_995 = arith.constant 3 : i32
    %swap3A_996 = arith.index_cast %swap3A_995 : i32 to index
    %swap3A_997 = arith.constant 16 : index
    %swap3A_998 = tpu.vector_load %arg17[%swap3A_996, %swap3A_997] {strides = array<i32>} : memref<4x64xi32, #tpu.memory_space<vmem>>, vector<16xi32>,
    tpu.vector_store %arg17[%swap3A_996, %swap3A_997], %add3A_994 {strides = array<i32>} : memref<4x64xi32, #tpu.memory_space<vmem>>, vector<16xi32>,
    %get3A_999 = arith.constant 224 : index
    %get3A_1000 = tpu.vector_load %arg10[%get3A_999] {strides = array<i32>} : memref<256xi32, #tpu.memory_space<vmem>>, vector<16xi32>,
    %masked_sort3A_1001 = arith.constant dense<true> : vector<16xi1>
    %masked_sort3A_1002 = arith.constant -2147483648 : i32
    %masked_sort3A_1003 = vector.broadcast %masked_sort3A_1002 : i32 to vector<16xi32>
    %masked_sort3A_1004 = arith.xori %get3A_1000, %masked_sort3A_1003 : vector<16xi32>
    %masked_sort3A_1005, %masked_sort3A_1006, %masked_sort3A_1007 = tpu.sort %masked_sort3A_1004, %iota3A masked %masked_sort3A_1001 : (vector<16xi32>, vector<16xi32>, vector<16xi1>) -> (vector<16xi1>, vector<16xi32>, vector<16xi32>)
    %masked_sort3A_1008 = arith.xori %masked_sort3A_1006, %masked_sort3A_1003 : vector<16xi32>
    %swap3A_1009 = arith.constant 0 : index
    %swap3A_1010 = tpu.vector_load %arg18[%swap3A_1009] {strides = array<i32>} : memref<16xi32, #tpu.memory_space<vmem>>, vector<16xi32>,
    tpu.vector_store %arg18[%swap3A_1009], %masked_sort3A_1008 {strides = array<i32>} : memref<16xi32, #tpu.memory_space<vmem>>, vector<16xi32>,
    %sub3A_1011 = arith.constant 1 : i32
    %sub3A_1012 = vector.broadcast %sub3A_1011 : i32 to vector<16xi32>
    %sub3A_1013 = arith.subi %iota3A, %sub3A_1012 : vector<16xi32>
    %max3A_1014 = arith.constant 0 : i32
    %max3A_1015 = vector.broadcast %max3A_1014 : i32 to vector<16xi32>
    %max3A_1016 = arith.maxsi %sub3A_1013, %max3A_1015 : vector<16xi32>
    %gather3A_1017 = tpu.vector_load_idx %arg18[%max3A_1016] : memref<16xi32, #tpu.memory_space<vmem>>[vector<16xi32>], vector<16xi32>,
    %add3A_1018 = arith.constant 1 : i32
    %add3A_1019 = vector.broadcast %add3A_1018 : i32 to vector<16xi32>
    %add3A_1020 = arith.addi %iota3A, %add3A_1019 : vector<16xi32>
    %min3A_1021 = arith.constant 15 : i32
    %min3A_1022 = vector.broadcast %min3A_1021 : i32 to vector<16xi32>
    %min3A_1023 = arith.minsi %add3A_1020, %min3A_1022 : vector<16xi32>
    %gather3A_1024 = tpu.vector_load_idx %arg18[%min3A_1023] : memref<16xi32, #tpu.memory_space<vmem>>[vector<16xi32>], vector<16xi32>,
    %eq3A_1025 = arith.constant 0 : i32
    %eq3A_1026 = vector.broadcast %eq3A_1025 : i32 to vector<16xi32>
    %eq3A_1027 = arith.cmpi eq, %iota3A, %eq3A_1026 : vector<16xi32>
    %ne3A_1028 = arith.cmpi ne, %masked_sort3A_1008, %gather3A_1017 : vector<16xi32>
    %or3A_1029 = arith.ori %eq3A_1027, %ne3A_1028 : vector<16xi1>
    %eq3A_1030 = arith.constant 15 : i32
    %eq3A_1031 = vector.broadcast %eq3A_1030 : i32 to vector<16xi32>
    %eq3A_1032 = arith.cmpi eq, %iota3A, %eq3A_1031 : vector<16xi32>
    %ne3A_1033 = arith.cmpi ne, %masked_sort3A_1008, %gather3A_1024 : vector<16xi32>
    %or3A_1034 = arith.ori %eq3A_1032, %ne3A_1033 : vector<16xi1>
    %jit3A_1035 = arith.constant 0 : i32
    %broadcast_in_dim3A_1036 = vector.broadcast %jit3A_1035 : i32 to vector<16xi32>
    %select_n3A_1037 = arith.select %or3A_1029, %iota3A, %broadcast_in_dim3A_1036 : vector<16xi1>, vector<16xi32>
    %broadcast_in_dim3A_1038 = arith.constant true
    %broadcast_in_dim3A_1039 = vector.broadcast %broadcast_in_dim3A_1038 : i1 to vector<16xi1>
    %masked_cummax3A_1040 = arith.constant -2147483648 : i32
    %masked_cummax3A_1041 = vector.broadcast %masked_cummax3A_1040 : i32 to vector<16xi32>
    %masked_cummax3A_1042 = arith.xori %select_n3A_1037, %masked_cummax3A_1041 : vector<16xi32>
    %masked_cummax3A_1043 = tpu.scan <max>, %masked_cummax3A_1042 masked %broadcast_in_dim3A_1039 : vector<16xi32>, vector<16xi1> -> vector<16xi32>
    %masked_cummax3A_1044 = arith.xori %masked_cummax3A_1043, %masked_cummax3A_1041 : vector<16xi32>
    %sub3A_1045 = arith.subi %iota3A, %masked_cummax3A_1044 : vector<16xi32>
    %gather3A_1046 = tpu.vector_load_idx %arg14[%masked_sort3A_1008] : memref<64xi32, #tpu.memory_space<vmem>>[vector<16xi32>], vector<16xi32>,
    %gather3A_1047 = tpu.vector_load_idx %arg13[%masked_sort3A_1008] : memref<64xi32, #tpu.memory_space<vmem>>[vector<16xi32>], vector<16xi32>,
    %add3A_1048 = arith.addi %gather3A_1047, %gather3A_1046 : vector<16xi32>
    %add3A_1049 = arith.addi %add3A_1048, %sub3A_1045 : vector<16xi32>
    %add3A_1050 = arith.addi %gather3A_1046, %sub3A_1045 : vector<16xi32>
    %add3A_1051 = arith.constant 1 : i32
    %add3A_1052 = vector.broadcast %add3A_1051 : i32 to vector<16xi32>
    %add3A_1053 = arith.addi %add3A_1050, %add3A_1052 : vector<16xi32>
    tpu.vector_store_idx %arg14[%masked_sort3A_1008], %add3A_1053 masked %or3A_1034 : memref<64xi32, #tpu.memory_space<vmem>>[vector<16xi32>], vector<16xi32>, vector<16xi1>
    tpu.vector_store_idx %arg18[%masked_sort3A_1007], %add3A_1049 : memref<16xi32, #tpu.memory_space<vmem>>[vector<16xi32>], vector<16xi32>,
    %get3A_1054 = arith.constant 0 : index
    %get3A_1055 = tpu.vector_load %arg18[%get3A_1054] {strides = array<i32>} : memref<16xi32, #tpu.memory_space<vmem>>, vector<16xi32>,
    %swap3A_1056 = arith.constant 224 : index
    %swap3A_1057 = tpu.vector_load %arg15[%swap3A_1056] {strides = array<i32>} : memref<256xi32, #tpu.memory_space<vmem>>, vector<16xi32>,
    tpu.vector_store %arg15[%swap3A_1056], %get3A_1055 {strides = array<i32>} : memref<256xi32, #tpu.memory_space<vmem>>, vector<16xi32>,
    %swap3A_1058 = arith.constant 3 : i32
    %swap3A_1059 = arith.index_cast %swap3A_1058 : i32 to index
    %swap3A_1060 = arith.constant 32 : index
    %swap3A_1061 = tpu.vector_load %arg16[%swap3A_1059, %swap3A_1060] {strides = array<i32>} : memref<4x64xi32, #tpu.memory_space<vmem>>, vector<16xi32>,
    tpu.vector_store %arg16[%swap3A_1059, %swap3A_1060], %get3A_1055 {strides = array<i32>} : memref<4x64xi32, #tpu.memory_space<vmem>>, vector<16xi32>,
    %add3A_1062 = arith.constant 224 : i32
    %add3A_1063 = arith.addi %mul3A_2, %add3A_1062 : i32
    %add3A_1064 = vector.broadcast %add3A_1063 : i32 to vector<16xi32>
    %add3A_1065 = arith.addi %add3A_1064, %iota3A : vector<16xi32>
    %swap3A_1066 = arith.constant 3 : i32
    %swap3A_1067 = arith.index_cast %swap3A_1066 : i32 to index
    %swap3A_1068 = arith.constant 32 : index
    %swap3A_1069 = tpu.vector_load %arg17[%swap3A_1067, %swap3A_1068] {strides = array<i32>} : memref<4x64xi32, #tpu.memory_space<vmem>>, vector<16xi32>,
    tpu.vector_store %arg17[%swap3A_1067, %swap3A_1068], %add3A_1065 {strides = array<i32>} : memref<4x64xi32, #tpu.memory_space<vmem>>, vector<16xi32>,
    %get3A_1070 = arith.constant 240 : index
    %get3A_1071 = tpu.vector_load %arg10[%get3A_1070] {strides = array<i32>} : memref<256xi32, #tpu.memory_space<vmem>>, vector<16xi32>,
    %masked_sort3A_1072 = arith.constant dense<true> : vector<16xi1>
    %masked_sort3A_1073 = arith.constant -2147483648 : i32
    %masked_sort3A_1074 = vector.broadcast %masked_sort3A_1073 : i32 to vector<16xi32>
    %masked_sort3A_1075 = arith.xori %get3A_1071, %masked_sort3A_1074 : vector<16xi32>
    %masked_sort3A_1076, %masked_sort3A_1077, %masked_sort3A_1078 = tpu.sort %masked_sort3A_1075, %iota3A masked %masked_sort3A_1072 : (vector<16xi32>, vector<16xi32>, vector<16xi1>) -> (vector<16xi1>, vector<16xi32>, vector<16xi32>)
    %masked_sort3A_1079 = arith.xori %masked_sort3A_1077, %masked_sort3A_1074 : vector<16xi32>
    %swap3A_1080 = arith.constant 0 : index
    %swap3A_1081 = tpu.vector_load %arg18[%swap3A_1080] {strides = array<i32>} : memref<16xi32, #tpu.memory_space<vmem>>, vector<16xi32>,
    tpu.vector_store %arg18[%swap3A_1080], %masked_sort3A_1079 {strides = array<i32>} : memref<16xi32, #tpu.memory_space<vmem>>, vector<16xi32>,
    %sub3A_1082 = arith.constant 1 : i32
    %sub3A_1083 = vector.broadcast %sub3A_1082 : i32 to vector<16xi32>
    %sub3A_1084 = arith.subi %iota3A, %sub3A_1083 : vector<16xi32>
    %max3A_1085 = arith.constant 0 : i32
    %max3A_1086 = vector.broadcast %max3A_1085 : i32 to vector<16xi32>
    %max3A_1087 = arith.maxsi %sub3A_1084, %max3A_1086 : vector<16xi32>
    %gather3A_1088 = tpu.vector_load_idx %arg18[%max3A_1087] : memref<16xi32, #tpu.memory_space<vmem>>[vector<16xi32>], vector<16xi32>,
    %add3A_1089 = arith.constant 1 : i32
    %add3A_1090 = vector.broadcast %add3A_1089 : i32 to vector<16xi32>
    %add3A_1091 = arith.addi %iota3A, %add3A_1090 : vector<16xi32>
    %min3A_1092 = arith.constant 15 : i32
    %min3A_1093 = vector.broadcast %min3A_1092 : i32 to vector<16xi32>
    %min3A_1094 = arith.minsi %add3A_1091, %min3A_1093 : vector<16xi32>
    %gather3A_1095 = tpu.vector_load_idx %arg18[%min3A_1094] : memref<16xi32, #tpu.memory_space<vmem>>[vector<16xi32>], vector<16xi32>,
    %eq3A_1096 = arith.constant 0 : i32
    %eq3A_1097 = vector.broadcast %eq3A_1096 : i32 to vector<16xi32>
    %eq3A_1098 = arith.cmpi eq, %iota3A, %eq3A_1097 : vector<16xi32>
    %ne3A_1099 = arith.cmpi ne, %masked_sort3A_1079, %gather3A_1088 : vector<16xi32>
    %or3A_1100 = arith.ori %eq3A_1098, %ne3A_1099 : vector<16xi1>
    %eq3A_1101 = arith.constant 15 : i32
    %eq3A_1102 = vector.broadcast %eq3A_1101 : i32 to vector<16xi32>
    %eq3A_1103 = arith.cmpi eq, %iota3A, %eq3A_1102 : vector<16xi32>
    %ne3A_1104 = arith.cmpi ne, %masked_sort3A_1079, %gather3A_1095 : vector<16xi32>
    %or3A_1105 = arith.ori %eq3A_1103, %ne3A_1104 : vector<16xi1>
    %jit3A_1106 = arith.constant 0 : i32
    %broadcast_in_dim3A_1107 = vector.broadcast %jit3A_1106 : i32 to vector<16xi32>
    %select_n3A_1108 = arith.select %or3A_1100, %iota3A, %broadcast_in_dim3A_1107 : vector<16xi1>, vector<16xi32>
    %broadcast_in_dim3A_1109 = arith.constant true
    %broadcast_in_dim3A_1110 = vector.broadcast %broadcast_in_dim3A_1109 : i1 to vector<16xi1>
    %masked_cummax3A_1111 = arith.constant -2147483648 : i32
    %masked_cummax3A_1112 = vector.broadcast %masked_cummax3A_1111 : i32 to vector<16xi32>
    %masked_cummax3A_1113 = arith.xori %select_n3A_1108, %masked_cummax3A_1112 : vector<16xi32>
    %masked_cummax3A_1114 = tpu.scan <max>, %masked_cummax3A_1113 masked %broadcast_in_dim3A_1110 : vector<16xi32>, vector<16xi1> -> vector<16xi32>
    %masked_cummax3A_1115 = arith.xori %masked_cummax3A_1114, %masked_cummax3A_1112 : vector<16xi32>
    %sub3A_1116 = arith.subi %iota3A, %masked_cummax3A_1115 : vector<16xi32>
    %gather3A_1117 = tpu.vector_load_idx %arg14[%masked_sort3A_1079] : memref<64xi32, #tpu.memory_space<vmem>>[vector<16xi32>], vector<16xi32>,
    %gather3A_1118 = tpu.vector_load_idx %arg13[%masked_sort3A_1079] : memref<64xi32, #tpu.memory_space<vmem>>[vector<16xi32>], vector<16xi32>,
    %add3A_1119 = arith.addi %gather3A_1118, %gather3A_1117 : vector<16xi32>
    %add3A_1120 = arith.addi %add3A_1119, %sub3A_1116 : vector<16xi32>
    %add3A_1121 = arith.addi %gather3A_1117, %sub3A_1116 : vector<16xi32>
    %add3A_1122 = arith.constant 1 : i32
    %add3A_1123 = vector.broadcast %add3A_1122 : i32 to vector<16xi32>
    %add3A_1124 = arith.addi %add3A_1121, %add3A_1123 : vector<16xi32>
    tpu.vector_store_idx %arg14[%masked_sort3A_1079], %add3A_1124 masked %or3A_1105 : memref<64xi32, #tpu.memory_space<vmem>>[vector<16xi32>], vector<16xi32>, vector<16xi1>
    tpu.vector_store_idx %arg18[%masked_sort3A_1078], %add3A_1120 : memref<16xi32, #tpu.memory_space<vmem>>[vector<16xi32>], vector<16xi32>,
    %get3A_1125 = arith.constant 0 : index
    %get3A_1126 = tpu.vector_load %arg18[%get3A_1125] {strides = array<i32>} : memref<16xi32, #tpu.memory_space<vmem>>, vector<16xi32>,
    %swap3A_1127 = arith.constant 240 : index
    %swap3A_1128 = tpu.vector_load %arg15[%swap3A_1127] {strides = array<i32>} : memref<256xi32, #tpu.memory_space<vmem>>, vector<16xi32>,
    tpu.vector_store %arg15[%swap3A_1127], %get3A_1126 {strides = array<i32>} : memref<256xi32, #tpu.memory_space<vmem>>, vector<16xi32>,
    %swap3A_1129 = arith.constant 3 : i32
    %swap3A_1130 = arith.index_cast %swap3A_1129 : i32 to index
    %swap3A_1131 = arith.constant 48 : index
    %swap3A_1132 = tpu.vector_load %arg16[%swap3A_1130, %swap3A_1131] {strides = array<i32>} : memref<4x64xi32, #tpu.memory_space<vmem>>, vector<16xi32>,
    tpu.vector_store %arg16[%swap3A_1130, %swap3A_1131], %get3A_1126 {strides = array<i32>} : memref<4x64xi32, #tpu.memory_space<vmem>>, vector<16xi32>,
    %add3A_1133 = arith.constant 240 : i32
    %add3A_1134 = arith.addi %mul3A_2, %add3A_1133 : i32
    %add3A_1135 = vector.broadcast %add3A_1134 : i32 to vector<16xi32>
    %add3A_1136 = arith.addi %add3A_1135, %iota3A : vector<16xi32>
    %swap3A_1137 = arith.constant 3 : i32
    %swap3A_1138 = arith.index_cast %swap3A_1137 : i32 to index
    %swap3A_1139 = arith.constant 48 : index
    %swap3A_1140 = tpu.vector_load %arg17[%swap3A_1138, %swap3A_1139] {strides = array<i32>} : memref<4x64xi32, #tpu.memory_space<vmem>>, vector<16xi32>,
    tpu.vector_store %arg17[%swap3A_1138, %swap3A_1139], %add3A_1136 {strides = array<i32>} : memref<4x64xi32, #tpu.memory_space<vmem>>, vector<16xi32>,
    %dma_start3A = arith.constant 0 : i32
    %dma_start3A_1141 = arith.constant 0 : i32
    %dma_start3A_1142 = arith.constant 0 : i32
    %dma_start3A_1143 = tpu.memref_slice %arg17[%dma_start3A, %dma_start3A_1142] : memref<4x64xi32, #tpu.memory_space<vmem>> -> memref<1x64xi32, #tpu.memory_space<vmem>>
    %dma_start3A_1144 = tpu.memref_squeeze %dma_start3A_1143 : memref<1x64xi32, #tpu.memory_space<vmem>> -> memref<64xi32, #tpu.memory_space<vmem>>
    %dma_start3A_1145 = arith.constant 0 : i32
    %dma_start3A_1146 = tpu.memref_slice %arg16[%dma_start3A_1141, %dma_start3A_1145] : memref<4x64xi32, #tpu.memory_space<vmem>> -> memref<1x64xi32, #tpu.memory_space<vmem>>
    %dma_start3A_1147 = tpu.memref_squeeze %dma_start3A_1146 : memref<1x64xi32, #tpu.memory_space<vmem>> -> memref<64xi32, #tpu.memory_space<vmem>>
    %dma_start3A_1148 = arith.constant 0 : i32
    %dma_start3A_1149 = tpu.memref_slice %arg6[%dma_start3A_1148] : memref<12288xi32, #tpu.memory_space<hbm>> -> memref<12288xi32, #tpu.memory_space<hbm>>
    tpu.enqueue_indirect_dma source(%dma_start3A_1144 : memref<64xi32, #tpu.memory_space<vmem>>) target(%dma_start3A_1149 : memref<12288xi32, #tpu.memory_space<hbm>>) offsets(%dma_start3A_1147 : memref<64xi32, #tpu.memory_space<vmem>>) semaphore(%arg19 : memref<!tpu.dma_semaphore, #tpu.memory_space<semaphore_mem>>)
    %dma_start3A_1150 = arith.constant 0 : i32
    %dma_start3A_1151 = arith.constant 0 : i32
    %dma_start3A_1152 = tpu.memref_slice %arg11[%dma_start3A_1151] : memref<256xf32, #tpu.memory_space<vmem>> -> memref<64xf32, #tpu.memory_space<vmem>>
    %dma_start3A_1153 = arith.constant 0 : i32
    %dma_start3A_1154 = tpu.memref_slice %arg16[%dma_start3A_1150, %dma_start3A_1153] : memref<4x64xi32, #tpu.memory_space<vmem>> -> memref<1x64xi32, #tpu.memory_space<vmem>>
    %dma_start3A_1155 = tpu.memref_squeeze %dma_start3A_1154 : memref<1x64xi32, #tpu.memory_space<vmem>> -> memref<64xi32, #tpu.memory_space<vmem>>
    %dma_start3A_1156 = arith.constant 0 : i32
    %dma_start3A_1157 = tpu.memref_slice %arg7[%dma_start3A_1156] : memref<12288xf32, #tpu.memory_space<hbm>> -> memref<12288xf32, #tpu.memory_space<hbm>>
    tpu.enqueue_indirect_dma source(%dma_start3A_1152 : memref<64xf32, #tpu.memory_space<vmem>>) target(%dma_start3A_1157 : memref<12288xf32, #tpu.memory_space<hbm>>) offsets(%dma_start3A_1155 : memref<64xi32, #tpu.memory_space<vmem>>) semaphore(%arg19 : memref<!tpu.dma_semaphore, #tpu.memory_space<semaphore_mem>>)
    %dma_start3A_1158 = arith.constant 0 : i32
    %dma_start3A_1159 = arith.constant 0 : i32
    %dma_start3A_1160 = tpu.memref_slice %arg12[%dma_start3A_1159] : memref<256xf32, #tpu.memory_space<vmem>> -> memref<64xf32, #tpu.memory_space<vmem>>
    %dma_start3A_1161 = arith.constant 0 : i32
    %dma_start3A_1162 = tpu.memref_slice %arg16[%dma_start3A_1158, %dma_start3A_1161] : memref<4x64xi32, #tpu.memory_space<vmem>> -> memref<1x64xi32, #tpu.memory_space<vmem>>
    %dma_start3A_1163 = tpu.memref_squeeze %dma_start3A_1162 : memref<1x64xi32, #tpu.memory_space<vmem>> -> memref<64xi32, #tpu.memory_space<vmem>>
    %dma_start3A_1164 = arith.constant 0 : i32
    %dma_start3A_1165 = tpu.memref_slice %arg8[%dma_start3A_1164] : memref<12288xf32, #tpu.memory_space<hbm>> -> memref<12288xf32, #tpu.memory_space<hbm>>
    tpu.enqueue_indirect_dma source(%dma_start3A_1160 : memref<64xf32, #tpu.memory_space<vmem>>) target(%dma_start3A_1165 : memref<12288xf32, #tpu.memory_space<hbm>>) offsets(%dma_start3A_1163 : memref<64xi32, #tpu.memory_space<vmem>>) semaphore(%arg19 : memref<!tpu.dma_semaphore, #tpu.memory_space<semaphore_mem>>)
    %dma_start3A_1166 = arith.constant 1 : i32
    %dma_start3A_1167 = arith.constant 1 : i32
    %dma_start3A_1168 = arith.constant 0 : i32
    %dma_start3A_1169 = tpu.memref_slice %arg17[%dma_start3A_1166, %dma_start3A_1168] : memref<4x64xi32, #tpu.memory_space<vmem>> -> memref<1x64xi32, #tpu.memory_space<vmem>>
    %dma_start3A_1170 = tpu.memref_squeeze %dma_start3A_1169 : memref<1x64xi32, #tpu.memory_space<vmem>> -> memref<64xi32, #tpu.memory_space<vmem>>
    %dma_start3A_1171 = arith.constant 0 : i32
    %dma_start3A_1172 = tpu.memref_slice %arg16[%dma_start3A_1167, %dma_start3A_1171] : memref<4x64xi32, #tpu.memory_space<vmem>> -> memref<1x64xi32, #tpu.memory_space<vmem>>
    %dma_start3A_1173 = tpu.memref_squeeze %dma_start3A_1172 : memref<1x64xi32, #tpu.memory_space<vmem>> -> memref<64xi32, #tpu.memory_space<vmem>>
    %dma_start3A_1174 = arith.constant 0 : i32
    %dma_start3A_1175 = tpu.memref_slice %arg6[%dma_start3A_1174] : memref<12288xi32, #tpu.memory_space<hbm>> -> memref<12288xi32, #tpu.memory_space<hbm>>
    tpu.enqueue_indirect_dma source(%dma_start3A_1170 : memref<64xi32, #tpu.memory_space<vmem>>) target(%dma_start3A_1175 : memref<12288xi32, #tpu.memory_space<hbm>>) offsets(%dma_start3A_1173 : memref<64xi32, #tpu.memory_space<vmem>>) semaphore(%arg19 : memref<!tpu.dma_semaphore, #tpu.memory_space<semaphore_mem>>)
    %dma_start3A_1176 = arith.constant 1 : i32
    %dma_start3A_1177 = arith.constant 64 : i32
    %dma_start3A_1178 = tpu.memref_slice %arg11[%dma_start3A_1177] : memref<256xf32, #tpu.memory_space<vmem>> -> memref<64xf32, #tpu.memory_space<vmem>>
    %dma_start3A_1179 = arith.constant 0 : i32
    %dma_start3A_1180 = tpu.memref_slice %arg16[%dma_start3A_1176, %dma_start3A_1179] : memref<4x64xi32, #tpu.memory_space<vmem>> -> memref<1x64xi32, #tpu.memory_space<vmem>>
    %dma_start3A_1181 = tpu.memref_squeeze %dma_start3A_1180 : memref<1x64xi32, #tpu.memory_space<vmem>> -> memref<64xi32, #tpu.memory_space<vmem>>
    %dma_start3A_1182 = arith.constant 0 : i32
    %dma_start3A_1183 = tpu.memref_slice %arg7[%dma_start3A_1182] : memref<12288xf32, #tpu.memory_space<hbm>> -> memref<12288xf32, #tpu.memory_space<hbm>>
    tpu.enqueue_indirect_dma source(%dma_start3A_1178 : memref<64xf32, #tpu.memory_space<vmem>>) target(%dma_start3A_1183 : memref<12288xf32, #tpu.memory_space<hbm>>) offsets(%dma_start3A_1181 : memref<64xi32, #tpu.memory_space<vmem>>) semaphore(%arg19 : memref<!tpu.dma_semaphore, #tpu.memory_space<semaphore_mem>>)
    %dma_start3A_1184 = arith.constant 1 : i32
    %dma_start3A_1185 = arith.constant 64 : i32
    %dma_start3A_1186 = tpu.memref_slice %arg12[%dma_start3A_1185] : memref<256xf32, #tpu.memory_space<vmem>> -> memref<64xf32, #tpu.memory_space<vmem>>
    %dma_start3A_1187 = arith.constant 0 : i32
    %dma_start3A_1188 = tpu.memref_slice %arg16[%dma_start3A_1184, %dma_start3A_1187] : memref<4x64xi32, #tpu.memory_space<vmem>> -> memref<1x64xi32, #tpu.memory_space<vmem>>
    %dma_start3A_1189 = tpu.memref_squeeze %dma_start3A_1188 : memref<1x64xi32, #tpu.memory_space<vmem>> -> memref<64xi32, #tpu.memory_space<vmem>>
    %dma_start3A_1190 = arith.constant 0 : i32
    %dma_start3A_1191 = tpu.memref_slice %arg8[%dma_start3A_1190] : memref<12288xf32, #tpu.memory_space<hbm>> -> memref<12288xf32, #tpu.memory_space<hbm>>
    tpu.enqueue_indirect_dma source(%dma_start3A_1186 : memref<64xf32, #tpu.memory_space<vmem>>) target(%dma_start3A_1191 : memref<12288xf32, #tpu.memory_space<hbm>>) offsets(%dma_start3A_1189 : memref<64xi32, #tpu.memory_space<vmem>>) semaphore(%arg19 : memref<!tpu.dma_semaphore, #tpu.memory_space<semaphore_mem>>)
    %dma_start3A_1192 = arith.constant 2 : i32
    %dma_start3A_1193 = arith.constant 2 : i32
    %dma_start3A_1194 = arith.constant 0 : i32
    %dma_start3A_1195 = tpu.memref_slice %arg17[%dma_start3A_1192, %dma_start3A_1194] : memref<4x64xi32, #tpu.memory_space<vmem>> -> memref<1x64xi32, #tpu.memory_space<vmem>>
    %dma_start3A_1196 = tpu.memref_squeeze %dma_start3A_1195 : memref<1x64xi32, #tpu.memory_space<vmem>> -> memref<64xi32, #tpu.memory_space<vmem>>
    %dma_start3A_1197 = arith.constant 0 : i32
    %dma_start3A_1198 = tpu.memref_slice %arg16[%dma_start3A_1193, %dma_start3A_1197] : memref<4x64xi32, #tpu.memory_space<vmem>> -> memref<1x64xi32, #tpu.memory_space<vmem>>
    %dma_start3A_1199 = tpu.memref_squeeze %dma_start3A_1198 : memref<1x64xi32, #tpu.memory_space<vmem>> -> memref<64xi32, #tpu.memory_space<vmem>>
    %dma_start3A_1200 = arith.constant 0 : i32
    %dma_start3A_1201 = tpu.memref_slice %arg6[%dma_start3A_1200] : memref<12288xi32, #tpu.memory_space<hbm>> -> memref<12288xi32, #tpu.memory_space<hbm>>
    tpu.enqueue_indirect_dma source(%dma_start3A_1196 : memref<64xi32, #tpu.memory_space<vmem>>) target(%dma_start3A_1201 : memref<12288xi32, #tpu.memory_space<hbm>>) offsets(%dma_start3A_1199 : memref<64xi32, #tpu.memory_space<vmem>>) semaphore(%arg19 : memref<!tpu.dma_semaphore, #tpu.memory_space<semaphore_mem>>)
    %dma_start3A_1202 = arith.constant 2 : i32
    %dma_start3A_1203 = arith.constant 128 : i32
    %dma_start3A_1204 = tpu.memref_slice %arg11[%dma_start3A_1203] : memref<256xf32, #tpu.memory_space<vmem>> -> memref<64xf32, #tpu.memory_space<vmem>>
    %dma_start3A_1205 = arith.constant 0 : i32
    %dma_start3A_1206 = tpu.memref_slice %arg16[%dma_start3A_1202, %dma_start3A_1205] : memref<4x64xi32, #tpu.memory_space<vmem>> -> memref<1x64xi32, #tpu.memory_space<vmem>>
    %dma_start3A_1207 = tpu.memref_squeeze %dma_start3A_1206 : memref<1x64xi32, #tpu.memory_space<vmem>> -> memref<64xi32, #tpu.memory_space<vmem>>
    %dma_start3A_1208 = arith.constant 0 : i32
    %dma_start3A_1209 = tpu.memref_slice %arg7[%dma_start3A_1208] : memref<12288xf32, #tpu.memory_space<hbm>> -> memref<12288xf32, #tpu.memory_space<hbm>>
    tpu.enqueue_indirect_dma source(%dma_start3A_1204 : memref<64xf32, #tpu.memory_space<vmem>>) target(%dma_start3A_1209 : memref<12288xf32, #tpu.memory_space<hbm>>) offsets(%dma_start3A_1207 : memref<64xi32, #tpu.memory_space<vmem>>) semaphore(%arg19 : memref<!tpu.dma_semaphore, #tpu.memory_space<semaphore_mem>>)
    %dma_start3A_1210 = arith.constant 2 : i32
    %dma_start3A_1211 = arith.constant 128 : i32
    %dma_start3A_1212 = tpu.memref_slice %arg12[%dma_start3A_1211] : memref<256xf32, #tpu.memory_space<vmem>> -> memref<64xf32, #tpu.memory_space<vmem>>
    %dma_start3A_1213 = arith.constant 0 : i32
    %dma_start3A_1214 = tpu.memref_slice %arg16[%dma_start3A_1210, %dma_start3A_1213] : memref<4x64xi32, #tpu.memory_space<vmem>> -> memref<1x64xi32, #tpu.memory_space<vmem>>
    %dma_start3A_1215 = tpu.memref_squeeze %dma_start3A_1214 : memref<1x64xi32, #tpu.memory_space<vmem>> -> memref<64xi32, #tpu.memory_space<vmem>>
    %dma_start3A_1216 = arith.constant 0 : i32
    %dma_start3A_1217 = tpu.memref_slice %arg8[%dma_start3A_1216] : memref<12288xf32, #tpu.memory_space<hbm>> -> memref<12288xf32, #tpu.memory_space<hbm>>
    tpu.enqueue_indirect_dma source(%dma_start3A_1212 : memref<64xf32, #tpu.memory_space<vmem>>) target(%dma_start3A_1217 : memref<12288xf32, #tpu.memory_space<hbm>>) offsets(%dma_start3A_1215 : memref<64xi32, #tpu.memory_space<vmem>>) semaphore(%arg19 : memref<!tpu.dma_semaphore, #tpu.memory_space<semaphore_mem>>)
    %dma_start3A_1218 = arith.constant 3 : i32
    %dma_start3A_1219 = arith.constant 3 : i32
    %dma_start3A_1220 = arith.constant 0 : i32
    %dma_start3A_1221 = tpu.memref_slice %arg17[%dma_start3A_1218, %dma_start3A_1220] : memref<4x64xi32, #tpu.memory_space<vmem>> -> memref<1x64xi32, #tpu.memory_space<vmem>>
    %dma_start3A_1222 = tpu.memref_squeeze %dma_start3A_1221 : memref<1x64xi32, #tpu.memory_space<vmem>> -> memref<64xi32, #tpu.memory_space<vmem>>
    %dma_start3A_1223 = arith.constant 0 : i32
    %dma_start3A_1224 = tpu.memref_slice %arg16[%dma_start3A_1219, %dma_start3A_1223] : memref<4x64xi32, #tpu.memory_space<vmem>> -> memref<1x64xi32, #tpu.memory_space<vmem>>
    %dma_start3A_1225 = tpu.memref_squeeze %dma_start3A_1224 : memref<1x64xi32, #tpu.memory_space<vmem>> -> memref<64xi32, #tpu.memory_space<vmem>>
    %dma_start3A_1226 = arith.constant 0 : i32
    %dma_start3A_1227 = tpu.memref_slice %arg6[%dma_start3A_1226] : memref<12288xi32, #tpu.memory_space<hbm>> -> memref<12288xi32, #tpu.memory_space<hbm>>
    tpu.enqueue_indirect_dma source(%dma_start3A_1222 : memref<64xi32, #tpu.memory_space<vmem>>) target(%dma_start3A_1227 : memref<12288xi32, #tpu.memory_space<hbm>>) offsets(%dma_start3A_1225 : memref<64xi32, #tpu.memory_space<vmem>>) semaphore(%arg19 : memref<!tpu.dma_semaphore, #tpu.memory_space<semaphore_mem>>)
    %dma_start3A_1228 = arith.constant 3 : i32
    %dma_start3A_1229 = arith.constant 192 : i32
    %dma_start3A_1230 = tpu.memref_slice %arg11[%dma_start3A_1229] : memref<256xf32, #tpu.memory_space<vmem>> -> memref<64xf32, #tpu.memory_space<vmem>>
    %dma_start3A_1231 = arith.constant 0 : i32
    %dma_start3A_1232 = tpu.memref_slice %arg16[%dma_start3A_1228, %dma_start3A_1231] : memref<4x64xi32, #tpu.memory_space<vmem>> -> memref<1x64xi32, #tpu.memory_space<vmem>>
    %dma_start3A_1233 = tpu.memref_squeeze %dma_start3A_1232 : memref<1x64xi32, #tpu.memory_space<vmem>> -> memref<64xi32, #tpu.memory_space<vmem>>
    %dma_start3A_1234 = arith.constant 0 : i32
    %dma_start3A_1235 = tpu.memref_slice %arg7[%dma_start3A_1234] : memref<12288xf32, #tpu.memory_space<hbm>> -> memref<12288xf32, #tpu.memory_space<hbm>>
    tpu.enqueue_indirect_dma source(%dma_start3A_1230 : memref<64xf32, #tpu.memory_space<vmem>>) target(%dma_start3A_1235 : memref<12288xf32, #tpu.memory_space<hbm>>) offsets(%dma_start3A_1233 : memref<64xi32, #tpu.memory_space<vmem>>) semaphore(%arg19 : memref<!tpu.dma_semaphore, #tpu.memory_space<semaphore_mem>>)
    %dma_start3A_1236 = arith.constant 3 : i32
    %dma_start3A_1237 = arith.constant 192 : i32
    %dma_start3A_1238 = tpu.memref_slice %arg12[%dma_start3A_1237] : memref<256xf32, #tpu.memory_space<vmem>> -> memref<64xf32, #tpu.memory_space<vmem>>
    %dma_start3A_1239 = arith.constant 0 : i32
    %dma_start3A_1240 = tpu.memref_slice %arg16[%dma_start3A_1236, %dma_start3A_1239] : memref<4x64xi32, #tpu.memory_space<vmem>> -> memref<1x64xi32, #tpu.memory_space<vmem>>
    %dma_start3A_1241 = tpu.memref_squeeze %dma_start3A_1240 : memref<1x64xi32, #tpu.memory_space<vmem>> -> memref<64xi32, #tpu.memory_space<vmem>>
    %dma_start3A_1242 = arith.constant 0 : i32
    %dma_start3A_1243 = tpu.memref_slice %arg8[%dma_start3A_1242] : memref<12288xf32, #tpu.memory_space<hbm>> -> memref<12288xf32, #tpu.memory_space<hbm>>
    tpu.enqueue_indirect_dma source(%dma_start3A_1238 : memref<64xf32, #tpu.memory_space<vmem>>) target(%dma_start3A_1243 : memref<12288xf32, #tpu.memory_space<hbm>>) offsets(%dma_start3A_1241 : memref<64xi32, #tpu.memory_space<vmem>>) semaphore(%arg19 : memref<!tpu.dma_semaphore, #tpu.memory_space<semaphore_mem>>)
    "tpu.region"() ({
      %run_scoped3A = tpu.sem_alloc : memref<!tpu.dma_semaphore, #tpu.memory_space<semaphore_mem>>
      %dma_start3A_1347 = tpu.memref_slice %arg9[%mul3A_2] : memref<8192xi32, #tpu.memory_space<hbm>> -> memref<256xi32, #tpu.memory_space<hbm>>
      %dma_start3A_1348 = tpu.memref_slice %arg9[%mul3A_2] : memref<8192xi32, #tpu.memory_space<hbm>> -> memref<256xi32, #tpu.memory_space<hbm>>
      tpu.enqueue_dma source(%arg15 : memref<256xi32, #tpu.memory_space<vmem>>) target(%dma_start3A_1348 : memref<256xi32, #tpu.memory_space<hbm>>) target_semaphore(%run_scoped3A : memref<!tpu.dma_semaphore, #tpu.memory_space<semaphore_mem>>)
      %dma_wait3A_1349 = tpu.memref_slice %arg9[%mul3A_2] : memref<8192xi32, #tpu.memory_space<hbm>> -> memref<256xi32, #tpu.memory_space<hbm>>
      %dma_wait3A_1350 = tpu.memref_slice %arg9[%mul3A_2] : memref<8192xi32, #tpu.memory_space<hbm>> -> memref<256xi32, #tpu.memory_space<hbm>>
      tpu.wait_dma2 semaphore(%run_scoped3A : memref<!tpu.dma_semaphore, #tpu.memory_space<semaphore_mem>>) src(%arg15 : memref<256xi32, #tpu.memory_space<vmem>>) dst(%dma_wait3A_1350 : memref<256xi32, #tpu.memory_space<hbm>>)
      tpu.yield
    }) : () -> ()
    %dma_wait3A = arith.constant 0 : i32
    %dma_wait3A_1244 = arith.constant 0 : i32
    %dma_wait3A_1245 = arith.constant 0 : i32
    %dma_wait3A_1246 = tpu.memref_slice %arg17[%dma_wait3A, %dma_wait3A_1245] : memref<4x64xi32, #tpu.memory_space<vmem>> -> memref<1x64xi32, #tpu.memory_space<vmem>>
    %dma_wait3A_1247 = tpu.memref_squeeze %dma_wait3A_1246 : memref<1x64xi32, #tpu.memory_space<vmem>> -> memref<64xi32, #tpu.memory_space<vmem>>
    %dma_wait3A_1248 = arith.constant 0 : i32
    %dma_wait3A_1249 = tpu.memref_slice %arg16[%dma_wait3A_1244, %dma_wait3A_1248] : memref<4x64xi32, #tpu.memory_space<vmem>> -> memref<1x64xi32, #tpu.memory_space<vmem>>
    %dma_wait3A_1250 = tpu.memref_squeeze %dma_wait3A_1249 : memref<1x64xi32, #tpu.memory_space<vmem>> -> memref<64xi32, #tpu.memory_space<vmem>>
    %dma_wait3A_1251 = arith.constant 0 : i32
    %dma_wait3A_1252 = tpu.memref_slice %arg6[%dma_wait3A_1251] : memref<12288xi32, #tpu.memory_space<hbm>> -> memref<12288xi32, #tpu.memory_space<hbm>>
    tpu.wait_indirect_dma semaphore(%arg19 : memref<!tpu.dma_semaphore, #tpu.memory_space<semaphore_mem>>) src(%dma_wait3A_1247 : memref<64xi32, #tpu.memory_space<vmem>>) dst(%dma_wait3A_1252 : memref<12288xi32, #tpu.memory_space<hbm>>)
    %dma_wait3A_1253 = arith.constant 0 : i32
    %dma_wait3A_1254 = arith.constant 0 : i32
    %dma_wait3A_1255 = tpu.memref_slice %arg11[%dma_wait3A_1254] : memref<256xf32, #tpu.memory_space<vmem>> -> memref<64xf32, #tpu.memory_space<vmem>>
    %dma_wait3A_1256 = arith.constant 0 : i32
    %dma_wait3A_1257 = tpu.memref_slice %arg16[%dma_wait3A_1253, %dma_wait3A_1256] : memref<4x64xi32, #tpu.memory_space<vmem>> -> memref<1x64xi32, #tpu.memory_space<vmem>>
    %dma_wait3A_1258 = tpu.memref_squeeze %dma_wait3A_1257 : memref<1x64xi32, #tpu.memory_space<vmem>> -> memref<64xi32, #tpu.memory_space<vmem>>
    %dma_wait3A_1259 = arith.constant 0 : i32
    %dma_wait3A_1260 = tpu.memref_slice %arg7[%dma_wait3A_1259] : memref<12288xf32, #tpu.memory_space<hbm>> -> memref<12288xf32, #tpu.memory_space<hbm>>
    tpu.wait_indirect_dma semaphore(%arg19 : memref<!tpu.dma_semaphore, #tpu.memory_space<semaphore_mem>>) src(%dma_wait3A_1255 : memref<64xf32, #tpu.memory_space<vmem>>) dst(%dma_wait3A_1260 : memref<12288xf32, #tpu.memory_space<hbm>>)
    %dma_wait3A_1261 = arith.constant 0 : i32
    %dma_wait3A_1262 = arith.constant 0 : i32
    %dma_wait3A_1263 = tpu.memref_slice %arg12[%dma_wait3A_1262] : memref<256xf32, #tpu.memory_space<vmem>> -> memref<64xf32, #tpu.memory_space<vmem>>
    %dma_wait3A_1264 = arith.constant 0 : i32
    %dma_wait3A_1265 = tpu.memref_slice %arg16[%dma_wait3A_1261, %dma_wait3A_1264] : memref<4x64xi32, #tpu.memory_space<vmem>> -> memref<1x64xi32, #tpu.memory_space<vmem>>
    %dma_wait3A_1266 = tpu.memref_squeeze %dma_wait3A_1265 : memref<1x64xi32, #tpu.memory_space<vmem>> -> memref<64xi32, #tpu.memory_space<vmem>>
    %dma_wait3A_1267 = arith.constant 0 : i32
    %dma_wait3A_1268 = tpu.memref_slice %arg8[%dma_wait3A_1267] : memref<12288xf32, #tpu.memory_space<hbm>> -> memref<12288xf32, #tpu.memory_space<hbm>>
    tpu.wait_indirect_dma semaphore(%arg19 : memref<!tpu.dma_semaphore, #tpu.memory_space<semaphore_mem>>) src(%dma_wait3A_1263 : memref<64xf32, #tpu.memory_space<vmem>>) dst(%dma_wait3A_1268 : memref<12288xf32, #tpu.memory_space<hbm>>)
    %dma_wait3A_1269 = arith.constant 1 : i32
    %dma_wait3A_1270 = arith.constant 1 : i32
    %dma_wait3A_1271 = arith.constant 0 : i32
    %dma_wait3A_1272 = tpu.memref_slice %arg17[%dma_wait3A_1269, %dma_wait3A_1271] : memref<4x64xi32, #tpu.memory_space<vmem>> -> memref<1x64xi32, #tpu.memory_space<vmem>>
    %dma_wait3A_1273 = tpu.memref_squeeze %dma_wait3A_1272 : memref<1x64xi32, #tpu.memory_space<vmem>> -> memref<64xi32, #tpu.memory_space<vmem>>
    %dma_wait3A_1274 = arith.constant 0 : i32
    %dma_wait3A_1275 = tpu.memref_slice %arg16[%dma_wait3A_1270, %dma_wait3A_1274] : memref<4x64xi32, #tpu.memory_space<vmem>> -> memref<1x64xi32, #tpu.memory_space<vmem>>
    %dma_wait3A_1276 = tpu.memref_squeeze %dma_wait3A_1275 : memref<1x64xi32, #tpu.memory_space<vmem>> -> memref<64xi32, #tpu.memory_space<vmem>>
    %dma_wait3A_1277 = arith.constant 0 : i32
    %dma_wait3A_1278 = tpu.memref_slice %arg6[%dma_wait3A_1277] : memref<12288xi32, #tpu.memory_space<hbm>> -> memref<12288xi32, #tpu.memory_space<hbm>>
    tpu.wait_indirect_dma semaphore(%arg19 : memref<!tpu.dma_semaphore, #tpu.memory_space<semaphore_mem>>) src(%dma_wait3A_1273 : memref<64xi32, #tpu.memory_space<vmem>>) dst(%dma_wait3A_1278 : memref<12288xi32, #tpu.memory_space<hbm>>)
    %dma_wait3A_1279 = arith.constant 1 : i32
    %dma_wait3A_1280 = arith.constant 64 : i32
    %dma_wait3A_1281 = tpu.memref_slice %arg11[%dma_wait3A_1280] : memref<256xf32, #tpu.memory_space<vmem>> -> memref<64xf32, #tpu.memory_space<vmem>>
    %dma_wait3A_1282 = arith.constant 0 : i32
    %dma_wait3A_1283 = tpu.memref_slice %arg16[%dma_wait3A_1279, %dma_wait3A_1282] : memref<4x64xi32, #tpu.memory_space<vmem>> -> memref<1x64xi32, #tpu.memory_space<vmem>>
    %dma_wait3A_1284 = tpu.memref_squeeze %dma_wait3A_1283 : memref<1x64xi32, #tpu.memory_space<vmem>> -> memref<64xi32, #tpu.memory_space<vmem>>
    %dma_wait3A_1285 = arith.constant 0 : i32
    %dma_wait3A_1286 = tpu.memref_slice %arg7[%dma_wait3A_1285] : memref<12288xf32, #tpu.memory_space<hbm>> -> memref<12288xf32, #tpu.memory_space<hbm>>
    tpu.wait_indirect_dma semaphore(%arg19 : memref<!tpu.dma_semaphore, #tpu.memory_space<semaphore_mem>>) src(%dma_wait3A_1281 : memref<64xf32, #tpu.memory_space<vmem>>) dst(%dma_wait3A_1286 : memref<12288xf32, #tpu.memory_space<hbm>>)
    %dma_wait3A_1287 = arith.constant 1 : i32
    %dma_wait3A_1288 = arith.constant 64 : i32
    %dma_wait3A_1289 = tpu.memref_slice %arg12[%dma_wait3A_1288] : memref<256xf32, #tpu.memory_space<vmem>> -> memref<64xf32, #tpu.memory_space<vmem>>
    %dma_wait3A_1290 = arith.constant 0 : i32
    %dma_wait3A_1291 = tpu.memref_slice %arg16[%dma_wait3A_1287, %dma_wait3A_1290] : memref<4x64xi32, #tpu.memory_space<vmem>> -> memref<1x64xi32, #tpu.memory_space<vmem>>
    %dma_wait3A_1292 = tpu.memref_squeeze %dma_wait3A_1291 : memref<1x64xi32, #tpu.memory_space<vmem>> -> memref<64xi32, #tpu.memory_space<vmem>>
    %dma_wait3A_1293 = arith.constant 0 : i32
    %dma_wait3A_1294 = tpu.memref_slice %arg8[%dma_wait3A_1293] : memref<12288xf32, #tpu.memory_space<hbm>> -> memref<12288xf32, #tpu.memory_space<hbm>>
    tpu.wait_indirect_dma semaphore(%arg19 : memref<!tpu.dma_semaphore, #tpu.memory_space<semaphore_mem>>) src(%dma_wait3A_1289 : memref<64xf32, #tpu.memory_space<vmem>>) dst(%dma_wait3A_1294 : memref<12288xf32, #tpu.memory_space<hbm>>)
    %dma_wait3A_1295 = arith.constant 2 : i32
    %dma_wait3A_1296 = arith.constant 2 : i32
    %dma_wait3A_1297 = arith.constant 0 : i32
    %dma_wait3A_1298 = tpu.memref_slice %arg17[%dma_wait3A_1295, %dma_wait3A_1297] : memref<4x64xi32, #tpu.memory_space<vmem>> -> memref<1x64xi32, #tpu.memory_space<vmem>>
    %dma_wait3A_1299 = tpu.memref_squeeze %dma_wait3A_1298 : memref<1x64xi32, #tpu.memory_space<vmem>> -> memref<64xi32, #tpu.memory_space<vmem>>
    %dma_wait3A_1300 = arith.constant 0 : i32
    %dma_wait3A_1301 = tpu.memref_slice %arg16[%dma_wait3A_1296, %dma_wait3A_1300] : memref<4x64xi32, #tpu.memory_space<vmem>> -> memref<1x64xi32, #tpu.memory_space<vmem>>
    %dma_wait3A_1302 = tpu.memref_squeeze %dma_wait3A_1301 : memref<1x64xi32, #tpu.memory_space<vmem>> -> memref<64xi32, #tpu.memory_space<vmem>>
    %dma_wait3A_1303 = arith.constant 0 : i32
    %dma_wait3A_1304 = tpu.memref_slice %arg6[%dma_wait3A_1303] : memref<12288xi32, #tpu.memory_space<hbm>> -> memref<12288xi32, #tpu.memory_space<hbm>>
    tpu.wait_indirect_dma semaphore(%arg19 : memref<!tpu.dma_semaphore, #tpu.memory_space<semaphore_mem>>) src(%dma_wait3A_1299 : memref<64xi32, #tpu.memory_space<vmem>>) dst(%dma_wait3A_1304 : memref<12288xi32, #tpu.memory_space<hbm>>)
    %dma_wait3A_1305 = arith.constant 2 : i32
    %dma_wait3A_1306 = arith.constant 128 : i32
    %dma_wait3A_1307 = tpu.memref_slice %arg11[%dma_wait3A_1306] : memref<256xf32, #tpu.memory_space<vmem>> -> memref<64xf32, #tpu.memory_space<vmem>>
    %dma_wait3A_1308 = arith.constant 0 : i32
    %dma_wait3A_1309 = tpu.memref_slice %arg16[%dma_wait3A_1305, %dma_wait3A_1308] : memref<4x64xi32, #tpu.memory_space<vmem>> -> memref<1x64xi32, #tpu.memory_space<vmem>>
    %dma_wait3A_1310 = tpu.memref_squeeze %dma_wait3A_1309 : memref<1x64xi32, #tpu.memory_space<vmem>> -> memref<64xi32, #tpu.memory_space<vmem>>
    %dma_wait3A_1311 = arith.constant 0 : i32
    %dma_wait3A_1312 = tpu.memref_slice %arg7[%dma_wait3A_1311] : memref<12288xf32, #tpu.memory_space<hbm>> -> memref<12288xf32, #tpu.memory_space<hbm>>
    tpu.wait_indirect_dma semaphore(%arg19 : memref<!tpu.dma_semaphore, #tpu.memory_space<semaphore_mem>>) src(%dma_wait3A_1307 : memref<64xf32, #tpu.memory_space<vmem>>) dst(%dma_wait3A_1312 : memref<12288xf32, #tpu.memory_space<hbm>>)
    %dma_wait3A_1313 = arith.constant 2 : i32
    %dma_wait3A_1314 = arith.constant 128 : i32
    %dma_wait3A_1315 = tpu.memref_slice %arg12[%dma_wait3A_1314] : memref<256xf32, #tpu.memory_space<vmem>> -> memref<64xf32, #tpu.memory_space<vmem>>
    %dma_wait3A_1316 = arith.constant 0 : i32
    %dma_wait3A_1317 = tpu.memref_slice %arg16[%dma_wait3A_1313, %dma_wait3A_1316] : memref<4x64xi32, #tpu.memory_space<vmem>> -> memref<1x64xi32, #tpu.memory_space<vmem>>
    %dma_wait3A_1318 = tpu.memref_squeeze %dma_wait3A_1317 : memref<1x64xi32, #tpu.memory_space<vmem>> -> memref<64xi32, #tpu.memory_space<vmem>>
    %dma_wait3A_1319 = arith.constant 0 : i32
    %dma_wait3A_1320 = tpu.memref_slice %arg8[%dma_wait3A_1319] : memref<12288xf32, #tpu.memory_space<hbm>> -> memref<12288xf32, #tpu.memory_space<hbm>>
    tpu.wait_indirect_dma semaphore(%arg19 : memref<!tpu.dma_semaphore, #tpu.memory_space<semaphore_mem>>) src(%dma_wait3A_1315 : memref<64xf32, #tpu.memory_space<vmem>>) dst(%dma_wait3A_1320 : memref<12288xf32, #tpu.memory_space<hbm>>)
    %dma_wait3A_1321 = arith.constant 3 : i32
    %dma_wait3A_1322 = arith.constant 3 : i32
    %dma_wait3A_1323 = arith.constant 0 : i32
    %dma_wait3A_1324 = tpu.memref_slice %arg17[%dma_wait3A_1321, %dma_wait3A_1323] : memref<4x64xi32, #tpu.memory_space<vmem>> -> memref<1x64xi32, #tpu.memory_space<vmem>>
    %dma_wait3A_1325 = tpu.memref_squeeze %dma_wait3A_1324 : memref<1x64xi32, #tpu.memory_space<vmem>> -> memref<64xi32, #tpu.memory_space<vmem>>
    %dma_wait3A_1326 = arith.constant 0 : i32
    %dma_wait3A_1327 = tpu.memref_slice %arg16[%dma_wait3A_1322, %dma_wait3A_1326] : memref<4x64xi32, #tpu.memory_space<vmem>> -> memref<1x64xi32, #tpu.memory_space<vmem>>
    %dma_wait3A_1328 = tpu.memref_squeeze %dma_wait3A_1327 : memref<1x64xi32, #tpu.memory_space<vmem>> -> memref<64xi32, #tpu.memory_space<vmem>>
    %dma_wait3A_1329 = arith.constant 0 : i32
    %dma_wait3A_1330 = tpu.memref_slice %arg6[%dma_wait3A_1329] : memref<12288xi32, #tpu.memory_space<hbm>> -> memref<12288xi32, #tpu.memory_space<hbm>>
    tpu.wait_indirect_dma semaphore(%arg19 : memref<!tpu.dma_semaphore, #tpu.memory_space<semaphore_mem>>) src(%dma_wait3A_1325 : memref<64xi32, #tpu.memory_space<vmem>>) dst(%dma_wait3A_1330 : memref<12288xi32, #tpu.memory_space<hbm>>)
    %dma_wait3A_1331 = arith.constant 3 : i32
    %dma_wait3A_1332 = arith.constant 192 : i32
    %dma_wait3A_1333 = tpu.memref_slice %arg11[%dma_wait3A_1332] : memref<256xf32, #tpu.memory_space<vmem>> -> memref<64xf32, #tpu.memory_space<vmem>>
    %dma_wait3A_1334 = arith.constant 0 : i32
    %dma_wait3A_1335 = tpu.memref_slice %arg16[%dma_wait3A_1331, %dma_wait3A_1334] : memref<4x64xi32, #tpu.memory_space<vmem>> -> memref<1x64xi32, #tpu.memory_space<vmem>>
    %dma_wait3A_1336 = tpu.memref_squeeze %dma_wait3A_1335 : memref<1x64xi32, #tpu.memory_space<vmem>> -> memref<64xi32, #tpu.memory_space<vmem>>
    %dma_wait3A_1337 = arith.constant 0 : i32
    %dma_wait3A_1338 = tpu.memref_slice %arg7[%dma_wait3A_1337] : memref<12288xf32, #tpu.memory_space<hbm>> -> memref<12288xf32, #tpu.memory_space<hbm>>
    tpu.wait_indirect_dma semaphore(%arg19 : memref<!tpu.dma_semaphore, #tpu.memory_space<semaphore_mem>>) src(%dma_wait3A_1333 : memref<64xf32, #tpu.memory_space<vmem>>) dst(%dma_wait3A_1338 : memref<12288xf32, #tpu.memory_space<hbm>>)
    %dma_wait3A_1339 = arith.constant 3 : i32
    %dma_wait3A_1340 = arith.constant 192 : i32
    %dma_wait3A_1341 = tpu.memref_slice %arg12[%dma_wait3A_1340] : memref<256xf32, #tpu.memory_space<vmem>> -> memref<64xf32, #tpu.memory_space<vmem>>
    %dma_wait3A_1342 = arith.constant 0 : i32
    %dma_wait3A_1343 = tpu.memref_slice %arg16[%dma_wait3A_1339, %dma_wait3A_1342] : memref<4x64xi32, #tpu.memory_space<vmem>> -> memref<1x64xi32, #tpu.memory_space<vmem>>
    %dma_wait3A_1344 = tpu.memref_squeeze %dma_wait3A_1343 : memref<1x64xi32, #tpu.memory_space<vmem>> -> memref<64xi32, #tpu.memory_space<vmem>>
    %dma_wait3A_1345 = arith.constant 0 : i32
    %dma_wait3A_1346 = tpu.memref_slice %arg8[%dma_wait3A_1345] : memref<12288xf32, #tpu.memory_space<hbm>> -> memref<12288xf32, #tpu.memory_space<hbm>>
    tpu.wait_indirect_dma semaphore(%arg19 : memref<!tpu.dma_semaphore, #tpu.memory_space<semaphore_mem>>) src(%dma_wait3A_1341 : memref<64xf32, #tpu.memory_space<vmem>>) dst(%dma_wait3A_1346 : memref<12288xf32, #tpu.memory_space<hbm>>)
    return
  }
}

#map = affine_map<(d0, d1) -> (0, 0)>
#map1 = affine_map<(d0, d1) -> (0, 0, 0)>
module attributes {stable_mosaic.version = 14 : i64} {
  func.func @_gatherx_body(%arg0: i32, %arg1: i32, %arg2: memref<8192x768xf32, #tpu.memory_space<hbm>>, %arg3: memref<32x6x64xi32, #tpu.memory_space<hbm>>, %arg4: memref<12288x768xf32, #tpu.memory_space<hbm>>, %arg5: memref<6x64xi32, #tpu.memory_space<vmem>>, %arg6: memref<2x64x768xf32, #tpu.memory_space<vmem>>, %arg7: memref<!tpu.dma_semaphore, #tpu.memory_space<semaphore_mem>>, %arg8: memref<!tpu.dma_semaphore, #tpu.memory_space<semaphore_mem>>) attributes {dimension_semantics = [#tpu.dimension_semantics<core_parallel>, #tpu.dimension_semantics<subcore_parallel>], iteration_bounds = array<i64: 2, 16>, scalar_prefetch = 0 : i64, scratch_operands = 4 : i64, tpu.core_type = #tpu.core_type<sc_vector_subcore>, window_params = [{transform_indices = #map}, {transform_indices = #map1}, {transform_indices = #map}]} {
    %mul3A = arith.constant 2 : i32
    %mul3A_0 = arith.muli %arg1, %mul3A : i32
    %add3A = arith.addi %mul3A_0, %arg0 : i32
    %mul3A_1 = arith.constant 384 : i32
    %mul3A_2 = arith.muli %add3A, %mul3A_1 : i32
    "tpu.region"() ({
      %run_scoped3A = tpu.sem_alloc : memref<!tpu.dma_semaphore, #tpu.memory_space<semaphore_mem>>
      %dma_start3A_716 = arith.constant 0 : i32
      %dma_start3A_717 = arith.constant 0 : i32
      %dma_start3A_718 = tpu.memref_slice %arg3[%add3A, %dma_start3A_716, %dma_start3A_717] : memref<32x6x64xi32, #tpu.memory_space<hbm>> -> memref<1x6x64xi32, #tpu.memory_space<hbm>>
      %dma_start3A_719 = tpu.memref_squeeze %dma_start3A_718 : memref<1x6x64xi32, #tpu.memory_space<hbm>> -> memref<6x64xi32, #tpu.memory_space<hbm>>
      %dma_start3A_720 = arith.constant 0 : i32
      %dma_start3A_721 = arith.constant 0 : i32
      %dma_start3A_722 = tpu.memref_slice %arg3[%add3A, %dma_start3A_720, %dma_start3A_721] : memref<32x6x64xi32, #tpu.memory_space<hbm>> -> memref<1x6x64xi32, #tpu.memory_space<hbm>>
      %dma_start3A_723 = tpu.memref_squeeze %dma_start3A_722 : memref<1x6x64xi32, #tpu.memory_space<hbm>> -> memref<6x64xi32, #tpu.memory_space<hbm>>
      tpu.enqueue_dma source(%dma_start3A_723 : memref<6x64xi32, #tpu.memory_space<hbm>>) target(%arg5 : memref<6x64xi32, #tpu.memory_space<vmem>>) target_semaphore(%run_scoped3A : memref<!tpu.dma_semaphore, #tpu.memory_space<semaphore_mem>>)
      %dma_wait3A_724 = arith.constant 0 : i32
      %dma_wait3A_725 = arith.constant 0 : i32
      %dma_wait3A_726 = tpu.memref_slice %arg3[%add3A, %dma_wait3A_724, %dma_wait3A_725] : memref<32x6x64xi32, #tpu.memory_space<hbm>> -> memref<1x6x64xi32, #tpu.memory_space<hbm>>
      %dma_wait3A_727 = tpu.memref_squeeze %dma_wait3A_726 : memref<1x6x64xi32, #tpu.memory_space<hbm>> -> memref<6x64xi32, #tpu.memory_space<hbm>>
      %dma_wait3A_728 = arith.constant 0 : i32
      %dma_wait3A_729 = arith.constant 0 : i32
      %dma_wait3A_730 = tpu.memref_slice %arg3[%add3A, %dma_wait3A_728, %dma_wait3A_729] : memref<32x6x64xi32, #tpu.memory_space<hbm>> -> memref<1x6x64xi32, #tpu.memory_space<hbm>>
      %dma_wait3A_731 = tpu.memref_squeeze %dma_wait3A_730 : memref<1x6x64xi32, #tpu.memory_space<hbm>> -> memref<6x64xi32, #tpu.memory_space<hbm>>
      tpu.wait_dma2 semaphore(%run_scoped3A : memref<!tpu.dma_semaphore, #tpu.memory_space<semaphore_mem>>) src(%dma_wait3A_731 : memref<6x64xi32, #tpu.memory_space<hbm>>) dst(%arg5 : memref<6x64xi32, #tpu.memory_space<vmem>>)
      tpu.yield
    }) : () -> ()
    %get3A = arith.constant 0 : i32
    %get3A_3 = arith.index_cast %get3A : i32 to index
    %get3A_4 = arith.constant 0 : index
    %get3A_5 = tpu.vector_load %arg5[%get3A_3, %get3A_4] {strides = array<i32>} : memref<6x64xi32, #tpu.memory_space<vmem>>, vector<1x16xi32>,
    %get3A_6 = vector.shape_cast %get3A_5 : vector<1x16xi32> to vector<16xi32>
    %jit3A = arith.constant 0 : i32
    %jit3A_7 = arith.constant 8191 : i32
    %max3A = vector.broadcast %jit3A : i32 to vector<16xi32>
    %max3A_8 = arith.maxsi %max3A, %get3A_6 : vector<16xi32>
    %min3A = vector.broadcast %jit3A_7 : i32 to vector<16xi32>
    %min3A_9 = arith.minsi %min3A, %max3A_8 : vector<16xi32>
    %swap3A = arith.constant 0 : i32
    %swap3A_10 = arith.index_cast %swap3A : i32 to index
    %swap3A_11 = arith.constant 0 : index
    %swap3A_12 = tpu.vector_load %arg5[%swap3A_10, %swap3A_11] {strides = array<i32>} : memref<6x64xi32, #tpu.memory_space<vmem>>, vector<1x16xi32>,
    %swap3A_13 = vector.shape_cast %swap3A_12 : vector<1x16xi32> to vector<16xi32>
    %swap3A_14 = vector.shape_cast %min3A_9 : vector<16xi32> to vector<1x16xi32>
    tpu.vector_store %arg5[%swap3A_10, %swap3A_11], %swap3A_14 {strides = array<i32>} : memref<6x64xi32, #tpu.memory_space<vmem>>, vector<1x16xi32>,
    %get3A_15 = arith.constant 0 : i32
    %get3A_16 = arith.index_cast %get3A_15 : i32 to index
    %get3A_17 = arith.constant 16 : index
    %get3A_18 = tpu.vector_load %arg5[%get3A_16, %get3A_17] {strides = array<i32>} : memref<6x64xi32, #tpu.memory_space<vmem>>, vector<1x16xi32>,
    %get3A_19 = vector.shape_cast %get3A_18 : vector<1x16xi32> to vector<16xi32>
    %jit3A_20 = arith.constant 0 : i32
    %jit3A_21 = arith.constant 8191 : i32
    %max3A_22 = vector.broadcast %jit3A_20 : i32 to vector<16xi32>
    %max3A_23 = arith.maxsi %max3A_22, %get3A_19 : vector<16xi32>
    %min3A_24 = vector.broadcast %jit3A_21 : i32 to vector<16xi32>
    %min3A_25 = arith.minsi %min3A_24, %max3A_23 : vector<16xi32>
    %swap3A_26 = arith.constant 0 : i32
    %swap3A_27 = arith.index_cast %swap3A_26 : i32 to index
    %swap3A_28 = arith.constant 16 : index
    %swap3A_29 = tpu.vector_load %arg5[%swap3A_27, %swap3A_28] {strides = array<i32>} : memref<6x64xi32, #tpu.memory_space<vmem>>, vector<1x16xi32>,
    %swap3A_30 = vector.shape_cast %swap3A_29 : vector<1x16xi32> to vector<16xi32>
    %swap3A_31 = vector.shape_cast %min3A_25 : vector<16xi32> to vector<1x16xi32>
    tpu.vector_store %arg5[%swap3A_27, %swap3A_28], %swap3A_31 {strides = array<i32>} : memref<6x64xi32, #tpu.memory_space<vmem>>, vector<1x16xi32>,
    %get3A_32 = arith.constant 0 : i32
    %get3A_33 = arith.index_cast %get3A_32 : i32 to index
    %get3A_34 = arith.constant 32 : index
    %get3A_35 = tpu.vector_load %arg5[%get3A_33, %get3A_34] {strides = array<i32>} : memref<6x64xi32, #tpu.memory_space<vmem>>, vector<1x16xi32>,
    %get3A_36 = vector.shape_cast %get3A_35 : vector<1x16xi32> to vector<16xi32>
    %jit3A_37 = arith.constant 0 : i32
    %jit3A_38 = arith.constant 8191 : i32
    %max3A_39 = vector.broadcast %jit3A_37 : i32 to vector<16xi32>
    %max3A_40 = arith.maxsi %max3A_39, %get3A_36 : vector<16xi32>
    %min3A_41 = vector.broadcast %jit3A_38 : i32 to vector<16xi32>
    %min3A_42 = arith.minsi %min3A_41, %max3A_40 : vector<16xi32>
    %swap3A_43 = arith.constant 0 : i32
    %swap3A_44 = arith.index_cast %swap3A_43 : i32 to index
    %swap3A_45 = arith.constant 32 : index
    %swap3A_46 = tpu.vector_load %arg5[%swap3A_44, %swap3A_45] {strides = array<i32>} : memref<6x64xi32, #tpu.memory_space<vmem>>, vector<1x16xi32>,
    %swap3A_47 = vector.shape_cast %swap3A_46 : vector<1x16xi32> to vector<16xi32>
    %swap3A_48 = vector.shape_cast %min3A_42 : vector<16xi32> to vector<1x16xi32>
    tpu.vector_store %arg5[%swap3A_44, %swap3A_45], %swap3A_48 {strides = array<i32>} : memref<6x64xi32, #tpu.memory_space<vmem>>, vector<1x16xi32>,
    %get3A_49 = arith.constant 0 : i32
    %get3A_50 = arith.index_cast %get3A_49 : i32 to index
    %get3A_51 = arith.constant 48 : index
    %get3A_52 = tpu.vector_load %arg5[%get3A_50, %get3A_51] {strides = array<i32>} : memref<6x64xi32, #tpu.memory_space<vmem>>, vector<1x16xi32>,
    %get3A_53 = vector.shape_cast %get3A_52 : vector<1x16xi32> to vector<16xi32>
    %jit3A_54 = arith.constant 0 : i32
    %jit3A_55 = arith.constant 8191 : i32
    %max3A_56 = vector.broadcast %jit3A_54 : i32 to vector<16xi32>
    %max3A_57 = arith.maxsi %max3A_56, %get3A_53 : vector<16xi32>
    %min3A_58 = vector.broadcast %jit3A_55 : i32 to vector<16xi32>
    %min3A_59 = arith.minsi %min3A_58, %max3A_57 : vector<16xi32>
    %swap3A_60 = arith.constant 0 : i32
    %swap3A_61 = arith.index_cast %swap3A_60 : i32 to index
    %swap3A_62 = arith.constant 48 : index
    %swap3A_63 = tpu.vector_load %arg5[%swap3A_61, %swap3A_62] {strides = array<i32>} : memref<6x64xi32, #tpu.memory_space<vmem>>, vector<1x16xi32>,
    %swap3A_64 = vector.shape_cast %swap3A_63 : vector<1x16xi32> to vector<16xi32>
    %swap3A_65 = vector.shape_cast %min3A_59 : vector<16xi32> to vector<1x16xi32>
    tpu.vector_store %arg5[%swap3A_61, %swap3A_62], %swap3A_65 {strides = array<i32>} : memref<6x64xi32, #tpu.memory_space<vmem>>, vector<1x16xi32>,
    %get3A_66 = arith.constant 1 : i32
    %get3A_67 = arith.index_cast %get3A_66 : i32 to index
    %get3A_68 = arith.constant 0 : index
    %get3A_69 = tpu.vector_load %arg5[%get3A_67, %get3A_68] {strides = array<i32>} : memref<6x64xi32, #tpu.memory_space<vmem>>, vector<1x16xi32>,
    %get3A_70 = vector.shape_cast %get3A_69 : vector<1x16xi32> to vector<16xi32>
    %jit3A_71 = arith.constant 0 : i32
    %jit3A_72 = arith.constant 8191 : i32
    %max3A_73 = vector.broadcast %jit3A_71 : i32 to vector<16xi32>
    %max3A_74 = arith.maxsi %max3A_73, %get3A_70 : vector<16xi32>
    %min3A_75 = vector.broadcast %jit3A_72 : i32 to vector<16xi32>
    %min3A_76 = arith.minsi %min3A_75, %max3A_74 : vector<16xi32>
    %swap3A_77 = arith.constant 1 : i32
    %swap3A_78 = arith.index_cast %swap3A_77 : i32 to index
    %swap3A_79 = arith.constant 0 : index
    %swap3A_80 = tpu.vector_load %arg5[%swap3A_78, %swap3A_79] {strides = array<i32>} : memref<6x64xi32, #tpu.memory_space<vmem>>, vector<1x16xi32>,
    %swap3A_81 = vector.shape_cast %swap3A_80 : vector<1x16xi32> to vector<16xi32>
    %swap3A_82 = vector.shape_cast %min3A_76 : vector<16xi32> to vector<1x16xi32>
    tpu.vector_store %arg5[%swap3A_78, %swap3A_79], %swap3A_82 {strides = array<i32>} : memref<6x64xi32, #tpu.memory_space<vmem>>, vector<1x16xi32>,
    %get3A_83 = arith.constant 1 : i32
    %get3A_84 = arith.index_cast %get3A_83 : i32 to index
    %get3A_85 = arith.constant 16 : index
    %get3A_86 = tpu.vector_load %arg5[%get3A_84, %get3A_85] {strides = array<i32>} : memref<6x64xi32, #tpu.memory_space<vmem>>, vector<1x16xi32>,
    %get3A_87 = vector.shape_cast %get3A_86 : vector<1x16xi32> to vector<16xi32>
    %jit3A_88 = arith.constant 0 : i32
    %jit3A_89 = arith.constant 8191 : i32
    %max3A_90 = vector.broadcast %jit3A_88 : i32 to vector<16xi32>
    %max3A_91 = arith.maxsi %max3A_90, %get3A_87 : vector<16xi32>
    %min3A_92 = vector.broadcast %jit3A_89 : i32 to vector<16xi32>
    %min3A_93 = arith.minsi %min3A_92, %max3A_91 : vector<16xi32>
    %swap3A_94 = arith.constant 1 : i32
    %swap3A_95 = arith.index_cast %swap3A_94 : i32 to index
    %swap3A_96 = arith.constant 16 : index
    %swap3A_97 = tpu.vector_load %arg5[%swap3A_95, %swap3A_96] {strides = array<i32>} : memref<6x64xi32, #tpu.memory_space<vmem>>, vector<1x16xi32>,
    %swap3A_98 = vector.shape_cast %swap3A_97 : vector<1x16xi32> to vector<16xi32>
    %swap3A_99 = vector.shape_cast %min3A_93 : vector<16xi32> to vector<1x16xi32>
    tpu.vector_store %arg5[%swap3A_95, %swap3A_96], %swap3A_99 {strides = array<i32>} : memref<6x64xi32, #tpu.memory_space<vmem>>, vector<1x16xi32>,
    %get3A_100 = arith.constant 1 : i32
    %get3A_101 = arith.index_cast %get3A_100 : i32 to index
    %get3A_102 = arith.constant 32 : index
    %get3A_103 = tpu.vector_load %arg5[%get3A_101, %get3A_102] {strides = array<i32>} : memref<6x64xi32, #tpu.memory_space<vmem>>, vector<1x16xi32>,
    %get3A_104 = vector.shape_cast %get3A_103 : vector<1x16xi32> to vector<16xi32>
    %jit3A_105 = arith.constant 0 : i32
    %jit3A_106 = arith.constant 8191 : i32
    %max3A_107 = vector.broadcast %jit3A_105 : i32 to vector<16xi32>
    %max3A_108 = arith.maxsi %max3A_107, %get3A_104 : vector<16xi32>
    %min3A_109 = vector.broadcast %jit3A_106 : i32 to vector<16xi32>
    %min3A_110 = arith.minsi %min3A_109, %max3A_108 : vector<16xi32>
    %swap3A_111 = arith.constant 1 : i32
    %swap3A_112 = arith.index_cast %swap3A_111 : i32 to index
    %swap3A_113 = arith.constant 32 : index
    %swap3A_114 = tpu.vector_load %arg5[%swap3A_112, %swap3A_113] {strides = array<i32>} : memref<6x64xi32, #tpu.memory_space<vmem>>, vector<1x16xi32>,
    %swap3A_115 = vector.shape_cast %swap3A_114 : vector<1x16xi32> to vector<16xi32>
    %swap3A_116 = vector.shape_cast %min3A_110 : vector<16xi32> to vector<1x16xi32>
    tpu.vector_store %arg5[%swap3A_112, %swap3A_113], %swap3A_116 {strides = array<i32>} : memref<6x64xi32, #tpu.memory_space<vmem>>, vector<1x16xi32>,
    %get3A_117 = arith.constant 1 : i32
    %get3A_118 = arith.index_cast %get3A_117 : i32 to index
    %get3A_119 = arith.constant 48 : index
    %get3A_120 = tpu.vector_load %arg5[%get3A_118, %get3A_119] {strides = array<i32>} : memref<6x64xi32, #tpu.memory_space<vmem>>, vector<1x16xi32>,
    %get3A_121 = vector.shape_cast %get3A_120 : vector<1x16xi32> to vector<16xi32>
    %jit3A_122 = arith.constant 0 : i32
    %jit3A_123 = arith.constant 8191 : i32
    %max3A_124 = vector.broadcast %jit3A_122 : i32 to vector<16xi32>
    %max3A_125 = arith.maxsi %max3A_124, %get3A_121 : vector<16xi32>
    %min3A_126 = vector.broadcast %jit3A_123 : i32 to vector<16xi32>
    %min3A_127 = arith.minsi %min3A_126, %max3A_125 : vector<16xi32>
    %swap3A_128 = arith.constant 1 : i32
    %swap3A_129 = arith.index_cast %swap3A_128 : i32 to index
    %swap3A_130 = arith.constant 48 : index
    %swap3A_131 = tpu.vector_load %arg5[%swap3A_129, %swap3A_130] {strides = array<i32>} : memref<6x64xi32, #tpu.memory_space<vmem>>, vector<1x16xi32>,
    %swap3A_132 = vector.shape_cast %swap3A_131 : vector<1x16xi32> to vector<16xi32>
    %swap3A_133 = vector.shape_cast %min3A_127 : vector<16xi32> to vector<1x16xi32>
    tpu.vector_store %arg5[%swap3A_129, %swap3A_130], %swap3A_133 {strides = array<i32>} : memref<6x64xi32, #tpu.memory_space<vmem>>, vector<1x16xi32>,
    %get3A_134 = arith.constant 2 : i32
    %get3A_135 = arith.index_cast %get3A_134 : i32 to index
    %get3A_136 = arith.constant 0 : index
    %get3A_137 = tpu.vector_load %arg5[%get3A_135, %get3A_136] {strides = array<i32>} : memref<6x64xi32, #tpu.memory_space<vmem>>, vector<1x16xi32>,
    %get3A_138 = vector.shape_cast %get3A_137 : vector<1x16xi32> to vector<16xi32>
    %jit3A_139 = arith.constant 0 : i32
    %jit3A_140 = arith.constant 8191 : i32
    %max3A_141 = vector.broadcast %jit3A_139 : i32 to vector<16xi32>
    %max3A_142 = arith.maxsi %max3A_141, %get3A_138 : vector<16xi32>
    %min3A_143 = vector.broadcast %jit3A_140 : i32 to vector<16xi32>
    %min3A_144 = arith.minsi %min3A_143, %max3A_142 : vector<16xi32>
    %swap3A_145 = arith.constant 2 : i32
    %swap3A_146 = arith.index_cast %swap3A_145 : i32 to index
    %swap3A_147 = arith.constant 0 : index
    %swap3A_148 = tpu.vector_load %arg5[%swap3A_146, %swap3A_147] {strides = array<i32>} : memref<6x64xi32, #tpu.memory_space<vmem>>, vector<1x16xi32>,
    %swap3A_149 = vector.shape_cast %swap3A_148 : vector<1x16xi32> to vector<16xi32>
    %swap3A_150 = vector.shape_cast %min3A_144 : vector<16xi32> to vector<1x16xi32>
    tpu.vector_store %arg5[%swap3A_146, %swap3A_147], %swap3A_150 {strides = array<i32>} : memref<6x64xi32, #tpu.memory_space<vmem>>, vector<1x16xi32>,
    %get3A_151 = arith.constant 2 : i32
    %get3A_152 = arith.index_cast %get3A_151 : i32 to index
    %get3A_153 = arith.constant 16 : index
    %get3A_154 = tpu.vector_load %arg5[%get3A_152, %get3A_153] {strides = array<i32>} : memref<6x64xi32, #tpu.memory_space<vmem>>, vector<1x16xi32>,
    %get3A_155 = vector.shape_cast %get3A_154 : vector<1x16xi32> to vector<16xi32>
    %jit3A_156 = arith.constant 0 : i32
    %jit3A_157 = arith.constant 8191 : i32
    %max3A_158 = vector.broadcast %jit3A_156 : i32 to vector<16xi32>
    %max3A_159 = arith.maxsi %max3A_158, %get3A_155 : vector<16xi32>
    %min3A_160 = vector.broadcast %jit3A_157 : i32 to vector<16xi32>
    %min3A_161 = arith.minsi %min3A_160, %max3A_159 : vector<16xi32>
    %swap3A_162 = arith.constant 2 : i32
    %swap3A_163 = arith.index_cast %swap3A_162 : i32 to index
    %swap3A_164 = arith.constant 16 : index
    %swap3A_165 = tpu.vector_load %arg5[%swap3A_163, %swap3A_164] {strides = array<i32>} : memref<6x64xi32, #tpu.memory_space<vmem>>, vector<1x16xi32>,
    %swap3A_166 = vector.shape_cast %swap3A_165 : vector<1x16xi32> to vector<16xi32>
    %swap3A_167 = vector.shape_cast %min3A_161 : vector<16xi32> to vector<1x16xi32>
    tpu.vector_store %arg5[%swap3A_163, %swap3A_164], %swap3A_167 {strides = array<i32>} : memref<6x64xi32, #tpu.memory_space<vmem>>, vector<1x16xi32>,
    %get3A_168 = arith.constant 2 : i32
    %get3A_169 = arith.index_cast %get3A_168 : i32 to index
    %get3A_170 = arith.constant 32 : index
    %get3A_171 = tpu.vector_load %arg5[%get3A_169, %get3A_170] {strides = array<i32>} : memref<6x64xi32, #tpu.memory_space<vmem>>, vector<1x16xi32>,
    %get3A_172 = vector.shape_cast %get3A_171 : vector<1x16xi32> to vector<16xi32>
    %jit3A_173 = arith.constant 0 : i32
    %jit3A_174 = arith.constant 8191 : i32
    %max3A_175 = vector.broadcast %jit3A_173 : i32 to vector<16xi32>
    %max3A_176 = arith.maxsi %max3A_175, %get3A_172 : vector<16xi32>
    %min3A_177 = vector.broadcast %jit3A_174 : i32 to vector<16xi32>
    %min3A_178 = arith.minsi %min3A_177, %max3A_176 : vector<16xi32>
    %swap3A_179 = arith.constant 2 : i32
    %swap3A_180 = arith.index_cast %swap3A_179 : i32 to index
    %swap3A_181 = arith.constant 32 : index
    %swap3A_182 = tpu.vector_load %arg5[%swap3A_180, %swap3A_181] {strides = array<i32>} : memref<6x64xi32, #tpu.memory_space<vmem>>, vector<1x16xi32>,
    %swap3A_183 = vector.shape_cast %swap3A_182 : vector<1x16xi32> to vector<16xi32>
    %swap3A_184 = vector.shape_cast %min3A_178 : vector<16xi32> to vector<1x16xi32>
    tpu.vector_store %arg5[%swap3A_180, %swap3A_181], %swap3A_184 {strides = array<i32>} : memref<6x64xi32, #tpu.memory_space<vmem>>, vector<1x16xi32>,
    %get3A_185 = arith.constant 2 : i32
    %get3A_186 = arith.index_cast %get3A_185 : i32 to index
    %get3A_187 = arith.constant 48 : index
    %get3A_188 = tpu.vector_load %arg5[%get3A_186, %get3A_187] {strides = array<i32>} : memref<6x64xi32, #tpu.memory_space<vmem>>, vector<1x16xi32>,
    %get3A_189 = vector.shape_cast %get3A_188 : vector<1x16xi32> to vector<16xi32>
    %jit3A_190 = arith.constant 0 : i32
    %jit3A_191 = arith.constant 8191 : i32
    %max3A_192 = vector.broadcast %jit3A_190 : i32 to vector<16xi32>
    %max3A_193 = arith.maxsi %max3A_192, %get3A_189 : vector<16xi32>
    %min3A_194 = vector.broadcast %jit3A_191 : i32 to vector<16xi32>
    %min3A_195 = arith.minsi %min3A_194, %max3A_193 : vector<16xi32>
    %swap3A_196 = arith.constant 2 : i32
    %swap3A_197 = arith.index_cast %swap3A_196 : i32 to index
    %swap3A_198 = arith.constant 48 : index
    %swap3A_199 = tpu.vector_load %arg5[%swap3A_197, %swap3A_198] {strides = array<i32>} : memref<6x64xi32, #tpu.memory_space<vmem>>, vector<1x16xi32>,
    %swap3A_200 = vector.shape_cast %swap3A_199 : vector<1x16xi32> to vector<16xi32>
    %swap3A_201 = vector.shape_cast %min3A_195 : vector<16xi32> to vector<1x16xi32>
    tpu.vector_store %arg5[%swap3A_197, %swap3A_198], %swap3A_201 {strides = array<i32>} : memref<6x64xi32, #tpu.memory_space<vmem>>, vector<1x16xi32>,
    %get3A_202 = arith.constant 3 : i32
    %get3A_203 = arith.index_cast %get3A_202 : i32 to index
    %get3A_204 = arith.constant 0 : index
    %get3A_205 = tpu.vector_load %arg5[%get3A_203, %get3A_204] {strides = array<i32>} : memref<6x64xi32, #tpu.memory_space<vmem>>, vector<1x16xi32>,
    %get3A_206 = vector.shape_cast %get3A_205 : vector<1x16xi32> to vector<16xi32>
    %jit3A_207 = arith.constant 0 : i32
    %jit3A_208 = arith.constant 8191 : i32
    %max3A_209 = vector.broadcast %jit3A_207 : i32 to vector<16xi32>
    %max3A_210 = arith.maxsi %max3A_209, %get3A_206 : vector<16xi32>
    %min3A_211 = vector.broadcast %jit3A_208 : i32 to vector<16xi32>
    %min3A_212 = arith.minsi %min3A_211, %max3A_210 : vector<16xi32>
    %swap3A_213 = arith.constant 3 : i32
    %swap3A_214 = arith.index_cast %swap3A_213 : i32 to index
    %swap3A_215 = arith.constant 0 : index
    %swap3A_216 = tpu.vector_load %arg5[%swap3A_214, %swap3A_215] {strides = array<i32>} : memref<6x64xi32, #tpu.memory_space<vmem>>, vector<1x16xi32>,
    %swap3A_217 = vector.shape_cast %swap3A_216 : vector<1x16xi32> to vector<16xi32>
    %swap3A_218 = vector.shape_cast %min3A_212 : vector<16xi32> to vector<1x16xi32>
    tpu.vector_store %arg5[%swap3A_214, %swap3A_215], %swap3A_218 {strides = array<i32>} : memref<6x64xi32, #tpu.memory_space<vmem>>, vector<1x16xi32>,
    %get3A_219 = arith.constant 3 : i32
    %get3A_220 = arith.index_cast %get3A_219 : i32 to index
    %get3A_221 = arith.constant 16 : index
    %get3A_222 = tpu.vector_load %arg5[%get3A_220, %get3A_221] {strides = array<i32>} : memref<6x64xi32, #tpu.memory_space<vmem>>, vector<1x16xi32>,
    %get3A_223 = vector.shape_cast %get3A_222 : vector<1x16xi32> to vector<16xi32>
    %jit3A_224 = arith.constant 0 : i32
    %jit3A_225 = arith.constant 8191 : i32
    %max3A_226 = vector.broadcast %jit3A_224 : i32 to vector<16xi32>
    %max3A_227 = arith.maxsi %max3A_226, %get3A_223 : vector<16xi32>
    %min3A_228 = vector.broadcast %jit3A_225 : i32 to vector<16xi32>
    %min3A_229 = arith.minsi %min3A_228, %max3A_227 : vector<16xi32>
    %swap3A_230 = arith.constant 3 : i32
    %swap3A_231 = arith.index_cast %swap3A_230 : i32 to index
    %swap3A_232 = arith.constant 16 : index
    %swap3A_233 = tpu.vector_load %arg5[%swap3A_231, %swap3A_232] {strides = array<i32>} : memref<6x64xi32, #tpu.memory_space<vmem>>, vector<1x16xi32>,
    %swap3A_234 = vector.shape_cast %swap3A_233 : vector<1x16xi32> to vector<16xi32>
    %swap3A_235 = vector.shape_cast %min3A_229 : vector<16xi32> to vector<1x16xi32>
    tpu.vector_store %arg5[%swap3A_231, %swap3A_232], %swap3A_235 {strides = array<i32>} : memref<6x64xi32, #tpu.memory_space<vmem>>, vector<1x16xi32>,
    %get3A_236 = arith.constant 3 : i32
    %get3A_237 = arith.index_cast %get3A_236 : i32 to index
    %get3A_238 = arith.constant 32 : index
    %get3A_239 = tpu.vector_load %arg5[%get3A_237, %get3A_238] {strides = array<i32>} : memref<6x64xi32, #tpu.memory_space<vmem>>, vector<1x16xi32>,
    %get3A_240 = vector.shape_cast %get3A_239 : vector<1x16xi32> to vector<16xi32>
    %jit3A_241 = arith.constant 0 : i32
    %jit3A_242 = arith.constant 8191 : i32
    %max3A_243 = vector.broadcast %jit3A_241 : i32 to vector<16xi32>
    %max3A_244 = arith.maxsi %max3A_243, %get3A_240 : vector<16xi32>
    %min3A_245 = vector.broadcast %jit3A_242 : i32 to vector<16xi32>
    %min3A_246 = arith.minsi %min3A_245, %max3A_244 : vector<16xi32>
    %swap3A_247 = arith.constant 3 : i32
    %swap3A_248 = arith.index_cast %swap3A_247 : i32 to index
    %swap3A_249 = arith.constant 32 : index
    %swap3A_250 = tpu.vector_load %arg5[%swap3A_248, %swap3A_249] {strides = array<i32>} : memref<6x64xi32, #tpu.memory_space<vmem>>, vector<1x16xi32>,
    %swap3A_251 = vector.shape_cast %swap3A_250 : vector<1x16xi32> to vector<16xi32>
    %swap3A_252 = vector.shape_cast %min3A_246 : vector<16xi32> to vector<1x16xi32>
    tpu.vector_store %arg5[%swap3A_248, %swap3A_249], %swap3A_252 {strides = array<i32>} : memref<6x64xi32, #tpu.memory_space<vmem>>, vector<1x16xi32>,
    %get3A_253 = arith.constant 3 : i32
    %get3A_254 = arith.index_cast %get3A_253 : i32 to index
    %get3A_255 = arith.constant 48 : index
    %get3A_256 = tpu.vector_load %arg5[%get3A_254, %get3A_255] {strides = array<i32>} : memref<6x64xi32, #tpu.memory_space<vmem>>, vector<1x16xi32>,
    %get3A_257 = vector.shape_cast %get3A_256 : vector<1x16xi32> to vector<16xi32>
    %jit3A_258 = arith.constant 0 : i32
    %jit3A_259 = arith.constant 8191 : i32
    %max3A_260 = vector.broadcast %jit3A_258 : i32 to vector<16xi32>
    %max3A_261 = arith.maxsi %max3A_260, %get3A_257 : vector<16xi32>
    %min3A_262 = vector.broadcast %jit3A_259 : i32 to vector<16xi32>
    %min3A_263 = arith.minsi %min3A_262, %max3A_261 : vector<16xi32>
    %swap3A_264 = arith.constant 3 : i32
    %swap3A_265 = arith.index_cast %swap3A_264 : i32 to index
    %swap3A_266 = arith.constant 48 : index
    %swap3A_267 = tpu.vector_load %arg5[%swap3A_265, %swap3A_266] {strides = array<i32>} : memref<6x64xi32, #tpu.memory_space<vmem>>, vector<1x16xi32>,
    %swap3A_268 = vector.shape_cast %swap3A_267 : vector<1x16xi32> to vector<16xi32>
    %swap3A_269 = vector.shape_cast %min3A_263 : vector<16xi32> to vector<1x16xi32>
    tpu.vector_store %arg5[%swap3A_265, %swap3A_266], %swap3A_269 {strides = array<i32>} : memref<6x64xi32, #tpu.memory_space<vmem>>, vector<1x16xi32>,
    %get3A_270 = arith.constant 4 : i32
    %get3A_271 = arith.index_cast %get3A_270 : i32 to index
    %get3A_272 = arith.constant 0 : index
    %get3A_273 = tpu.vector_load %arg5[%get3A_271, %get3A_272] {strides = array<i32>} : memref<6x64xi32, #tpu.memory_space<vmem>>, vector<1x16xi32>,
    %get3A_274 = vector.shape_cast %get3A_273 : vector<1x16xi32> to vector<16xi32>
    %jit3A_275 = arith.constant 0 : i32
    %jit3A_276 = arith.constant 8191 : i32
    %max3A_277 = vector.broadcast %jit3A_275 : i32 to vector<16xi32>
    %max3A_278 = arith.maxsi %max3A_277, %get3A_274 : vector<16xi32>
    %min3A_279 = vector.broadcast %jit3A_276 : i32 to vector<16xi32>
    %min3A_280 = arith.minsi %min3A_279, %max3A_278 : vector<16xi32>
    %swap3A_281 = arith.constant 4 : i32
    %swap3A_282 = arith.index_cast %swap3A_281 : i32 to index
    %swap3A_283 = arith.constant 0 : index
    %swap3A_284 = tpu.vector_load %arg5[%swap3A_282, %swap3A_283] {strides = array<i32>} : memref<6x64xi32, #tpu.memory_space<vmem>>, vector<1x16xi32>,
    %swap3A_285 = vector.shape_cast %swap3A_284 : vector<1x16xi32> to vector<16xi32>
    %swap3A_286 = vector.shape_cast %min3A_280 : vector<16xi32> to vector<1x16xi32>
    tpu.vector_store %arg5[%swap3A_282, %swap3A_283], %swap3A_286 {strides = array<i32>} : memref<6x64xi32, #tpu.memory_space<vmem>>, vector<1x16xi32>,
    %get3A_287 = arith.constant 4 : i32
    %get3A_288 = arith.index_cast %get3A_287 : i32 to index
    %get3A_289 = arith.constant 16 : index
    %get3A_290 = tpu.vector_load %arg5[%get3A_288, %get3A_289] {strides = array<i32>} : memref<6x64xi32, #tpu.memory_space<vmem>>, vector<1x16xi32>,
    %get3A_291 = vector.shape_cast %get3A_290 : vector<1x16xi32> to vector<16xi32>
    %jit3A_292 = arith.constant 0 : i32
    %jit3A_293 = arith.constant 8191 : i32
    %max3A_294 = vector.broadcast %jit3A_292 : i32 to vector<16xi32>
    %max3A_295 = arith.maxsi %max3A_294, %get3A_291 : vector<16xi32>
    %min3A_296 = vector.broadcast %jit3A_293 : i32 to vector<16xi32>
    %min3A_297 = arith.minsi %min3A_296, %max3A_295 : vector<16xi32>
    %swap3A_298 = arith.constant 4 : i32
    %swap3A_299 = arith.index_cast %swap3A_298 : i32 to index
    %swap3A_300 = arith.constant 16 : index
    %swap3A_301 = tpu.vector_load %arg5[%swap3A_299, %swap3A_300] {strides = array<i32>} : memref<6x64xi32, #tpu.memory_space<vmem>>, vector<1x16xi32>,
    %swap3A_302 = vector.shape_cast %swap3A_301 : vector<1x16xi32> to vector<16xi32>
    %swap3A_303 = vector.shape_cast %min3A_297 : vector<16xi32> to vector<1x16xi32>
    tpu.vector_store %arg5[%swap3A_299, %swap3A_300], %swap3A_303 {strides = array<i32>} : memref<6x64xi32, #tpu.memory_space<vmem>>, vector<1x16xi32>,
    %get3A_304 = arith.constant 4 : i32
    %get3A_305 = arith.index_cast %get3A_304 : i32 to index
    %get3A_306 = arith.constant 32 : index
    %get3A_307 = tpu.vector_load %arg5[%get3A_305, %get3A_306] {strides = array<i32>} : memref<6x64xi32, #tpu.memory_space<vmem>>, vector<1x16xi32>,
    %get3A_308 = vector.shape_cast %get3A_307 : vector<1x16xi32> to vector<16xi32>
    %jit3A_309 = arith.constant 0 : i32
    %jit3A_310 = arith.constant 8191 : i32
    %max3A_311 = vector.broadcast %jit3A_309 : i32 to vector<16xi32>
    %max3A_312 = arith.maxsi %max3A_311, %get3A_308 : vector<16xi32>
    %min3A_313 = vector.broadcast %jit3A_310 : i32 to vector<16xi32>
    %min3A_314 = arith.minsi %min3A_313, %max3A_312 : vector<16xi32>
    %swap3A_315 = arith.constant 4 : i32
    %swap3A_316 = arith.index_cast %swap3A_315 : i32 to index
    %swap3A_317 = arith.constant 32 : index
    %swap3A_318 = tpu.vector_load %arg5[%swap3A_316, %swap3A_317] {strides = array<i32>} : memref<6x64xi32, #tpu.memory_space<vmem>>, vector<1x16xi32>,
    %swap3A_319 = vector.shape_cast %swap3A_318 : vector<1x16xi32> to vector<16xi32>
    %swap3A_320 = vector.shape_cast %min3A_314 : vector<16xi32> to vector<1x16xi32>
    tpu.vector_store %arg5[%swap3A_316, %swap3A_317], %swap3A_320 {strides = array<i32>} : memref<6x64xi32, #tpu.memory_space<vmem>>, vector<1x16xi32>,
    %get3A_321 = arith.constant 4 : i32
    %get3A_322 = arith.index_cast %get3A_321 : i32 to index
    %get3A_323 = arith.constant 48 : index
    %get3A_324 = tpu.vector_load %arg5[%get3A_322, %get3A_323] {strides = array<i32>} : memref<6x64xi32, #tpu.memory_space<vmem>>, vector<1x16xi32>,
    %get3A_325 = vector.shape_cast %get3A_324 : vector<1x16xi32> to vector<16xi32>
    %jit3A_326 = arith.constant 0 : i32
    %jit3A_327 = arith.constant 8191 : i32
    %max3A_328 = vector.broadcast %jit3A_326 : i32 to vector<16xi32>
    %max3A_329 = arith.maxsi %max3A_328, %get3A_325 : vector<16xi32>
    %min3A_330 = vector.broadcast %jit3A_327 : i32 to vector<16xi32>
    %min3A_331 = arith.minsi %min3A_330, %max3A_329 : vector<16xi32>
    %swap3A_332 = arith.constant 4 : i32
    %swap3A_333 = arith.index_cast %swap3A_332 : i32 to index
    %swap3A_334 = arith.constant 48 : index
    %swap3A_335 = tpu.vector_load %arg5[%swap3A_333, %swap3A_334] {strides = array<i32>} : memref<6x64xi32, #tpu.memory_space<vmem>>, vector<1x16xi32>,
    %swap3A_336 = vector.shape_cast %swap3A_335 : vector<1x16xi32> to vector<16xi32>
    %swap3A_337 = vector.shape_cast %min3A_331 : vector<16xi32> to vector<1x16xi32>
    tpu.vector_store %arg5[%swap3A_333, %swap3A_334], %swap3A_337 {strides = array<i32>} : memref<6x64xi32, #tpu.memory_space<vmem>>, vector<1x16xi32>,
    %get3A_338 = arith.constant 5 : i32
    %get3A_339 = arith.index_cast %get3A_338 : i32 to index
    %get3A_340 = arith.constant 0 : index
    %get3A_341 = tpu.vector_load %arg5[%get3A_339, %get3A_340] {strides = array<i32>} : memref<6x64xi32, #tpu.memory_space<vmem>>, vector<1x16xi32>,
    %get3A_342 = vector.shape_cast %get3A_341 : vector<1x16xi32> to vector<16xi32>
    %jit3A_343 = arith.constant 0 : i32
    %jit3A_344 = arith.constant 8191 : i32
    %max3A_345 = vector.broadcast %jit3A_343 : i32 to vector<16xi32>
    %max3A_346 = arith.maxsi %max3A_345, %get3A_342 : vector<16xi32>
    %min3A_347 = vector.broadcast %jit3A_344 : i32 to vector<16xi32>
    %min3A_348 = arith.minsi %min3A_347, %max3A_346 : vector<16xi32>
    %swap3A_349 = arith.constant 5 : i32
    %swap3A_350 = arith.index_cast %swap3A_349 : i32 to index
    %swap3A_351 = arith.constant 0 : index
    %swap3A_352 = tpu.vector_load %arg5[%swap3A_350, %swap3A_351] {strides = array<i32>} : memref<6x64xi32, #tpu.memory_space<vmem>>, vector<1x16xi32>,
    %swap3A_353 = vector.shape_cast %swap3A_352 : vector<1x16xi32> to vector<16xi32>
    %swap3A_354 = vector.shape_cast %min3A_348 : vector<16xi32> to vector<1x16xi32>
    tpu.vector_store %arg5[%swap3A_350, %swap3A_351], %swap3A_354 {strides = array<i32>} : memref<6x64xi32, #tpu.memory_space<vmem>>, vector<1x16xi32>,
    %get3A_355 = arith.constant 5 : i32
    %get3A_356 = arith.index_cast %get3A_355 : i32 to index
    %get3A_357 = arith.constant 16 : index
    %get3A_358 = tpu.vector_load %arg5[%get3A_356, %get3A_357] {strides = array<i32>} : memref<6x64xi32, #tpu.memory_space<vmem>>, vector<1x16xi32>,
    %get3A_359 = vector.shape_cast %get3A_358 : vector<1x16xi32> to vector<16xi32>
    %jit3A_360 = arith.constant 0 : i32
    %jit3A_361 = arith.constant 8191 : i32
    %max3A_362 = vector.broadcast %jit3A_360 : i32 to vector<16xi32>
    %max3A_363 = arith.maxsi %max3A_362, %get3A_359 : vector<16xi32>
    %min3A_364 = vector.broadcast %jit3A_361 : i32 to vector<16xi32>
    %min3A_365 = arith.minsi %min3A_364, %max3A_363 : vector<16xi32>
    %swap3A_366 = arith.constant 5 : i32
    %swap3A_367 = arith.index_cast %swap3A_366 : i32 to index
    %swap3A_368 = arith.constant 16 : index
    %swap3A_369 = tpu.vector_load %arg5[%swap3A_367, %swap3A_368] {strides = array<i32>} : memref<6x64xi32, #tpu.memory_space<vmem>>, vector<1x16xi32>,
    %swap3A_370 = vector.shape_cast %swap3A_369 : vector<1x16xi32> to vector<16xi32>
    %swap3A_371 = vector.shape_cast %min3A_365 : vector<16xi32> to vector<1x16xi32>
    tpu.vector_store %arg5[%swap3A_367, %swap3A_368], %swap3A_371 {strides = array<i32>} : memref<6x64xi32, #tpu.memory_space<vmem>>, vector<1x16xi32>,
    %get3A_372 = arith.constant 5 : i32
    %get3A_373 = arith.index_cast %get3A_372 : i32 to index
    %get3A_374 = arith.constant 32 : index
    %get3A_375 = tpu.vector_load %arg5[%get3A_373, %get3A_374] {strides = array<i32>} : memref<6x64xi32, #tpu.memory_space<vmem>>, vector<1x16xi32>,
    %get3A_376 = vector.shape_cast %get3A_375 : vector<1x16xi32> to vector<16xi32>
    %jit3A_377 = arith.constant 0 : i32
    %jit3A_378 = arith.constant 8191 : i32
    %max3A_379 = vector.broadcast %jit3A_377 : i32 to vector<16xi32>
    %max3A_380 = arith.maxsi %max3A_379, %get3A_376 : vector<16xi32>
    %min3A_381 = vector.broadcast %jit3A_378 : i32 to vector<16xi32>
    %min3A_382 = arith.minsi %min3A_381, %max3A_380 : vector<16xi32>
    %swap3A_383 = arith.constant 5 : i32
    %swap3A_384 = arith.index_cast %swap3A_383 : i32 to index
    %swap3A_385 = arith.constant 32 : index
    %swap3A_386 = tpu.vector_load %arg5[%swap3A_384, %swap3A_385] {strides = array<i32>} : memref<6x64xi32, #tpu.memory_space<vmem>>, vector<1x16xi32>,
    %swap3A_387 = vector.shape_cast %swap3A_386 : vector<1x16xi32> to vector<16xi32>
    %swap3A_388 = vector.shape_cast %min3A_382 : vector<16xi32> to vector<1x16xi32>
    tpu.vector_store %arg5[%swap3A_384, %swap3A_385], %swap3A_388 {strides = array<i32>} : memref<6x64xi32, #tpu.memory_space<vmem>>, vector<1x16xi32>,
    %get3A_389 = arith.constant 5 : i32
    %get3A_390 = arith.index_cast %get3A_389 : i32 to index
    %get3A_391 = arith.constant 48 : index
    %get3A_392 = tpu.vector_load %arg5[%get3A_390, %get3A_391] {strides = array<i32>} : memref<6x64xi32, #tpu.memory_space<vmem>>, vector<1x16xi32>,
    %get3A_393 = vector.shape_cast %get3A_392 : vector<1x16xi32> to vector<16xi32>
    %jit3A_394 = arith.constant 0 : i32
    %jit3A_395 = arith.constant 8191 : i32
    %max3A_396 = vector.broadcast %jit3A_394 : i32 to vector<16xi32>
    %max3A_397 = arith.maxsi %max3A_396, %get3A_393 : vector<16xi32>
    %min3A_398 = vector.broadcast %jit3A_395 : i32 to vector<16xi32>
    %min3A_399 = arith.minsi %min3A_398, %max3A_397 : vector<16xi32>
    %swap3A_400 = arith.constant 5 : i32
    %swap3A_401 = arith.index_cast %swap3A_400 : i32 to index
    %swap3A_402 = arith.constant 48 : index
    %swap3A_403 = tpu.vector_load %arg5[%swap3A_401, %swap3A_402] {strides = array<i32>} : memref<6x64xi32, #tpu.memory_space<vmem>>, vector<1x16xi32>,
    %swap3A_404 = vector.shape_cast %swap3A_403 : vector<1x16xi32> to vector<16xi32>
    %swap3A_405 = vector.shape_cast %min3A_399 : vector<16xi32> to vector<1x16xi32>
    tpu.vector_store %arg5[%swap3A_401, %swap3A_402], %swap3A_405 {strides = array<i32>} : memref<6x64xi32, #tpu.memory_space<vmem>>, vector<1x16xi32>,
    %dma_start3A = arith.constant 0 : i32
    %dma_start3A_406 = arith.constant 0 : i32
    %dma_start3A_407 = arith.constant 0 : i32
    %dma_start3A_408 = arith.constant 0 : i32
    %dma_start3A_409 = tpu.memref_slice %arg6[%dma_start3A_406, %dma_start3A_407, %dma_start3A_408] : memref<2x64x768xf32, #tpu.memory_space<vmem>> -> memref<1x64x768xf32, #tpu.memory_space<vmem>>
    %dma_start3A_410 = tpu.memref_squeeze %dma_start3A_409 : memref<1x64x768xf32, #tpu.memory_space<vmem>> -> memref<64x768xf32, #tpu.memory_space<vmem>>
    %dma_start3A_411 = arith.constant 0 : i32
    %dma_start3A_412 = tpu.memref_slice %arg5[%dma_start3A, %dma_start3A_411] : memref<6x64xi32, #tpu.memory_space<vmem>> -> memref<1x64xi32, #tpu.memory_space<vmem>>
    %dma_start3A_413 = tpu.memref_squeeze %dma_start3A_412 : memref<1x64xi32, #tpu.memory_space<vmem>> -> memref<64xi32, #tpu.memory_space<vmem>>
    %dma_start3A_414 = arith.constant 0 : i32
    %dma_start3A_415 = arith.constant 0 : i32
    %dma_start3A_416 = tpu.memref_slice %arg2[%dma_start3A_414, %dma_start3A_415] : memref<8192x768xf32, #tpu.memory_space<hbm>> -> memref<8192x768xf32, #tpu.memory_space<hbm>>
    tpu.enqueue_indirect_dma source(%dma_start3A_416 : memref<8192x768xf32, #tpu.memory_space<hbm>>) target(%dma_start3A_410 : memref<64x768xf32, #tpu.memory_space<vmem>>) offsets(%dma_start3A_413 : memref<64xi32, #tpu.memory_space<vmem>>) semaphore(%arg7 : memref<!tpu.dma_semaphore, #tpu.memory_space<semaphore_mem>>)
    %dma_wait3A = arith.constant 0 : i32
    %dma_wait3A_417 = arith.constant 0 : i32
    %dma_wait3A_418 = arith.constant 0 : i32
    %dma_wait3A_419 = arith.constant 0 : i32
    %dma_wait3A_420 = tpu.memref_slice %arg6[%dma_wait3A_417, %dma_wait3A_418, %dma_wait3A_419] : memref<2x64x768xf32, #tpu.memory_space<vmem>> -> memref<1x64x768xf32, #tpu.memory_space<vmem>>
    %dma_wait3A_421 = tpu.memref_squeeze %dma_wait3A_420 : memref<1x64x768xf32, #tpu.memory_space<vmem>> -> memref<64x768xf32, #tpu.memory_space<vmem>>
    %dma_wait3A_422 = arith.constant 0 : i32
    %dma_wait3A_423 = tpu.memref_slice %arg5[%dma_wait3A, %dma_wait3A_422] : memref<6x64xi32, #tpu.memory_space<vmem>> -> memref<1x64xi32, #tpu.memory_space<vmem>>
    %dma_wait3A_424 = tpu.memref_squeeze %dma_wait3A_423 : memref<1x64xi32, #tpu.memory_space<vmem>> -> memref<64xi32, #tpu.memory_space<vmem>>
    %dma_wait3A_425 = arith.constant 0 : i32
    %dma_wait3A_426 = arith.constant 0 : i32
    %dma_wait3A_427 = tpu.memref_slice %arg2[%dma_wait3A_425, %dma_wait3A_426] : memref<8192x768xf32, #tpu.memory_space<hbm>> -> memref<8192x768xf32, #tpu.memory_space<hbm>>
    tpu.wait_indirect_dma semaphore(%arg7 : memref<!tpu.dma_semaphore, #tpu.memory_space<semaphore_mem>>) src(%dma_wait3A_427 : memref<8192x768xf32, #tpu.memory_space<hbm>>) dst(%dma_wait3A_421 : memref<64x768xf32, #tpu.memory_space<vmem>>)
    %add3A_428 = arith.constant 0 : i32
    %add3A_429 = arith.addi %mul3A_2, %add3A_428 : i32
    %dma_start3A_430 = arith.constant 0 : i32
    %dma_start3A_431 = arith.constant 0 : i32
    %dma_start3A_432 = arith.constant 0 : i32
    %dma_start3A_433 = tpu.memref_slice %arg6[%dma_start3A_430, %dma_start3A_431, %dma_start3A_432] : memref<2x64x768xf32, #tpu.memory_space<vmem>> -> memref<1x64x768xf32, #tpu.memory_space<vmem>>
    %dma_start3A_434 = tpu.memref_squeeze %dma_start3A_433 : memref<1x64x768xf32, #tpu.memory_space<vmem>> -> memref<64x768xf32, #tpu.memory_space<vmem>>
    %dma_start3A_435 = arith.constant 0 : i32
    %dma_start3A_436 = tpu.memref_slice %arg4[%add3A_429, %dma_start3A_435] : memref<12288x768xf32, #tpu.memory_space<hbm>> -> memref<64x768xf32, #tpu.memory_space<hbm>>
    %dma_start3A_437 = arith.constant 0 : i32
    %dma_start3A_438 = tpu.memref_slice %arg4[%add3A_429, %dma_start3A_437] : memref<12288x768xf32, #tpu.memory_space<hbm>> -> memref<64x768xf32, #tpu.memory_space<hbm>>
    %dma_start3A_439 = arith.constant 0 : i32
    %dma_start3A_440 = arith.constant 0 : i32
    %dma_start3A_441 = tpu.memref_slice %arg6[%dma_start3A_430, %dma_start3A_439, %dma_start3A_440] : memref<2x64x768xf32, #tpu.memory_space<vmem>> -> memref<1x64x768xf32, #tpu.memory_space<vmem>>
    %dma_start3A_442 = tpu.memref_squeeze %dma_start3A_441 : memref<1x64x768xf32, #tpu.memory_space<vmem>> -> memref<64x768xf32, #tpu.memory_space<vmem>>
    tpu.enqueue_dma source(%dma_start3A_442 : memref<64x768xf32, #tpu.memory_space<vmem>>) target(%dma_start3A_438 : memref<64x768xf32, #tpu.memory_space<hbm>>) target_semaphore(%arg8 : memref<!tpu.dma_semaphore, #tpu.memory_space<semaphore_mem>>)
    %dma_start3A_443 = arith.constant 1 : i32
    %dma_start3A_444 = arith.constant 1 : i32
    %dma_start3A_445 = arith.constant 0 : i32
    %dma_start3A_446 = arith.constant 0 : i32
    %dma_start3A_447 = tpu.memref_slice %arg6[%dma_start3A_444, %dma_start3A_445, %dma_start3A_446] : memref<2x64x768xf32, #tpu.memory_space<vmem>> -> memref<1x64x768xf32, #tpu.memory_space<vmem>>
    %dma_start3A_448 = tpu.memref_squeeze %dma_start3A_447 : memref<1x64x768xf32, #tpu.memory_space<vmem>> -> memref<64x768xf32, #tpu.memory_space<vmem>>
    %dma_start3A_449 = arith.constant 0 : i32
    %dma_start3A_450 = tpu.memref_slice %arg5[%dma_start3A_443, %dma_start3A_449] : memref<6x64xi32, #tpu.memory_space<vmem>> -> memref<1x64xi32, #tpu.memory_space<vmem>>
    %dma_start3A_451 = tpu.memref_squeeze %dma_start3A_450 : memref<1x64xi32, #tpu.memory_space<vmem>> -> memref<64xi32, #tpu.memory_space<vmem>>
    %dma_start3A_452 = arith.constant 0 : i32
    %dma_start3A_453 = arith.constant 0 : i32
    %dma_start3A_454 = tpu.memref_slice %arg2[%dma_start3A_452, %dma_start3A_453] : memref<8192x768xf32, #tpu.memory_space<hbm>> -> memref<8192x768xf32, #tpu.memory_space<hbm>>
    tpu.enqueue_indirect_dma source(%dma_start3A_454 : memref<8192x768xf32, #tpu.memory_space<hbm>>) target(%dma_start3A_448 : memref<64x768xf32, #tpu.memory_space<vmem>>) offsets(%dma_start3A_451 : memref<64xi32, #tpu.memory_space<vmem>>) semaphore(%arg7 : memref<!tpu.dma_semaphore, #tpu.memory_space<semaphore_mem>>)
    %dma_wait3A_455 = arith.constant 1 : i32
    %dma_wait3A_456 = arith.constant 1 : i32
    %dma_wait3A_457 = arith.constant 0 : i32
    %dma_wait3A_458 = arith.constant 0 : i32
    %dma_wait3A_459 = tpu.memref_slice %arg6[%dma_wait3A_456, %dma_wait3A_457, %dma_wait3A_458] : memref<2x64x768xf32, #tpu.memory_space<vmem>> -> memref<1x64x768xf32, #tpu.memory_space<vmem>>
    %dma_wait3A_460 = tpu.memref_squeeze %dma_wait3A_459 : memref<1x64x768xf32, #tpu.memory_space<vmem>> -> memref<64x768xf32, #tpu.memory_space<vmem>>
    %dma_wait3A_461 = arith.constant 0 : i32
    %dma_wait3A_462 = tpu.memref_slice %arg5[%dma_wait3A_455, %dma_wait3A_461] : memref<6x64xi32, #tpu.memory_space<vmem>> -> memref<1x64xi32, #tpu.memory_space<vmem>>
    %dma_wait3A_463 = tpu.memref_squeeze %dma_wait3A_462 : memref<1x64xi32, #tpu.memory_space<vmem>> -> memref<64xi32, #tpu.memory_space<vmem>>
    %dma_wait3A_464 = arith.constant 0 : i32
    %dma_wait3A_465 = arith.constant 0 : i32
    %dma_wait3A_466 = tpu.memref_slice %arg2[%dma_wait3A_464, %dma_wait3A_465] : memref<8192x768xf32, #tpu.memory_space<hbm>> -> memref<8192x768xf32, #tpu.memory_space<hbm>>
    tpu.wait_indirect_dma semaphore(%arg7 : memref<!tpu.dma_semaphore, #tpu.memory_space<semaphore_mem>>) src(%dma_wait3A_466 : memref<8192x768xf32, #tpu.memory_space<hbm>>) dst(%dma_wait3A_460 : memref<64x768xf32, #tpu.memory_space<vmem>>)
    %add3A_467 = arith.constant 64 : i32
    %add3A_468 = arith.addi %mul3A_2, %add3A_467 : i32
    %dma_start3A_469 = arith.constant 1 : i32
    %dma_start3A_470 = arith.constant 0 : i32
    %dma_start3A_471 = arith.constant 0 : i32
    %dma_start3A_472 = tpu.memref_slice %arg6[%dma_start3A_469, %dma_start3A_470, %dma_start3A_471] : memref<2x64x768xf32, #tpu.memory_space<vmem>> -> memref<1x64x768xf32, #tpu.memory_space<vmem>>
    %dma_start3A_473 = tpu.memref_squeeze %dma_start3A_472 : memref<1x64x768xf32, #tpu.memory_space<vmem>> -> memref<64x768xf32, #tpu.memory_space<vmem>>
    %dma_start3A_474 = arith.constant 0 : i32
    %dma_start3A_475 = tpu.memref_slice %arg4[%add3A_468, %dma_start3A_474] : memref<12288x768xf32, #tpu.memory_space<hbm>> -> memref<64x768xf32, #tpu.memory_space<hbm>>
    %dma_start3A_476 = arith.constant 0 : i32
    %dma_start3A_477 = tpu.memref_slice %arg4[%add3A_468, %dma_start3A_476] : memref<12288x768xf32, #tpu.memory_space<hbm>> -> memref<64x768xf32, #tpu.memory_space<hbm>>
    %dma_start3A_478 = arith.constant 0 : i32
    %dma_start3A_479 = arith.constant 0 : i32
    %dma_start3A_480 = tpu.memref_slice %arg6[%dma_start3A_469, %dma_start3A_478, %dma_start3A_479] : memref<2x64x768xf32, #tpu.memory_space<vmem>> -> memref<1x64x768xf32, #tpu.memory_space<vmem>>
    %dma_start3A_481 = tpu.memref_squeeze %dma_start3A_480 : memref<1x64x768xf32, #tpu.memory_space<vmem>> -> memref<64x768xf32, #tpu.memory_space<vmem>>
    tpu.enqueue_dma source(%dma_start3A_481 : memref<64x768xf32, #tpu.memory_space<vmem>>) target(%dma_start3A_477 : memref<64x768xf32, #tpu.memory_space<hbm>>) target_semaphore(%arg8 : memref<!tpu.dma_semaphore, #tpu.memory_space<semaphore_mem>>)
    %dma_wait3A_482 = arith.constant 0 : i32
    %dma_wait3A_483 = arith.constant 0 : i32
    %dma_wait3A_484 = arith.constant 0 : i32
    %dma_wait3A_485 = tpu.memref_slice %arg6[%dma_wait3A_482, %dma_wait3A_483, %dma_wait3A_484] : memref<2x64x768xf32, #tpu.memory_space<vmem>> -> memref<1x64x768xf32, #tpu.memory_space<vmem>>
    %dma_wait3A_486 = tpu.memref_squeeze %dma_wait3A_485 : memref<1x64x768xf32, #tpu.memory_space<vmem>> -> memref<64x768xf32, #tpu.memory_space<vmem>>
    %dma_wait3A_487 = arith.constant 0 : i32
    %dma_wait3A_488 = tpu.memref_slice %arg4[%add3A_429, %dma_wait3A_487] : memref<12288x768xf32, #tpu.memory_space<hbm>> -> memref<64x768xf32, #tpu.memory_space<hbm>>
    %dma_wait3A_489 = arith.constant 0 : i32
    %dma_wait3A_490 = tpu.memref_slice %arg4[%add3A_429, %dma_wait3A_489] : memref<12288x768xf32, #tpu.memory_space<hbm>> -> memref<64x768xf32, #tpu.memory_space<hbm>>
    %dma_wait3A_491 = arith.constant 0 : i32
    %dma_wait3A_492 = arith.constant 0 : i32
    %dma_wait3A_493 = tpu.memref_slice %arg6[%dma_wait3A_482, %dma_wait3A_491, %dma_wait3A_492] : memref<2x64x768xf32, #tpu.memory_space<vmem>> -> memref<1x64x768xf32, #tpu.memory_space<vmem>>
    %dma_wait3A_494 = tpu.memref_squeeze %dma_wait3A_493 : memref<1x64x768xf32, #tpu.memory_space<vmem>> -> memref<64x768xf32, #tpu.memory_space<vmem>>
    tpu.wait_dma2 semaphore(%arg8 : memref<!tpu.dma_semaphore, #tpu.memory_space<semaphore_mem>>) src(%dma_wait3A_494 : memref<64x768xf32, #tpu.memory_space<vmem>>) dst(%dma_wait3A_490 : memref<64x768xf32, #tpu.memory_space<hbm>>)
    %dma_start3A_495 = arith.constant 2 : i32
    %dma_start3A_496 = arith.constant 0 : i32
    %dma_start3A_497 = arith.constant 0 : i32
    %dma_start3A_498 = arith.constant 0 : i32
    %dma_start3A_499 = tpu.memref_slice %arg6[%dma_start3A_496, %dma_start3A_497, %dma_start3A_498] : memref<2x64x768xf32, #tpu.memory_space<vmem>> -> memref<1x64x768xf32, #tpu.memory_space<vmem>>
    %dma_start3A_500 = tpu.memref_squeeze %dma_start3A_499 : memref<1x64x768xf32, #tpu.memory_space<vmem>> -> memref<64x768xf32, #tpu.memory_space<vmem>>
    %dma_start3A_501 = arith.constant 0 : i32
    %dma_start3A_502 = tpu.memref_slice %arg5[%dma_start3A_495, %dma_start3A_501] : memref<6x64xi32, #tpu.memory_space<vmem>> -> memref<1x64xi32, #tpu.memory_space<vmem>>
    %dma_start3A_503 = tpu.memref_squeeze %dma_start3A_502 : memref<1x64xi32, #tpu.memory_space<vmem>> -> memref<64xi32, #tpu.memory_space<vmem>>
    %dma_start3A_504 = arith.constant 0 : i32
    %dma_start3A_505 = arith.constant 0 : i32
    %dma_start3A_506 = tpu.memref_slice %arg2[%dma_start3A_504, %dma_start3A_505] : memref<8192x768xf32, #tpu.memory_space<hbm>> -> memref<8192x768xf32, #tpu.memory_space<hbm>>
    tpu.enqueue_indirect_dma source(%dma_start3A_506 : memref<8192x768xf32, #tpu.memory_space<hbm>>) target(%dma_start3A_500 : memref<64x768xf32, #tpu.memory_space<vmem>>) offsets(%dma_start3A_503 : memref<64xi32, #tpu.memory_space<vmem>>) semaphore(%arg7 : memref<!tpu.dma_semaphore, #tpu.memory_space<semaphore_mem>>)
    %dma_wait3A_507 = arith.constant 2 : i32
    %dma_wait3A_508 = arith.constant 0 : i32
    %dma_wait3A_509 = arith.constant 0 : i32
    %dma_wait3A_510 = arith.constant 0 : i32
    %dma_wait3A_511 = tpu.memref_slice %arg6[%dma_wait3A_508, %dma_wait3A_509, %dma_wait3A_510] : memref<2x64x768xf32, #tpu.memory_space<vmem>> -> memref<1x64x768xf32, #tpu.memory_space<vmem>>
    %dma_wait3A_512 = tpu.memref_squeeze %dma_wait3A_511 : memref<1x64x768xf32, #tpu.memory_space<vmem>> -> memref<64x768xf32, #tpu.memory_space<vmem>>
    %dma_wait3A_513 = arith.constant 0 : i32
    %dma_wait3A_514 = tpu.memref_slice %arg5[%dma_wait3A_507, %dma_wait3A_513] : memref<6x64xi32, #tpu.memory_space<vmem>> -> memref<1x64xi32, #tpu.memory_space<vmem>>
    %dma_wait3A_515 = tpu.memref_squeeze %dma_wait3A_514 : memref<1x64xi32, #tpu.memory_space<vmem>> -> memref<64xi32, #tpu.memory_space<vmem>>
    %dma_wait3A_516 = arith.constant 0 : i32
    %dma_wait3A_517 = arith.constant 0 : i32
    %dma_wait3A_518 = tpu.memref_slice %arg2[%dma_wait3A_516, %dma_wait3A_517] : memref<8192x768xf32, #tpu.memory_space<hbm>> -> memref<8192x768xf32, #tpu.memory_space<hbm>>
    tpu.wait_indirect_dma semaphore(%arg7 : memref<!tpu.dma_semaphore, #tpu.memory_space<semaphore_mem>>) src(%dma_wait3A_518 : memref<8192x768xf32, #tpu.memory_space<hbm>>) dst(%dma_wait3A_512 : memref<64x768xf32, #tpu.memory_space<vmem>>)
    %add3A_519 = arith.constant 128 : i32
    %add3A_520 = arith.addi %mul3A_2, %add3A_519 : i32
    %dma_start3A_521 = arith.constant 0 : i32
    %dma_start3A_522 = arith.constant 0 : i32
    %dma_start3A_523 = arith.constant 0 : i32
    %dma_start3A_524 = tpu.memref_slice %arg6[%dma_start3A_521, %dma_start3A_522, %dma_start3A_523] : memref<2x64x768xf32, #tpu.memory_space<vmem>> -> memref<1x64x768xf32, #tpu.memory_space<vmem>>
    %dma_start3A_525 = tpu.memref_squeeze %dma_start3A_524 : memref<1x64x768xf32, #tpu.memory_space<vmem>> -> memref<64x768xf32, #tpu.memory_space<vmem>>
    %dma_start3A_526 = arith.constant 0 : i32
    %dma_start3A_527 = tpu.memref_slice %arg4[%add3A_520, %dma_start3A_526] : memref<12288x768xf32, #tpu.memory_space<hbm>> -> memref<64x768xf32, #tpu.memory_space<hbm>>
    %dma_start3A_528 = arith.constant 0 : i32
    %dma_start3A_529 = tpu.memref_slice %arg4[%add3A_520, %dma_start3A_528] : memref<12288x768xf32, #tpu.memory_space<hbm>> -> memref<64x768xf32, #tpu.memory_space<hbm>>
    %dma_start3A_530 = arith.constant 0 : i32
    %dma_start3A_531 = arith.constant 0 : i32
    %dma_start3A_532 = tpu.memref_slice %arg6[%dma_start3A_521, %dma_start3A_530, %dma_start3A_531] : memref<2x64x768xf32, #tpu.memory_space<vmem>> -> memref<1x64x768xf32, #tpu.memory_space<vmem>>
    %dma_start3A_533 = tpu.memref_squeeze %dma_start3A_532 : memref<1x64x768xf32, #tpu.memory_space<vmem>> -> memref<64x768xf32, #tpu.memory_space<vmem>>
    tpu.enqueue_dma source(%dma_start3A_533 : memref<64x768xf32, #tpu.memory_space<vmem>>) target(%dma_start3A_529 : memref<64x768xf32, #tpu.memory_space<hbm>>) target_semaphore(%arg8 : memref<!tpu.dma_semaphore, #tpu.memory_space<semaphore_mem>>)
    %dma_wait3A_534 = arith.constant 1 : i32
    %dma_wait3A_535 = arith.constant 0 : i32
    %dma_wait3A_536 = arith.constant 0 : i32
    %dma_wait3A_537 = tpu.memref_slice %arg6[%dma_wait3A_534, %dma_wait3A_535, %dma_wait3A_536] : memref<2x64x768xf32, #tpu.memory_space<vmem>> -> memref<1x64x768xf32, #tpu.memory_space<vmem>>
    %dma_wait3A_538 = tpu.memref_squeeze %dma_wait3A_537 : memref<1x64x768xf32, #tpu.memory_space<vmem>> -> memref<64x768xf32, #tpu.memory_space<vmem>>
    %dma_wait3A_539 = arith.constant 0 : i32
    %dma_wait3A_540 = tpu.memref_slice %arg4[%add3A_468, %dma_wait3A_539] : memref<12288x768xf32, #tpu.memory_space<hbm>> -> memref<64x768xf32, #tpu.memory_space<hbm>>
    %dma_wait3A_541 = arith.constant 0 : i32
    %dma_wait3A_542 = tpu.memref_slice %arg4[%add3A_468, %dma_wait3A_541] : memref<12288x768xf32, #tpu.memory_space<hbm>> -> memref<64x768xf32, #tpu.memory_space<hbm>>
    %dma_wait3A_543 = arith.constant 0 : i32
    %dma_wait3A_544 = arith.constant 0 : i32
    %dma_wait3A_545 = tpu.memref_slice %arg6[%dma_wait3A_534, %dma_wait3A_543, %dma_wait3A_544] : memref<2x64x768xf32, #tpu.memory_space<vmem>> -> memref<1x64x768xf32, #tpu.memory_space<vmem>>
    %dma_wait3A_546 = tpu.memref_squeeze %dma_wait3A_545 : memref<1x64x768xf32, #tpu.memory_space<vmem>> -> memref<64x768xf32, #tpu.memory_space<vmem>>
    tpu.wait_dma2 semaphore(%arg8 : memref<!tpu.dma_semaphore, #tpu.memory_space<semaphore_mem>>) src(%dma_wait3A_546 : memref<64x768xf32, #tpu.memory_space<vmem>>) dst(%dma_wait3A_542 : memref<64x768xf32, #tpu.memory_space<hbm>>)
    %dma_start3A_547 = arith.constant 3 : i32
    %dma_start3A_548 = arith.constant 1 : i32
    %dma_start3A_549 = arith.constant 0 : i32
    %dma_start3A_550 = arith.constant 0 : i32
    %dma_start3A_551 = tpu.memref_slice %arg6[%dma_start3A_548, %dma_start3A_549, %dma_start3A_550] : memref<2x64x768xf32, #tpu.memory_space<vmem>> -> memref<1x64x768xf32, #tpu.memory_space<vmem>>
    %dma_start3A_552 = tpu.memref_squeeze %dma_start3A_551 : memref<1x64x768xf32, #tpu.memory_space<vmem>> -> memref<64x768xf32, #tpu.memory_space<vmem>>
    %dma_start3A_553 = arith.constant 0 : i32
    %dma_start3A_554 = tpu.memref_slice %arg5[%dma_start3A_547, %dma_start3A_553] : memref<6x64xi32, #tpu.memory_space<vmem>> -> memref<1x64xi32, #tpu.memory_space<vmem>>
    %dma_start3A_555 = tpu.memref_squeeze %dma_start3A_554 : memref<1x64xi32, #tpu.memory_space<vmem>> -> memref<64xi32, #tpu.memory_space<vmem>>
    %dma_start3A_556 = arith.constant 0 : i32
    %dma_start3A_557 = arith.constant 0 : i32
    %dma_start3A_558 = tpu.memref_slice %arg2[%dma_start3A_556, %dma_start3A_557] : memref<8192x768xf32, #tpu.memory_space<hbm>> -> memref<8192x768xf32, #tpu.memory_space<hbm>>
    tpu.enqueue_indirect_dma source(%dma_start3A_558 : memref<8192x768xf32, #tpu.memory_space<hbm>>) target(%dma_start3A_552 : memref<64x768xf32, #tpu.memory_space<vmem>>) offsets(%dma_start3A_555 : memref<64xi32, #tpu.memory_space<vmem>>) semaphore(%arg7 : memref<!tpu.dma_semaphore, #tpu.memory_space<semaphore_mem>>)
    %dma_wait3A_559 = arith.constant 3 : i32
    %dma_wait3A_560 = arith.constant 1 : i32
    %dma_wait3A_561 = arith.constant 0 : i32
    %dma_wait3A_562 = arith.constant 0 : i32
    %dma_wait3A_563 = tpu.memref_slice %arg6[%dma_wait3A_560, %dma_wait3A_561, %dma_wait3A_562] : memref<2x64x768xf32, #tpu.memory_space<vmem>> -> memref<1x64x768xf32, #tpu.memory_space<vmem>>
    %dma_wait3A_564 = tpu.memref_squeeze %dma_wait3A_563 : memref<1x64x768xf32, #tpu.memory_space<vmem>> -> memref<64x768xf32, #tpu.memory_space<vmem>>
    %dma_wait3A_565 = arith.constant 0 : i32
    %dma_wait3A_566 = tpu.memref_slice %arg5[%dma_wait3A_559, %dma_wait3A_565] : memref<6x64xi32, #tpu.memory_space<vmem>> -> memref<1x64xi32, #tpu.memory_space<vmem>>
    %dma_wait3A_567 = tpu.memref_squeeze %dma_wait3A_566 : memref<1x64xi32, #tpu.memory_space<vmem>> -> memref<64xi32, #tpu.memory_space<vmem>>
    %dma_wait3A_568 = arith.constant 0 : i32
    %dma_wait3A_569 = arith.constant 0 : i32
    %dma_wait3A_570 = tpu.memref_slice %arg2[%dma_wait3A_568, %dma_wait3A_569] : memref<8192x768xf32, #tpu.memory_space<hbm>> -> memref<8192x768xf32, #tpu.memory_space<hbm>>
    tpu.wait_indirect_dma semaphore(%arg7 : memref<!tpu.dma_semaphore, #tpu.memory_space<semaphore_mem>>) src(%dma_wait3A_570 : memref<8192x768xf32, #tpu.memory_space<hbm>>) dst(%dma_wait3A_564 : memref<64x768xf32, #tpu.memory_space<vmem>>)
    %add3A_571 = arith.constant 192 : i32
    %add3A_572 = arith.addi %mul3A_2, %add3A_571 : i32
    %dma_start3A_573 = arith.constant 1 : i32
    %dma_start3A_574 = arith.constant 0 : i32
    %dma_start3A_575 = arith.constant 0 : i32
    %dma_start3A_576 = tpu.memref_slice %arg6[%dma_start3A_573, %dma_start3A_574, %dma_start3A_575] : memref<2x64x768xf32, #tpu.memory_space<vmem>> -> memref<1x64x768xf32, #tpu.memory_space<vmem>>
    %dma_start3A_577 = tpu.memref_squeeze %dma_start3A_576 : memref<1x64x768xf32, #tpu.memory_space<vmem>> -> memref<64x768xf32, #tpu.memory_space<vmem>>
    %dma_start3A_578 = arith.constant 0 : i32
    %dma_start3A_579 = tpu.memref_slice %arg4[%add3A_572, %dma_start3A_578] : memref<12288x768xf32, #tpu.memory_space<hbm>> -> memref<64x768xf32, #tpu.memory_space<hbm>>
    %dma_start3A_580 = arith.constant 0 : i32
    %dma_start3A_581 = tpu.memref_slice %arg4[%add3A_572, %dma_start3A_580] : memref<12288x768xf32, #tpu.memory_space<hbm>> -> memref<64x768xf32, #tpu.memory_space<hbm>>
    %dma_start3A_582 = arith.constant 0 : i32
    %dma_start3A_583 = arith.constant 0 : i32
    %dma_start3A_584 = tpu.memref_slice %arg6[%dma_start3A_573, %dma_start3A_582, %dma_start3A_583] : memref<2x64x768xf32, #tpu.memory_space<vmem>> -> memref<1x64x768xf32, #tpu.memory_space<vmem>>
    %dma_start3A_585 = tpu.memref_squeeze %dma_start3A_584 : memref<1x64x768xf32, #tpu.memory_space<vmem>> -> memref<64x768xf32, #tpu.memory_space<vmem>>
    tpu.enqueue_dma source(%dma_start3A_585 : memref<64x768xf32, #tpu.memory_space<vmem>>) target(%dma_start3A_581 : memref<64x768xf32, #tpu.memory_space<hbm>>) target_semaphore(%arg8 : memref<!tpu.dma_semaphore, #tpu.memory_space<semaphore_mem>>)
    %dma_wait3A_586 = arith.constant 0 : i32
    %dma_wait3A_587 = arith.constant 0 : i32
    %dma_wait3A_588 = arith.constant 0 : i32
    %dma_wait3A_589 = tpu.memref_slice %arg6[%dma_wait3A_586, %dma_wait3A_587, %dma_wait3A_588] : memref<2x64x768xf32, #tpu.memory_space<vmem>> -> memref<1x64x768xf32, #tpu.memory_space<vmem>>
    %dma_wait3A_590 = tpu.memref_squeeze %dma_wait3A_589 : memref<1x64x768xf32, #tpu.memory_space<vmem>> -> memref<64x768xf32, #tpu.memory_space<vmem>>
    %dma_wait3A_591 = arith.constant 0 : i32
    %dma_wait3A_592 = tpu.memref_slice %arg4[%add3A_520, %dma_wait3A_591] : memref<12288x768xf32, #tpu.memory_space<hbm>> -> memref<64x768xf32, #tpu.memory_space<hbm>>
    %dma_wait3A_593 = arith.constant 0 : i32
    %dma_wait3A_594 = tpu.memref_slice %arg4[%add3A_520, %dma_wait3A_593] : memref<12288x768xf32, #tpu.memory_space<hbm>> -> memref<64x768xf32, #tpu.memory_space<hbm>>
    %dma_wait3A_595 = arith.constant 0 : i32
    %dma_wait3A_596 = arith.constant 0 : i32
    %dma_wait3A_597 = tpu.memref_slice %arg6[%dma_wait3A_586, %dma_wait3A_595, %dma_wait3A_596] : memref<2x64x768xf32, #tpu.memory_space<vmem>> -> memref<1x64x768xf32, #tpu.memory_space<vmem>>
    %dma_wait3A_598 = tpu.memref_squeeze %dma_wait3A_597 : memref<1x64x768xf32, #tpu.memory_space<vmem>> -> memref<64x768xf32, #tpu.memory_space<vmem>>
    tpu.wait_dma2 semaphore(%arg8 : memref<!tpu.dma_semaphore, #tpu.memory_space<semaphore_mem>>) src(%dma_wait3A_598 : memref<64x768xf32, #tpu.memory_space<vmem>>) dst(%dma_wait3A_594 : memref<64x768xf32, #tpu.memory_space<hbm>>)
    %dma_start3A_599 = arith.constant 4 : i32
    %dma_start3A_600 = arith.constant 0 : i32
    %dma_start3A_601 = arith.constant 0 : i32
    %dma_start3A_602 = arith.constant 0 : i32
    %dma_start3A_603 = tpu.memref_slice %arg6[%dma_start3A_600, %dma_start3A_601, %dma_start3A_602] : memref<2x64x768xf32, #tpu.memory_space<vmem>> -> memref<1x64x768xf32, #tpu.memory_space<vmem>>
    %dma_start3A_604 = tpu.memref_squeeze %dma_start3A_603 : memref<1x64x768xf32, #tpu.memory_space<vmem>> -> memref<64x768xf32, #tpu.memory_space<vmem>>
    %dma_start3A_605 = arith.constant 0 : i32
    %dma_start3A_606 = tpu.memref_slice %arg5[%dma_start3A_599, %dma_start3A_605] : memref<6x64xi32, #tpu.memory_space<vmem>> -> memref<1x64xi32, #tpu.memory_space<vmem>>
    %dma_start3A_607 = tpu.memref_squeeze %dma_start3A_606 : memref<1x64xi32, #tpu.memory_space<vmem>> -> memref<64xi32, #tpu.memory_space<vmem>>
    %dma_start3A_608 = arith.constant 0 : i32
    %dma_start3A_609 = arith.constant 0 : i32
    %dma_start3A_610 = tpu.memref_slice %arg2[%dma_start3A_608, %dma_start3A_609] : memref<8192x768xf32, #tpu.memory_space<hbm>> -> memref<8192x768xf32, #tpu.memory_space<hbm>>
    tpu.enqueue_indirect_dma source(%dma_start3A_610 : memref<8192x768xf32, #tpu.memory_space<hbm>>) target(%dma_start3A_604 : memref<64x768xf32, #tpu.memory_space<vmem>>) offsets(%dma_start3A_607 : memref<64xi32, #tpu.memory_space<vmem>>) semaphore(%arg7 : memref<!tpu.dma_semaphore, #tpu.memory_space<semaphore_mem>>)
    %dma_wait3A_611 = arith.constant 4 : i32
    %dma_wait3A_612 = arith.constant 0 : i32
    %dma_wait3A_613 = arith.constant 0 : i32
    %dma_wait3A_614 = arith.constant 0 : i32
    %dma_wait3A_615 = tpu.memref_slice %arg6[%dma_wait3A_612, %dma_wait3A_613, %dma_wait3A_614] : memref<2x64x768xf32, #tpu.memory_space<vmem>> -> memref<1x64x768xf32, #tpu.memory_space<vmem>>
    %dma_wait3A_616 = tpu.memref_squeeze %dma_wait3A_615 : memref<1x64x768xf32, #tpu.memory_space<vmem>> -> memref<64x768xf32, #tpu.memory_space<vmem>>
    %dma_wait3A_617 = arith.constant 0 : i32
    %dma_wait3A_618 = tpu.memref_slice %arg5[%dma_wait3A_611, %dma_wait3A_617] : memref<6x64xi32, #tpu.memory_space<vmem>> -> memref<1x64xi32, #tpu.memory_space<vmem>>
    %dma_wait3A_619 = tpu.memref_squeeze %dma_wait3A_618 : memref<1x64xi32, #tpu.memory_space<vmem>> -> memref<64xi32, #tpu.memory_space<vmem>>
    %dma_wait3A_620 = arith.constant 0 : i32
    %dma_wait3A_621 = arith.constant 0 : i32
    %dma_wait3A_622 = tpu.memref_slice %arg2[%dma_wait3A_620, %dma_wait3A_621] : memref<8192x768xf32, #tpu.memory_space<hbm>> -> memref<8192x768xf32, #tpu.memory_space<hbm>>
    tpu.wait_indirect_dma semaphore(%arg7 : memref<!tpu.dma_semaphore, #tpu.memory_space<semaphore_mem>>) src(%dma_wait3A_622 : memref<8192x768xf32, #tpu.memory_space<hbm>>) dst(%dma_wait3A_616 : memref<64x768xf32, #tpu.memory_space<vmem>>)
    %add3A_623 = arith.constant 256 : i32
    %add3A_624 = arith.addi %mul3A_2, %add3A_623 : i32
    %dma_start3A_625 = arith.constant 0 : i32
    %dma_start3A_626 = arith.constant 0 : i32
    %dma_start3A_627 = arith.constant 0 : i32
    %dma_start3A_628 = tpu.memref_slice %arg6[%dma_start3A_625, %dma_start3A_626, %dma_start3A_627] : memref<2x64x768xf32, #tpu.memory_space<vmem>> -> memref<1x64x768xf32, #tpu.memory_space<vmem>>
    %dma_start3A_629 = tpu.memref_squeeze %dma_start3A_628 : memref<1x64x768xf32, #tpu.memory_space<vmem>> -> memref<64x768xf32, #tpu.memory_space<vmem>>
    %dma_start3A_630 = arith.constant 0 : i32
    %dma_start3A_631 = tpu.memref_slice %arg4[%add3A_624, %dma_start3A_630] : memref<12288x768xf32, #tpu.memory_space<hbm>> -> memref<64x768xf32, #tpu.memory_space<hbm>>
    %dma_start3A_632 = arith.constant 0 : i32
    %dma_start3A_633 = tpu.memref_slice %arg4[%add3A_624, %dma_start3A_632] : memref<12288x768xf32, #tpu.memory_space<hbm>> -> memref<64x768xf32, #tpu.memory_space<hbm>>
    %dma_start3A_634 = arith.constant 0 : i32
    %dma_start3A_635 = arith.constant 0 : i32
    %dma_start3A_636 = tpu.memref_slice %arg6[%dma_start3A_625, %dma_start3A_634, %dma_start3A_635] : memref<2x64x768xf32, #tpu.memory_space<vmem>> -> memref<1x64x768xf32, #tpu.memory_space<vmem>>
    %dma_start3A_637 = tpu.memref_squeeze %dma_start3A_636 : memref<1x64x768xf32, #tpu.memory_space<vmem>> -> memref<64x768xf32, #tpu.memory_space<vmem>>
    tpu.enqueue_dma source(%dma_start3A_637 : memref<64x768xf32, #tpu.memory_space<vmem>>) target(%dma_start3A_633 : memref<64x768xf32, #tpu.memory_space<hbm>>) target_semaphore(%arg8 : memref<!tpu.dma_semaphore, #tpu.memory_space<semaphore_mem>>)
    %dma_wait3A_638 = arith.constant 1 : i32
    %dma_wait3A_639 = arith.constant 0 : i32
    %dma_wait3A_640 = arith.constant 0 : i32
    %dma_wait3A_641 = tpu.memref_slice %arg6[%dma_wait3A_638, %dma_wait3A_639, %dma_wait3A_640] : memref<2x64x768xf32, #tpu.memory_space<vmem>> -> memref<1x64x768xf32, #tpu.memory_space<vmem>>
    %dma_wait3A_642 = tpu.memref_squeeze %dma_wait3A_641 : memref<1x64x768xf32, #tpu.memory_space<vmem>> -> memref<64x768xf32, #tpu.memory_space<vmem>>
    %dma_wait3A_643 = arith.constant 0 : i32
    %dma_wait3A_644 = tpu.memref_slice %arg4[%add3A_572, %dma_wait3A_643] : memref<12288x768xf32, #tpu.memory_space<hbm>> -> memref<64x768xf32, #tpu.memory_space<hbm>>
    %dma_wait3A_645 = arith.constant 0 : i32
    %dma_wait3A_646 = tpu.memref_slice %arg4[%add3A_572, %dma_wait3A_645] : memref<12288x768xf32, #tpu.memory_space<hbm>> -> memref<64x768xf32, #tpu.memory_space<hbm>>
    %dma_wait3A_647 = arith.constant 0 : i32
    %dma_wait3A_648 = arith.constant 0 : i32
    %dma_wait3A_649 = tpu.memref_slice %arg6[%dma_wait3A_638, %dma_wait3A_647, %dma_wait3A_648] : memref<2x64x768xf32, #tpu.memory_space<vmem>> -> memref<1x64x768xf32, #tpu.memory_space<vmem>>
    %dma_wait3A_650 = tpu.memref_squeeze %dma_wait3A_649 : memref<1x64x768xf32, #tpu.memory_space<vmem>> -> memref<64x768xf32, #tpu.memory_space<vmem>>
    tpu.wait_dma2 semaphore(%arg8 : memref<!tpu.dma_semaphore, #tpu.memory_space<semaphore_mem>>) src(%dma_wait3A_650 : memref<64x768xf32, #tpu.memory_space<vmem>>) dst(%dma_wait3A_646 : memref<64x768xf32, #tpu.memory_space<hbm>>)
    %dma_start3A_651 = arith.constant 5 : i32
    %dma_start3A_652 = arith.constant 1 : i32
    %dma_start3A_653 = arith.constant 0 : i32
    %dma_start3A_654 = arith.constant 0 : i32
    %dma_start3A_655 = tpu.memref_slice %arg6[%dma_start3A_652, %dma_start3A_653, %dma_start3A_654] : memref<2x64x768xf32, #tpu.memory_space<vmem>> -> memref<1x64x768xf32, #tpu.memory_space<vmem>>
    %dma_start3A_656 = tpu.memref_squeeze %dma_start3A_655 : memref<1x64x768xf32, #tpu.memory_space<vmem>> -> memref<64x768xf32, #tpu.memory_space<vmem>>
    %dma_start3A_657 = arith.constant 0 : i32
    %dma_start3A_658 = tpu.memref_slice %arg5[%dma_start3A_651, %dma_start3A_657] : memref<6x64xi32, #tpu.memory_space<vmem>> -> memref<1x64xi32, #tpu.memory_space<vmem>>
    %dma_start3A_659 = tpu.memref_squeeze %dma_start3A_658 : memref<1x64xi32, #tpu.memory_space<vmem>> -> memref<64xi32, #tpu.memory_space<vmem>>
    %dma_start3A_660 = arith.constant 0 : i32
    %dma_start3A_661 = arith.constant 0 : i32
    %dma_start3A_662 = tpu.memref_slice %arg2[%dma_start3A_660, %dma_start3A_661] : memref<8192x768xf32, #tpu.memory_space<hbm>> -> memref<8192x768xf32, #tpu.memory_space<hbm>>
    tpu.enqueue_indirect_dma source(%dma_start3A_662 : memref<8192x768xf32, #tpu.memory_space<hbm>>) target(%dma_start3A_656 : memref<64x768xf32, #tpu.memory_space<vmem>>) offsets(%dma_start3A_659 : memref<64xi32, #tpu.memory_space<vmem>>) semaphore(%arg7 : memref<!tpu.dma_semaphore, #tpu.memory_space<semaphore_mem>>)
    %dma_wait3A_663 = arith.constant 5 : i32
    %dma_wait3A_664 = arith.constant 1 : i32
    %dma_wait3A_665 = arith.constant 0 : i32
    %dma_wait3A_666 = arith.constant 0 : i32
    %dma_wait3A_667 = tpu.memref_slice %arg6[%dma_wait3A_664, %dma_wait3A_665, %dma_wait3A_666] : memref<2x64x768xf32, #tpu.memory_space<vmem>> -> memref<1x64x768xf32, #tpu.memory_space<vmem>>
    %dma_wait3A_668 = tpu.memref_squeeze %dma_wait3A_667 : memref<1x64x768xf32, #tpu.memory_space<vmem>> -> memref<64x768xf32, #tpu.memory_space<vmem>>
    %dma_wait3A_669 = arith.constant 0 : i32
    %dma_wait3A_670 = tpu.memref_slice %arg5[%dma_wait3A_663, %dma_wait3A_669] : memref<6x64xi32, #tpu.memory_space<vmem>> -> memref<1x64xi32, #tpu.memory_space<vmem>>
    %dma_wait3A_671 = tpu.memref_squeeze %dma_wait3A_670 : memref<1x64xi32, #tpu.memory_space<vmem>> -> memref<64xi32, #tpu.memory_space<vmem>>
    %dma_wait3A_672 = arith.constant 0 : i32
    %dma_wait3A_673 = arith.constant 0 : i32
    %dma_wait3A_674 = tpu.memref_slice %arg2[%dma_wait3A_672, %dma_wait3A_673] : memref<8192x768xf32, #tpu.memory_space<hbm>> -> memref<8192x768xf32, #tpu.memory_space<hbm>>
    tpu.wait_indirect_dma semaphore(%arg7 : memref<!tpu.dma_semaphore, #tpu.memory_space<semaphore_mem>>) src(%dma_wait3A_674 : memref<8192x768xf32, #tpu.memory_space<hbm>>) dst(%dma_wait3A_668 : memref<64x768xf32, #tpu.memory_space<vmem>>)
    %add3A_675 = arith.constant 320 : i32
    %add3A_676 = arith.addi %mul3A_2, %add3A_675 : i32
    %dma_start3A_677 = arith.constant 1 : i32
    %dma_start3A_678 = arith.constant 0 : i32
    %dma_start3A_679 = arith.constant 0 : i32
    %dma_start3A_680 = tpu.memref_slice %arg6[%dma_start3A_677, %dma_start3A_678, %dma_start3A_679] : memref<2x64x768xf32, #tpu.memory_space<vmem>> -> memref<1x64x768xf32, #tpu.memory_space<vmem>>
    %dma_start3A_681 = tpu.memref_squeeze %dma_start3A_680 : memref<1x64x768xf32, #tpu.memory_space<vmem>> -> memref<64x768xf32, #tpu.memory_space<vmem>>
    %dma_start3A_682 = arith.constant 0 : i32
    %dma_start3A_683 = tpu.memref_slice %arg4[%add3A_676, %dma_start3A_682] : memref<12288x768xf32, #tpu.memory_space<hbm>> -> memref<64x768xf32, #tpu.memory_space<hbm>>
    %dma_start3A_684 = arith.constant 0 : i32
    %dma_start3A_685 = tpu.memref_slice %arg4[%add3A_676, %dma_start3A_684] : memref<12288x768xf32, #tpu.memory_space<hbm>> -> memref<64x768xf32, #tpu.memory_space<hbm>>
    %dma_start3A_686 = arith.constant 0 : i32
    %dma_start3A_687 = arith.constant 0 : i32
    %dma_start3A_688 = tpu.memref_slice %arg6[%dma_start3A_677, %dma_start3A_686, %dma_start3A_687] : memref<2x64x768xf32, #tpu.memory_space<vmem>> -> memref<1x64x768xf32, #tpu.memory_space<vmem>>
    %dma_start3A_689 = tpu.memref_squeeze %dma_start3A_688 : memref<1x64x768xf32, #tpu.memory_space<vmem>> -> memref<64x768xf32, #tpu.memory_space<vmem>>
    tpu.enqueue_dma source(%dma_start3A_689 : memref<64x768xf32, #tpu.memory_space<vmem>>) target(%dma_start3A_685 : memref<64x768xf32, #tpu.memory_space<hbm>>) target_semaphore(%arg8 : memref<!tpu.dma_semaphore, #tpu.memory_space<semaphore_mem>>)
    %dma_wait3A_690 = arith.constant 0 : i32
    %dma_wait3A_691 = arith.constant 0 : i32
    %dma_wait3A_692 = arith.constant 0 : i32
    %dma_wait3A_693 = tpu.memref_slice %arg6[%dma_wait3A_690, %dma_wait3A_691, %dma_wait3A_692] : memref<2x64x768xf32, #tpu.memory_space<vmem>> -> memref<1x64x768xf32, #tpu.memory_space<vmem>>
    %dma_wait3A_694 = tpu.memref_squeeze %dma_wait3A_693 : memref<1x64x768xf32, #tpu.memory_space<vmem>> -> memref<64x768xf32, #tpu.memory_space<vmem>>
    %dma_wait3A_695 = arith.constant 0 : i32
    %dma_wait3A_696 = tpu.memref_slice %arg4[%add3A_624, %dma_wait3A_695] : memref<12288x768xf32, #tpu.memory_space<hbm>> -> memref<64x768xf32, #tpu.memory_space<hbm>>
    %dma_wait3A_697 = arith.constant 0 : i32
    %dma_wait3A_698 = tpu.memref_slice %arg4[%add3A_624, %dma_wait3A_697] : memref<12288x768xf32, #tpu.memory_space<hbm>> -> memref<64x768xf32, #tpu.memory_space<hbm>>
    %dma_wait3A_699 = arith.constant 0 : i32
    %dma_wait3A_700 = arith.constant 0 : i32
    %dma_wait3A_701 = tpu.memref_slice %arg6[%dma_wait3A_690, %dma_wait3A_699, %dma_wait3A_700] : memref<2x64x768xf32, #tpu.memory_space<vmem>> -> memref<1x64x768xf32, #tpu.memory_space<vmem>>
    %dma_wait3A_702 = tpu.memref_squeeze %dma_wait3A_701 : memref<1x64x768xf32, #tpu.memory_space<vmem>> -> memref<64x768xf32, #tpu.memory_space<vmem>>
    tpu.wait_dma2 semaphore(%arg8 : memref<!tpu.dma_semaphore, #tpu.memory_space<semaphore_mem>>) src(%dma_wait3A_702 : memref<64x768xf32, #tpu.memory_space<vmem>>) dst(%dma_wait3A_698 : memref<64x768xf32, #tpu.memory_space<hbm>>)
    %dma_wait3A_703 = arith.constant 1 : i32
    %dma_wait3A_704 = arith.constant 0 : i32
    %dma_wait3A_705 = arith.constant 0 : i32
    %dma_wait3A_706 = tpu.memref_slice %arg6[%dma_wait3A_703, %dma_wait3A_704, %dma_wait3A_705] : memref<2x64x768xf32, #tpu.memory_space<vmem>> -> memref<1x64x768xf32, #tpu.memory_space<vmem>>
    %dma_wait3A_707 = tpu.memref_squeeze %dma_wait3A_706 : memref<1x64x768xf32, #tpu.memory_space<vmem>> -> memref<64x768xf32, #tpu.memory_space<vmem>>
    %dma_wait3A_708 = arith.constant 0 : i32
    %dma_wait3A_709 = tpu.memref_slice %arg4[%add3A_676, %dma_wait3A_708] : memref<12288x768xf32, #tpu.memory_space<hbm>> -> memref<64x768xf32, #tpu.memory_space<hbm>>
    %dma_wait3A_710 = arith.constant 0 : i32
    %dma_wait3A_711 = tpu.memref_slice %arg4[%add3A_676, %dma_wait3A_710] : memref<12288x768xf32, #tpu.memory_space<hbm>> -> memref<64x768xf32, #tpu.memory_space<hbm>>
    %dma_wait3A_712 = arith.constant 0 : i32
    %dma_wait3A_713 = arith.constant 0 : i32
    %dma_wait3A_714 = tpu.memref_slice %arg6[%dma_wait3A_703, %dma_wait3A_712, %dma_wait3A_713] : memref<2x64x768xf32, #tpu.memory_space<vmem>> -> memref<1x64x768xf32, #tpu.memory_space<vmem>>
    %dma_wait3A_715 = tpu.memref_squeeze %dma_wait3A_714 : memref<1x64x768xf32, #tpu.memory_space<vmem>> -> memref<64x768xf32, #tpu.memory_space<vmem>>
    tpu.wait_dma2 semaphore(%arg8 : memref<!tpu.dma_semaphore, #tpu.memory_space<semaphore_mem>>) src(%dma_wait3A_715 : memref<64x768xf32, #tpu.memory_space<vmem>>) dst(%dma_wait3A_711 : memref<64x768xf32, #tpu.memory_space<hbm>>)
    return
  }
}

#map = affine_map<(d0, d1) -> (0, 0)>
#map1 = affine_map<(d0, d1) -> (0, 0, 0)>
module attributes {stable_mosaic.version = 14 : i64} {
  func.func @_perm_body(%arg0: i32, %arg1: i32, %arg2: memref<12288x768xf32, #tpu.memory_space<hbm>>, %arg3: memref<32x4x64xi32, #tpu.memory_space<hbm>>, %arg4: memref<8192x768xf32, #tpu.memory_space<hbm>>, %arg5: memref<4x64xi32, #tpu.memory_space<vmem>>, %arg6: memref<2x64x768xf32, #tpu.memory_space<vmem>>, %arg7: memref<!tpu.dma_semaphore, #tpu.memory_space<semaphore_mem>>, %arg8: memref<!tpu.dma_semaphore, #tpu.memory_space<semaphore_mem>>) attributes {dimension_semantics = [#tpu.dimension_semantics<core_parallel>, #tpu.dimension_semantics<subcore_parallel>], iteration_bounds = array<i64: 2, 16>, scalar_prefetch = 0 : i64, scratch_operands = 4 : i64, tpu.core_type = #tpu.core_type<sc_vector_subcore>, window_params = [{transform_indices = #map}, {transform_indices = #map1}, {transform_indices = #map}]} {
    %mul3A = arith.constant 2 : i32
    %mul3A_0 = arith.muli %arg1, %mul3A : i32
    %add3A = arith.addi %mul3A_0, %arg0 : i32
    %mul3A_1 = arith.constant 256 : i32
    %mul3A_2 = arith.muli %add3A, %mul3A_1 : i32
    "tpu.region"() ({
      %run_scoped3A = tpu.sem_alloc : memref<!tpu.dma_semaphore, #tpu.memory_space<semaphore_mem>>
      %dma_start3A_209 = arith.constant 0 : i32
      %dma_start3A_210 = arith.constant 0 : i32
      %dma_start3A_211 = tpu.memref_slice %arg3[%add3A, %dma_start3A_209, %dma_start3A_210] : memref<32x4x64xi32, #tpu.memory_space<hbm>> -> memref<1x4x64xi32, #tpu.memory_space<hbm>>
      %dma_start3A_212 = tpu.memref_squeeze %dma_start3A_211 : memref<1x4x64xi32, #tpu.memory_space<hbm>> -> memref<4x64xi32, #tpu.memory_space<hbm>>
      %dma_start3A_213 = arith.constant 0 : i32
      %dma_start3A_214 = arith.constant 0 : i32
      %dma_start3A_215 = tpu.memref_slice %arg3[%add3A, %dma_start3A_213, %dma_start3A_214] : memref<32x4x64xi32, #tpu.memory_space<hbm>> -> memref<1x4x64xi32, #tpu.memory_space<hbm>>
      %dma_start3A_216 = tpu.memref_squeeze %dma_start3A_215 : memref<1x4x64xi32, #tpu.memory_space<hbm>> -> memref<4x64xi32, #tpu.memory_space<hbm>>
      tpu.enqueue_dma source(%dma_start3A_216 : memref<4x64xi32, #tpu.memory_space<hbm>>) target(%arg5 : memref<4x64xi32, #tpu.memory_space<vmem>>) target_semaphore(%run_scoped3A : memref<!tpu.dma_semaphore, #tpu.memory_space<semaphore_mem>>)
      %dma_wait3A_217 = arith.constant 0 : i32
      %dma_wait3A_218 = arith.constant 0 : i32
      %dma_wait3A_219 = tpu.memref_slice %arg3[%add3A, %dma_wait3A_217, %dma_wait3A_218] : memref<32x4x64xi32, #tpu.memory_space<hbm>> -> memref<1x4x64xi32, #tpu.memory_space<hbm>>
      %dma_wait3A_220 = tpu.memref_squeeze %dma_wait3A_219 : memref<1x4x64xi32, #tpu.memory_space<hbm>> -> memref<4x64xi32, #tpu.memory_space<hbm>>
      %dma_wait3A_221 = arith.constant 0 : i32
      %dma_wait3A_222 = arith.constant 0 : i32
      %dma_wait3A_223 = tpu.memref_slice %arg3[%add3A, %dma_wait3A_221, %dma_wait3A_222] : memref<32x4x64xi32, #tpu.memory_space<hbm>> -> memref<1x4x64xi32, #tpu.memory_space<hbm>>
      %dma_wait3A_224 = tpu.memref_squeeze %dma_wait3A_223 : memref<1x4x64xi32, #tpu.memory_space<hbm>> -> memref<4x64xi32, #tpu.memory_space<hbm>>
      tpu.wait_dma2 semaphore(%run_scoped3A : memref<!tpu.dma_semaphore, #tpu.memory_space<semaphore_mem>>) src(%dma_wait3A_224 : memref<4x64xi32, #tpu.memory_space<hbm>>) dst(%arg5 : memref<4x64xi32, #tpu.memory_space<vmem>>)
      tpu.yield
    }) : () -> ()
    %dma_start3A = arith.constant 0 : i32
    %dma_start3A_3 = arith.constant 0 : i32
    %dma_start3A_4 = arith.constant 0 : i32
    %dma_start3A_5 = arith.constant 0 : i32
    %dma_start3A_6 = tpu.memref_slice %arg6[%dma_start3A_3, %dma_start3A_4, %dma_start3A_5] : memref<2x64x768xf32, #tpu.memory_space<vmem>> -> memref<1x64x768xf32, #tpu.memory_space<vmem>>
    %dma_start3A_7 = tpu.memref_squeeze %dma_start3A_6 : memref<1x64x768xf32, #tpu.memory_space<vmem>> -> memref<64x768xf32, #tpu.memory_space<vmem>>
    %dma_start3A_8 = arith.constant 0 : i32
    %dma_start3A_9 = tpu.memref_slice %arg5[%dma_start3A, %dma_start3A_8] : memref<4x64xi32, #tpu.memory_space<vmem>> -> memref<1x64xi32, #tpu.memory_space<vmem>>
    %dma_start3A_10 = tpu.memref_squeeze %dma_start3A_9 : memref<1x64xi32, #tpu.memory_space<vmem>> -> memref<64xi32, #tpu.memory_space<vmem>>
    %dma_start3A_11 = arith.constant 0 : i32
    %dma_start3A_12 = arith.constant 0 : i32
    %dma_start3A_13 = tpu.memref_slice %arg2[%dma_start3A_11, %dma_start3A_12] : memref<12288x768xf32, #tpu.memory_space<hbm>> -> memref<12288x768xf32, #tpu.memory_space<hbm>>
    tpu.enqueue_indirect_dma source(%dma_start3A_13 : memref<12288x768xf32, #tpu.memory_space<hbm>>) target(%dma_start3A_7 : memref<64x768xf32, #tpu.memory_space<vmem>>) offsets(%dma_start3A_10 : memref<64xi32, #tpu.memory_space<vmem>>) semaphore(%arg7 : memref<!tpu.dma_semaphore, #tpu.memory_space<semaphore_mem>>)
    %dma_wait3A = arith.constant 0 : i32
    %dma_wait3A_14 = arith.constant 0 : i32
    %dma_wait3A_15 = arith.constant 0 : i32
    %dma_wait3A_16 = arith.constant 0 : i32
    %dma_wait3A_17 = tpu.memref_slice %arg6[%dma_wait3A_14, %dma_wait3A_15, %dma_wait3A_16] : memref<2x64x768xf32, #tpu.memory_space<vmem>> -> memref<1x64x768xf32, #tpu.memory_space<vmem>>
    %dma_wait3A_18 = tpu.memref_squeeze %dma_wait3A_17 : memref<1x64x768xf32, #tpu.memory_space<vmem>> -> memref<64x768xf32, #tpu.memory_space<vmem>>
    %dma_wait3A_19 = arith.constant 0 : i32
    %dma_wait3A_20 = tpu.memref_slice %arg5[%dma_wait3A, %dma_wait3A_19] : memref<4x64xi32, #tpu.memory_space<vmem>> -> memref<1x64xi32, #tpu.memory_space<vmem>>
    %dma_wait3A_21 = tpu.memref_squeeze %dma_wait3A_20 : memref<1x64xi32, #tpu.memory_space<vmem>> -> memref<64xi32, #tpu.memory_space<vmem>>
    %dma_wait3A_22 = arith.constant 0 : i32
    %dma_wait3A_23 = arith.constant 0 : i32
    %dma_wait3A_24 = tpu.memref_slice %arg2[%dma_wait3A_22, %dma_wait3A_23] : memref<12288x768xf32, #tpu.memory_space<hbm>> -> memref<12288x768xf32, #tpu.memory_space<hbm>>
    tpu.wait_indirect_dma semaphore(%arg7 : memref<!tpu.dma_semaphore, #tpu.memory_space<semaphore_mem>>) src(%dma_wait3A_24 : memref<12288x768xf32, #tpu.memory_space<hbm>>) dst(%dma_wait3A_18 : memref<64x768xf32, #tpu.memory_space<vmem>>)
    %add3A_25 = arith.constant 0 : i32
    %add3A_26 = arith.addi %mul3A_2, %add3A_25 : i32
    %dma_start3A_27 = arith.constant 0 : i32
    %dma_start3A_28 = arith.constant 0 : i32
    %dma_start3A_29 = arith.constant 0 : i32
    %dma_start3A_30 = tpu.memref_slice %arg6[%dma_start3A_27, %dma_start3A_28, %dma_start3A_29] : memref<2x64x768xf32, #tpu.memory_space<vmem>> -> memref<1x64x768xf32, #tpu.memory_space<vmem>>
    %dma_start3A_31 = tpu.memref_squeeze %dma_start3A_30 : memref<1x64x768xf32, #tpu.memory_space<vmem>> -> memref<64x768xf32, #tpu.memory_space<vmem>>
    %dma_start3A_32 = arith.constant 0 : i32
    %dma_start3A_33 = tpu.memref_slice %arg4[%add3A_26, %dma_start3A_32] : memref<8192x768xf32, #tpu.memory_space<hbm>> -> memref<64x768xf32, #tpu.memory_space<hbm>>
    %dma_start3A_34 = arith.constant 0 : i32
    %dma_start3A_35 = tpu.memref_slice %arg4[%add3A_26, %dma_start3A_34] : memref<8192x768xf32, #tpu.memory_space<hbm>> -> memref<64x768xf32, #tpu.memory_space<hbm>>
    %dma_start3A_36 = arith.constant 0 : i32
    %dma_start3A_37 = arith.constant 0 : i32
    %dma_start3A_38 = tpu.memref_slice %arg6[%dma_start3A_27, %dma_start3A_36, %dma_start3A_37] : memref<2x64x768xf32, #tpu.memory_space<vmem>> -> memref<1x64x768xf32, #tpu.memory_space<vmem>>
    %dma_start3A_39 = tpu.memref_squeeze %dma_start3A_38 : memref<1x64x768xf32, #tpu.memory_space<vmem>> -> memref<64x768xf32, #tpu.memory_space<vmem>>
    tpu.enqueue_dma source(%dma_start3A_39 : memref<64x768xf32, #tpu.memory_space<vmem>>) target(%dma_start3A_35 : memref<64x768xf32, #tpu.memory_space<hbm>>) target_semaphore(%arg8 : memref<!tpu.dma_semaphore, #tpu.memory_space<semaphore_mem>>)
    %dma_start3A_40 = arith.constant 1 : i32
    %dma_start3A_41 = arith.constant 1 : i32
    %dma_start3A_42 = arith.constant 0 : i32
    %dma_start3A_43 = arith.constant 0 : i32
    %dma_start3A_44 = tpu.memref_slice %arg6[%dma_start3A_41, %dma_start3A_42, %dma_start3A_43] : memref<2x64x768xf32, #tpu.memory_space<vmem>> -> memref<1x64x768xf32, #tpu.memory_space<vmem>>
    %dma_start3A_45 = tpu.memref_squeeze %dma_start3A_44 : memref<1x64x768xf32, #tpu.memory_space<vmem>> -> memref<64x768xf32, #tpu.memory_space<vmem>>
    %dma_start3A_46 = arith.constant 0 : i32
    %dma_start3A_47 = tpu.memref_slice %arg5[%dma_start3A_40, %dma_start3A_46] : memref<4x64xi32, #tpu.memory_space<vmem>> -> memref<1x64xi32, #tpu.memory_space<vmem>>
    %dma_start3A_48 = tpu.memref_squeeze %dma_start3A_47 : memref<1x64xi32, #tpu.memory_space<vmem>> -> memref<64xi32, #tpu.memory_space<vmem>>
    %dma_start3A_49 = arith.constant 0 : i32
    %dma_start3A_50 = arith.constant 0 : i32
    %dma_start3A_51 = tpu.memref_slice %arg2[%dma_start3A_49, %dma_start3A_50] : memref<12288x768xf32, #tpu.memory_space<hbm>> -> memref<12288x768xf32, #tpu.memory_space<hbm>>
    tpu.enqueue_indirect_dma source(%dma_start3A_51 : memref<12288x768xf32, #tpu.memory_space<hbm>>) target(%dma_start3A_45 : memref<64x768xf32, #tpu.memory_space<vmem>>) offsets(%dma_start3A_48 : memref<64xi32, #tpu.memory_space<vmem>>) semaphore(%arg7 : memref<!tpu.dma_semaphore, #tpu.memory_space<semaphore_mem>>)
    %dma_wait3A_52 = arith.constant 1 : i32
    %dma_wait3A_53 = arith.constant 1 : i32
    %dma_wait3A_54 = arith.constant 0 : i32
    %dma_wait3A_55 = arith.constant 0 : i32
    %dma_wait3A_56 = tpu.memref_slice %arg6[%dma_wait3A_53, %dma_wait3A_54, %dma_wait3A_55] : memref<2x64x768xf32, #tpu.memory_space<vmem>> -> memref<1x64x768xf32, #tpu.memory_space<vmem>>
    %dma_wait3A_57 = tpu.memref_squeeze %dma_wait3A_56 : memref<1x64x768xf32, #tpu.memory_space<vmem>> -> memref<64x768xf32, #tpu.memory_space<vmem>>
    %dma_wait3A_58 = arith.constant 0 : i32
    %dma_wait3A_59 = tpu.memref_slice %arg5[%dma_wait3A_52, %dma_wait3A_58] : memref<4x64xi32, #tpu.memory_space<vmem>> -> memref<1x64xi32, #tpu.memory_space<vmem>>
    %dma_wait3A_60 = tpu.memref_squeeze %dma_wait3A_59 : memref<1x64xi32, #tpu.memory_space<vmem>> -> memref<64xi32, #tpu.memory_space<vmem>>
    %dma_wait3A_61 = arith.constant 0 : i32
    %dma_wait3A_62 = arith.constant 0 : i32
    %dma_wait3A_63 = tpu.memref_slice %arg2[%dma_wait3A_61, %dma_wait3A_62] : memref<12288x768xf32, #tpu.memory_space<hbm>> -> memref<12288x768xf32, #tpu.memory_space<hbm>>
    tpu.wait_indirect_dma semaphore(%arg7 : memref<!tpu.dma_semaphore, #tpu.memory_space<semaphore_mem>>) src(%dma_wait3A_63 : memref<12288x768xf32, #tpu.memory_space<hbm>>) dst(%dma_wait3A_57 : memref<64x768xf32, #tpu.memory_space<vmem>>)
    %add3A_64 = arith.constant 64 : i32
    %add3A_65 = arith.addi %mul3A_2, %add3A_64 : i32
    %dma_start3A_66 = arith.constant 1 : i32
    %dma_start3A_67 = arith.constant 0 : i32
    %dma_start3A_68 = arith.constant 0 : i32
    %dma_start3A_69 = tpu.memref_slice %arg6[%dma_start3A_66, %dma_start3A_67, %dma_start3A_68] : memref<2x64x768xf32, #tpu.memory_space<vmem>> -> memref<1x64x768xf32, #tpu.memory_space<vmem>>
    %dma_start3A_70 = tpu.memref_squeeze %dma_start3A_69 : memref<1x64x768xf32, #tpu.memory_space<vmem>> -> memref<64x768xf32, #tpu.memory_space<vmem>>
    %dma_start3A_71 = arith.constant 0 : i32
    %dma_start3A_72 = tpu.memref_slice %arg4[%add3A_65, %dma_start3A_71] : memref<8192x768xf32, #tpu.memory_space<hbm>> -> memref<64x768xf32, #tpu.memory_space<hbm>>
    %dma_start3A_73 = arith.constant 0 : i32
    %dma_start3A_74 = tpu.memref_slice %arg4[%add3A_65, %dma_start3A_73] : memref<8192x768xf32, #tpu.memory_space<hbm>> -> memref<64x768xf32, #tpu.memory_space<hbm>>
    %dma_start3A_75 = arith.constant 0 : i32
    %dma_start3A_76 = arith.constant 0 : i32
    %dma_start3A_77 = tpu.memref_slice %arg6[%dma_start3A_66, %dma_start3A_75, %dma_start3A_76] : memref<2x64x768xf32, #tpu.memory_space<vmem>> -> memref<1x64x768xf32, #tpu.memory_space<vmem>>
    %dma_start3A_78 = tpu.memref_squeeze %dma_start3A_77 : memref<1x64x768xf32, #tpu.memory_space<vmem>> -> memref<64x768xf32, #tpu.memory_space<vmem>>
    tpu.enqueue_dma source(%dma_start3A_78 : memref<64x768xf32, #tpu.memory_space<vmem>>) target(%dma_start3A_74 : memref<64x768xf32, #tpu.memory_space<hbm>>) target_semaphore(%arg8 : memref<!tpu.dma_semaphore, #tpu.memory_space<semaphore_mem>>)
    %dma_wait3A_79 = arith.constant 0 : i32
    %dma_wait3A_80 = arith.constant 0 : i32
    %dma_wait3A_81 = arith.constant 0 : i32
    %dma_wait3A_82 = tpu.memref_slice %arg6[%dma_wait3A_79, %dma_wait3A_80, %dma_wait3A_81] : memref<2x64x768xf32, #tpu.memory_space<vmem>> -> memref<1x64x768xf32, #tpu.memory_space<vmem>>
    %dma_wait3A_83 = tpu.memref_squeeze %dma_wait3A_82 : memref<1x64x768xf32, #tpu.memory_space<vmem>> -> memref<64x768xf32, #tpu.memory_space<vmem>>
    %dma_wait3A_84 = arith.constant 0 : i32
    %dma_wait3A_85 = tpu.memref_slice %arg4[%add3A_26, %dma_wait3A_84] : memref<8192x768xf32, #tpu.memory_space<hbm>> -> memref<64x768xf32, #tpu.memory_space<hbm>>
    %dma_wait3A_86 = arith.constant 0 : i32
    %dma_wait3A_87 = tpu.memref_slice %arg4[%add3A_26, %dma_wait3A_86] : memref<8192x768xf32, #tpu.memory_space<hbm>> -> memref<64x768xf32, #tpu.memory_space<hbm>>
    %dma_wait3A_88 = arith.constant 0 : i32
    %dma_wait3A_89 = arith.constant 0 : i32
    %dma_wait3A_90 = tpu.memref_slice %arg6[%dma_wait3A_79, %dma_wait3A_88, %dma_wait3A_89] : memref<2x64x768xf32, #tpu.memory_space<vmem>> -> memref<1x64x768xf32, #tpu.memory_space<vmem>>
    %dma_wait3A_91 = tpu.memref_squeeze %dma_wait3A_90 : memref<1x64x768xf32, #tpu.memory_space<vmem>> -> memref<64x768xf32, #tpu.memory_space<vmem>>
    tpu.wait_dma2 semaphore(%arg8 : memref<!tpu.dma_semaphore, #tpu.memory_space<semaphore_mem>>) src(%dma_wait3A_91 : memref<64x768xf32, #tpu.memory_space<vmem>>) dst(%dma_wait3A_87 : memref<64x768xf32, #tpu.memory_space<hbm>>)
    %dma_start3A_92 = arith.constant 2 : i32
    %dma_start3A_93 = arith.constant 0 : i32
    %dma_start3A_94 = arith.constant 0 : i32
    %dma_start3A_95 = arith.constant 0 : i32
    %dma_start3A_96 = tpu.memref_slice %arg6[%dma_start3A_93, %dma_start3A_94, %dma_start3A_95] : memref<2x64x768xf32, #tpu.memory_space<vmem>> -> memref<1x64x768xf32, #tpu.memory_space<vmem>>
    %dma_start3A_97 = tpu.memref_squeeze %dma_start3A_96 : memref<1x64x768xf32, #tpu.memory_space<vmem>> -> memref<64x768xf32, #tpu.memory_space<vmem>>
    %dma_start3A_98 = arith.constant 0 : i32
    %dma_start3A_99 = tpu.memref_slice %arg5[%dma_start3A_92, %dma_start3A_98] : memref<4x64xi32, #tpu.memory_space<vmem>> -> memref<1x64xi32, #tpu.memory_space<vmem>>
    %dma_start3A_100 = tpu.memref_squeeze %dma_start3A_99 : memref<1x64xi32, #tpu.memory_space<vmem>> -> memref<64xi32, #tpu.memory_space<vmem>>
    %dma_start3A_101 = arith.constant 0 : i32
    %dma_start3A_102 = arith.constant 0 : i32
    %dma_start3A_103 = tpu.memref_slice %arg2[%dma_start3A_101, %dma_start3A_102] : memref<12288x768xf32, #tpu.memory_space<hbm>> -> memref<12288x768xf32, #tpu.memory_space<hbm>>
    tpu.enqueue_indirect_dma source(%dma_start3A_103 : memref<12288x768xf32, #tpu.memory_space<hbm>>) target(%dma_start3A_97 : memref<64x768xf32, #tpu.memory_space<vmem>>) offsets(%dma_start3A_100 : memref<64xi32, #tpu.memory_space<vmem>>) semaphore(%arg7 : memref<!tpu.dma_semaphore, #tpu.memory_space<semaphore_mem>>)
    %dma_wait3A_104 = arith.constant 2 : i32
    %dma_wait3A_105 = arith.constant 0 : i32
    %dma_wait3A_106 = arith.constant 0 : i32
    %dma_wait3A_107 = arith.constant 0 : i32
    %dma_wait3A_108 = tpu.memref_slice %arg6[%dma_wait3A_105, %dma_wait3A_106, %dma_wait3A_107] : memref<2x64x768xf32, #tpu.memory_space<vmem>> -> memref<1x64x768xf32, #tpu.memory_space<vmem>>
    %dma_wait3A_109 = tpu.memref_squeeze %dma_wait3A_108 : memref<1x64x768xf32, #tpu.memory_space<vmem>> -> memref<64x768xf32, #tpu.memory_space<vmem>>
    %dma_wait3A_110 = arith.constant 0 : i32
    %dma_wait3A_111 = tpu.memref_slice %arg5[%dma_wait3A_104, %dma_wait3A_110] : memref<4x64xi32, #tpu.memory_space<vmem>> -> memref<1x64xi32, #tpu.memory_space<vmem>>
    %dma_wait3A_112 = tpu.memref_squeeze %dma_wait3A_111 : memref<1x64xi32, #tpu.memory_space<vmem>> -> memref<64xi32, #tpu.memory_space<vmem>>
    %dma_wait3A_113 = arith.constant 0 : i32
    %dma_wait3A_114 = arith.constant 0 : i32
    %dma_wait3A_115 = tpu.memref_slice %arg2[%dma_wait3A_113, %dma_wait3A_114] : memref<12288x768xf32, #tpu.memory_space<hbm>> -> memref<12288x768xf32, #tpu.memory_space<hbm>>
    tpu.wait_indirect_dma semaphore(%arg7 : memref<!tpu.dma_semaphore, #tpu.memory_space<semaphore_mem>>) src(%dma_wait3A_115 : memref<12288x768xf32, #tpu.memory_space<hbm>>) dst(%dma_wait3A_109 : memref<64x768xf32, #tpu.memory_space<vmem>>)
    %add3A_116 = arith.constant 128 : i32
    %add3A_117 = arith.addi %mul3A_2, %add3A_116 : i32
    %dma_start3A_118 = arith.constant 0 : i32
    %dma_start3A_119 = arith.constant 0 : i32
    %dma_start3A_120 = arith.constant 0 : i32
    %dma_start3A_121 = tpu.memref_slice %arg6[%dma_start3A_118, %dma_start3A_119, %dma_start3A_120] : memref<2x64x768xf32, #tpu.memory_space<vmem>> -> memref<1x64x768xf32, #tpu.memory_space<vmem>>
    %dma_start3A_122 = tpu.memref_squeeze %dma_start3A_121 : memref<1x64x768xf32, #tpu.memory_space<vmem>> -> memref<64x768xf32, #tpu.memory_space<vmem>>
    %dma_start3A_123 = arith.constant 0 : i32
    %dma_start3A_124 = tpu.memref_slice %arg4[%add3A_117, %dma_start3A_123] : memref<8192x768xf32, #tpu.memory_space<hbm>> -> memref<64x768xf32, #tpu.memory_space<hbm>>
    %dma_start3A_125 = arith.constant 0 : i32
    %dma_start3A_126 = tpu.memref_slice %arg4[%add3A_117, %dma_start3A_125] : memref<8192x768xf32, #tpu.memory_space<hbm>> -> memref<64x768xf32, #tpu.memory_space<hbm>>
    %dma_start3A_127 = arith.constant 0 : i32
    %dma_start3A_128 = arith.constant 0 : i32
    %dma_start3A_129 = tpu.memref_slice %arg6[%dma_start3A_118, %dma_start3A_127, %dma_start3A_128] : memref<2x64x768xf32, #tpu.memory_space<vmem>> -> memref<1x64x768xf32, #tpu.memory_space<vmem>>
    %dma_start3A_130 = tpu.memref_squeeze %dma_start3A_129 : memref<1x64x768xf32, #tpu.memory_space<vmem>> -> memref<64x768xf32, #tpu.memory_space<vmem>>
    tpu.enqueue_dma source(%dma_start3A_130 : memref<64x768xf32, #tpu.memory_space<vmem>>) target(%dma_start3A_126 : memref<64x768xf32, #tpu.memory_space<hbm>>) target_semaphore(%arg8 : memref<!tpu.dma_semaphore, #tpu.memory_space<semaphore_mem>>)
    %dma_wait3A_131 = arith.constant 1 : i32
    %dma_wait3A_132 = arith.constant 0 : i32
    %dma_wait3A_133 = arith.constant 0 : i32
    %dma_wait3A_134 = tpu.memref_slice %arg6[%dma_wait3A_131, %dma_wait3A_132, %dma_wait3A_133] : memref<2x64x768xf32, #tpu.memory_space<vmem>> -> memref<1x64x768xf32, #tpu.memory_space<vmem>>
    %dma_wait3A_135 = tpu.memref_squeeze %dma_wait3A_134 : memref<1x64x768xf32, #tpu.memory_space<vmem>> -> memref<64x768xf32, #tpu.memory_space<vmem>>
    %dma_wait3A_136 = arith.constant 0 : i32
    %dma_wait3A_137 = tpu.memref_slice %arg4[%add3A_65, %dma_wait3A_136] : memref<8192x768xf32, #tpu.memory_space<hbm>> -> memref<64x768xf32, #tpu.memory_space<hbm>>
    %dma_wait3A_138 = arith.constant 0 : i32
    %dma_wait3A_139 = tpu.memref_slice %arg4[%add3A_65, %dma_wait3A_138] : memref<8192x768xf32, #tpu.memory_space<hbm>> -> memref<64x768xf32, #tpu.memory_space<hbm>>
    %dma_wait3A_140 = arith.constant 0 : i32
    %dma_wait3A_141 = arith.constant 0 : i32
    %dma_wait3A_142 = tpu.memref_slice %arg6[%dma_wait3A_131, %dma_wait3A_140, %dma_wait3A_141] : memref<2x64x768xf32, #tpu.memory_space<vmem>> -> memref<1x64x768xf32, #tpu.memory_space<vmem>>
    %dma_wait3A_143 = tpu.memref_squeeze %dma_wait3A_142 : memref<1x64x768xf32, #tpu.memory_space<vmem>> -> memref<64x768xf32, #tpu.memory_space<vmem>>
    tpu.wait_dma2 semaphore(%arg8 : memref<!tpu.dma_semaphore, #tpu.memory_space<semaphore_mem>>) src(%dma_wait3A_143 : memref<64x768xf32, #tpu.memory_space<vmem>>) dst(%dma_wait3A_139 : memref<64x768xf32, #tpu.memory_space<hbm>>)
    %dma_start3A_144 = arith.constant 3 : i32
    %dma_start3A_145 = arith.constant 1 : i32
    %dma_start3A_146 = arith.constant 0 : i32
    %dma_start3A_147 = arith.constant 0 : i32
    %dma_start3A_148 = tpu.memref_slice %arg6[%dma_start3A_145, %dma_start3A_146, %dma_start3A_147] : memref<2x64x768xf32, #tpu.memory_space<vmem>> -> memref<1x64x768xf32, #tpu.memory_space<vmem>>
    %dma_start3A_149 = tpu.memref_squeeze %dma_start3A_148 : memref<1x64x768xf32, #tpu.memory_space<vmem>> -> memref<64x768xf32, #tpu.memory_space<vmem>>
    %dma_start3A_150 = arith.constant 0 : i32
    %dma_start3A_151 = tpu.memref_slice %arg5[%dma_start3A_144, %dma_start3A_150] : memref<4x64xi32, #tpu.memory_space<vmem>> -> memref<1x64xi32, #tpu.memory_space<vmem>>
    %dma_start3A_152 = tpu.memref_squeeze %dma_start3A_151 : memref<1x64xi32, #tpu.memory_space<vmem>> -> memref<64xi32, #tpu.memory_space<vmem>>
    %dma_start3A_153 = arith.constant 0 : i32
    %dma_start3A_154 = arith.constant 0 : i32
    %dma_start3A_155 = tpu.memref_slice %arg2[%dma_start3A_153, %dma_start3A_154] : memref<12288x768xf32, #tpu.memory_space<hbm>> -> memref<12288x768xf32, #tpu.memory_space<hbm>>
    tpu.enqueue_indirect_dma source(%dma_start3A_155 : memref<12288x768xf32, #tpu.memory_space<hbm>>) target(%dma_start3A_149 : memref<64x768xf32, #tpu.memory_space<vmem>>) offsets(%dma_start3A_152 : memref<64xi32, #tpu.memory_space<vmem>>) semaphore(%arg7 : memref<!tpu.dma_semaphore, #tpu.memory_space<semaphore_mem>>)
    %dma_wait3A_156 = arith.constant 3 : i32
    %dma_wait3A_157 = arith.constant 1 : i32
    %dma_wait3A_158 = arith.constant 0 : i32
    %dma_wait3A_159 = arith.constant 0 : i32
    %dma_wait3A_160 = tpu.memref_slice %arg6[%dma_wait3A_157, %dma_wait3A_158, %dma_wait3A_159] : memref<2x64x768xf32, #tpu.memory_space<vmem>> -> memref<1x64x768xf32, #tpu.memory_space<vmem>>
    %dma_wait3A_161 = tpu.memref_squeeze %dma_wait3A_160 : memref<1x64x768xf32, #tpu.memory_space<vmem>> -> memref<64x768xf32, #tpu.memory_space<vmem>>
    %dma_wait3A_162 = arith.constant 0 : i32
    %dma_wait3A_163 = tpu.memref_slice %arg5[%dma_wait3A_156, %dma_wait3A_162] : memref<4x64xi32, #tpu.memory_space<vmem>> -> memref<1x64xi32, #tpu.memory_space<vmem>>
    %dma_wait3A_164 = tpu.memref_squeeze %dma_wait3A_163 : memref<1x64xi32, #tpu.memory_space<vmem>> -> memref<64xi32, #tpu.memory_space<vmem>>
    %dma_wait3A_165 = arith.constant 0 : i32
    %dma_wait3A_166 = arith.constant 0 : i32
    %dma_wait3A_167 = tpu.memref_slice %arg2[%dma_wait3A_165, %dma_wait3A_166] : memref<12288x768xf32, #tpu.memory_space<hbm>> -> memref<12288x768xf32, #tpu.memory_space<hbm>>
    tpu.wait_indirect_dma semaphore(%arg7 : memref<!tpu.dma_semaphore, #tpu.memory_space<semaphore_mem>>) src(%dma_wait3A_167 : memref<12288x768xf32, #tpu.memory_space<hbm>>) dst(%dma_wait3A_161 : memref<64x768xf32, #tpu.memory_space<vmem>>)
    %add3A_168 = arith.constant 192 : i32
    %add3A_169 = arith.addi %mul3A_2, %add3A_168 : i32
    %dma_start3A_170 = arith.constant 1 : i32
    %dma_start3A_171 = arith.constant 0 : i32
    %dma_start3A_172 = arith.constant 0 : i32
    %dma_start3A_173 = tpu.memref_slice %arg6[%dma_start3A_170, %dma_start3A_171, %dma_start3A_172] : memref<2x64x768xf32, #tpu.memory_space<vmem>> -> memref<1x64x768xf32, #tpu.memory_space<vmem>>
    %dma_start3A_174 = tpu.memref_squeeze %dma_start3A_173 : memref<1x64x768xf32, #tpu.memory_space<vmem>> -> memref<64x768xf32, #tpu.memory_space<vmem>>
    %dma_start3A_175 = arith.constant 0 : i32
    %dma_start3A_176 = tpu.memref_slice %arg4[%add3A_169, %dma_start3A_175] : memref<8192x768xf32, #tpu.memory_space<hbm>> -> memref<64x768xf32, #tpu.memory_space<hbm>>
    %dma_start3A_177 = arith.constant 0 : i32
    %dma_start3A_178 = tpu.memref_slice %arg4[%add3A_169, %dma_start3A_177] : memref<8192x768xf32, #tpu.memory_space<hbm>> -> memref<64x768xf32, #tpu.memory_space<hbm>>
    %dma_start3A_179 = arith.constant 0 : i32
    %dma_start3A_180 = arith.constant 0 : i32
    %dma_start3A_181 = tpu.memref_slice %arg6[%dma_start3A_170, %dma_start3A_179, %dma_start3A_180] : memref<2x64x768xf32, #tpu.memory_space<vmem>> -> memref<1x64x768xf32, #tpu.memory_space<vmem>>
    %dma_start3A_182 = tpu.memref_squeeze %dma_start3A_181 : memref<1x64x768xf32, #tpu.memory_space<vmem>> -> memref<64x768xf32, #tpu.memory_space<vmem>>
    tpu.enqueue_dma source(%dma_start3A_182 : memref<64x768xf32, #tpu.memory_space<vmem>>) target(%dma_start3A_178 : memref<64x768xf32, #tpu.memory_space<hbm>>) target_semaphore(%arg8 : memref<!tpu.dma_semaphore, #tpu.memory_space<semaphore_mem>>)
    %dma_wait3A_183 = arith.constant 0 : i32
    %dma_wait3A_184 = arith.constant 0 : i32
    %dma_wait3A_185 = arith.constant 0 : i32
    %dma_wait3A_186 = tpu.memref_slice %arg6[%dma_wait3A_183, %dma_wait3A_184, %dma_wait3A_185] : memref<2x64x768xf32, #tpu.memory_space<vmem>> -> memref<1x64x768xf32, #tpu.memory_space<vmem>>
    %dma_wait3A_187 = tpu.memref_squeeze %dma_wait3A_186 : memref<1x64x768xf32, #tpu.memory_space<vmem>> -> memref<64x768xf32, #tpu.memory_space<vmem>>
    %dma_wait3A_188 = arith.constant 0 : i32
    %dma_wait3A_189 = tpu.memref_slice %arg4[%add3A_117, %dma_wait3A_188] : memref<8192x768xf32, #tpu.memory_space<hbm>> -> memref<64x768xf32, #tpu.memory_space<hbm>>
    %dma_wait3A_190 = arith.constant 0 : i32
    %dma_wait3A_191 = tpu.memref_slice %arg4[%add3A_117, %dma_wait3A_190] : memref<8192x768xf32, #tpu.memory_space<hbm>> -> memref<64x768xf32, #tpu.memory_space<hbm>>
    %dma_wait3A_192 = arith.constant 0 : i32
    %dma_wait3A_193 = arith.constant 0 : i32
    %dma_wait3A_194 = tpu.memref_slice %arg6[%dma_wait3A_183, %dma_wait3A_192, %dma_wait3A_193] : memref<2x64x768xf32, #tpu.memory_space<vmem>> -> memref<1x64x768xf32, #tpu.memory_space<vmem>>
    %dma_wait3A_195 = tpu.memref_squeeze %dma_wait3A_194 : memref<1x64x768xf32, #tpu.memory_space<vmem>> -> memref<64x768xf32, #tpu.memory_space<vmem>>
    tpu.wait_dma2 semaphore(%arg8 : memref<!tpu.dma_semaphore, #tpu.memory_space<semaphore_mem>>) src(%dma_wait3A_195 : memref<64x768xf32, #tpu.memory_space<vmem>>) dst(%dma_wait3A_191 : memref<64x768xf32, #tpu.memory_space<hbm>>)
    %dma_wait3A_196 = arith.constant 1 : i32
    %dma_wait3A_197 = arith.constant 0 : i32
    %dma_wait3A_198 = arith.constant 0 : i32
    %dma_wait3A_199 = tpu.memref_slice %arg6[%dma_wait3A_196, %dma_wait3A_197, %dma_wait3A_198] : memref<2x64x768xf32, #tpu.memory_space<vmem>> -> memref<1x64x768xf32, #tpu.memory_space<vmem>>
    %dma_wait3A_200 = tpu.memref_squeeze %dma_wait3A_199 : memref<1x64x768xf32, #tpu.memory_space<vmem>> -> memref<64x768xf32, #tpu.memory_space<vmem>>
    %dma_wait3A_201 = arith.constant 0 : i32
    %dma_wait3A_202 = tpu.memref_slice %arg4[%add3A_169, %dma_wait3A_201] : memref<8192x768xf32, #tpu.memory_space<hbm>> -> memref<64x768xf32, #tpu.memory_space<hbm>>
    %dma_wait3A_203 = arith.constant 0 : i32
    %dma_wait3A_204 = tpu.memref_slice %arg4[%add3A_169, %dma_wait3A_203] : memref<8192x768xf32, #tpu.memory_space<hbm>> -> memref<64x768xf32, #tpu.memory_space<hbm>>
    %dma_wait3A_205 = arith.constant 0 : i32
    %dma_wait3A_206 = arith.constant 0 : i32
    %dma_wait3A_207 = tpu.memref_slice %arg6[%dma_wait3A_196, %dma_wait3A_205, %dma_wait3A_206] : memref<2x64x768xf32, #tpu.memory_space<vmem>> -> memref<1x64x768xf32, #tpu.memory_space<vmem>>
    %dma_wait3A_208 = tpu.memref_squeeze %dma_wait3A_207 : memref<1x64x768xf32, #tpu.memory_space<vmem>> -> memref<64x768xf32, #tpu.memory_space<vmem>>
    tpu.wait_dma2 semaphore(%arg8 : memref<!tpu.dma_semaphore, #tpu.memory_space<semaphore_mem>>) src(%dma_wait3A_208 : memref<64x768xf32, #tpu.memory_space<vmem>>) dst(%dma_wait3A_204 : memref<64x768xf32, #tpu.memory_space<hbm>>)
    return
  }
}

module attributes {stable_mosaic.version = 14 : i64} {
  func.func @_mm_body(%arg0: i32, %arg1: memref<128xi32, #tpu.memory_space<smem>>, %arg2: memref<128xi32, #tpu.memory_space<smem>>, %arg3: memref<128xi32, #tpu.memory_space<smem>>, %arg4: memref<128x768xf32, #tpu.memory_space<vmem>>, %arg5: memref<128xf32, #tpu.memory_space<vmem>>, %arg6: memref<128xf32, #tpu.memory_space<vmem>>, %arg7: memref<8x768x768xf32, #tpu.memory_space<vmem>>, %arg8: memref<8x768xf32, #tpu.memory_space<vmem>>, %arg9: memref<128x768xf32, #tpu.memory_space<vmem>>) attributes {dimension_semantics = [#tpu.dimension_semantics<arbitrary>], iteration_bounds = array<i64: 96>, scalar_prefetch = 3 : i64, scratch_operands = 0 : i64, tpu.core_type = #tpu.core_type<tc>, window_params = [{transform_indices = @transform_0, window_bounds = array<i64: 128, 768>}, {transform_indices = @transform_1, window_bounds = array<i64: 128>}, {transform_indices = @transform_2, window_bounds = array<i64: 128>}, {pipeline_mode = #tpu.pipeline_mode<synchronous>, transform_indices = @transform_3, window_bounds = array<i64: 8, 768, 768>}, {pipeline_mode = #tpu.pipeline_mode<synchronous>, transform_indices = @transform_4, window_bounds = array<i64: 8, 768>}, {transform_indices = @transform_5, window_bounds = array<i64: 128, 768>}]} {
    %get3A = arith.index_cast %arg0 : i32 to index
    %get3A_0 = memref.load %arg1[%get3A] : memref<128xi32, #tpu.memory_space<smem>>
    %get3A_1 = arith.index_cast %arg0 : i32 to index
    %get3A_2 = memref.load %arg2[%get3A_1] : memref<128xi32, #tpu.memory_space<smem>>
    %get3A_3 = arith.constant 0 : index
    %get3A_4 = arith.constant 0 : index
    %get3A_5 = vector.load %arg4[%get3A_3, %get3A_4] : memref<128x768xf32, #tpu.memory_space<vmem>>, vector<128x768xf32>
    %get3A_6 = arith.index_cast %get3A_0 : i32 to index
    %get3A_7 = arith.constant 0 : index
    %get3A_8 = arith.constant 0 : index
    %get3A_9 = vector.load %arg7[%get3A_6, %get3A_7, %get3A_8] : memref<8x768x768xf32, #tpu.memory_space<vmem>>, vector<1x768x768xf32>
    %get3A_10 = vector.shape_cast %get3A_9 : vector<1x768x768xf32> to vector<768x768xf32>
    %dot_general3A = arith.constant dense<0.000000e+00> : vector<128x768xf32>
    %dot_general3A_11 = tpu.matmul %get3A_5, %get3A_10, %dot_general3A {dimension_numbers = #tpu.dot_dimension_numbers<[1], [0], [0], [1], [0, 0, 1, 1], [], []>, transpose_lhs_hint = false} : vector<128x768xf32>, vector<768x768xf32>, vector<128x768xf32> -> vector<128x768xf32>
    %get3A_12 = arith.index_cast %get3A_2 : i32 to index
    %get3A_13 = arith.constant 0 : index
    %get3A_14 = arith.constant 0 : index
    %get3A_15 = vector.load %arg7[%get3A_12, %get3A_13, %get3A_14] : memref<8x768x768xf32, #tpu.memory_space<vmem>>, vector<1x768x768xf32>
    %get3A_16 = vector.shape_cast %get3A_15 : vector<1x768x768xf32> to vector<768x768xf32>
    %dot_general3A_17 = arith.constant dense<0.000000e+00> : vector<128x768xf32>
    %dot_general3A_18 = tpu.matmul %get3A_5, %get3A_16, %dot_general3A_17 {dimension_numbers = #tpu.dot_dimension_numbers<[1], [0], [0], [1], [0, 0, 1, 1], [], []>, transpose_lhs_hint = false} : vector<128x768xf32>, vector<768x768xf32>, vector<128x768xf32> -> vector<128x768xf32>
    %get3A_19 = arith.constant 0 : index
    %get3A_20 = vector.load %arg5[%get3A_19] : memref<128xf32, #tpu.memory_space<vmem>>, vector<128xf32>
    %broadcast_in_dim3A = vector.shape_cast %get3A_20 : vector<128xf32> to vector<128x1xf32>
    %get3A_21 = arith.constant 0 : index
    %get3A_22 = vector.load %arg6[%get3A_21] : memref<128xf32, #tpu.memory_space<vmem>>, vector<128xf32>
    %broadcast_in_dim3A_23 = vector.shape_cast %get3A_22 : vector<128xf32> to vector<128x1xf32>
    %get3A_24 = arith.index_cast %get3A_0 : i32 to index
    %get3A_25 = arith.constant 0 : index
    %get3A_26 = vector.load %arg8[%get3A_24, %get3A_25] : memref<8x768xf32, #tpu.memory_space<vmem>>, vector<1x768xf32>
    %get3A_27 = vector.shape_cast %get3A_26 : vector<1x768xf32> to vector<768xf32>
    %broadcast_in_dim3A_28 = vector.shape_cast %get3A_27 : vector<768xf32> to vector<1x768xf32>
    %add3A = vector.broadcast %broadcast_in_dim3A_28 : vector<1x768xf32> to vector<128x768xf32>
    %add3A_29 = arith.addf %dot_general3A_11, %add3A : vector<128x768xf32>
    %mul3A = vector.broadcast %broadcast_in_dim3A : vector<128x1xf32> to vector<128x768xf32>
    %mul3A_30 = arith.mulf %mul3A, %add3A_29 : vector<128x768xf32>
    %get3A_31 = arith.index_cast %get3A_2 : i32 to index
    %get3A_32 = arith.constant 0 : index
    %get3A_33 = vector.load %arg8[%get3A_31, %get3A_32] : memref<8x768xf32, #tpu.memory_space<vmem>>, vector<1x768xf32>
    %get3A_34 = vector.shape_cast %get3A_33 : vector<1x768xf32> to vector<768xf32>
    %broadcast_in_dim3A_35 = vector.shape_cast %get3A_34 : vector<768xf32> to vector<1x768xf32>
    %add3A_36 = vector.broadcast %broadcast_in_dim3A_35 : vector<1x768xf32> to vector<128x768xf32>
    %add3A_37 = arith.addf %dot_general3A_18, %add3A_36 : vector<128x768xf32>
    %mul3A_38 = vector.broadcast %broadcast_in_dim3A_23 : vector<128x1xf32> to vector<128x768xf32>
    %mul3A_39 = arith.mulf %mul3A_38, %add3A_37 : vector<128x768xf32>
    %add3A_40 = arith.addf %mul3A_30, %mul3A_39 : vector<128x768xf32>
    %iota3A = tpu.iota {dimensions = array<i32: 0>} : vector<128x768xi32>
    %get3A_41 = arith.index_cast %arg0 : i32 to index
    %get3A_42 = memref.load %arg3[%get3A_41] : memref<128xi32, #tpu.memory_space<smem>>
    %lt3A = vector.broadcast %get3A_42 : i32 to vector<128x768xi32>
    %lt3A_43 = arith.cmpi slt, %iota3A, %lt3A : vector<128x768xi32>
    %jit3A = arith.constant 0.000000e+00 : f32
    %broadcast_in_dim3A_44 = vector.broadcast %jit3A : f32 to vector<128x768xf32>
    %select_n3A = arith.select %lt3A_43, %add3A_40, %broadcast_in_dim3A_44 : vector<128x768xi1>, vector<128x768xf32>
    %swap3A = arith.constant 0 : index
    %swap3A_45 = arith.constant 0 : index
    %swap3A_46 = vector.load %arg9[%swap3A, %swap3A_45] : memref<128x768xf32, #tpu.memory_space<vmem>>, vector<128x768xf32>
    tpu.vector_store %arg9[%swap3A, %swap3A_45], %select_n3A {strides = array<i32>} : memref<128x768xf32, #tpu.memory_space<vmem>>, vector<128x768xf32>,
    return
  }
  func.func @transform_0(%arg0: i32, %arg1: memref<128xi32, #tpu.memory_space<smem>>, %arg2: memref<128xi32, #tpu.memory_space<smem>>, %arg3: memref<128xi32, #tpu.memory_space<smem>>) -> (i32, i32) {
    %c0_i32 = arith.constant 0 : i32
    %c0_i32_0 = arith.constant 0 : i32
    return %arg0, %c0_i32 : i32, i32
  }
  func.func @transform_1(%arg0: i32, %arg1: memref<128xi32, #tpu.memory_space<smem>>, %arg2: memref<128xi32, #tpu.memory_space<smem>>, %arg3: memref<128xi32, #tpu.memory_space<smem>>) -> i32 {
    %c0_i32 = arith.constant 0 : i32
    return %arg0 : i32
  }
  func.func @transform_2(%arg0: i32, %arg1: memref<128xi32, #tpu.memory_space<smem>>, %arg2: memref<128xi32, #tpu.memory_space<smem>>, %arg3: memref<128xi32, #tpu.memory_space<smem>>) -> i32 {
    %c0_i32 = arith.constant 0 : i32
    return %arg0 : i32
  }
  func.func @transform_3(%arg0: i32, %arg1: memref<128xi32, #tpu.memory_space<smem>>, %arg2: memref<128xi32, #tpu.memory_space<smem>>, %arg3: memref<128xi32, #tpu.memory_space<smem>>) -> (i32, i32, i32) {
    %c0_i32 = arith.constant 0 : i32
    %c0_i32_0 = arith.constant 0 : i32
    %c0_i32_1 = arith.constant 0 : i32
    %c0_i32_2 = arith.constant 0 : i32
    return %c0_i32, %c0_i32_0, %c0_i32_1 : i32, i32, i32
  }
  func.func @transform_4(%arg0: i32, %arg1: memref<128xi32, #tpu.memory_space<smem>>, %arg2: memref<128xi32, #tpu.memory_space<smem>>, %arg3: memref<128xi32, #tpu.memory_space<smem>>) -> (i32, i32) {
    %c0_i32 = arith.constant 0 : i32
    %c0_i32_0 = arith.constant 0 : i32
    %c0_i32_1 = arith.constant 0 : i32
    return %c0_i32, %c0_i32_0 : i32, i32
  }
  func.func @transform_5(%arg0: i32, %arg1: memref<128xi32, #tpu.memory_space<smem>>, %arg2: memref<128xi32, #tpu.memory_space<smem>>, %arg3: memref<128xi32, #tpu.memory_space<smem>>) -> (i32, i32) {
    %c0_i32 = arith.constant 0 : i32
    %c0_i32_0 = arith.constant 0 : i32
    return %arg0, %c0_i32 : i32, i32
  }
}

module attributes {stable_mosaic.version = 14 : i64} {
  func.func @_gate_body(%arg0: i32, %arg1: memref<512x768xf32, #tpu.memory_space<vmem>>, %arg2: memref<768x8xf32, #tpu.memory_space<vmem>>, %arg3: memref<8xf32, #tpu.memory_space<vmem>>, %arg4: memref<512xi32, #tpu.memory_space<vmem>>, %arg5: memref<512xf32, #tpu.memory_space<vmem>>, %arg6: memref<512xf32, #tpu.memory_space<vmem>>, %arg7: memref<1x2x64xi32, #tpu.memory_space<vmem>>, %arg8: memref<64xi32, #tpu.memory_space<vmem>>, %arg9: memref<128xi32, #tpu.memory_space<vmem>>, %arg10: memref<128xi32, #tpu.memory_space<vmem>>, %arg11: memref<128xi32, #tpu.memory_space<vmem>>, %arg12: memref<64xi32, #tpu.memory_space<vmem>>) attributes {dimension_semantics = [#tpu.dimension_semantics<arbitrary>], iteration_bounds = array<i64: 16>, scalar_prefetch = 0 : i64, scratch_operands = 1 : i64, tpu.core_type = #tpu.core_type<tc>, window_params = [{transform_indices = @transform_0, window_bounds = array<i64: 512, 768>}, {pipeline_mode = #tpu.pipeline_mode<synchronous>, transform_indices = @transform_1, window_bounds = array<i64: 768, 8>}, {pipeline_mode = #tpu.pipeline_mode<synchronous>, transform_indices = @transform_2, window_bounds = array<i64: 8>}, {transform_indices = @transform_3, window_bounds = array<i64: 512>}, {transform_indices = @transform_4, window_bounds = array<i64: 512>}, {transform_indices = @transform_5, window_bounds = array<i64: 512>}, {transform_indices = @transform_6, window_bounds = array<i64: 1, 2, 64>}, {pipeline_mode = #tpu.pipeline_mode<synchronous>, transform_indices = @transform_7, window_bounds = array<i64: 64>}, {pipeline_mode = #tpu.pipeline_mode<synchronous>, transform_indices = @transform_8, window_bounds = array<i64: 128>}, {pipeline_mode = #tpu.pipeline_mode<synchronous>, transform_indices = @transform_9, window_bounds = array<i64: 128>}, {pipeline_mode = #tpu.pipeline_mode<synchronous>, transform_indices = @transform_10, window_bounds = array<i64: 128>}]} {
    %get3A = arith.constant 0 : index
    %get3A_0 = arith.constant 0 : index
    %get3A_1 = vector.load %arg1[%get3A, %get3A_0] : memref<512x768xf32, #tpu.memory_space<vmem>>, vector<512x768xf32>
    %get3A_2 = arith.constant 0 : index
    %get3A_3 = arith.constant 0 : index
    %get3A_4 = vector.load %arg2[%get3A_2, %get3A_3] : memref<768x8xf32, #tpu.memory_space<vmem>>, vector<768x8xf32>
    %dot_general3A = arith.constant dense<0.000000e+00> : vector<512x8xf32>
    %dot_general3A_5 = tpu.matmul %get3A_1, %get3A_4, %dot_general3A {dimension_numbers = #tpu.dot_dimension_numbers<[1], [0], [0], [1], [0, 0, 1, 1], [], []>, transpose_lhs_hint = false} : vector<512x768xf32>, vector<768x8xf32>, vector<512x8xf32> -> vector<512x8xf32>
    %get3A_6 = arith.constant 0 : index
    %get3A_7 = vector.load %arg3[%get3A_6] : memref<8xf32, #tpu.memory_space<vmem>>, vector<8xf32>
    %broadcast_in_dim3A = vector.shape_cast %get3A_7 : vector<8xf32> to vector<1x8xf32>
    %add3A = vector.broadcast %broadcast_in_dim3A : vector<1x8xf32> to vector<512x8xf32>
    %add3A_8 = arith.addf %dot_general3A_5, %add3A : vector<512x8xf32>
    %iota3A = tpu.iota {dimensions = array<i32: 1>} : vector<512x8xi32>
    %reduce_max3A = arith.constant dense<0xFF800000> : vector<512xf32>
    %reduce_max3A_9 = vector.multi_reduction <maximumf>, %add3A_8, %reduce_max3A [1] : vector<512x8xf32> to vector<512xf32>
    %broadcast_in_dim3A_10 = vector.shape_cast %reduce_max3A_9 : vector<512xf32> to vector<512x1xf32>
    %eq3A = vector.broadcast %broadcast_in_dim3A_10 : vector<512x1xf32> to vector<512x8xf32>
    %eq3A_11 = arith.cmpf oeq, %add3A_8, %eq3A : vector<512x8xf32>
    %jit3A = arith.constant 8 : i32
    %broadcast_in_dim3A_12 = vector.broadcast %jit3A : i32 to vector<512x8xi32>
    %select_n3A = arith.select %eq3A_11, %iota3A, %broadcast_in_dim3A_12 : vector<512x8xi1>, vector<512x8xi32>
    %reduce_min3A = arith.constant dense<2147483647> : vector<512xi32>
    %reduce_min3A_13 = vector.multi_reduction <minsi>, %select_n3A, %reduce_min3A [1] : vector<512x8xi32> to vector<512xi32>
    %broadcast_in_dim3A_14 = vector.shape_cast %reduce_min3A_13 : vector<512xi32> to vector<512x1xi32>
    %eq3A_15 = vector.broadcast %broadcast_in_dim3A_14 : vector<512x1xi32> to vector<512x8xi32>
    %eq3A_16 = arith.cmpi eq, %iota3A, %eq3A_15 : vector<512x8xi32>
    %jit3A_17 = arith.constant 0xFF800000 : f32
    %broadcast_in_dim3A_18 = vector.broadcast %jit3A_17 : f32 to vector<512x8xf32>
    %select_n3A_19 = arith.select %eq3A_16, %broadcast_in_dim3A_18, %add3A_8 : vector<512x8xi1>, vector<512x8xf32>
    %reduce_max3A_20 = arith.constant dense<0xFF800000> : vector<512xf32>
    %reduce_max3A_21 = vector.multi_reduction <maximumf>, %select_n3A_19, %reduce_max3A_20 [1] : vector<512x8xf32> to vector<512xf32>
    %broadcast_in_dim3A_22 = vector.shape_cast %reduce_max3A_21 : vector<512xf32> to vector<512x1xf32>
    %eq3A_23 = vector.broadcast %broadcast_in_dim3A_22 : vector<512x1xf32> to vector<512x8xf32>
    %eq3A_24 = arith.cmpf oeq, %select_n3A_19, %eq3A_23 : vector<512x8xf32>
    %jit3A_25 = arith.constant 8 : i32
    %broadcast_in_dim3A_26 = vector.broadcast %jit3A_25 : i32 to vector<512x8xi32>
    %select_n3A_27 = arith.select %eq3A_24, %iota3A, %broadcast_in_dim3A_26 : vector<512x8xi1>, vector<512x8xi32>
    %reduce_min3A_28 = arith.constant dense<2147483647> : vector<512xi32>
    %reduce_min3A_29 = vector.multi_reduction <minsi>, %select_n3A_27, %reduce_min3A_28 [1] : vector<512x8xi32> to vector<512xi32>
    %broadcast_in_dim3A_30 = vector.shape_cast %reduce_min3A_29 : vector<512xi32> to vector<512x1xi32>
    %sub3A = arith.subf %broadcast_in_dim3A_22, %broadcast_in_dim3A_10 : vector<512x1xf32>
    %exp3A = math.exp %sub3A : vector<512x1xf32>
    %add3A_31 = arith.constant 1.000000e+00 : f32
    %add3A_32 = vector.broadcast %add3A_31 : f32 to vector<512x1xf32>
    %add3A_33 = arith.addf %add3A_32, %exp3A : vector<512x1xf32>
    %div3A = arith.constant 1.000000e+00 : f32
    %div3A_34 = vector.broadcast %div3A : f32 to vector<512x1xf32>
    %div3A_35 = arith.divf %div3A_34, %add3A_33 : vector<512x1xf32>
    %add3A_36 = arith.constant 1.000000e+00 : f32
    %add3A_37 = vector.broadcast %add3A_36 : f32 to vector<512x1xf32>
    %add3A_38 = arith.addf %add3A_37, %exp3A : vector<512x1xf32>
    %div3A_39 = arith.divf %exp3A, %add3A_38 : vector<512x1xf32>
    %squeeze3A = vector.shape_cast %broadcast_in_dim3A_14 : vector<512x1xi32> to vector<512xi32>
    %squeeze3A_40 = vector.shape_cast %broadcast_in_dim3A_30 : vector<512x1xi32> to vector<512xi32>
    %squeeze3A_41 = vector.shape_cast %div3A_35 : vector<512x1xf32> to vector<512xf32>
    %squeeze3A_42 = vector.shape_cast %div3A_39 : vector<512x1xf32> to vector<512xf32>
    %min3A = arith.minsi %squeeze3A, %squeeze3A_40 : vector<512xi32>
    %max3A = arith.maxsi %squeeze3A, %squeeze3A_40 : vector<512xi32>
    %mul3A = arith.constant 8 : i32
    %mul3A_43 = vector.broadcast %mul3A : i32 to vector<512xi32>
    %mul3A_44 = arith.muli %min3A, %mul3A_43 : vector<512xi32>
    %add3A_45 = arith.addi %mul3A_44, %max3A : vector<512xi32>
    %swap3A = arith.constant 0 : index
    %swap3A_46 = vector.load %arg4[%swap3A] : memref<512xi32, #tpu.memory_space<vmem>>, vector<512xi32>
    tpu.vector_store %arg4[%swap3A], %add3A_45 {strides = array<i32>} : memref<512xi32, #tpu.memory_space<vmem>>, vector<512xi32>,
    %lt3A = arith.cmpi slt, %squeeze3A, %squeeze3A_40 : vector<512xi32>
    %select_n3A_47 = arith.select %lt3A, %squeeze3A_41, %squeeze3A_42 : vector<512xi1>, vector<512xf32>
    %swap3A_48 = arith.constant 0 : index
    %swap3A_49 = vector.load %arg5[%swap3A_48] : memref<512xf32, #tpu.memory_space<vmem>>, vector<512xf32>
    tpu.vector_store %arg5[%swap3A_48], %select_n3A_47 {strides = array<i32>} : memref<512xf32, #tpu.memory_space<vmem>>, vector<512xf32>,
    %select_n3A_50 = arith.select %lt3A, %squeeze3A_42, %squeeze3A_41 : vector<512xi1>, vector<512xf32>
    %swap3A_51 = arith.constant 0 : index
    %swap3A_52 = vector.load %arg6[%swap3A_51] : memref<512xf32, #tpu.memory_space<vmem>>, vector<512xf32>
    tpu.vector_store %arg6[%swap3A_51], %select_n3A_50 {strides = array<i32>} : memref<512xf32, #tpu.memory_space<vmem>>, vector<512xf32>,
    %iota3A_53 = tpu.iota {dimensions = array<i32: 1>} : vector<512x64xi32>
    %broadcast_in_dim3A_54 = vector.shape_cast %add3A_45 : vector<512xi32> to vector<512x1xi32>
    %eq3A_55 = vector.broadcast %broadcast_in_dim3A_54 : vector<512x1xi32> to vector<512x64xi32>
    %eq3A_56 = arith.cmpi eq, %eq3A_55, %iota3A_53 : vector<512x64xi32>
    %convert_element_type3A = arith.extui %eq3A_56 : vector<512x64xi1> to vector<512x64xi32>
    %iota3A_57 = tpu.iota {dimensions = array<i32: 0>} : vector<512x64xi32>
    %lt3A_58 = arith.constant 256 : i32
    %lt3A_59 = vector.broadcast %lt3A_58 : i32 to vector<512x64xi32>
    %lt3A_60 = arith.cmpi slt, %iota3A_57, %lt3A_59 : vector<512x64xi32>
    %jit3A_61 = arith.constant 0 : i32
    %broadcast_in_dim3A_62 = vector.broadcast %jit3A_61 : i32 to vector<512x64xi32>
    %select_n3A_63 = arith.select %lt3A_60, %convert_element_type3A, %broadcast_in_dim3A_62 : vector<512x64xi1>, vector<512x64xi32>
    %reduce_sum3A = arith.constant dense<0> : vector<64xi32>
    %reduce_sum3A_64 = vector.multi_reduction <add>, %select_n3A_63, %reduce_sum3A [0] : vector<512x64xi32> to vector<64xi32>
    %jit3A_65 = arith.constant 0 : i32
    %broadcast_in_dim3A_66 = vector.broadcast %jit3A_65 : i32 to vector<512x64xi32>
    %select_n3A_67 = arith.select %lt3A_60, %broadcast_in_dim3A_66, %convert_element_type3A : vector<512x64xi1>, vector<512x64xi32>
    %reduce_sum3A_68 = arith.constant dense<0> : vector<64xi32>
    %reduce_sum3A_69 = vector.multi_reduction <add>, %select_n3A_67, %reduce_sum3A_68 [0] : vector<512x64xi32> to vector<64xi32>
    %eq3A_70 = arith.constant 0 : i32
    %eq3A_71 = arith.cmpi eq, %arg0, %eq3A_70 : i32
    %convert_element_type3A_72 = arith.extui %eq3A_71 : i1 to i32
    %cond3A = arith.constant 0 : i32
    %cond3A_73 = arith.cmpi ne, %convert_element_type3A_72, %cond3A : i32
    scf.if %cond3A_73 {
      %broadcast_in_dim3A_98 = arith.constant 0 : i32
      %broadcast_in_dim3A_99 = vector.broadcast %broadcast_in_dim3A_98 : i32 to vector<64xi32>
      %swap3A_100 = arith.constant 0 : index
      %swap3A_101 = vector.load %arg12[%swap3A_100] : memref<64xi32, #tpu.memory_space<vmem>>, vector<64xi32>
      tpu.vector_store %arg12[%swap3A_100], %broadcast_in_dim3A_99 {strides = array<i32>} : memref<64xi32, #tpu.memory_space<vmem>>, vector<64xi32>,
    } else {
    }
    %get3A_74 = arith.constant 0 : index
    %get3A_75 = vector.load %arg12[%get3A_74] : memref<64xi32, #tpu.memory_space<vmem>>, vector<64xi32>
    %swap3A_76 = arith.constant 0 : index
    %swap3A_77 = arith.constant 0 : index
    %swap3A_78 = arith.constant 0 : index
    %swap3A_79 = vector.load %arg7[%swap3A_76, %swap3A_77, %swap3A_78] : memref<1x2x64xi32, #tpu.memory_space<vmem>>, vector<1x1x64xi32>
    %swap3A_80 = vector.shape_cast %swap3A_79 : vector<1x1x64xi32> to vector<64xi32>
    %swap3A_81 = vector.shape_cast %get3A_75 : vector<64xi32> to vector<1x1x64xi32>
    tpu.vector_store %arg7[%swap3A_76, %swap3A_77, %swap3A_78], %swap3A_81 {strides = array<i32>} : memref<1x2x64xi32, #tpu.memory_space<vmem>>, vector<1x1x64xi32>,
    %add3A_82 = arith.addi %get3A_75, %reduce_sum3A_64 : vector<64xi32>
    %swap3A_83 = arith.constant 0 : index
    %swap3A_84 = arith.constant 1 : index
    %swap3A_85 = arith.constant 0 : index
    %swap3A_86 = vector.load %arg7[%swap3A_83, %swap3A_84, %swap3A_85] : memref<1x2x64xi32, #tpu.memory_space<vmem>>, vector<1x1x64xi32>
    %swap3A_87 = vector.shape_cast %swap3A_86 : vector<1x1x64xi32> to vector<64xi32>
    %swap3A_88 = vector.shape_cast %add3A_82 : vector<64xi32> to vector<1x1x64xi32>
    tpu.vector_store %arg7[%swap3A_83, %swap3A_84, %swap3A_85], %swap3A_88 {strides = array<i32>} : memref<1x2x64xi32, #tpu.memory_space<vmem>>, vector<1x1x64xi32>,
    %add3A_89 = arith.addi %get3A_75, %reduce_sum3A_64 : vector<64xi32>
    %add3A_90 = arith.addi %add3A_89, %reduce_sum3A_69 : vector<64xi32>
    %swap3A_91 = arith.constant 0 : index
    %swap3A_92 = vector.load %arg12[%swap3A_91] : memref<64xi32, #tpu.memory_space<vmem>>, vector<64xi32>
    tpu.vector_store %arg12[%swap3A_91], %add3A_90 {strides = array<i32>} : memref<64xi32, #tpu.memory_space<vmem>>, vector<64xi32>,
    %eq3A_93 = arith.constant 15 : i32
    %eq3A_94 = arith.cmpi eq, %arg0, %eq3A_93 : i32
    %convert_element_type3A_95 = arith.extui %eq3A_94 : i1 to i32
    %cond3A_96 = arith.constant 0 : i32
    %cond3A_97 = arith.cmpi ne, %convert_element_type3A_95, %cond3A_96 : i32
    scf.if %cond3A_97 {
      %add3A_98 = arith.addi %get3A_75, %reduce_sum3A_64 : vector<64xi32>
      %add3A_99 = arith.addi %add3A_98, %reduce_sum3A_69 : vector<64xi32>
      %add3A_100 = arith.constant 128 : i32
      %add3A_101 = vector.broadcast %add3A_100 : i32 to vector<64xi32>
      %add3A_102 = arith.addi %add3A_99, %add3A_101 : vector<64xi32>
      %sub3A_103 = arith.constant 1 : i32
      %sub3A_104 = vector.broadcast %sub3A_103 : i32 to vector<64xi32>
      %sub3A_105 = arith.subi %add3A_102, %sub3A_104 : vector<64xi32>
      %jit3A_106 = arith.constant 128 : i32
      %div3A_107 = vector.broadcast %jit3A_106 : i32 to vector<64xi32>
      %div3A_108 = arith.divsi %sub3A_105, %div3A_107 : vector<64xi32>
      %sign3A = arith.constant 0 : i32
      %sign3A_109 = vector.broadcast %sign3A : i32 to vector<64xi32>
      %sign3A_110 = arith.cmpi sgt, %sub3A_105, %sign3A_109 : vector<64xi32>
      %sign3A_111 = arith.extui %sign3A_110 : vector<64xi1> to vector<64xi32>
      %sign3A_112 = arith.constant 0 : i32
      %sign3A_113 = vector.broadcast %sign3A_112 : i32 to vector<64xi32>
      %sign3A_114 = arith.cmpi slt, %sub3A_105, %sign3A_113 : vector<64xi32>
      %sign3A_115 = arith.extui %sign3A_114 : vector<64xi1> to vector<64xi32>
      %sign3A_116 = arith.subi %sign3A_111, %sign3A_115 : vector<64xi32>
      %sign3A_117 = arith.constant 0 : i32
      %sign3A_118 = arith.cmpi sgt, %jit3A_106, %sign3A_117 : i32
      %sign3A_119 = arith.extui %sign3A_118 : i1 to i32
      %sign3A_120 = arith.constant 0 : i32
      %sign3A_121 = arith.cmpi slt, %jit3A_106, %sign3A_120 : i32
      %sign3A_122 = arith.extui %sign3A_121 : i1 to i32
      %sign3A_123 = arith.subi %sign3A_119, %sign3A_122 : i32
      %ne3A = vector.broadcast %sign3A_123 : i32 to vector<64xi32>
      %ne3A_124 = arith.cmpi ne, %sign3A_116, %ne3A : vector<64xi32>
      %rem3A = vector.broadcast %jit3A_106 : i32 to vector<64xi32>
      %rem3A_125 = arith.remsi %sub3A_105, %rem3A : vector<64xi32>
      %ne3A_126 = arith.constant 0 : i32
      %ne3A_127 = vector.broadcast %ne3A_126 : i32 to vector<64xi32>
      %ne3A_128 = arith.cmpi ne, %rem3A_125, %ne3A_127 : vector<64xi32>
      %and3A = arith.andi %ne3A_124, %ne3A_128 : vector<64xi1>
      %sub3A_129 = arith.constant 1 : i32
      %sub3A_130 = vector.broadcast %sub3A_129 : i32 to vector<64xi32>
      %sub3A_131 = arith.subi %div3A_108, %sub3A_130 : vector<64xi32>
      %select_n3A_132 = arith.select %and3A, %sub3A_131, %div3A_108 : vector<64xi1>, vector<64xi32>
      %mul3A_133 = arith.constant 128 : i32
      %mul3A_134 = vector.broadcast %mul3A_133 : i32 to vector<64xi32>
      %mul3A_135 = arith.muli %select_n3A_132, %mul3A_134 : vector<64xi32>
      %iota3A_136 = tpu.iota {dimensions = array<i32: 0>} : vector<64x64xi32>
      %iota3A_137 = tpu.iota {dimensions = array<i32: 1>} : vector<64x64xi32>
      %le3A = arith.cmpi sle, %iota3A_136, %iota3A_137 : vector<64x64xi32>
      %convert_element_type3A_138 = arith.extui %le3A : vector<64x64xi1> to vector<64x64xi32>
      %convert_element_type3A_139 = arith.sitofp %convert_element_type3A_138 : vector<64x64xi32> to vector<64x64xf32>
      %convert_element_type3A_140 = arith.sitofp %mul3A_135 : vector<64xi32> to vector<64xf32>
      %broadcast_in_dim3A_141 = vector.shape_cast %convert_element_type3A_140 : vector<64xf32> to vector<1x64xf32>
      %dot_general3A_142 = arith.constant dense<0.000000e+00> : vector<1x64xf32>
      %dot_general3A_143 = tpu.matmul %broadcast_in_dim3A_141, %convert_element_type3A_139, %dot_general3A_142 {dimension_numbers = #tpu.dot_dimension_numbers<[1], [0], [0], [1], [0, 0, 1, 1], [], []>, precision = #tpu.contract_precision<fp32>, transpose_lhs_hint = false} : vector<1x64xf32>, vector<64x64xf32>, vector<1x64xf32> -> vector<1x64xf32>
      %squeeze3A_144 = vector.shape_cast %dot_general3A_143 : vector<1x64xf32> to vector<64xf32>
      %convert_element_type3A_145 = arith.fptosi %squeeze3A_144 : vector<64xf32> to vector<64xi32>
      %sub3A_146 = arith.subi %convert_element_type3A_145, %mul3A_135 : vector<64xi32>
      %swap3A_147 = arith.constant 0 : index
      %swap3A_148 = vector.load %arg8[%swap3A_147] : memref<64xi32, #tpu.memory_space<vmem>>, vector<64xi32>
      tpu.vector_store %arg8[%swap3A_147], %sub3A_146 {strides = array<i32>} : memref<64xi32, #tpu.memory_space<vmem>>, vector<64xi32>,
      %iota3A_149 = tpu.iota {dimensions = array<i32: 1>} : vector<1x128xi32>
      %iota3A_150 = vector.shape_cast %iota3A_149 : vector<1x128xi32> to vector<128xi32>
      %mul3A_151 = arith.constant 128 : i32
      %mul3A_152 = vector.broadcast %mul3A_151 : i32 to vector<128xi32>
      %mul3A_153 = arith.muli %iota3A_150, %mul3A_152 : vector<128xi32>
      %broadcast_in_dim3A_154 = vector.shape_cast %convert_element_type3A_145 : vector<64xi32> to vector<1x64xi32>
      %broadcast_in_dim3A_155 = vector.shape_cast %mul3A_153 : vector<128xi32> to vector<128x1xi32>
      %le3A_156 = vector.broadcast %broadcast_in_dim3A_154 : vector<1x64xi32> to vector<128x64xi32>
      %le3A_157 = vector.broadcast %broadcast_in_dim3A_155 : vector<128x1xi32> to vector<128x64xi32>
      %le3A_158 = arith.cmpi sle, %le3A_156, %le3A_157 : vector<128x64xi32>
      %convert_element_type3A_159 = arith.extui %le3A_158 : vector<128x64xi1> to vector<128x64xi32>
      %reduce_sum3A_160 = arith.constant dense<0> : vector<128xi32>
      %reduce_sum3A_161 = vector.multi_reduction <add>, %convert_element_type3A_159, %reduce_sum3A_160 [1] : vector<128x64xi32> to vector<128xi32>
      %min3A_162 = arith.constant 63 : i32
      %min3A_163 = vector.broadcast %min3A_162 : i32 to vector<128xi32>
      %min3A_164 = arith.minsi %reduce_sum3A_161, %min3A_163 : vector<128xi32>
      %broadcast_in_dim3A_165 = vector.shape_cast %min3A_164 : vector<128xi32> to vector<128x1xi32>
      %iota3A_166 = tpu.iota {dimensions = array<i32: 1>} : vector<128x64xi32>
      %eq3A_167 = vector.broadcast %broadcast_in_dim3A_165 : vector<128x1xi32> to vector<128x64xi32>
      %eq3A_168 = arith.cmpi eq, %eq3A_167, %iota3A_166 : vector<128x64xi32>
      %broadcast_in_dim3A_169 = vector.shape_cast %add3A_99 : vector<64xi32> to vector<1x64xi32>
      %jit3A_170 = arith.constant 0 : i32
      %broadcast_in_dim3A_171 = vector.shape_cast %broadcast_in_dim3A_169 : vector<1x64xi32> to vector<1x64xi32>
      %broadcast_in_dim3A_172 = vector.broadcast %broadcast_in_dim3A_171 : vector<1x64xi32> to vector<128x64xi32>
      %broadcast_in_dim3A_173 = vector.broadcast %jit3A_170 : i32 to vector<128x64xi32>
      %select_n3A_174 = arith.select %eq3A_168, %broadcast_in_dim3A_172, %broadcast_in_dim3A_173 : vector<128x64xi1>, vector<128x64xi32>
      %reduce_sum3A_175 = arith.constant dense<0> : vector<128xi32>
      %reduce_sum3A_176 = vector.multi_reduction <add>, %select_n3A_174, %reduce_sum3A_175 [1] : vector<128x64xi32> to vector<128xi32>
      %broadcast_in_dim3A_177 = vector.shape_cast %sub3A_146 : vector<64xi32> to vector<1x64xi32>
      %jit3A_178 = arith.constant 0 : i32
      %broadcast_in_dim3A_179 = vector.shape_cast %broadcast_in_dim3A_177 : vector<1x64xi32> to vector<1x64xi32>
      %broadcast_in_dim3A_180 = vector.broadcast %broadcast_in_dim3A_179 : vector<1x64xi32> to vector<128x64xi32>
      %broadcast_in_dim3A_181 = vector.broadcast %jit3A_178 : i32 to vector<128x64xi32>
      %select_n3A_182 = arith.select %eq3A_168, %broadcast_in_dim3A_180, %broadcast_in_dim3A_181 : vector<128x64xi1>, vector<128x64xi32>
      %reduce_sum3A_183 = arith.constant dense<0> : vector<128xi32>
      %reduce_sum3A_184 = vector.multi_reduction <add>, %select_n3A_182, %reduce_sum3A_183 [1] : vector<128x64xi32> to vector<128xi32>
      %jit3A_185 = arith.constant 8 : i32
      %div3A_186 = vector.broadcast %jit3A_185 : i32 to vector<128xi32>
      %div3A_187 = arith.divsi %min3A_164, %div3A_186 : vector<128xi32>
      %sign3A_188 = arith.constant 0 : i32
      %sign3A_189 = vector.broadcast %sign3A_188 : i32 to vector<128xi32>
      %sign3A_190 = arith.cmpi sgt, %min3A_164, %sign3A_189 : vector<128xi32>
      %sign3A_191 = arith.extui %sign3A_190 : vector<128xi1> to vector<128xi32>
      %sign3A_192 = arith.constant 0 : i32
      %sign3A_193 = vector.broadcast %sign3A_192 : i32 to vector<128xi32>
      %sign3A_194 = arith.cmpi slt, %min3A_164, %sign3A_193 : vector<128xi32>
      %sign3A_195 = arith.extui %sign3A_194 : vector<128xi1> to vector<128xi32>
      %sign3A_196 = arith.subi %sign3A_191, %sign3A_195 : vector<128xi32>
      %sign3A_197 = arith.constant 0 : i32
      %sign3A_198 = arith.cmpi sgt, %jit3A_185, %sign3A_197 : i32
      %sign3A_199 = arith.extui %sign3A_198 : i1 to i32
      %sign3A_200 = arith.constant 0 : i32
      %sign3A_201 = arith.cmpi slt, %jit3A_185, %sign3A_200 : i32
      %sign3A_202 = arith.extui %sign3A_201 : i1 to i32
      %sign3A_203 = arith.subi %sign3A_199, %sign3A_202 : i32
      %ne3A_204 = vector.broadcast %sign3A_203 : i32 to vector<128xi32>
      %ne3A_205 = arith.cmpi ne, %sign3A_196, %ne3A_204 : vector<128xi32>
      %rem3A_206 = vector.broadcast %jit3A_185 : i32 to vector<128xi32>
      %rem3A_207 = arith.remsi %min3A_164, %rem3A_206 : vector<128xi32>
      %ne3A_208 = arith.constant 0 : i32
      %ne3A_209 = vector.broadcast %ne3A_208 : i32 to vector<128xi32>
      %ne3A_210 = arith.cmpi ne, %rem3A_207, %ne3A_209 : vector<128xi32>
      %and3A_211 = arith.andi %ne3A_205, %ne3A_210 : vector<128xi1>
      %sub3A_212 = arith.constant 1 : i32
      %sub3A_213 = vector.broadcast %sub3A_212 : i32 to vector<128xi32>
      %sub3A_214 = arith.subi %div3A_187, %sub3A_213 : vector<128xi32>
      %select_n3A_215 = arith.select %and3A_211, %sub3A_214, %div3A_187 : vector<128xi1>, vector<128xi32>
      %swap3A_216 = arith.constant 0 : index
      %swap3A_217 = vector.load %arg9[%swap3A_216] : memref<128xi32, #tpu.memory_space<vmem>>, vector<128xi32>
      tpu.vector_store %arg9[%swap3A_216], %select_n3A_215 {strides = array<i32>} : memref<128xi32, #tpu.memory_space<vmem>>, vector<128xi32>,
      %jit3A_218 = arith.constant 8 : i32
      %eq3A_219 = arith.constant 0 : i32
      %eq3A_220 = arith.cmpi eq, %jit3A_218, %eq3A_219 : i32
      %jit3A_221 = arith.constant 1 : i32
      %select_n3A_222 = arith.select %eq3A_220, %jit3A_221, %jit3A_218 : i32
      %rem3A_223 = vector.broadcast %select_n3A_222 : i32 to vector<128xi32>
      %rem3A_224 = arith.remsi %min3A_164, %rem3A_223 : vector<128xi32>
      %ne3A_225 = arith.constant 0 : i32
      %ne3A_226 = vector.broadcast %ne3A_225 : i32 to vector<128xi32>
      %ne3A_227 = arith.cmpi ne, %rem3A_224, %ne3A_226 : vector<128xi32>
      %lt3A_228 = arith.constant 0 : i32
      %lt3A_229 = vector.broadcast %lt3A_228 : i32 to vector<128xi32>
      %lt3A_230 = arith.cmpi slt, %rem3A_224, %lt3A_229 : vector<128xi32>
      %lt3A_231 = arith.constant 0 : i32
      %lt3A_232 = arith.cmpi slt, %select_n3A_222, %lt3A_231 : i32
      %ne3A_233 = vector.broadcast %lt3A_232 : i1 to vector<128xi1>
      %ne3A_234 = vector.broadcast %ne3A_233 : vector<128xi1> to vector<128xi1>
      %ne3A_235 = arith.xori %lt3A_230, %ne3A_234 : vector<128xi1>
      %and3A_236 = arith.andi %ne3A_235, %ne3A_227 : vector<128xi1>
      %add3A_237 = vector.broadcast %select_n3A_222 : i32 to vector<128xi32>
      %add3A_238 = arith.addi %rem3A_224, %add3A_237 : vector<128xi32>
      %select_n3A_239 = arith.select %and3A_236, %add3A_238, %rem3A_224 : vector<128xi1>, vector<128xi32>
      %swap3A_240 = arith.constant 0 : index
      %swap3A_241 = vector.load %arg10[%swap3A_240] : memref<128xi32, #tpu.memory_space<vmem>>, vector<128xi32>
      tpu.vector_store %arg10[%swap3A_240], %select_n3A_239 {strides = array<i32>} : memref<128xi32, #tpu.memory_space<vmem>>, vector<128xi32>,
      %sub3A_242 = arith.subi %mul3A_153, %reduce_sum3A_184 : vector<128xi32>
      %sub3A_243 = arith.subi %reduce_sum3A_176, %sub3A_242 : vector<128xi32>
      %jit3A_244 = arith.constant 0 : i32
      %jit3A_245 = arith.constant 128 : i32
      %max3A_246 = vector.broadcast %jit3A_244 : i32 to vector<128xi32>
      %max3A_247 = arith.maxsi %max3A_246, %sub3A_243 : vector<128xi32>
      %min3A_248 = vector.broadcast %jit3A_245 : i32 to vector<128xi32>
      %min3A_249 = arith.minsi %min3A_248, %max3A_247 : vector<128xi32>
      %swap3A_250 = arith.constant 0 : index
      %swap3A_251 = vector.load %arg11[%swap3A_250] : memref<128xi32, #tpu.memory_space<vmem>>, vector<128xi32>
      tpu.vector_store %arg11[%swap3A_250], %min3A_249 {strides = array<i32>} : memref<128xi32, #tpu.memory_space<vmem>>, vector<128xi32>,
    } else {
    }
    return
  }
  func.func @transform_0(%arg0: i32) -> (i32, i32) {
    %c0_i32 = arith.constant 0 : i32
    %c0_i32_0 = arith.constant 0 : i32
    return %arg0, %c0_i32 : i32, i32
  }
  func.func @transform_1(%arg0: i32) -> (i32, i32) {
    %c0_i32 = arith.constant 0 : i32
    %c0_i32_0 = arith.constant 0 : i32
    %c0_i32_1 = arith.constant 0 : i32
    return %c0_i32, %c0_i32_0 : i32, i32
  }
  func.func @transform_2(%arg0: i32) -> i32 {
    %c0_i32 = arith.constant 0 : i32
    %c0_i32_0 = arith.constant 0 : i32
    return %c0_i32 : i32
  }
  func.func @transform_3(%arg0: i32) -> i32 {
    %c0_i32 = arith.constant 0 : i32
    return %arg0 : i32
  }
  func.func @transform_4(%arg0: i32) -> i32 {
    %c0_i32 = arith.constant 0 : i32
    return %arg0 : i32
  }
  func.func @transform_5(%arg0: i32) -> i32 {
    %c0_i32 = arith.constant 0 : i32
    return %arg0 : i32
  }
  func.func @transform_6(%arg0: i32) -> (i32, i32, i32) {
    %c0_i32 = arith.constant 0 : i32
    %c0_i32_0 = arith.constant 0 : i32
    %c0_i32_1 = arith.constant 0 : i32
    return %arg0, %c0_i32, %c0_i32_0 : i32, i32, i32
  }
  func.func @transform_7(%arg0: i32) -> i32 {
    %c0_i32 = arith.constant 0 : i32
    %c0_i32_0 = arith.constant 0 : i32
    return %c0_i32 : i32
  }
  func.func @transform_8(%arg0: i32) -> i32 {
    %c0_i32 = arith.constant 0 : i32
    %c0_i32_0 = arith.constant 0 : i32
    return %c0_i32 : i32
  }
  func.func @transform_9(%arg0: i32) -> i32 {
    %c0_i32 = arith.constant 0 : i32
    %c0_i32_0 = arith.constant 0 : i32
    return %c0_i32 : i32
  }
  func.func @transform_10(%arg0: i32) -> i32 {
    %c0_i32 = arith.constant 0 : i32
    %c0_i32_0 = arith.constant 0 : i32
    return %c0_i32 : i32
  }
}

</mosaic_0001>

<sc_bundles>
// kernel: kernel.10.cloned.1.call-start
scs
__scs_entry_jumppad:
0x0: {  	(pc) =	sbr.rel $0x88, $3  }
0x1: {  	(tag) =	ssettag $0x0;
	lr =	simm.s32 $0x1  }
0x2: {  	[smem:$0x3F9C] =	sst lr;
	_ =	strace $0xD0000000  }
0x3: {  	_ = 	snop  }
0x4: {  	_ = 	snop  }
0x5: {  	_ = 	snop  }
0x6: {  	_ = 	snop  }
0x7: {  	_ = 	snop  }
__scs_overlays_trampoline_lowered:
0x8: {  	[smem:$0x3FAB] =	sst s0  }
0x9: {  	[smem:$0x3FAC] =	sst s1  }
0xa: {  	[smem:$0x3FAD] =	sst s2  }
0xb: {  	[smem:$0x3FAE] =	sst s3  }
0xc: {  	[smem:$0x3FAF] =	sst s4  }
0xd: {  	[smem:$0x3FB0] =	sst s5  }
0xe: {  	[smem:$0x3FB1] =	sst s6  }
0xf: {  	[smem:$0x3FB2] =	sst s7  }
0x10: {  	[smem:$0x3FB3] =	sst s8  }
0x11: {  	[smem:$0x3FB4] =	sst s9;
	s0 =	simm.s32 @!p0 $0x0  }
0x12: {  	s1 =	sld [smem:$0x3F9A];
	s0 =	simm.s32 @p0 $0x1  }
0x13: {  	[smem:$0x3FB5] =	sst s0;
	s0 =	simm.s32 @!p1 $0x0  }
0x14: {  	s2 =	sld [smem:$0x3F99];
	s0 =	simm.s32 @p1 $0x1  }
0x15: {  	[smem:$0x3FB6] =	sst s0;
	s0 =	simm.s32 @!p2 $0x0  }
0x16: {  	s3 =	sld [smem:$0x3FDB];
	s0 =	simm.s32 @p2 $0x1  }
0x17: {  	s4 =	simm.s32 $0x1BF5;
	[smem:$0x3FB8] =	sst s0  }
0x18: {  	s0 =	sld [smem:$0x3F9B];
	_ =	swait.ge [sflag:s4], $0x0  }
0x19: {  	s7 =	sld [smem:$0x3F9C]  }
0x1a: {  	s8 =	sadd.s32 $0xFFFFE003, lr  }
0x1b: {  	s9 =	sadd.s32 $0xFFFFFEF7, lr;
	s5 =	simm.s32 $0xFFFFFFFF;
	p2 =	slt.u32 s8, $0xFFFFF086  }
0x1c: {  	p1 =	slt.u32 s9, $0xF7A;
	s5 =	simm.s32 @!p2 $0x0  }
0x1d: {  	s5 =	simm.s32 @p1 $0x1;
	p0 =	seq.s32 s7, s2  }
0x1e: {  	s7 =	smul.u32 @!p0 $0xF7A, s2;
	p2 =	seq.s32 @!p0 s5, $0x0  }
0x1f: {  	s9 =	smul.u32 $0xF7A, s1;
	s8 =	simm.s32 @!p0 $0x1BF5;
	p2 =	por !p2, p0  }
0x20: {  	[sflag:s8] =	ssyncset.s32 @!p0 $0xFFFFF086;
	s6 =	sadd.s32 @!p0 s3, s7;
	s7 =	simm.s32 @!p0 $0x108  }
0x21: {  	s3 =	sadd.s32 s3, s9;
	s6 =	sadd.s32 @!p0 $0x88, s6;
	s7 =	simm.s32 @p2 $0x1082  }
0x22: {  	[simem:s7], [sflag:s8] =	dma.local @!p0 [hbm:s6], $0xF7A  }
0x23: {  	s9 =	sor.u32 $0xD0000000, s2;
	s6 =	simm.s32 $0x108;
	_ =	swait.ge @!p0 [sflag:s8], $0x0  }
0x24: {  	s3 =	sadd.s32 $0x88, s3;
	s6 =	simm.s32 @!p1 $0x1082;
	[sflag:s4] =	ssyncset.s32 $0xFFFFF086  }
0x25: {  	[simem:s6], [sflag:s4] =	dma.local [hbm:s3], $0xF7A  }
0x26: {  	[smem:$0x3F9C] =	sst s1;
	(tag) =	ssettag s2;
	_ =	strace s9  }
0x27: {  	s1 =	sld [smem:$0x3FAC]  }
0x28: {  	s2 =	sld [smem:$0x3FAD]  }
0x29: {  	s4 =	sld [smem:$0x3FAF]  }
0x2a: {  	p0 =	seq.s32 s5, $0x0;
	s5 =	sld [smem:$0x3FB0]  }
0x2b: {  	s6 =	sld [smem:$0x3FB1]  }
0x2c: {  	s7 =	sld [smem:$0x3FB2]  }
0x2d: {  	s3 =	simm.s32 $0x108;
	s8 =	sld [smem:$0x3FB3]  }
0x2e: {  	s3 =	simm.s32 @!p0 $0x1082;
	s9 =	sld [smem:$0x3FB4]  }
0x2f: {  	lr =	sadd.s32 s0, s3;
	s0 =	sld [smem:$0x3FAB]  }
0x30: {  	s3 =	sld [smem:$0x3FAE]  }
0x31: {  	[smem:$0x3FB7] =	sst s10  }
0x32: {  	s10 =	sld [smem:$0x3FB5];
	_ =	sdelay $0x3  }
0x33: {  	p0 =	seq.s32 s10, $0x1;
	s10 =	sld [smem:$0x3FB7];
	_ =	sdelay $0x3  }
0x34: {  	[smem:$0x3FB7] =	sst s10  }
0x35: {  	s10 =	sld [smem:$0x3FB6];
	_ =	sdelay $0x3  }
0x36: {  	p1 =	seq.s32 s10, $0x1;
	s10 =	sld [smem:$0x3FB7];
	_ =	sdelay $0x3  }
0x37: {  	[smem:$0x3FB7] =	sst s10  }
0x38: {  	s10 =	sld [smem:$0x3FB8]  }
0x39: {  	_ = 	snop;
	(pc) =	sbr.ind lr, $3  }
0x3a: {  	_ = 	snop  }
0x3b: {  	_ = 	snop  }
0x3c: {  	p2 =	seq.s32 s10, $0x1;
	s10 =	sld [smem:$0x3FB7]  }
0x3d: {  	_ =	shalt  }
0x3e: {  	_ =	shalt  }
0x3f: {  	_ =	shalt  }
0x40: {  	_ =	shalt  }
0x41: {  	_ =	shalt  }
0x42: {  	_ =	shalt  }
0x43: {  	_ =	shalt  }
0x44: {  	_ =	shalt  }
0x45: {  	_ =	shalt  }
0x46: {  	_ =	shalt  }
0x47: {  	_ =	shalt  }
0x48: {  	_ =	shalt  }
0x49: {  	_ =	shalt  }
0x4a: {  	_ =	shalt  }
0x4b: {  	_ =	shalt  }
0x4c: {  	_ =	shalt  }
0x4d: {  	_ =	shalt  }
0x4e: {  	_ =	shalt  }
0x4f: {  	_ =	shalt  }
0x50: {  	_ =	shalt  }
0x51: {  	_ =	shalt  }
0x52: {  	_ =	shalt  }
0x53: {  	_ =	shalt  }
0x54: {  	_ =	shalt  }
0x55: {  	_ =	shalt  }
0x56: {  	_ =	shalt  }
0x57: {  	_ =	shalt  }
0x58: {  	_ =	shalt  }
0x59: {  	_ =	shalt  }
0x5a: {  	_ =	shalt  }
0x5b: {  	_ =	shalt  }
0x5c: {  	_ =	shalt  }
0x5d: {  	_ =	shalt  }
0x5e: {  	_ =	shalt  }
0x5f: {  	_ =	shalt  }
0x60: {  	_ =	shalt  }
0x61: {  	_ =	shalt  }
0x62: {  	_ =	shalt  }
0x63: {  	_ =	shalt  }
0x64: {  	_ =	shalt  }
0x65: {  	_ =	shalt  }
0x66: {  	_ =	shalt  }
0x67: {  	_ =	shalt  }
0x68: {  	_ =	shalt  }
0x69: {  	_ =	shalt  }
0x6a: {  	_ =	shalt  }
0x6b: {  	_ =	shalt  }
0x6c: {  	_ =	shalt  }
0x6d: {  	_ =	shalt  }
0x6e: {  	_ =	shalt  }
0x6f: {  	_ =	shalt  }
0x70: {  	_ =	shalt  }
0x71: {  	_ =	shalt  }
0x72: {  	_ =	shalt  }
0x73: {  	_ =	shalt  }
0x74: {  	_ =	shalt  }
0x75: {  	_ =	shalt  }
0x76: {  	_ =	shalt  }
0x77: {  	_ =	shalt  }
0x78: {  	_ =	shalt  }
0x79: {  	_ =	shalt  }
0x7a: {  	_ =	shalt  }
0x7b: {  	_ =	shalt  }
0x7c: {  	_ =	shalt  }
0x7d: {  	_ =	shalt  }
0x7e: {  	_ =	shalt  }
0x7f: {  	_ =	shalt  }
0x80: {  	_ =	shalt  }
0x81: {  	_ =	shalt  }
0x82: {  	_ =	shalt  }
0x83: {  	_ =	shalt  }
0x84: {  	_ =	shalt  }
0x85: {  	_ =	shalt  }
0x86: {  	_ =	shalt  }
0x87: {  	_ =	shalt  }
.Lfunc_end0:
.L_simem_size_0:
called_computation.1_lowered:
.L_overlay_start_0:
0x88: {  	s2 =	sld [smem:$0x3FD9]  }
0x89: {  	s3 =	sld [smem:$0x3FFE];
	_ =	sdelay $0x1  }
0x8a: {  	s1 =	srdreg.scid  }
0x8b: {  	s0 =	sand.u32 $0x1, s1  }
0x8c: {  	s17 =	sshll.u32 s0, $0xA;
	s2 =	sadd.s32 s3, s2  }
0x8d: {  	s2 =	sadd.s32 s2, s17  }
0x8e: {  	[smem:$0x3FC3] =	sst s2  }
0x8f: {  	_ = 	snop  }
0x90: {  	s2 =	sld [smem:$0x3FC9]  }
0x91: {  	s18 =	sld [smem:$0x3FD0];
	(tm) =	ssettm $0x1  }
0x92: {  	s4 =	sld [smem:$0x3FFB];
	_ =	sdelay $0x3  }
0x93: {  	_ =	strace s4  }
0x94: {  	s4 =	sld [smem:$0x3FFC];
	_ =	sdelay $0x3  }
0x95: {  	_ =	strace s4  }
0x96: {  	s4 =	sld [smem:$0x3FFD];
	_ =	sdelay $0x3  }
0x97: {  	_ =	strace s4  }
0x98: {  	_ =	strace $0x8FFFFFFF  }
0x99: {  	s19 =	sld [smem:$0x3FDB];
	_ =	sdelay $0x1  }
0x9a: {  	s5 =	simm.s32 $_scs_section_size  }
0x9b: {  	s6 =	simm.s32 $_size__tile_overlayer_lowered;
	s7 =	simm.s32 $_tile_overlayer_lowered  }
0x9c: {  	s22 =	simm.s32 $0x1BFF;
	s21 =	sshll.u32 s7, $0x1;
	s4 =	sadd.s32 s5, s19  }
0x9d: {  	s8 =	simm.s32 $0x0;
	s20 =	sshll.u32 s6, $0x1;
	s6 =	sadd.s32 s21, s4  }
0x9e: {  	[timem:s8], [sflag:s22] =	dma.local [hbm:s6], s20  }
0x9f: {  	_ =	swait.ge [sflag:s22], s20  }
0xa0: {  	s5 =	ssub.s32 $0x0, s20;
	[sflag:s22] =	ssyncset.done $0x0  }
0xa1: {  	[sflag:s22] =	ssyncadd.s32 s5;
	_ =	sdelay $0x1  }
0xa2: {  	s23 =	simm.s32 $0x1B8B  }
0xa3: {  	_ =	swait.ge [sflag:s23], $0x1  }
0xa4: {  	[sflag:s23] =	ssyncset.done $0x0  }
0xa5: {  	s25 =	simm.s32 $0x1B8E;
	s24 =	sld [smem:$0x3FFE];
	[sflag:s23] =	ssyncadd.s32 $0xFFFFFFFF  }
0xa6: {  	s26 =	simm.s32 $execute0_lowered;
	[smem:$0x3FD2] =	sst s25  }
0xa7: {  	s6 =	sshll.u32 s26, $0x1;
	_ =	strace $0x80000049;
	[dreg:$0x1] =	wrdreg $0xFFFFFFFF  }
0xa8: {  	s28 =	simm.s32 $_size_execute0_lowered;
	s4 =	sadd.s32 s4, s6;
	[dreg:$0x0] =	wrdreg $0x0  }
0xa9: {  	s6 =	sshll.u32 s28, $0x1;
	[dreg:$0x2] =	wrdreg s4  }
0xaa: {  	[dreg:$0x3] =	wrdreg s6  }
0xab: {  	[dreg:$0x4] =	wrdreg $0xC0  }
0xac: {  	_ =	task [dreg:s8], $0x5FFFF  }
0xad: {  	[dreg:$0x1] =	wrdreg $0xFFFFFFFF  }
0xae: {  	[dreg:$0x0] =	wrdreg $0x60  }
0xaf: {  	[dreg:$0x2] =	wrdreg s2  }
0xb0: {  	[dreg:$0x3] =	wrdreg s18  }
0xb1: {  	[dreg:$0x4] =	wrdreg s24  }
0xb2: {  	[dreg:$0x5] =	wrdreg $0x9  }
0xb3: {  	_ =	task.clear_ibuf [dreg:s8], $0x6FFFF;
	_ =	strace $0x90000049  }
0xb4: {  	s29 =	simm.s32 $0x9;
	_ =	strace $0x8000004B  }
0xb5: {  	_ =	swait.ge [sflag:s29], $0x1  }
0xb6: {  	[sflag:s29] =	ssyncadd.s32 $0xFFFFFFFF  }
0xb7: {  	_ =	strace $0x9000004B  }
0xb8: {  	_ =	sfence  }
0xb9: {  	s30 =	sld [smem:$0x0];
	_ =	sdelay $0x2  }
0xba: {  	s31 =	sshll.u32 s1, $0xD;
	s1 =	sshrl.u32 s1, $0x2  }
0xbb: {  	s3 =	sand.u32 $0x4000, s31;
	s1 =	sadd.s32 s1, s30  }
0xbc: {  	s0 =	sor.u32 s3, s0;
	s1 =	sshll.u32 s1, $0x11  }
0xbd: {  	s0 =	sor.u32 s1, s0  }
0xbe: {  	s0 =	sadd.s32 $0x8F2B, s0  }
0xbf: {  	[sflag:s0] =	ssyncadd.remote.s32 $0x1  }
0xc0: {  	_ =	sfence.sel $0xFFFF  }
0xc1: {  	[dreg:$0x0] =	wrdreg $0xFFFFFFFF;
	(pc) =	sbr.abs _section_cstart, $3  }
0xc2: {  	[dreg:$0x1] =	wrdreg $0xFFFFFFFF  }
0xc3: {  	_ =	task.clear_ibuf [dreg:s8], $0x2FFFF;
	_ =	strace $0x9FFFFFFF  }
0xc4: {  	(tm) =	ssettm $0x7FFFFFFF  }
0xc5: {  	_ =	shalt  }
tec
execute0_lowered:
.L_overlay_start_1:
0x0: {  	(tag) =	ssettag $0x1  }
0x1: {  	s2 =	rddreg [dreg:$0x0]  }
0x2: {  	s0 =	srdreg.scid;
	s4 =	rddreg [dreg:$0x1]  }
0x3: {  	s1 =	stileid.u32;
	s5 =	rddreg [dreg:$0x2]  }
0x4: {  	s10 =	simm.s32 $0x2;
	s8 =	simm.s32 $0x400;
	s12 =	simm.s32 $0xC00  }
0x5: {  	s13 =	simm.s32 $0x1400;
	s14 =	simm.s32 $0x1C00;
	s15 =	simm.s32 $0x2400  }
0x6: {  	s16 =	simm.s32 $0x2C00;
	s17 =	simm.s32 $0x3400;
	s18 =	simm.s32 $0x3C00  }
0x7: {  	s19 =	simm.s32 $0x4400;
	s0 =	sand.u32 $0x1, s0;
	s1 =	sshll.u32 s1, $0x1  }
0x8: {  	s28 =	simm.s32 $0x8400;
	s29 =	simm.s32 $0x8C00;
	s1 =	sor.u32 s0, s1  }
0x9: {  	s30 =	simm.s32 $0x9400;
	s31 =	simm.s32 $0x9C00;
	s3 =	smul.u32 $0x180, s1  }
0xa: {  	s9 =	simm.s32 $0xB400;
	s5 =	sadd.s32 $0x5600, s5;
	s0 =	ssub.s32 $0x2, s0  }
0xb: {  	s1 =	sshll.u32 s1, $0x7;
	s23 =	sshrl.u32 s0, $0x1;
	s6 =	sshrl.u32 s3, $0x3  }
0xc: {  	s1 =	sadd.s32 s4, s1;
	s3 =	simm.s32 $0x0;
	s7 =	smul.u32 $0x1800, s6  }
0xd: {  	s0 =	ssub.s32 s0, s23;
	[smem:$0x7FF] =	sst s3;
	s6 =	smul.u32 $0x300, s6  }
0xe: {  	s4 =	simm.s32 $0x1;
	s23 =	simm.s32 $0x6400;
	_ =	strace $0x8000004A  }
0xf: {  	[dreg:$0x4] =	wrdreg s1;
	s7 =	sshrl.u32 s7, $0x3;
	s6 =	sadd.s32 s5, s6  }
0x10: {  	s20 =	sadd.s32 s5, s7;
	s22 =	sadd.s32 $0x3000, s6;
	[dreg:$0xa] =	wrdreg s6  }
0x11: {  	s24 =	sadd.s32 $0x4800, s6;
	s25 =	sadd.s32 $0x6000, s6;
	[dreg:$0x6] =	wrdreg s22  }
0x12: {  	s5 =	sadd.s32 $0x100, s2;
	s26 =	sadd.s32 $0x7800, s6;
	[dreg:$0x7] =	wrdreg s24  }
0x13: {  	s6 =	sadd.s32 $0x200, s2;
	s7 =	smax.u32 s0, $0x1;
	[dreg:$0x8] =	wrdreg s25  }
0x14: {  	v2 =	vlaneseq.u32;
	s21 =	sadd.s32 $0x1800, s20;
	[dreg:$0x9] =	wrdreg s26;
	s20 =	simm.s32 $0x4C00  }
0x15: {  	vm0 =	vmmov $0xffff;
	v1 =	vshrl.u32 v2, $0x3;
	s22 =	simm.s32 $0x5C00;
	s24 =	simm.s32 $0x6C00;
	s25 =	simm.s32 $0x7400  }
0x16: {  	v0 =	vand.u32 $0x7, v2;
	v2 =	vor.u32 $0x8, v2;
	v1 =	vmul.u32 $0x8, v1;
	s26 =	simm.s32 $0x7C00;
	[dreg:$0x5] =	wrdreg s21;
	s21 =	simm.s32 $0x5400  }
.LBB2_1:
0x17: {  	s11 =	rddreg [dreg:$0x4];
	s1 =	simm.s32 $0x3  }
0x18: {  	[tilespmem:s3], [sflag:$0x3] =	stream.linear.gather [hbm4b:s11+s3], $0x300, $0x38;
	[tilespmem:$0x18400] =	vst v63  }
0x19: {  	_ =	swait.ge [sflag:s1], $0x300  }
0x1a: {  	[sflag:s1] =	ssyncset.done $0x0  }
0x1b: {  	[sflag:s1] =	ssyncadd.s32 $0xFFFFFD00  }
0x1c: {  	v3 =	vld [tilespmem:$0x0]  }
0x1d: {  	v4 =	vld [tilespmem:$0x10]  }
0x1e: {  	v5 =	vld [tilespmem:$0x20]  }
0x1f: {  	v6 =	vld [tilespmem:$0x30]  }
0x20: {  	v7 =	vld [tilespmem:$0x80]  }
0x21: {  	v8 =	vld [tilespmem:$0x90];
	vm1 =	vgt.s32 v3, $0x0  }
0x22: {  	v9 =	vld [tilespmem:$0xA0];
	v3 =	vnsel vm1, $0x0, v3;
	vm1 =	vgt.s32 v4, $0x0  }
0x23: {  	v10 =	vld [tilespmem:$0xB0];
	v3 =	vmin.u32 v3, $0x1FFF;
	v4 =	vnsel vm1, $0x0, v4;
	vm1 =	vgt.s32 v5, $0x0  }
0x24: {  	v11 =	vld [tilespmem:$0x100];
	v4 =	vmin.u32 v4, $0x1FFF;
	v5 =	vnsel vm1, $0x0, v5;
	vm1 =	vgt.s32 v6, $0x0  }
0x25: {  	v12 =	vld [tilespmem:$0x110];
	v26 =	vshrl.u32 v3, $0x3;
	v6 =	vnsel vm1, $0x0, v6;
	vm1 =	vgt.s32 v7, $0x0  }
0x26: {  	v42 =	vld [tilespmem:$0x120];
	[tilespmem:$0x0] =	vst v3;
	v3 =	vand.u32 $0x7, v3;
	v41 =	vnsel vm1, $0x0, v7;
	vm1 =	vgt.s32 v8, $0x0  }
0x27: {  	v45 =	vld [tilespmem:$0x130];
	v5 =	vmin.u32 v5, $0x1FFF;
	[tilespmem:$0x10] =	vst v4;
	v44 =	vnsel vm1, $0x0, v8;
	vm1 =	vgt.s32 v9, $0x0  }
0x28: {  	v40 =	vmin.u32 v6, $0x1FFF;
	[tilespmem:$0x20] =	vst v5;
	v47 =	vnsel vm1, $0x0, v9;
	vm1 =	vgt.s32 v10, $0x0  }
0x29: {  	v48 =	vld [tilespmem:$0x180];
	v43 =	vmin.u32 v41, $0x1FFF;
	[tilespmem:$0x30] =	vst v40;
	v50 =	vnsel vm1, $0x0, v10;
	vm1 =	vgt.s32 v11, $0x0  }
0x2a: {  	v51 =	vld [tilespmem:$0x190];
	v46 =	vmin.u32 v44, $0x1FFF;
	[tilespmem:$0x80] =	vst v43;
	v53 =	vnsel vm1, $0x0, v11;
	vm1 =	vgt.s32 v12, $0x0  }
0x2b: {  	v54 =	vld [tilespmem:$0x1A0];
	v49 =	vmin.u32 v47, $0x1FFF;
	[tilespmem:$0x90] =	vst v46;
	v56 =	vnsel vm1, $0x0, v12;
	vm1 =	vgt.s32 v42, $0x0  }
0x2c: {  	v57 =	vld [tilespmem:$0x1B0];
	v52 =	vmin.u32 v50, $0x1FFF;
	[tilespmem:$0xA0] =	vst v49;
	v59 =	vnsel vm1, $0x0, v42;
	vm1 =	vgt.s32 v45, $0x0  }
0x2d: {  	v60 =	vld [tilespmem:$0x200];
	v55 =	vmin.u32 v53, $0x1FFF;
	[tilespmem:$0xB0] =	vst v52;
	v58 =	vmin.u32 v56, $0x1FFF;
	v8 =	vnsel vm1, $0x0, v45  }
0x2e: {  	[tilespmem:$0x100] =	vst v55;
	v6 =	vmin.u32 v59, $0x1FFF;
	vm1 =	vgt.s32 v48, $0x0;
	v61 =	vmin.u32 v8, $0x1FFF  }
0x2f: {  	v63 =	vld [tilespmem:$0x210];
	[tilespmem:$0x110] =	vst v58;
	v62 =	vnsel vm1, $0x0, v48;
	vm1 =	vgt.s32 v51, $0x0;
	v8 =	vmul.u32 $0x30, v26  }
0x30: {  	v18 =	vld [tilespmem:$0x220];
	[tilespmem:$0x120] =	vst v6;
	v16 =	vmin.u32 v62, $0x1FFF;
	v17 =	vnsel vm1, $0x0, v51;
	vm1 =	vgt.s32 v54, $0x0  }
0x31: {  	v21 =	vld [tilespmem:$0x230];
	[tilespmem:$0x130] =	vst v61;
	v19 =	vmin.u32 v17, $0x1FFF;
	v20 =	vnsel vm1, $0x0, v54;
	vm1 =	vgt.s32 v57, $0x0  }
0x32: {  	v24 =	vld [tilespmem:$0x280];
	[tilespmem:$0x180] =	vst v16;
	v3 =	vor.u32 v3, v8;
	v23 =	vnsel vm1, $0x0, v57;
	vm1 =	vgt.s32 v60, $0x0  }
0x33: {  	v28 =	vld [tilespmem:$0x290];
	v22 =	vmin.u32 v20, $0x1FFF;
	[tilespmem:$0x190] =	vst v19;
	v35 =	vperm.xlane v3, v0;
	v7 =	vnsel vm1, $0x0, v60  }
0x34: {  	v30 =	vld [tilespmem:$0x2A0];
	v25 =	vmin.u32 v23, $0x1FFF;
	vm1 =	vgt.s32 v63, $0x0;
	[tilespmem:$0x1A0] =	vst v22;
	v27 =	vmin.u32 v7, $0x1FFF  }
0x35: {  	v32 =	vld [tilespmem:$0x2B0];
	v29 =	vnsel vm1, $0x0, v63;
	vm1 =	vgt.s32 v18, $0x0;
	[tilespmem:$0x1B0] =	vst v25;
	v38 =	vadd.s32 v1, v35  }
0x36: {  	v31 =	vnsel vm1, $0x0, v18;
	vm1 =	vgt.s32 v21, $0x0;
	[tilespmem:$0x200] =	vst v27;
	v5 =	vmin.u32 v29, $0x1FFF  }
0x37: {  	v33 =	vnsel vm1, $0x0, v21;
	vm1 =	vgt.s32 v24, $0x0;
	[tilespmem:$0x210] =	vst v5;
	v4 =	vmin.u32 v31, $0x1FFF  }
0x38: {  	v34 =	vnsel vm1, $0x0, v24;
	[tilespmem:$0x220] =	vst v4;
	v36 =	vmin.u32 v33, $0x1FFF;
	vm1 =	vgt.s32 v28, $0x0  }
0x39: {  	v5 =	vmin.u32 v34, $0x1FFF;
	[tilespmem:$0x230] =	vst v36;
	v37 =	vnsel vm1, $0x0, v28;
	vm1 =	vgt.s32 v30, $0x0  }
0x3a: {  	[tilespmem:$0x280] =	vst v5;
	v4 =	vmin.u32 v37, $0x1FFF;
	v39 =	vnsel vm1, $0x0, v30;
	vm1 =	vgt.s32 v32, $0x0  }
0x3b: {  	[tilespmem:$0x290] =	vst v4;
	v40 =	vnsel vm1, $0x0, v32;
	v5 =	vmin.u32 v39, $0x1FFF  }
0x3c: {  	[tilespmem:$0x2A0] =	vst v5;
	v4 =	vmin.u32 v40, $0x1FFF  }
0x3d: {  	v3 =	vperm.xlane v3, v2;
	[tilespmem:$0x2B0] =	vst v4  }
0x3e: {  	[tilespmem:s8], [sflag:$0x1] =	stream.indirect_vreg.gather [hbm4b:s2+s3], $0x80, v38, vm0, $0xb8;
	[tilespmem:$0x18400] =	vst v63  }
0x3f: {  	v3 =	vadd.s32 v1, v3  }
0x40: {  	[tilespmem:s12], [sflag:$0x1] =	stream.indirect_vreg.gather [hbm4b:s5+s3], $0x80, v38, vm0, $0xb8;
	[tilespmem:$0x18400] =	vst v63  }
0x41: {  	_ = 	snop  }
0x42: {  	[tilespmem:s13], [sflag:$0x1] =	stream.indirect_vreg.gather [hbm4b:s6+s3], $0x80, v38, vm0, $0xb8;
	[tilespmem:$0x18400] =	vst v63  }
0x43: {  	_ = 	snop  }
0x44: {  	[tilespmem:s14], [sflag:$0x1] =	stream.indirect_vreg.gather [hbm4b:s2+s3], $0x80, v3, vm0, $0xb8;
	[tilespmem:$0x18400] =	vst v63  }
0x45: {  	_ = 	snop  }
0x46: {  	[tilespmem:s15], [sflag:$0x1] =	stream.indirect_vreg.gather [hbm4b:s5+s3], $0x80, v3, vm0, $0xb8;
	[tilespmem:$0x18400] =	vst v63  }
0x47: {  	_ = 	snop  }
0x48: {  	[tilespmem:s16], [sflag:$0x1] =	stream.indirect_vreg.gather [hbm4b:s6+s3], $0x80, v3, vm0, $0xb8;
	[tilespmem:$0x18400] =	vst v63  }
0x49: {  	v3 =	vld [tilespmem:$0x10];
	_ =	sdelay $0x4  }
0x4a: {  	v41 =	vshrl.u32 v3, $0x3  }
0x4b: {  	v4 =	vmul.u32 $0x30, v41  }
0x4c: {  	v3 =	vand.u32 $0x7, v3  }
0x4d: {  	v3 =	vor.u32 v3, v4  }
0x4e: {  	v4 =	vperm.xlane v3, v0;
	_ =	sdelay $0x1  }
0x4f: {  	v4 =	vadd.s32 v1, v4;
	_ =	sdelay $0x3  }
0x50: {  	v3 =	vperm.xlane v3, v2  }
0x51: {  	[tilespmem:s17], [sflag:$0x1] =	stream.indirect_vreg.gather [hbm4b:s2+s3], $0x80, v4, vm0, $0xb8;
	[tilespmem:$0x18400] =	vst v63  }
0x52: {  	v3 =	vadd.s32 v1, v3  }
0x53: {  	[tilespmem:s18], [sflag:$0x1] =	stream.indirect_vreg.gather [hbm4b:s5+s3], $0x80, v4, vm0, $0xb8;
	[tilespmem:$0x18400] =	vst v63  }
0x54: {  	_ = 	snop  }
0x55: {  	[tilespmem:s19], [sflag:$0x1] =	stream.indirect_vreg.gather [hbm4b:s6+s3], $0x80, v4, vm0, $0xb8;
	[tilespmem:$0x18400] =	vst v63  }
0x56: {  	_ = 	snop  }
0x57: {  	[tilespmem:s20], [sflag:$0x1] =	stream.indirect_vreg.gather [hbm4b:s2+s3], $0x80, v3, vm0, $0xb8;
	[tilespmem:$0x18400] =	vst v63  }
0x58: {  	_ = 	snop  }
0x59: {  	[tilespmem:s21], [sflag:$0x1] =	stream.indirect_vreg.gather [hbm4b:s5+s3], $0x80, v3, vm0, $0xb8;
	[tilespmem:$0x18400] =	vst v63  }
0x5a: {  	_ = 	snop  }
0x5b: {  	[tilespmem:s22], [sflag:$0x1] =	stream.indirect_vreg.gather [hbm4b:s6+s3], $0x80, v3, vm0, $0xb8;
	[tilespmem:$0x18400] =	vst v63  }
0x5c: {  	v3 =	vld [tilespmem:$0x20];
	_ =	sdelay $0x4  }
0x5d: {  	v42 =	vshrl.u32 v3, $0x3  }
0x5e: {  	v4 =	vmul.u32 $0x30, v42  }
0x5f: {  	v3 =	vand.u32 $0x7, v3  }
0x60: {  	v3 =	vor.u32 v3, v4  }
0x61: {  	v4 =	vperm.xlane v3, v0;
	_ =	sdelay $0x1  }
0x62: {  	v4 =	vadd.s32 v1, v4;
	_ =	sdelay $0x3  }
0x63: {  	v3 =	vperm.xlane v3, v2  }
0x64: {  	[tilespmem:s23], [sflag:$0x1] =	stream.indirect_vreg.gather [hbm4b:s2+s3], $0x80, v4, vm0, $0xb8;
	[tilespmem:$0x18400] =	vst v63  }
0x65: {  	v3 =	vadd.s32 v1, v3  }
0x66: {  	[tilespmem:s24], [sflag:$0x1] =	stream.indirect_vreg.gather [hbm4b:s5+s3], $0x80, v4, vm0, $0xb8;
	[tilespmem:$0x18400] =	vst v63  }
0x67: {  	_ = 	snop  }
0x68: {  	[tilespmem:s25], [sflag:$0x1] =	stream.indirect_vreg.gather [hbm4b:s6+s3], $0x80, v4, vm0, $0xb8;
	[tilespmem:$0x18400] =	vst v63  }
0x69: {  	_ = 	snop  }
0x6a: {  	[tilespmem:s26], [sflag:$0x1] =	stream.indirect_vreg.gather [hbm4b:s2+s3], $0x80, v3, vm0, $0xb8;
	[tilespmem:$0x18400] =	vst v63  }
0x6b: {  	_ = 	snop  }
0x6c: {  	[tilespmem:s28], [sflag:$0x1] =	stream.indirect_vreg.gather [hbm4b:s5+s3], $0x80, v3, vm0, $0xb8;
	[tilespmem:$0x18400] =	vst v63  }
0x6d: {  	_ = 	snop  }
0x6e: {  	[tilespmem:s29], [sflag:$0x1] =	stream.indirect_vreg.gather [hbm4b:s6+s3], $0x80, v3, vm0, $0xb8;
	[tilespmem:$0x18400] =	vst v63  }
0x6f: {  	v3 =	vld [tilespmem:$0x30];
	_ =	sdelay $0x4  }
0x70: {  	v43 =	vshrl.u32 v3, $0x3  }
0x71: {  	v4 =	vmul.u32 $0x30, v43  }
0x72: {  	v3 =	vand.u32 $0x7, v3  }
0x73: {  	v3 =	vor.u32 v3, v4  }
0x74: {  	v4 =	vperm.xlane v3, v0;
	_ =	sdelay $0x1  }
0x75: {  	v4 =	vadd.s32 v1, v4;
	_ =	sdelay $0x3  }
0x76: {  	v3 =	vperm.xlane v3, v2  }
0x77: {  	[tilespmem:s30], [sflag:$0x1] =	stream.indirect_vreg.gather [hbm4b:s2+s3], $0x80, v4, vm0, $0xb8;
	[tilespmem:$0x18400] =	vst v63  }
0x78: {  	v3 =	vadd.s32 v1, v3  }
0x79: {  	[tilespmem:s31], [sflag:$0x1] =	stream.indirect_vreg.gather [hbm4b:s5+s3], $0x80, v4, vm0, $0xb8;
	[tilespmem:$0x18400] =	vst v63  }
0x7a: {  	s1 =	simm.s32 $0xA400  }
0x7b: {  	[tilespmem:s1], [sflag:$0x1] =	stream.indirect_vreg.gather [hbm4b:s6+s3], $0x80, v4, vm0, $0xb8;
	[tilespmem:$0x18400] =	vst v63  }
0x7c: {  	s0 =	simm.s32 $0xAC00  }
0x7d: {  	[tilespmem:s0], [sflag:$0x1] =	stream.indirect_vreg.gather [hbm4b:s2+s3], $0x80, v3, vm0, $0xb8;
	[tilespmem:$0x18400] =	vst v63  }
0x7e: {  	_ = 	snop  }
0x7f: {  	[tilespmem:s9], [sflag:$0x1] =	stream.indirect_vreg.gather [hbm4b:s5+s3], $0x80, v3, vm0, $0xb8;
	[tilespmem:$0x18400] =	vst v63  }
0x80: {  	s11 =	simm.s32 $0xBC00  }
0x81: {  	[tilespmem:s11], [sflag:$0x1] =	stream.indirect_vreg.gather [hbm4b:s6+s3], $0x80, v3, vm0, $0xb8;
	[tilespmem:$0x18400] =	vst v63  }
0x82: {  	_ =	swait.ge [sflag:s4], $0xC000  }
0x83: {  	[sflag:s4] =	ssyncset.done $0x0  }
0x84: {  	s0 =	rddreg [dreg:$0xa];
	[sflag:s4] =	ssyncadd.s32 $0xFFFF4000  }
0x85: {  	[hbm4b:s0+s3] =	stream.linear.scatter [tilespmem:s8], [sflag:$0x2], $0xC000, $0x38;
	[tilespmem:$0x18400] =	vst v63  }
0x86: {  	v3 =	vld [tilespmem:$0x80];
	_ =	sdelay $0x4  }
0x87: {  	v44 =	vshrl.u32 v3, $0x3  }
0x88: {  	v4 =	vmul.u32 $0x30, v44  }
0x89: {  	v3 =	vand.u32 $0x7, v3  }
0x8a: {  	v3 =	vor.u32 v3, v4  }
0x8b: {  	v4 =	vperm.xlane v3, v0;
	_ =	sdelay $0x1  }
0x8c: {  	v4 =	vadd.s32 v1, v4;
	_ =	sdelay $0x3  }
0x8d: {  	s0 =	simm.s32 $0xC400;
	v3 =	vperm.xlane v3, v2  }
0x8e: {  	[tilespmem:s0], [sflag:$0x1] =	stream.indirect_vreg.gather [hbm4b:s2+s3], $0x80, v4, vm0, $0xb8;
	[tilespmem:$0x18400] =	vst v63  }
0x8f: {  	s11 =	simm.s32 $0xCC00;
	v3 =	vadd.s32 v1, v3  }
0x90: {  	[tilespmem:s11], [sflag:$0x1] =	stream.indirect_vreg.gather [hbm4b:s5+s3], $0x80, v4, vm0, $0xb8;
	[tilespmem:$0x18400] =	vst v63  }
0x91: {  	s11 =	simm.s32 $0xD400  }
0x92: {  	[tilespmem:s11], [sflag:$0x1] =	stream.indirect_vreg.gather [hbm4b:s6+s3], $0x80, v4, vm0, $0xb8;
	[tilespmem:$0x18400] =	vst v63  }
0x93: {  	s11 =	simm.s32 $0xDC00  }
0x94: {  	[tilespmem:s11], [sflag:$0x1] =	stream.indirect_vreg.gather [hbm4b:s2+s3], $0x80, v3, vm0, $0xb8;
	[tilespmem:$0x18400] =	vst v63  }
0x95: {  	s11 =	simm.s32 $0xE400  }
0x96: {  	[tilespmem:s11], [sflag:$0x1] =	stream.indirect_vreg.gather [hbm4b:s5+s3], $0x80, v3, vm0, $0xb8;
	[tilespmem:$0x18400] =	vst v63  }
0x97: {  	s11 =	simm.s32 $0xEC00  }
0x98: {  	[tilespmem:s11], [sflag:$0x1] =	stream.indirect_vreg.gather [hbm4b:s6+s3], $0x80, v3, vm0, $0xb8;
	[tilespmem:$0x18400] =	vst v63  }
0x99: {  	v3 =	vld [tilespmem:$0x90];
	_ =	sdelay $0x4  }
0x9a: {  	v45 =	vshrl.u32 v3, $0x3  }
0x9b: {  	v4 =	vmul.u32 $0x30, v45  }
0x9c: {  	v3 =	vand.u32 $0x7, v3  }
0x9d: {  	v3 =	vor.u32 v3, v4  }
0x9e: {  	v4 =	vperm.xlane v3, v0;
	_ =	sdelay $0x1  }
0x9f: {  	v4 =	vadd.s32 v1, v4;
	_ =	sdelay $0x3  }
0xa0: {  	s11 =	simm.s32 $0xF400;
	v3 =	vperm.xlane v3, v2  }
0xa1: {  	[tilespmem:s11], [sflag:$0x1] =	stream.indirect_vreg.gather [hbm4b:s2+s3], $0x80, v4, vm0, $0xb8;
	[tilespmem:$0x18400] =	vst v63  }
0xa2: {  	v3 =	vadd.s32 v1, v3;
	s11 =	simm.s32 $0xFC00  }
0xa3: {  	[tilespmem:s11], [sflag:$0x1] =	stream.indirect_vreg.gather [hbm4b:s5+s3], $0x80, v4, vm0, $0xb8;
	[tilespmem:$0x18400] =	vst v63  }
0xa4: {  	s11 =	simm.s32 $0x10400  }
0xa5: {  	[tilespmem:s11], [sflag:$0x1] =	stream.indirect_vreg.gather [hbm4b:s6+s3], $0x80, v4, vm0, $0xb8;
	[tilespmem:$0x18400] =	vst v63  }
0xa6: {  	s11 =	simm.s32 $0x10C00  }
0xa7: {  	[tilespmem:s11], [sflag:$0x1] =	stream.indirect_vreg.gather [hbm4b:s2+s3], $0x80, v3, vm0, $0xb8;
	[tilespmem:$0x18400] =	vst v63  }
0xa8: {  	s11 =	simm.s32 $0x11400  }
0xa9: {  	[tilespmem:s11], [sflag:$0x1] =	stream.indirect_vreg.gather [hbm4b:s5+s3], $0x80, v3, vm0, $0xb8;
	[tilespmem:$0x18400] =	vst v63  }
0xaa: {  	s11 =	simm.s32 $0x11C00  }
0xab: {  	[tilespmem:s11], [sflag:$0x1] =	stream.indirect_vreg.gather [hbm4b:s6+s3], $0x80, v3, vm0, $0xb8;
	[tilespmem:$0x18400] =	vst v63  }
0xac: {  	v3 =	vld [tilespmem:$0xA0];
	_ =	sdelay $0x4  }
0xad: {  	v46 =	vshrl.u32 v3, $0x3  }
0xae: {  	v4 =	vmul.u32 $0x30, v46  }
0xaf: {  	v3 =	vand.u32 $0x7, v3  }
0xb0: {  	v3 =	vor.u32 v3, v4  }
0xb1: {  	v4 =	vperm.xlane v3, v0;
	_ =	sdelay $0x1  }
0xb2: {  	v4 =	vadd.s32 v1, v4;
	_ =	sdelay $0x3  }
0xb3: {  	s11 =	simm.s32 $0x12400;
	v3 =	vperm.xlane v3, v2  }
0xb4: {  	[tilespmem:s11], [sflag:$0x1] =	stream.indirect_vreg.gather [hbm4b:s2+s3], $0x80, v4, vm0, $0xb8;
	[tilespmem:$0x18400] =	vst v63  }
0xb5: {  	v3 =	vadd.s32 v1, v3;
	s11 =	simm.s32 $0x12C00  }
0xb6: {  	[tilespmem:s11], [sflag:$0x1] =	stream.indirect_vreg.gather [hbm4b:s5+s3], $0x80, v4, vm0, $0xb8;
	[tilespmem:$0x18400] =	vst v63  }
0xb7: {  	s11 =	simm.s32 $0x13400  }
0xb8: {  	[tilespmem:s11], [sflag:$0x1] =	stream.indirect_vreg.gather [hbm4b:s6+s3], $0x80, v4, vm0, $0xb8;
	[tilespmem:$0x18400] =	vst v63  }
0xb9: {  	s11 =	simm.s32 $0x13C00  }
0xba: {  	[tilespmem:s11], [sflag:$0x1] =	stream.indirect_vreg.gather [hbm4b:s2+s3], $0x80, v3, vm0, $0xb8;
	[tilespmem:$0x18400] =	vst v63  }
0xbb: {  	s11 =	simm.s32 $0x14400  }
0xbc: {  	[tilespmem:s11], [sflag:$0x1] =	stream.indirect_vreg.gather [hbm4b:s5+s3], $0x80, v3, vm0, $0xb8;
	[tilespmem:$0x18400] =	vst v63  }
0xbd: {  	s11 =	simm.s32 $0x14C00  }
0xbe: {  	[tilespmem:s11], [sflag:$0x1] =	stream.indirect_vreg.gather [hbm4b:s6+s3], $0x80, v3, vm0, $0xb8;
	[tilespmem:$0x18400] =	vst v63  }
0xbf: {  	v3 =	vld [tilespmem:$0xB0];
	_ =	sdelay $0x4  }
0xc0: {  	v47 =	vshrl.u32 v3, $0x3  }
0xc1: {  	v4 =	vmul.u32 $0x30, v47  }
0xc2: {  	v3 =	vand.u32 $0x7, v3  }
0xc3: {  	v3 =	vor.u32 v3, v4  }
0xc4: {  	v4 =	vperm.xlane v3, v0;
	_ =	sdelay $0x1  }
0xc5: {  	v4 =	vadd.s32 v1, v4;
	_ =	sdelay $0x3  }
0xc6: {  	s11 =	simm.s32 $0x15400;
	v3 =	vperm.xlane v3, v2  }
0xc7: {  	[tilespmem:s11], [sflag:$0x1] =	stream.indirect_vreg.gather [hbm4b:s2+s3], $0x80, v4, vm0, $0xb8;
	[tilespmem:$0x18400] =	vst v63  }
0xc8: {  	v3 =	vadd.s32 v1, v3;
	s11 =	simm.s32 $0x15C00  }
0xc9: {  	[tilespmem:s11], [sflag:$0x1] =	stream.indirect_vreg.gather [hbm4b:s5+s3], $0x80, v4, vm0, $0xb8;
	[tilespmem:$0x18400] =	vst v63  }
0xca: {  	s11 =	simm.s32 $0x16400  }
0xcb: {  	[tilespmem:s11], [sflag:$0x1] =	stream.indirect_vreg.gather [hbm4b:s6+s3], $0x80, v4, vm0, $0xb8;
	[tilespmem:$0x18400] =	vst v63  }
0xcc: {  	s11 =	simm.s32 $0x16C00  }
0xcd: {  	[tilespmem:s11], [sflag:$0x1] =	stream.indirect_vreg.gather [hbm4b:s2+s3], $0x80, v3, vm0, $0xb8;
	[tilespmem:$0x18400] =	vst v63  }
0xce: {  	s11 =	simm.s32 $0x17400  }
0xcf: {  	[tilespmem:s11], [sflag:$0x1] =	stream.indirect_vreg.gather [hbm4b:s5+s3], $0x80, v3, vm0, $0xb8;
	[tilespmem:$0x18400] =	vst v63  }
0xd0: {  	s11 =	simm.s32 $0x17C00  }
0xd1: {  	[tilespmem:s11], [sflag:$0x1] =	stream.indirect_vreg.gather [hbm4b:s6+s3], $0x80, v3, vm0, $0xb8;
	[tilespmem:$0x18400] =	vst v63  }
0xd2: {  	_ =	swait.ge [sflag:s4], $0xC000  }
0xd3: {  	[sflag:s4] =	ssyncset.done $0x0  }
0xd4: {  	s11 =	rddreg [dreg:$0x5];
	[sflag:s4] =	ssyncadd.s32 $0xFFFF4000  }
0xd5: {  	[hbm4b:s11+s3] =	stream.linear.scatter [tilespmem:s0], [sflag:$0x2], $0xC000, $0x38;
	[tilespmem:$0x18400] =	vst v63  }
0xd6: {  	_ =	swait.ge [sflag:s10], $0xC000  }
0xd7: {  	[sflag:s10] =	ssyncset.done $0x0  }
0xd8: {  	[sflag:s10] =	ssyncadd.s32 $0xFFFF4000  }
0xd9: {  	v3 =	vld [tilespmem:$0x100];
	_ =	sdelay $0x4  }
0xda: {  	v48 =	vshrl.u32 v3, $0x3  }
0xdb: {  	v4 =	vmul.u32 $0x30, v48  }
0xdc: {  	v3 =	vand.u32 $0x7, v3  }
0xdd: {  	v3 =	vor.u32 v3, v4  }
0xde: {  	v4 =	vperm.xlane v3, v0;
	_ =	sdelay $0x1  }
0xdf: {  	v4 =	vadd.s32 v1, v4;
	_ =	sdelay $0x3  }
0xe0: {  	v3 =	vperm.xlane v3, v2  }
0xe1: {  	[tilespmem:s8], [sflag:$0x1] =	stream.indirect_vreg.gather [hbm4b:s2+s3], $0x80, v4, vm0, $0xb8;
	[tilespmem:$0x18400] =	vst v63  }
0xe2: {  	v3 =	vadd.s32 v1, v3  }
0xe3: {  	[tilespmem:s12], [sflag:$0x1] =	stream.indirect_vreg.gather [hbm4b:s5+s3], $0x80, v4, vm0, $0xb8;
	[tilespmem:$0x18400] =	vst v63  }
0xe4: {  	_ = 	snop  }
0xe5: {  	[tilespmem:s13], [sflag:$0x1] =	stream.indirect_vreg.gather [hbm4b:s6+s3], $0x80, v4, vm0, $0xb8;
	[tilespmem:$0x18400] =	vst v63  }
0xe6: {  	_ = 	snop  }
0xe7: {  	[tilespmem:s14], [sflag:$0x1] =	stream.indirect_vreg.gather [hbm4b:s2+s3], $0x80, v3, vm0, $0xb8;
	[tilespmem:$0x18400] =	vst v63  }
0xe8: {  	_ = 	snop  }
0xe9: {  	[tilespmem:s15], [sflag:$0x1] =	stream.indirect_vreg.gather [hbm4b:s5+s3], $0x80, v3, vm0, $0xb8;
	[tilespmem:$0x18400] =	vst v63  }
0xea: {  	_ = 	snop  }
0xeb: {  	[tilespmem:s16], [sflag:$0x1] =	stream.indirect_vreg.gather [hbm4b:s6+s3], $0x80, v3, vm0, $0xb8;
	[tilespmem:$0x18400] =	vst v63  }
0xec: {  	v3 =	vld [tilespmem:$0x110];
	_ =	sdelay $0x4  }
0xed: {  	v49 =	vshrl.u32 v3, $0x3  }
0xee: {  	v4 =	vmul.u32 $0x30, v49  }
0xef: {  	v3 =	vand.u32 $0x7, v3  }
0xf0: {  	v3 =	vor.u32 v3, v4  }
0xf1: {  	v4 =	vperm.xlane v3, v0;
	_ =	sdelay $0x1  }
0xf2: {  	v4 =	vadd.s32 v1, v4;
	_ =	sdelay $0x3  }
0xf3: {  	v3 =	vperm.xlane v3, v2  }
0xf4: {  	[tilespmem:s17], [sflag:$0x1] =	stream.indirect_vreg.gather [hbm4b:s2+s3], $0x80, v4, vm0, $0xb8;
	[tilespmem:$0x18400] =	vst v63  }
0xf5: {  	v3 =	vadd.s32 v1, v3  }
0xf6: {  	[tilespmem:s18], [sflag:$0x1] =	stream.indirect_vreg.gather [hbm4b:s5+s3], $0x80, v4, vm0, $0xb8;
	[tilespmem:$0x18400] =	vst v63  }
0xf7: {  	_ = 	snop  }
0xf8: {  	[tilespmem:s19], [sflag:$0x1] =	stream.indirect_vreg.gather [hbm4b:s6+s3], $0x80, v4, vm0, $0xb8;
	[tilespmem:$0x18400] =	vst v63  }
0xf9: {  	_ = 	snop  }
0xfa: {  	[tilespmem:s20], [sflag:$0x1] =	stream.indirect_vreg.gather [hbm4b:s2+s3], $0x80, v3, vm0, $0xb8;
	[tilespmem:$0x18400] =	vst v63  }
0xfb: {  	_ = 	snop  }
0xfc: {  	[tilespmem:s21], [sflag:$0x1] =	stream.indirect_vreg.gather [hbm4b:s5+s3], $0x80, v3, vm0, $0xb8;
	[tilespmem:$0x18400] =	vst v63  }
0xfd: {  	_ = 	snop  }
0xfe: {  	[tilespmem:s22], [sflag:$0x1] =	stream.indirect_vreg.gather [hbm4b:s6+s3], $0x80, v3, vm0, $0xb8;
	[tilespmem:$0x18400] =	vst v63  }
0xff: {  	v3 =	vld [tilespmem:$0x120];
	_ =	sdelay $0x4  }
0x100: {  	v50 =	vshrl.u32 v3, $0x3  }
0x101: {  	v4 =	vmul.u32 $0x30, v50  }
0x102: {  	v3 =	vand.u32 $0x7, v3  }
0x103: {  	v3 =	vor.u32 v3, v4  }
0x104: {  	v4 =	vperm.xlane v3, v0;
	_ =	sdelay $0x1  }
0x105: {  	v4 =	vadd.s32 v1, v4;
	_ =	sdelay $0x3  }
0x106: {  	v3 =	vperm.xlane v3, v2  }
0x107: {  	[tilespmem:s23], [sflag:$0x1] =	stream.indirect_vreg.gather [hbm4b:s2+s3], $0x80, v4, vm0, $0xb8;
	[tilespmem:$0x18400] =	vst v63  }
0x108: {  	v3 =	vadd.s32 v1, v3  }
0x109: {  	[tilespmem:s24], [sflag:$0x1] =	stream.indirect_vreg.gather [hbm4b:s5+s3], $0x80, v4, vm0, $0xb8;
	[tilespmem:$0x18400] =	vst v63  }
0x10a: {  	_ = 	snop  }
0x10b: {  	[tilespmem:s25], [sflag:$0x1] =	stream.indirect_vreg.gather [hbm4b:s6+s3], $0x80, v4, vm0, $0xb8;
	[tilespmem:$0x18400] =	vst v63  }
0x10c: {  	_ = 	snop  }
0x10d: {  	[tilespmem:s26], [sflag:$0x1] =	stream.indirect_vreg.gather [hbm4b:s2+s3], $0x80, v3, vm0, $0xb8;
	[tilespmem:$0x18400] =	vst v63  }
0x10e: {  	_ = 	snop  }
0x10f: {  	[tilespmem:s28], [sflag:$0x1] =	stream.indirect_vreg.gather [hbm4b:s5+s3], $0x80, v3, vm0, $0xb8;
	[tilespmem:$0x18400] =	vst v63  }
0x110: {  	_ = 	snop  }
0x111: {  	[tilespmem:s29], [sflag:$0x1] =	stream.indirect_vreg.gather [hbm4b:s6+s3], $0x80, v3, vm0, $0xb8;
	[tilespmem:$0x18400] =	vst v63  }
0x112: {  	v3 =	vld [tilespmem:$0x130];
	_ =	sdelay $0x4  }
0x113: {  	v51 =	vshrl.u32 v3, $0x3  }
0x114: {  	v4 =	vmul.u32 $0x30, v51  }
0x115: {  	v3 =	vand.u32 $0x7, v3  }
0x116: {  	v3 =	vor.u32 v3, v4  }
0x117: {  	v4 =	vperm.xlane v3, v0;
	_ =	sdelay $0x1  }
0x118: {  	v4 =	vadd.s32 v1, v4;
	_ =	sdelay $0x3  }
0x119: {  	v3 =	vperm.xlane v3, v2  }
0x11a: {  	[tilespmem:s30], [sflag:$0x1] =	stream.indirect_vreg.gather [hbm4b:s2+s3], $0x80, v4, vm0, $0xb8;
	[tilespmem:$0x18400] =	vst v63  }
0x11b: {  	v3 =	vadd.s32 v1, v3  }
0x11c: {  	[tilespmem:s31], [sflag:$0x1] =	stream.indirect_vreg.gather [hbm4b:s5+s3], $0x80, v4, vm0, $0xb8;
	[tilespmem:$0x18400] =	vst v63  }
0x11d: {  	_ = 	snop  }
0x11e: {  	[tilespmem:s1], [sflag:$0x1] =	stream.indirect_vreg.gather [hbm4b:s6+s3], $0x80, v4, vm0, $0xb8;
	[tilespmem:$0x18400] =	vst v63  }
0x11f: {  	s11 =	simm.s32 $0xAC00  }
0x120: {  	[tilespmem:s11], [sflag:$0x1] =	stream.indirect_vreg.gather [hbm4b:s2+s3], $0x80, v3, vm0, $0xb8;
	[tilespmem:$0x18400] =	vst v63  }
0x121: {  	_ = 	snop  }
0x122: {  	[tilespmem:s9], [sflag:$0x1] =	stream.indirect_vreg.gather [hbm4b:s5+s3], $0x80, v3, vm0, $0xb8;
	[tilespmem:$0x18400] =	vst v63  }
0x123: {  	s11 =	simm.s32 $0xBC00  }
0x124: {  	[tilespmem:s11], [sflag:$0x1] =	stream.indirect_vreg.gather [hbm4b:s6+s3], $0x80, v3, vm0, $0xb8;
	[tilespmem:$0x18400] =	vst v63  }
0x125: {  	_ =	swait.ge [sflag:s4], $0xC000  }
0x126: {  	[sflag:s4] =	ssyncset.done $0x0  }
0x127: {  	s11 =	rddreg [dreg:$0x6];
	[sflag:s4] =	ssyncadd.s32 $0xFFFF4000  }
0x128: {  	[hbm4b:s11+s3] =	stream.linear.scatter [tilespmem:s8], [sflag:$0x2], $0xC000, $0x38;
	[tilespmem:$0x18400] =	vst v63  }
0x129: {  	_ =	swait.ge [sflag:s10], $0xC000  }
0x12a: {  	[sflag:s10] =	ssyncset.done $0x0  }
0x12b: {  	[sflag:s10] =	ssyncadd.s32 $0xFFFF4000  }
0x12c: {  	v3 =	vld [tilespmem:$0x180];
	_ =	sdelay $0x4  }
0x12d: {  	v52 =	vshrl.u32 v3, $0x3  }
0x12e: {  	v4 =	vmul.u32 $0x30, v52  }
0x12f: {  	v3 =	vand.u32 $0x7, v3  }
0x130: {  	v3 =	vor.u32 v3, v4  }
0x131: {  	v4 =	vperm.xlane v3, v0;
	_ =	sdelay $0x1  }
0x132: {  	v4 =	vadd.s32 v1, v4;
	_ =	sdelay $0x3  }
0x133: {  	v3 =	vperm.xlane v3, v2  }
0x134: {  	[tilespmem:s0], [sflag:$0x1] =	stream.indirect_vreg.gather [hbm4b:s2+s3], $0x80, v4, vm0, $0xb8;
	[tilespmem:$0x18400] =	vst v63  }
0x135: {  	s11 =	simm.s32 $0xCC00;
	v3 =	vadd.s32 v1, v3  }
0x136: {  	[tilespmem:s11], [sflag:$0x1] =	stream.indirect_vreg.gather [hbm4b:s5+s3], $0x80, v4, vm0, $0xb8;
	[tilespmem:$0x18400] =	vst v63  }
0x137: {  	s11 =	simm.s32 $0xD400  }
0x138: {  	[tilespmem:s11], [sflag:$0x1] =	stream.indirect_vreg.gather [hbm4b:s6+s3], $0x80, v4, vm0, $0xb8;
	[tilespmem:$0x18400] =	vst v63  }
0x139: {  	s11 =	simm.s32 $0xDC00  }
0x13a: {  	[tilespmem:s11], [sflag:$0x1] =	stream.indirect_vreg.gather [hbm4b:s2+s3], $0x80, v3, vm0, $0xb8;
	[tilespmem:$0x18400] =	vst v63  }
0x13b: {  	s11 =	simm.s32 $0xE400  }
0x13c: {  	[tilespmem:s11], [sflag:$0x1] =	stream.indirect_vreg.gather [hbm4b:s5+s3], $0x80, v3, vm0, $0xb8;
	[tilespmem:$0x18400] =	vst v63  }
0x13d: {  	s11 =	simm.s32 $0xEC00  }
0x13e: {  	[tilespmem:s11], [sflag:$0x1] =	stream.indirect_vreg.gather [hbm4b:s6+s3], $0x80, v3, vm0, $0xb8;
	[tilespmem:$0x18400] =	vst v63  }
0x13f: {  	v3 =	vld [tilespmem:$0x190];
	_ =	sdelay $0x4  }
0x140: {  	v53 =	vshrl.u32 v3, $0x3  }
0x141: {  	v4 =	vmul.u32 $0x30, v53  }
0x142: {  	v3 =	vand.u32 $0x7, v3  }
0x143: {  	v3 =	vor.u32 v3, v4  }
0x144: {  	v4 =	vperm.xlane v3, v0;
	_ =	sdelay $0x1  }
0x145: {  	v4 =	vadd.s32 v1, v4;
	_ =	sdelay $0x3  }
0x146: {  	s11 =	simm.s32 $0xF400;
	v3 =	vperm.xlane v3, v2  }
0x147: {  	[tilespmem:s11], [sflag:$0x1] =	stream.indirect_vreg.gather [hbm4b:s2+s3], $0x80, v4, vm0, $0xb8;
	[tilespmem:$0x18400] =	vst v63  }
0x148: {  	v3 =	vadd.s32 v1, v3;
	s11 =	simm.s32 $0xFC00  }
0x149: {  	[tilespmem:s11], [sflag:$0x1] =	stream.indirect_vreg.gather [hbm4b:s5+s3], $0x80, v4, vm0, $0xb8;
	[tilespmem:$0x18400] =	vst v63  }
0x14a: {  	s11 =	simm.s32 $0x10400  }
0x14b: {  	[tilespmem:s11], [sflag:$0x1] =	stream.indirect_vreg.gather [hbm4b:s6+s3], $0x80, v4, vm0, $0xb8;
	[tilespmem:$0x18400] =	vst v63  }
0x14c: {  	s11 =	simm.s32 $0x10C00  }
0x14d: {  	[tilespmem:s11], [sflag:$0x1] =	stream.indirect_vreg.gather [hbm4b:s2+s3], $0x80, v3, vm0, $0xb8;
	[tilespmem:$0x18400] =	vst v63  }
0x14e: {  	s11 =	simm.s32 $0x11400  }
0x14f: {  	[tilespmem:s11], [sflag:$0x1] =	stream.indirect_vreg.gather [hbm4b:s5+s3], $0x80, v3, vm0, $0xb8;
	[tilespmem:$0x18400] =	vst v63  }
0x150: {  	s11 =	simm.s32 $0x11C00  }
0x151: {  	[tilespmem:s11], [sflag:$0x1] =	stream.indirect_vreg.gather [hbm4b:s6+s3], $0x80, v3, vm0, $0xb8;
	[tilespmem:$0x18400] =	vst v63  }
0x152: {  	v3 =	vld [tilespmem:$0x1A0];
	_ =	sdelay $0x4  }
0x153: {  	v54 =	vshrl.u32 v3, $0x3  }
0x154: {  	v4 =	vmul.u32 $0x30, v54  }
0x155: {  	v3 =	vand.u32 $0x7, v3  }
0x156: {  	v3 =	vor.u32 v3, v4  }
0x157: {  	v4 =	vperm.xlane v3, v0;
	_ =	sdelay $0x1  }
0x158: {  	v4 =	vadd.s32 v1, v4;
	_ =	sdelay $0x3  }
0x159: {  	s11 =	simm.s32 $0x12400;
	v3 =	vperm.xlane v3, v2  }
0x15a: {  	[tilespmem:s11], [sflag:$0x1] =	stream.indirect_vreg.gather [hbm4b:s2+s3], $0x80, v4, vm0, $0xb8;
	[tilespmem:$0x18400] =	vst v63  }
0x15b: {  	v3 =	vadd.s32 v1, v3;
	s11 =	simm.s32 $0x12C00  }
0x15c: {  	[tilespmem:s11], [sflag:$0x1] =	stream.indirect_vreg.gather [hbm4b:s5+s3], $0x80, v4, vm0, $0xb8;
	[tilespmem:$0x18400] =	vst v63  }
0x15d: {  	s11 =	simm.s32 $0x13400  }
0x15e: {  	[tilespmem:s11], [sflag:$0x1] =	stream.indirect_vreg.gather [hbm4b:s6+s3], $0x80, v4, vm0, $0xb8;
	[tilespmem:$0x18400] =	vst v63  }
0x15f: {  	s11 =	simm.s32 $0x13C00  }
0x160: {  	[tilespmem:s11], [sflag:$0x1] =	stream.indirect_vreg.gather [hbm4b:s2+s3], $0x80, v3, vm0, $0xb8;
	[tilespmem:$0x18400] =	vst v63  }
0x161: {  	s11 =	simm.s32 $0x14400  }
0x162: {  	[tilespmem:s11], [sflag:$0x1] =	stream.indirect_vreg.gather [hbm4b:s5+s3], $0x80, v3, vm0, $0xb8;
	[tilespmem:$0x18400] =	vst v63  }
0x163: {  	s11 =	simm.s32 $0x14C00  }
0x164: {  	[tilespmem:s11], [sflag:$0x1] =	stream.indirect_vreg.gather [hbm4b:s6+s3], $0x80, v3, vm0, $0xb8;
	[tilespmem:$0x18400] =	vst v63  }
0x165: {  	v3 =	vld [tilespmem:$0x1B0];
	_ =	sdelay $0x4  }
0x166: {  	v55 =	vshrl.u32 v3, $0x3  }
0x167: {  	v4 =	vmul.u32 $0x30, v55  }
0x168: {  	v3 =	vand.u32 $0x7, v3  }
0x169: {  	v3 =	vor.u32 v3, v4  }
0x16a: {  	v4 =	vperm.xlane v3, v0;
	_ =	sdelay $0x1  }
0x16b: {  	v4 =	vadd.s32 v1, v4;
	_ =	sdelay $0x3  }
0x16c: {  	s11 =	simm.s32 $0x15400;
	v3 =	vperm.xlane v3, v2  }
0x16d: {  	[tilespmem:s11], [sflag:$0x1] =	stream.indirect_vreg.gather [hbm4b:s2+s3], $0x80, v4, vm0, $0xb8;
	[tilespmem:$0x18400] =	vst v63  }
0x16e: {  	v3 =	vadd.s32 v1, v3;
	s11 =	simm.s32 $0x15C00  }
0x16f: {  	[tilespmem:s11], [sflag:$0x1] =	stream.indirect_vreg.gather [hbm4b:s5+s3], $0x80, v4, vm0, $0xb8;
	[tilespmem:$0x18400] =	vst v63  }
0x170: {  	s11 =	simm.s32 $0x16400  }
0x171: {  	[tilespmem:s11], [sflag:$0x1] =	stream.indirect_vreg.gather [hbm4b:s6+s3], $0x80, v4, vm0, $0xb8;
	[tilespmem:$0x18400] =	vst v63  }
0x172: {  	s11 =	simm.s32 $0x16C00  }
0x173: {  	[tilespmem:s11], [sflag:$0x1] =	stream.indirect_vreg.gather [hbm4b:s2+s3], $0x80, v3, vm0, $0xb8;
	[tilespmem:$0x18400] =	vst v63  }
0x174: {  	s11 =	simm.s32 $0x17400  }
0x175: {  	[tilespmem:s11], [sflag:$0x1] =	stream.indirect_vreg.gather [hbm4b:s5+s3], $0x80, v3, vm0, $0xb8;
	[tilespmem:$0x18400] =	vst v63  }
0x176: {  	s11 =	simm.s32 $0x17C00  }
0x177: {  	[tilespmem:s11], [sflag:$0x1] =	stream.indirect_vreg.gather [hbm4b:s6+s3], $0x80, v3, vm0, $0xb8;
	[tilespmem:$0x18400] =	vst v63  }
0x178: {  	_ =	swait.ge [sflag:s4], $0xC000  }
0x179: {  	[sflag:s4] =	ssyncset.done $0x0  }
0x17a: {  	s11 =	rddreg [dreg:$0x7];
	[sflag:s4] =	ssyncadd.s32 $0xFFFF4000  }
0x17b: {  	[hbm4b:s11+s3] =	stream.linear.scatter [tilespmem:s0], [sflag:$0x2], $0xC000, $0x38;
	[tilespmem:$0x18400] =	vst v63  }
0x17c: {  	_ =	swait.ge [sflag:s10], $0xC000  }
0x17d: {  	[sflag:s10] =	ssyncset.done $0x0  }
0x17e: {  	[sflag:s10] =	ssyncadd.s32 $0xFFFF4000  }
0x17f: {  	v3 =	vld [tilespmem:$0x200];
	_ =	sdelay $0x4  }
0x180: {  	v56 =	vshrl.u32 v3, $0x3  }
0x181: {  	v4 =	vmul.u32 $0x30, v56  }
0x182: {  	v3 =	vand.u32 $0x7, v3  }
0x183: {  	v3 =	vor.u32 v3, v4  }
0x184: {  	v4 =	vperm.xlane v3, v0;
	_ =	sdelay $0x1  }
0x185: {  	v4 =	vadd.s32 v1, v4;
	_ =	sdelay $0x3  }
0x186: {  	v3 =	vperm.xlane v3, v2  }
0x187: {  	[tilespmem:s8], [sflag:$0x1] =	stream.indirect_vreg.gather [hbm4b:s2+s3], $0x80, v4, vm0, $0xb8;
	[tilespmem:$0x18400] =	vst v63  }
0x188: {  	v3 =	vadd.s32 v1, v3  }
0x189: {  	[tilespmem:s12], [sflag:$0x1] =	stream.indirect_vreg.gather [hbm4b:s5+s3], $0x80, v4, vm0, $0xb8;
	[tilespmem:$0x18400] =	vst v63  }
0x18a: {  	_ = 	snop  }
0x18b: {  	[tilespmem:s13], [sflag:$0x1] =	stream.indirect_vreg.gather [hbm4b:s6+s3], $0x80, v4, vm0, $0xb8;
	[tilespmem:$0x18400] =	vst v63  }
0x18c: {  	_ = 	snop  }
0x18d: {  	[tilespmem:s14], [sflag:$0x1] =	stream.indirect_vreg.gather [hbm4b:s2+s3], $0x80, v3, vm0, $0xb8;
	[tilespmem:$0x18400] =	vst v63  }
0x18e: {  	_ = 	snop  }
0x18f: {  	[tilespmem:s15], [sflag:$0x1] =	stream.indirect_vreg.gather [hbm4b:s5+s3], $0x80, v3, vm0, $0xb8;
	[tilespmem:$0x18400] =	vst v63  }
0x190: {  	_ = 	snop  }
0x191: {  	[tilespmem:s16], [sflag:$0x1] =	stream.indirect_vreg.gather [hbm4b:s6+s3], $0x80, v3, vm0, $0xb8;
	[tilespmem:$0x18400] =	vst v63  }
0x192: {  	v3 =	vld [tilespmem:$0x210];
	_ =	sdelay $0x4  }
0x193: {  	v57 =	vshrl.u32 v3, $0x3  }
0x194: {  	v4 =	vmul.u32 $0x30, v57  }
0x195: {  	v3 =	vand.u32 $0x7, v3  }
0x196: {  	v3 =	vor.u32 v3, v4  }
0x197: {  	v4 =	vperm.xlane v3, v0;
	_ =	sdelay $0x1  }
0x198: {  	v4 =	vadd.s32 v1, v4;
	_ =	sdelay $0x3  }
0x199: {  	v3 =	vperm.xlane v3, v2  }
0x19a: {  	[tilespmem:s17], [sflag:$0x1] =	stream.indirect_vreg.gather [hbm4b:s2+s3], $0x80, v4, vm0, $0xb8;
	[tilespmem:$0x18400] =	vst v63  }
0x19b: {  	v3 =	vadd.s32 v1, v3  }
0x19c: {  	[tilespmem:s18], [sflag:$0x1] =	stream.indirect_vreg.gather [hbm4b:s5+s3], $0x80, v4, vm0, $0xb8;
	[tilespmem:$0x18400] =	vst v63  }
0x19d: {  	_ = 	snop  }
0x19e: {  	[tilespmem:s19], [sflag:$0x1] =	stream.indirect_vreg.gather [hbm4b:s6+s3], $0x80, v4, vm0, $0xb8;
	[tilespmem:$0x18400] =	vst v63  }
0x19f: {  	_ = 	snop  }
0x1a0: {  	[tilespmem:s20], [sflag:$0x1] =	stream.indirect_vreg.gather [hbm4b:s2+s3], $0x80, v3, vm0, $0xb8;
	[tilespmem:$0x18400] =	vst v63  }
0x1a1: {  	_ = 	snop  }
0x1a2: {  	[tilespmem:s21], [sflag:$0x1] =	stream.indirect_vreg.gather [hbm4b:s5+s3], $0x80, v3, vm0, $0xb8;
	[tilespmem:$0x18400] =	vst v63  }
0x1a3: {  	_ = 	snop  }
0x1a4: {  	[tilespmem:s22], [sflag:$0x1] =	stream.indirect_vreg.gather [hbm4b:s6+s3], $0x80, v3, vm0, $0xb8;
	[tilespmem:$0x18400] =	vst v63  }
0x1a5: {  	v3 =	vld [tilespmem:$0x220];
	_ =	sdelay $0x4  }
0x1a6: {  	v58 =	vshrl.u32 v3, $0x3  }
0x1a7: {  	v4 =	vmul.u32 $0x30, v58  }
0x1a8: {  	v3 =	vand.u32 $0x7, v3  }
0x1a9: {  	v3 =	vor.u32 v3, v4  }
0x1aa: {  	v4 =	vperm.xlane v3, v0;
	_ =	sdelay $0x1  }
0x1ab: {  	v4 =	vadd.s32 v1, v4;
	_ =	sdelay $0x3  }
0x1ac: {  	v3 =	vperm.xlane v3, v2  }
0x1ad: {  	[tilespmem:s23], [sflag:$0x1] =	stream.indirect_vreg.gather [hbm4b:s2+s3], $0x80, v4, vm0, $0xb8;
	[tilespmem:$0x18400] =	vst v63  }
0x1ae: {  	v3 =	vadd.s32 v1, v3  }
0x1af: {  	[tilespmem:s24], [sflag:$0x1] =	stream.indirect_vreg.gather [hbm4b:s5+s3], $0x80, v4, vm0, $0xb8;
	[tilespmem:$0x18400] =	vst v63  }
0x1b0: {  	_ = 	snop  }
0x1b1: {  	[tilespmem:s25], [sflag:$0x1] =	stream.indirect_vreg.gather [hbm4b:s6+s3], $0x80, v4, vm0, $0xb8;
	[tilespmem:$0x18400] =	vst v63  }
0x1b2: {  	_ = 	snop  }
0x1b3: {  	[tilespmem:s26], [sflag:$0x1] =	stream.indirect_vreg.gather [hbm4b:s2+s3], $0x80, v3, vm0, $0xb8;
	[tilespmem:$0x18400] =	vst v63  }
0x1b4: {  	_ = 	snop  }
0x1b5: {  	[tilespmem:s28], [sflag:$0x1] =	stream.indirect_vreg.gather [hbm4b:s5+s3], $0x80, v3, vm0, $0xb8;
	[tilespmem:$0x18400] =	vst v63  }
0x1b6: {  	_ = 	snop  }
0x1b7: {  	[tilespmem:s29], [sflag:$0x1] =	stream.indirect_vreg.gather [hbm4b:s6+s3], $0x80, v3, vm0, $0xb8;
	[tilespmem:$0x18400] =	vst v63  }
0x1b8: {  	v3 =	vld [tilespmem:$0x230];
	_ =	sdelay $0x4  }
0x1b9: {  	v59 =	vshrl.u32 v3, $0x3  }
0x1ba: {  	v4 =	vmul.u32 $0x30, v59  }
0x1bb: {  	v3 =	vand.u32 $0x7, v3  }
0x1bc: {  	v3 =	vor.u32 v3, v4  }
0x1bd: {  	v4 =	vperm.xlane v3, v0;
	_ =	sdelay $0x1  }
0x1be: {  	v4 =	vadd.s32 v1, v4;
	_ =	sdelay $0x3  }
0x1bf: {  	v3 =	vperm.xlane v3, v2  }
0x1c0: {  	[tilespmem:s30], [sflag:$0x1] =	stream.indirect_vreg.gather [hbm4b:s2+s3], $0x80, v4, vm0, $0xb8;
	[tilespmem:$0x18400] =	vst v63  }
0x1c1: {  	v3 =	vadd.s32 v1, v3  }
0x1c2: {  	[tilespmem:s31], [sflag:$0x1] =	stream.indirect_vreg.gather [hbm4b:s5+s3], $0x80, v4, vm0, $0xb8;
	[tilespmem:$0x18400] =	vst v63  }
0x1c3: {  	_ = 	snop  }
0x1c4: {  	[tilespmem:s1], [sflag:$0x1] =	stream.indirect_vreg.gather [hbm4b:s6+s3], $0x80, v4, vm0, $0xb8;
	[tilespmem:$0x18400] =	vst v63  }
0x1c5: {  	s11 =	simm.s32 $0xAC00  }
0x1c6: {  	[tilespmem:s11], [sflag:$0x1] =	stream.indirect_vreg.gather [hbm4b:s2+s3], $0x80, v3, vm0, $0xb8;
	[tilespmem:$0x18400] =	vst v63  }
0x1c7: {  	_ = 	snop  }
0x1c8: {  	[tilespmem:s9], [sflag:$0x1] =	stream.indirect_vreg.gather [hbm4b:s5+s3], $0x80, v3, vm0, $0xb8;
	[tilespmem:$0x18400] =	vst v63  }
0x1c9: {  	s11 =	simm.s32 $0xBC00  }
0x1ca: {  	[tilespmem:s11], [sflag:$0x1] =	stream.indirect_vreg.gather [hbm4b:s6+s3], $0x80, v3, vm0, $0xb8;
	[tilespmem:$0x18400] =	vst v63  }
0x1cb: {  	_ =	swait.ge [sflag:s4], $0xC000  }
0x1cc: {  	[sflag:s4] =	ssyncset.done $0x0  }
0x1cd: {  	s1 =	rddreg [dreg:$0x8];
	[sflag:s4] =	ssyncadd.s32 $0xFFFF4000  }
0x1ce: {  	[hbm4b:s1+s3] =	stream.linear.scatter [tilespmem:s8], [sflag:$0x2], $0xC000, $0x38;
	[tilespmem:$0x18400] =	vst v63  }
0x1cf: {  	_ =	swait.ge [sflag:s10], $0xC000  }
0x1d0: {  	[sflag:s10] =	ssyncset.done $0x0  }
0x1d1: {  	[sflag:s10] =	ssyncadd.s32 $0xFFFF4000  }
0x1d2: {  	v3 =	vld [tilespmem:$0x280];
	_ =	sdelay $0x4  }
0x1d3: {  	v60 =	vshrl.u32 v3, $0x3  }
0x1d4: {  	v4 =	vmul.u32 $0x30, v60  }
0x1d5: {  	v3 =	vand.u32 $0x7, v3  }
0x1d6: {  	v3 =	vor.u32 v3, v4  }
0x1d7: {  	v4 =	vperm.xlane v3, v0;
	_ =	sdelay $0x1  }
0x1d8: {  	v4 =	vadd.s32 v1, v4;
	_ =	sdelay $0x3  }
0x1d9: {  	v3 =	vperm.xlane v3, v2  }
0x1da: {  	[tilespmem:s0], [sflag:$0x1] =	stream.indirect_vreg.gather [hbm4b:s2+s3], $0x80, v4, vm0, $0xb8;
	[tilespmem:$0x18400] =	vst v63  }
0x1db: {  	s11 =	simm.s32 $0xCC00;
	v3 =	vadd.s32 v1, v3  }
0x1dc: {  	[tilespmem:s11], [sflag:$0x1] =	stream.indirect_vreg.gather [hbm4b:s5+s3], $0x80, v4, vm0, $0xb8;
	[tilespmem:$0x18400] =	vst v63  }
0x1dd: {  	s11 =	simm.s32 $0xD400  }
0x1de: {  	[tilespmem:s11], [sflag:$0x1] =	stream.indirect_vreg.gather [hbm4b:s6+s3], $0x80, v4, vm0, $0xb8;
	[tilespmem:$0x18400] =	vst v63  }
0x1df: {  	s11 =	simm.s32 $0xDC00  }
0x1e0: {  	[tilespmem:s11], [sflag:$0x1] =	stream.indirect_vreg.gather [hbm4b:s2+s3], $0x80, v3, vm0, $0xb8;
	[tilespmem:$0x18400] =	vst v63  }
0x1e1: {  	s11 =	simm.s32 $0xE400  }
0x1e2: {  	[tilespmem:s11], [sflag:$0x1] =	stream.indirect_vreg.gather [hbm4b:s5+s3], $0x80, v3, vm0, $0xb8;
	[tilespmem:$0x18400] =	vst v63  }
0x1e3: {  	s11 =	simm.s32 $0xEC00  }
0x1e4: {  	[tilespmem:s11], [sflag:$0x1] =	stream.indirect_vreg.gather [hbm4b:s6+s3], $0x80, v3, vm0, $0xb8;
	[tilespmem:$0x18400] =	vst v63  }
0x1e5: {  	v3 =	vld [tilespmem:$0x290];
	_ =	sdelay $0x4  }
0x1e6: {  	v61 =	vshrl.u32 v3, $0x3  }
0x1e7: {  	v4 =	vmul.u32 $0x30, v61  }
0x1e8: {  	v3 =	vand.u32 $0x7, v3  }
0x1e9: {  	v3 =	vor.u32 v3, v4  }
0x1ea: {  	v4 =	vperm.xlane v3, v0;
	_ =	sdelay $0x1  }
0x1eb: {  	v4 =	vadd.s32 v1, v4;
	_ =	sdelay $0x3  }
0x1ec: {  	s11 =	simm.s32 $0xF400;
	v3 =	vperm.xlane v3, v2  }
0x1ed: {  	[tilespmem:s11], [sflag:$0x1] =	stream.indirect_vreg.gather [hbm4b:s2+s3], $0x80, v4, vm0, $0xb8;
	[tilespmem:$0x18400] =	vst v63  }
0x1ee: {  	v3 =	vadd.s32 v1, v3;
	s11 =	simm.s32 $0xFC00  }
0x1ef: {  	[tilespmem:s11], [sflag:$0x1] =	stream.indirect_vreg.gather [hbm4b:s5+s3], $0x80, v4, vm0, $0xb8;
	[tilespmem:$0x18400] =	vst v63  }
0x1f0: {  	s11 =	simm.s32 $0x10400  }
0x1f1: {  	[tilespmem:s11], [sflag:$0x1] =	stream.indirect_vreg.gather [hbm4b:s6+s3], $0x80, v4, vm0, $0xb8;
	[tilespmem:$0x18400] =	vst v63  }
0x1f2: {  	s11 =	simm.s32 $0x10C00  }
0x1f3: {  	[tilespmem:s11], [sflag:$0x1] =	stream.indirect_vreg.gather [hbm4b:s2+s3], $0x80, v3, vm0, $0xb8;
	[tilespmem:$0x18400] =	vst v63  }
0x1f4: {  	s11 =	simm.s32 $0x11400  }
0x1f5: {  	[tilespmem:s11], [sflag:$0x1] =	stream.indirect_vreg.gather [hbm4b:s5+s3], $0x80, v3, vm0, $0xb8;
	[tilespmem:$0x18400] =	vst v63  }
0x1f6: {  	s11 =	simm.s32 $0x11C00  }
0x1f7: {  	[tilespmem:s11], [sflag:$0x1] =	stream.indirect_vreg.gather [hbm4b:s6+s3], $0x80, v3, vm0, $0xb8;
	[tilespmem:$0x18400] =	vst v63  }
0x1f8: {  	v3 =	vld [tilespmem:$0x2A0];
	_ =	sdelay $0x4  }
0x1f9: {  	v62 =	vshrl.u32 v3, $0x3  }
0x1fa: {  	v4 =	vmul.u32 $0x30, v62  }
0x1fb: {  	v3 =	vand.u32 $0x7, v3  }
0x1fc: {  	v3 =	vor.u32 v3, v4  }
0x1fd: {  	v4 =	vperm.xlane v3, v0;
	_ =	sdelay $0x1  }
0x1fe: {  	v4 =	vadd.s32 v1, v4;
	_ =	sdelay $0x3  }
0x1ff: {  	s11 =	simm.s32 $0x12400;
	v3 =	vperm.xlane v3, v2  }
0x200: {  	[tilespmem:s11], [sflag:$0x1] =	stream.indirect_vreg.gather [hbm4b:s2+s3], $0x80, v4, vm0, $0xb8;
	[tilespmem:$0x18400] =	vst v63  }
0x201: {  	v3 =	vadd.s32 v1, v3;
	s11 =	simm.s32 $0x12C00  }
0x202: {  	[tilespmem:s11], [sflag:$0x1] =	stream.indirect_vreg.gather [hbm4b:s5+s3], $0x80, v4, vm0, $0xb8;
	[tilespmem:$0x18400] =	vst v63  }
0x203: {  	s11 =	simm.s32 $0x13400  }
0x204: {  	[tilespmem:s11], [sflag:$0x1] =	stream.indirect_vreg.gather [hbm4b:s6+s3], $0x80, v4, vm0, $0xb8;
	[tilespmem:$0x18400] =	vst v63  }
0x205: {  	s11 =	simm.s32 $0x13C00  }
0x206: {  	[tilespmem:s11], [sflag:$0x1] =	stream.indirect_vreg.gather [hbm4b:s2+s3], $0x80, v3, vm0, $0xb8;
	[tilespmem:$0x18400] =	vst v63  }
0x207: {  	s11 =	simm.s32 $0x14400  }
0x208: {  	[tilespmem:s11], [sflag:$0x1] =	stream.indirect_vreg.gather [hbm4b:s5+s3], $0x80, v3, vm0, $0xb8;
	[tilespmem:$0x18400] =	vst v63  }
0x209: {  	s11 =	simm.s32 $0x14C00  }
0x20a: {  	[tilespmem:s11], [sflag:$0x1] =	stream.indirect_vreg.gather [hbm4b:s6+s3], $0x80, v3, vm0, $0xb8;
	[tilespmem:$0x18400] =	vst v63  }
0x20b: {  	v3 =	vld [tilespmem:$0x2B0];
	_ =	sdelay $0x4  }
0x20c: {  	v63 =	vshrl.u32 v3, $0x3  }
0x20d: {  	v4 =	vmul.u32 $0x30, v63  }
0x20e: {  	v3 =	vand.u32 $0x7, v3  }
0x20f: {  	v3 =	vor.u32 v3, v4  }
0x210: {  	v4 =	vperm.xlane v3, v0;
	_ =	sdelay $0x1  }
0x211: {  	v4 =	vadd.s32 v1, v4;
	_ =	sdelay $0x3  }
0x212: {  	s11 =	simm.s32 $0x15400;
	v3 =	vperm.xlane v3, v2  }
0x213: {  	[tilespmem:s11], [sflag:$0x1] =	stream.indirect_vreg.gather [hbm4b:s2+s3], $0x80, v4, vm0, $0xb8;
	[tilespmem:$0x18400] =	vst v63  }
0x214: {  	v3 =	vadd.s32 v1, v3;
	s11 =	simm.s32 $0x15C00  }
0x215: {  	[tilespmem:s11], [sflag:$0x1] =	stream.indirect_vreg.gather [hbm4b:s5+s3], $0x80, v4, vm0, $0xb8;
	[tilespmem:$0x18400] =	vst v63  }
0x216: {  	s11 =	simm.s32 $0x16400  }
0x217: {  	[tilespmem:s11], [sflag:$0x1] =	stream.indirect_vreg.gather [hbm4b:s6+s3], $0x80, v4, vm0, $0xb8;
	[tilespmem:$0x18400] =	vst v63  }
0x218: {  	s11 =	simm.s32 $0x16C00  }
0x219: {  	[tilespmem:s11], [sflag:$0x1] =	stream.indirect_vreg.gather [hbm4b:s2+s3], $0x80, v3, vm0, $0xb8;
	[tilespmem:$0x18400] =	vst v63  }
0x21a: {  	s11 =	simm.s32 $0x17400  }
0x21b: {  	[tilespmem:s11], [sflag:$0x1] =	stream.indirect_vreg.gather [hbm4b:s5+s3], $0x80, v3, vm0, $0xb8;
	[tilespmem:$0x18400] =	vst v63  }
0x21c: {  	s11 =	simm.s32 $0x17C00  }
0x21d: {  	[tilespmem:s11], [sflag:$0x1] =	stream.indirect_vreg.gather [hbm4b:s6+s3], $0x80, v3, vm0, $0xb8;
	[tilespmem:$0x18400] =	vst v63  }
0x21e: {  	_ =	swait.ge [sflag:s4], $0xC000  }
0x21f: {  	[sflag:s4] =	ssyncset.done $0x0  }
0x220: {  	s1 =	rddreg [dreg:$0x9];
	[sflag:s4] =	ssyncadd.s32 $0xFFFF4000  }
0x221: {  	[hbm4b:s1+s3] =	stream.linear.scatter [tilespmem:s0], [sflag:$0x2], $0xC000, $0x38;
	[tilespmem:$0x18400] =	vst v63  }
0x222: {  	p0 =	sne.s32 s7, $0x1;
	_ =	swait.ge [sflag:s10], $0xC000  }
.Ltmp0:
0x223: {  	[sflag:s10] =	ssyncset.done $0x0;
	(pc) =	sbr.rel @p0 .LBB2_1-.Ltmp0, $4  }
0x224: {  	[sflag:s10] =	ssyncadd.s32 $0xFFFF4000  }
0x225: {  	_ =	swait.ge [sflag:s10], $0xC000  }
0x226: {  	[sflag:s10] =	ssyncset.done $0x0  }
0x227: {  	s7 =	sadd.s32 $0xFFFFFFFF, s7;
	[sflag:s10] =	ssyncadd.s32 $0xFFFF4000  }
0x228: {  	_ =	sfence.sel $0x180000  }
0x229: {  	[bflag:$0x0] =	sbarrier.arrive $0xFFFF  }
0x22a: {  	_ =	strace $0x9000004A  }
0x22b: {  	s0 =	stileid.u32;
	[bflag:$0x2] =	sbarrier.arrive $0xFFFF  }
0x22c: {  	p0 =	sne.s32 s0, $0x0;
	s0 =	rddreg [dreg:$0x3]  }
0x22d: {  	s0 =	sadd.s32 @!p0 $0x100000, s0  }
0x22e: {  	[sflag:s0] =	ssyncadd.tile.s32 @!p0 $0x1;
	_ =	shalt  }
.Lfunc_end2:
_tile_overlayer_lowered:
.L_overlay_start_2:
0x22f: {  	(tag) =	ssettag $0x2  }
0x230: {  	s0 =	rddreg [dreg:$0x0];
	s2 =	stileid.u32  }
0x231: {  	s1 =	rddreg [dreg:$0x1];
	p0 =	sne.s32 s2, $0x0  }
0x232: {  	s3 =	rddreg [dreg:$0x2];
	[bflag:$0x3] =	sbarrier.arrive $0xFFFF;
	s2 =	simm.s32 @!p0 $0x1C03  }
0x233: {  	[timem:s3], [sflag:s2] =	dma.local @!p0 [hbm:s0], s1  }
0x234: {  	s0 =	simm.s32 @!p0 $0x3  }
0x235: {  	_ =	swait.ge @!p0 [sflag:s0], s1  }
0x236: {  	s1 =	ssub.s32 @!p0 $0x0, s1;
	[sflag:s0] =	ssyncset.done @!p0 $0x0  }
0x237: {  	[sflag:s0] =	ssyncadd.s32 @!p0 s1  }
0x238: {  	[bflag:$0x3] =	sbarrier.arrive $0xFFFF  }
0x239: {  	_ =	shalt  }

// kernel: kernel.13.cloned.1.call-start
scs
__scs_entry_jumppad:
0x0: {  	(pc) =	sbr.rel $0x88, $3  }
0x1: {  	(tag) =	ssettag $0x0;
	lr =	simm.s32 $0x1  }
0x2: {  	[smem:$0x3F9C] =	sst lr;
	_ =	strace $0xD0000000  }
0x3: {  	_ = 	snop  }
0x4: {  	_ = 	snop  }
0x5: {  	_ = 	snop  }
0x6: {  	_ = 	snop  }
0x7: {  	_ = 	snop  }
__scs_overlays_trampoline_lowered:
0x8: {  	[smem:$0x3FAB] =	sst s0  }
0x9: {  	[smem:$0x3FAC] =	sst s1  }
0xa: {  	[smem:$0x3FAD] =	sst s2  }
0xb: {  	[smem:$0x3FAE] =	sst s3  }
0xc: {  	[smem:$0x3FAF] =	sst s4  }
0xd: {  	[smem:$0x3FB0] =	sst s5  }
0xe: {  	[smem:$0x3FB1] =	sst s6  }
0xf: {  	[smem:$0x3FB2] =	sst s7  }
0x10: {  	[smem:$0x3FB3] =	sst s8  }
0x11: {  	[smem:$0x3FB4] =	sst s9;
	s0 =	simm.s32 @!p0 $0x0  }
0x12: {  	s1 =	sld [smem:$0x3F9A];
	s0 =	simm.s32 @p0 $0x1  }
0x13: {  	[smem:$0x3FB5] =	sst s0;
	s0 =	simm.s32 @!p1 $0x0  }
0x14: {  	s2 =	sld [smem:$0x3F99];
	s0 =	simm.s32 @p1 $0x1  }
0x15: {  	[smem:$0x3FB6] =	sst s0;
	s0 =	simm.s32 @!p2 $0x0  }
0x16: {  	s3 =	sld [smem:$0x3FDB];
	s0 =	simm.s32 @p2 $0x1  }
0x17: {  	s4 =	simm.s32 $0x1BF5;
	[smem:$0x3FB8] =	sst s0  }
0x18: {  	s0 =	sld [smem:$0x3F9B];
	_ =	swait.ge [sflag:s4], $0x0  }
0x19: {  	s7 =	sld [smem:$0x3F9C]  }
0x1a: {  	s8 =	sadd.s32 $0xFFFFE003, lr  }
0x1b: {  	s9 =	sadd.s32 $0xFFFFFEF7, lr;
	s5 =	simm.s32 $0xFFFFFFFF;
	p2 =	slt.u32 s8, $0xFFFFF086  }
0x1c: {  	p1 =	slt.u32 s9, $0xF7A;
	s5 =	simm.s32 @!p2 $0x0  }
0x1d: {  	s5 =	simm.s32 @p1 $0x1;
	p0 =	seq.s32 s7, s2  }
0x1e: {  	s7 =	smul.u32 @!p0 $0xF7A, s2;
	p2 =	seq.s32 @!p0 s5, $0x0  }
0x1f: {  	s9 =	smul.u32 $0xF7A, s1;
	s8 =	simm.s32 @!p0 $0x1BF5;
	p2 =	por !p2, p0  }
0x20: {  	[sflag:s8] =	ssyncset.s32 @!p0 $0xFFFFF086;
	s6 =	sadd.s32 @!p0 s3, s7;
	s7 =	simm.s32 @!p0 $0x108  }
0x21: {  	s3 =	sadd.s32 s3, s9;
	s6 =	sadd.s32 @!p0 $0x88, s6;
	s7 =	simm.s32 @p2 $0x1082  }
0x22: {  	[simem:s7], [sflag:s8] =	dma.local @!p0 [hbm:s6], $0xF7A  }
0x23: {  	s9 =	sor.u32 $0xD0000000, s2;
	s6 =	simm.s32 $0x108;
	_ =	swait.ge @!p0 [sflag:s8], $0x0  }
0x24: {  	s3 =	sadd.s32 $0x88, s3;
	s6 =	simm.s32 @!p1 $0x1082;
	[sflag:s4] =	ssyncset.s32 $0xFFFFF086  }
0x25: {  	[simem:s6], [sflag:s4] =	dma.local [hbm:s3], $0xF7A  }
0x26: {  	[smem:$0x3F9C] =	sst s1;
	(tag) =	ssettag s2;
	_ =	strace s9  }
0x27: {  	s1 =	sld [smem:$0x3FAC]  }
0x28: {  	s2 =	sld [smem:$0x3FAD]  }
0x29: {  	s4 =	sld [smem:$0x3FAF]  }
0x2a: {  	p0 =	seq.s32 s5, $0x0;
	s5 =	sld [smem:$0x3FB0]  }
0x2b: {  	s6 =	sld [smem:$0x3FB1]  }
0x2c: {  	s7 =	sld [smem:$0x3FB2]  }
0x2d: {  	s3 =	simm.s32 $0x108;
	s8 =	sld [smem:$0x3FB3]  }
0x2e: {  	s3 =	simm.s32 @!p0 $0x1082;
	s9 =	sld [smem:$0x3FB4]  }
0x2f: {  	lr =	sadd.s32 s0, s3;
	s0 =	sld [smem:$0x3FAB]  }
0x30: {  	s3 =	sld [smem:$0x3FAE]  }
0x31: {  	[smem:$0x3FB7] =	sst s10  }
0x32: {  	s10 =	sld [smem:$0x3FB5];
	_ =	sdelay $0x3  }
0x33: {  	p0 =	seq.s32 s10, $0x1;
	s10 =	sld [smem:$0x3FB7];
	_ =	sdelay $0x3  }
0x34: {  	[smem:$0x3FB7] =	sst s10  }
0x35: {  	s10 =	sld [smem:$0x3FB6];
	_ =	sdelay $0x3  }
0x36: {  	p1 =	seq.s32 s10, $0x1;
	s10 =	sld [smem:$0x3FB7];
	_ =	sdelay $0x3  }
0x37: {  	[smem:$0x3FB7] =	sst s10  }
0x38: {  	s10 =	sld [smem:$0x3FB8]  }
0x39: {  	_ = 	snop;
	(pc) =	sbr.ind lr, $3  }
0x3a: {  	_ = 	snop  }
0x3b: {  	_ = 	snop  }
0x3c: {  	p2 =	seq.s32 s10, $0x1;
	s10 =	sld [smem:$0x3FB7]  }
0x3d: {  	_ =	shalt  }
0x3e: {  	_ =	shalt  }
0x3f: {  	_ =	shalt  }
0x40: {  	_ =	shalt  }
0x41: {  	_ =	shalt  }
0x42: {  	_ =	shalt  }
0x43: {  	_ =	shalt  }
0x44: {  	_ =	shalt  }
0x45: {  	_ =	shalt  }
0x46: {  	_ =	shalt  }
0x47: {  	_ =	shalt  }
0x48: {  	_ =	shalt  }
0x49: {  	_ =	shalt  }
0x4a: {  	_ =	shalt  }
0x4b: {  	_ =	shalt  }
0x4c: {  	_ =	shalt  }
0x4d: {  	_ =	shalt  }
0x4e: {  	_ =	shalt  }
0x4f: {  	_ =	shalt  }
0x50: {  	_ =	shalt  }
0x51: {  	_ =	shalt  }
0x52: {  	_ =	shalt  }
0x53: {  	_ =	shalt  }
0x54: {  	_ =	shalt  }
0x55: {  	_ =	shalt  }
0x56: {  	_ =	shalt  }
0x57: {  	_ =	shalt  }
0x58: {  	_ =	shalt  }
0x59: {  	_ =	shalt  }
0x5a: {  	_ =	shalt  }
0x5b: {  	_ =	shalt  }
0x5c: {  	_ =	shalt  }
0x5d: {  	_ =	shalt  }
0x5e: {  	_ =	shalt  }
0x5f: {  	_ =	shalt  }
0x60: {  	_ =	shalt  }
0x61: {  	_ =	shalt  }
0x62: {  	_ =	shalt  }
0x63: {  	_ =	shalt  }
0x64: {  	_ =	shalt  }
0x65: {  	_ =	shalt  }
0x66: {  	_ =	shalt  }
0x67: {  	_ =	shalt  }
0x68: {  	_ =	shalt  }
0x69: {  	_ =	shalt  }
0x6a: {  	_ =	shalt  }
0x6b: {  	_ =	shalt  }
0x6c: {  	_ =	shalt  }
0x6d: {  	_ =	shalt  }
0x6e: {  	_ =	shalt  }
0x6f: {  	_ =	shalt  }
0x70: {  	_ =	shalt  }
0x71: {  	_ =	shalt  }
0x72: {  	_ =	shalt  }
0x73: {  	_ =	shalt  }
0x74: {  	_ =	shalt  }
0x75: {  	_ =	shalt  }
0x76: {  	_ =	shalt  }
0x77: {  	_ =	shalt  }
0x78: {  	_ =	shalt  }
0x79: {  	_ =	shalt  }
0x7a: {  	_ =	shalt  }
0x7b: {  	_ =	shalt  }
0x7c: {  	_ =	shalt  }
0x7d: {  	_ =	shalt  }
0x7e: {  	_ =	shalt  }
0x7f: {  	_ =	shalt  }
0x80: {  	_ =	shalt  }
0x81: {  	_ =	shalt  }
0x82: {  	_ =	shalt  }
0x83: {  	_ =	shalt  }
0x84: {  	_ =	shalt  }
0x85: {  	_ =	shalt  }
0x86: {  	_ =	shalt  }
0x87: {  	_ =	shalt  }
.Lfunc_end0:
.L_simem_size_0:
called_computation.2_lowered:
.L_overlay_start_0:
0x88: {  	s2 =	sld [smem:$0x3FD9]  }
0x89: {  	s3 =	sld [smem:$0x3FFE];
	_ =	sdelay $0x1  }
0x8a: {  	s1 =	srdreg.scid  }
0x8b: {  	s0 =	sand.u32 $0x1, s1  }
0x8c: {  	s17 =	sshll.u32 s0, $0xA;
	s2 =	sadd.s32 s3, s2  }
0x8d: {  	s2 =	sadd.s32 s2, s17  }
0x8e: {  	[smem:$0x3FC3] =	sst s2  }
0x8f: {  	_ = 	snop  }
0x90: {  	s2 =	sld [smem:$0x3FD0];
	(tm) =	ssettm $0x1  }
0x91: {  	s18 =	sld [smem:$0x3FFB];
	_ =	sdelay $0x3  }
0x92: {  	_ =	strace s18  }
0x93: {  	s3 =	sld [smem:$0x3FFC];
	_ =	sdelay $0x3  }
0x94: {  	_ =	strace s3  }
0x95: {  	s3 =	sld [smem:$0x3FFD];
	_ =	sdelay $0x3  }
0x96: {  	_ =	strace s3  }
0x97: {  	_ =	strace $0x8FFFFFFF  }
0x98: {  	s19 =	sld [smem:$0x3FDB];
	_ =	sdelay $0x1  }
0x99: {  	s4 =	simm.s32 $_scs_section_size  }
0x9a: {  	s5 =	simm.s32 $_size__tile_overlayer_lowered;
	s6 =	simm.s32 $_tile_overlayer_lowered  }
0x9b: {  	s22 =	simm.s32 $0x1BFF;
	s21 =	sshll.u32 s6, $0x1;
	s3 =	sadd.s32 s4, s19  }
0x9c: {  	s7 =	simm.s32 $0x0;
	s20 =	sshll.u32 s5, $0x1;
	s5 =	sadd.s32 s21, s3  }
0x9d: {  	[timem:s7], [sflag:s22] =	dma.local [hbm:s5], s20  }
0x9e: {  	_ =	swait.ge [sflag:s22], s20  }
0x9f: {  	s4 =	ssub.s32 $0x0, s20;
	[sflag:s22] =	ssyncset.done $0x0  }
0xa0: {  	[sflag:s22] =	ssyncadd.s32 s4;
	_ =	sdelay $0x1  }
0xa1: {  	s23 =	simm.s32 $0x1B8B  }
0xa2: {  	_ =	swait.ge [sflag:s23], $0x1  }
0xa3: {  	[sflag:s23] =	ssyncset.done $0x0  }
0xa4: {  	s25 =	simm.s32 $0x1B8E;
	s24 =	sld [smem:$0x3FFE];
	[sflag:s23] =	ssyncadd.s32 $0xFFFFFFFF  }
0xa5: {  	s26 =	simm.s32 $execute0_lowered;
	[smem:$0x3FD2] =	sst s25  }
0xa6: {  	s5 =	sshll.u32 s26, $0x1;
	_ =	strace $0x8000004C;
	[dreg:$0x1] =	wrdreg $0xFFFFFFFF  }
0xa7: {  	s28 =	simm.s32 $_size_execute0_lowered;
	s3 =	sadd.s32 s3, s5;
	[dreg:$0x0] =	wrdreg $0x0  }
0xa8: {  	s5 =	sshll.u32 s28, $0x1;
	[dreg:$0x2] =	wrdreg s3  }
0xa9: {  	[dreg:$0x3] =	wrdreg s5  }
0xaa: {  	[dreg:$0x4] =	wrdreg $0xC0  }
0xab: {  	_ =	task [dreg:s7], $0x5FFFF  }
0xac: {  	[dreg:$0x1] =	wrdreg $0xFFFFFFFF  }
0xad: {  	[dreg:$0x0] =	wrdreg $0x60  }
0xae: {  	[dreg:$0x2] =	wrdreg s24  }
0xaf: {  	[dreg:$0x3] =	wrdreg s2  }
0xb0: {  	[dreg:$0x4] =	wrdreg $0x9  }
0xb1: {  	_ =	task.clear_ibuf [dreg:s7], $0x5FFFF;
	_ =	strace $0x9000004C  }
0xb2: {  	s29 =	simm.s32 $0x9;
	_ =	strace $0x8000004E  }
0xb3: {  	_ =	swait.ge [sflag:s29], $0x1  }
0xb4: {  	[sflag:s29] =	ssyncadd.s32 $0xFFFFFFFF  }
0xb5: {  	_ =	strace $0x9000004E  }
0xb6: {  	_ =	sfence  }
0xb7: {  	s30 =	sld [smem:$0x0];
	_ =	sdelay $0x2  }
0xb8: {  	s31 =	sshll.u32 s1, $0xD;
	s1 =	sshrl.u32 s1, $0x2  }
0xb9: {  	s3 =	sand.u32 $0x4000, s31;
	s1 =	sadd.s32 s1, s30  }
0xba: {  	s0 =	sor.u32 s3, s0;
	s1 =	sshll.u32 s1, $0x11  }
0xbb: {  	s0 =	sor.u32 s1, s0  }
0xbc: {  	s0 =	sadd.s32 $0x8F2B, s0  }
0xbd: {  	[sflag:s0] =	ssyncadd.remote.s32 $0x1  }
0xbe: {  	_ =	sfence.sel $0xFFFF  }
0xbf: {  	[dreg:$0x0] =	wrdreg $0xFFFFFFFF;
	(pc) =	sbr.abs _section_cstart, $3  }
0xc0: {  	[dreg:$0x1] =	wrdreg $0xFFFFFFFF  }
0xc1: {  	_ =	task.clear_ibuf [dreg:s7], $0x2FFFF;
	_ =	strace $0x9FFFFFFF  }
0xc2: {  	(tm) =	ssettm $0x7FFFFFFF  }
0xc3: {  	_ =	shalt  }
tec
execute0_lowered:
.L_overlay_start_1:
0x0: {  	(tag) =	ssettag $0x1  }
0x1: {  	s0 =	rddreg [dreg:$0x0]  }
0x2: {  	s1 =	rddreg [dreg:$0x1]  }
0x3: {  	s3 =	srdreg.scid;
	s4 =	stileid.u32;
	s2 =	simm.s32 $0x0  }
0x4: {  	s10 =	simm.s32 $0x1;
	s12 =	simm.s32 $0x2;
	s14 =	simm.s32 $0xA00  }
0x5: {  	s15 =	simm.s32 $0x1200;
	s16 =	simm.s32 $0x1A00;
	s17 =	simm.s32 $0x2200  }
0x6: {  	s18 =	simm.s32 $0x2A00;
	s19 =	simm.s32 $0x3200;
	s20 =	simm.s32 $0x3A00  }
0x7: {  	s21 =	simm.s32 $0x4200;
	s22 =	simm.s32 $0x4A00;
	s23 =	simm.s32 $0x5200  }
0x8: {  	s24 =	simm.s32 $0x5A00;
	s28 =	simm.s32 $0x7200;
	s29 =	simm.s32 $0x7A00  }
0x9: {  	s30 =	simm.s32 $0x8200;
	s31 =	simm.s32 $0x8A00;
	s11 =	simm.s32 $0xA200  }
0xa: {  	s3 =	sand.u32 $0x1, s3;
	s4 =	sshll.u32 s4, $0x1;
	[smem:$0x7FF] =	sst s2  }
0xb: {  	s9 =	simm.s32 $0xB200;
	s4 =	sor.u32 s3, s4;
	_ =	strace $0x8000004D  }
0xc: {  	s7 =	ssub.s32 $0x2, s3;
	s3 =	sadd.s32 $0x125600, s0;
	s5 =	smul.u32 $0x6000, s4  }
0xd: {  	s6 =	sshll.u32 s4, $0x6;
	s4 =	smul.u32 $0x30000, s4;
	s8 =	sshrl.u32 s7, $0x1  }
0xe: {  	s6 =	sadd.s32 s6, s0;
	s25 =	ssub.s32 s7, s8;
	s8 =	simm.s32 $0xAA00  }
0xf: {  	s6 =	sadd.s32 $0x3600, s6;
	s5 =	sadd.s32 s1, s5;
	s4 =	sshrl.u32 s4, $0x3  }
0x10: {  	s7 =	smax.u32 s25, $0x1;
	s25 =	simm.s32 $0x6200;
	[dreg:$0x3] =	wrdreg s6  }
0x11: {  	[dreg:$0x7] =	wrdreg s5;
	s5 =	sadd.s32 $0x1800, s5;
	s1 =	sadd.s32 s1, s4  }
0x12: {  	v2 =	vlaneseq.u32;
	s6 =	sadd.s32 $0x125800, s0;
	[dreg:$0x4] =	wrdreg s5;
	s26 =	sadd.s32 $0x3000, s1  }
0x13: {  	vm0 =	vmmov $0xffff;
	v1 =	vshrl.u32 v2, $0x3;
	s4 =	simm.s32 $0x200;
	s1 =	sadd.s32 $0x4800, s1;
	[dreg:$0x5] =	wrdreg s26  }
0x14: {  	v0 =	vand.u32 $0x7, v2;
	v2 =	vor.u32 $0x8, v2;
	v1 =	vmul.u32 $0x8, v1;
	s5 =	sadd.s32 $0x125700, s0;
	[dreg:$0x6] =	wrdreg s1;
	s26 =	simm.s32 $0x6A00  }
.LBB2_1:
0x15: {  	s13 =	rddreg [dreg:$0x3];
	s0 =	simm.s32 $0x3  }
0x16: {  	[tilespmem:s2], [sflag:$0x3] =	stream.linear.gather [hbm4b:s13+s2], $0x200, $0x38;
	[tilespmem:$0x18200] =	vst v63  }
0x17: {  	_ =	swait.ge [sflag:s0], $0x200  }
0x18: {  	[sflag:s0] =	ssyncset.done $0x0  }
0x19: {  	[sflag:s0] =	ssyncadd.s32 $0xFFFFFE00  }
0x1a: {  	v3 =	vld [tilespmem:$0x0];
	_ =	sdelay $0x4  }
0x1b: {  	v4 =	vshrl.u32 v3, $0x3  }
0x1c: {  	v4 =	vmul.u32 $0x30, v4  }
0x1d: {  	v3 =	vand.u32 $0x7, v3  }
0x1e: {  	v3 =	vor.u32 v3, v4  }
0x1f: {  	v4 =	vperm.xlane v3, v0;
	_ =	sdelay $0x1  }
0x20: {  	v4 =	vadd.s32 v1, v4;
	_ =	sdelay $0x3  }
0x21: {  	v3 =	vperm.xlane v3, v2  }
0x22: {  	[tilespmem:s4], [sflag:$0x1] =	stream.indirect_vreg.gather [hbm4b:s3+s2], $0x80, v4, vm0, $0xb8;
	[tilespmem:$0x18200] =	vst v63  }
0x23: {  	v3 =	vadd.s32 v1, v3  }
0x24: {  	[tilespmem:s14], [sflag:$0x1] =	stream.indirect_vreg.gather [hbm4b:s5+s2], $0x80, v4, vm0, $0xb8;
	[tilespmem:$0x18200] =	vst v63  }
0x25: {  	_ = 	snop  }
0x26: {  	[tilespmem:s15], [sflag:$0x1] =	stream.indirect_vreg.gather [hbm4b:s6+s2], $0x80, v4, vm0, $0xb8;
	[tilespmem:$0x18200] =	vst v63  }
0x27: {  	_ = 	snop  }
0x28: {  	[tilespmem:s16], [sflag:$0x1] =	stream.indirect_vreg.gather [hbm4b:s3+s2], $0x80, v3, vm0, $0xb8;
	[tilespmem:$0x18200] =	vst v63  }
0x29: {  	_ = 	snop  }
0x2a: {  	[tilespmem:s17], [sflag:$0x1] =	stream.indirect_vreg.gather [hbm4b:s5+s2], $0x80, v3, vm0, $0xb8;
	[tilespmem:$0x18200] =	vst v63  }
0x2b: {  	_ = 	snop  }
0x2c: {  	[tilespmem:s18], [sflag:$0x1] =	stream.indirect_vreg.gather [hbm4b:s6+s2], $0x80, v3, vm0, $0xb8;
	[tilespmem:$0x18200] =	vst v63  }
0x2d: {  	v3 =	vld [tilespmem:$0x10];
	_ =	sdelay $0x4  }
0x2e: {  	v49 =	vshrl.u32 v3, $0x3  }
0x2f: {  	v4 =	vmul.u32 $0x30, v49  }
0x30: {  	v3 =	vand.u32 $0x7, v3  }
0x31: {  	v3 =	vor.u32 v3, v4  }
0x32: {  	v4 =	vperm.xlane v3, v0;
	_ =	sdelay $0x1  }
0x33: {  	v4 =	vadd.s32 v1, v4;
	_ =	sdelay $0x3  }
0x34: {  	v3 =	vperm.xlane v3, v2  }
0x35: {  	[tilespmem:s19], [sflag:$0x1] =	stream.indirect_vreg.gather [hbm4b:s3+s2], $0x80, v4, vm0, $0xb8;
	[tilespmem:$0x18200] =	vst v63  }
0x36: {  	v3 =	vadd.s32 v1, v3  }
0x37: {  	[tilespmem:s20], [sflag:$0x1] =	stream.indirect_vreg.gather [hbm4b:s5+s2], $0x80, v4, vm0, $0xb8;
	[tilespmem:$0x18200] =	vst v63  }
0x38: {  	_ = 	snop  }
0x39: {  	[tilespmem:s21], [sflag:$0x1] =	stream.indirect_vreg.gather [hbm4b:s6+s2], $0x80, v4, vm0, $0xb8;
	[tilespmem:$0x18200] =	vst v63  }
0x3a: {  	_ = 	snop  }
0x3b: {  	[tilespmem:s22], [sflag:$0x1] =	stream.indirect_vreg.gather [hbm4b:s3+s2], $0x80, v3, vm0, $0xb8;
	[tilespmem:$0x18200] =	vst v63  }
0x3c: {  	_ = 	snop  }
0x3d: {  	[tilespmem:s23], [sflag:$0x1] =	stream.indirect_vreg.gather [hbm4b:s5+s2], $0x80, v3, vm0, $0xb8;
	[tilespmem:$0x18200] =	vst v63  }
0x3e: {  	_ = 	snop  }
0x3f: {  	[tilespmem:s24], [sflag:$0x1] =	stream.indirect_vreg.gather [hbm4b:s6+s2], $0x80, v3, vm0, $0xb8;
	[tilespmem:$0x18200] =	vst v63  }
0x40: {  	v3 =	vld [tilespmem:$0x20];
	_ =	sdelay $0x4  }
0x41: {  	v50 =	vshrl.u32 v3, $0x3  }
0x42: {  	v4 =	vmul.u32 $0x30, v50  }
0x43: {  	v3 =	vand.u32 $0x7, v3  }
0x44: {  	v3 =	vor.u32 v3, v4  }
0x45: {  	v4 =	vperm.xlane v3, v0;
	_ =	sdelay $0x1  }
0x46: {  	v4 =	vadd.s32 v1, v4;
	_ =	sdelay $0x3  }
0x47: {  	v3 =	vperm.xlane v3, v2  }
0x48: {  	[tilespmem:s25], [sflag:$0x1] =	stream.indirect_vreg.gather [hbm4b:s3+s2], $0x80, v4, vm0, $0xb8;
	[tilespmem:$0x18200] =	vst v63  }
0x49: {  	v3 =	vadd.s32 v1, v3  }
0x4a: {  	[tilespmem:s26], [sflag:$0x1] =	stream.indirect_vreg.gather [hbm4b:s5+s2], $0x80, v4, vm0, $0xb8;
	[tilespmem:$0x18200] =	vst v63  }
0x4b: {  	_ = 	snop  }
0x4c: {  	[tilespmem:s28], [sflag:$0x1] =	stream.indirect_vreg.gather [hbm4b:s6+s2], $0x80, v4, vm0, $0xb8;
	[tilespmem:$0x18200] =	vst v63  }
0x4d: {  	_ = 	snop  }
0x4e: {  	[tilespmem:s29], [sflag:$0x1] =	stream.indirect_vreg.gather [hbm4b:s3+s2], $0x80, v3, vm0, $0xb8;
	[tilespmem:$0x18200] =	vst v63  }
0x4f: {  	_ = 	snop  }
0x50: {  	[tilespmem:s30], [sflag:$0x1] =	stream.indirect_vreg.gather [hbm4b:s5+s2], $0x80, v3, vm0, $0xb8;
	[tilespmem:$0x18200] =	vst v63  }
0x51: {  	_ = 	snop  }
0x52: {  	[tilespmem:s31], [sflag:$0x1] =	stream.indirect_vreg.gather [hbm4b:s6+s2], $0x80, v3, vm0, $0xb8;
	[tilespmem:$0x18200] =	vst v63  }
0x53: {  	v3 =	vld [tilespmem:$0x30];
	_ =	sdelay $0x4  }
0x54: {  	v51 =	vshrl.u32 v3, $0x3  }
0x55: {  	v4 =	vmul.u32 $0x30, v51  }
0x56: {  	v3 =	vand.u32 $0x7, v3  }
0x57: {  	v3 =	vor.u32 v3, v4  }
0x58: {  	v4 =	vperm.xlane v3, v0;
	_ =	sdelay $0x1  }
0x59: {  	v4 =	vadd.s32 v1, v4;
	_ =	sdelay $0x3  }
0x5a: {  	s1 =	simm.s32 $0x9200;
	v3 =	vperm.xlane v3, v2  }
0x5b: {  	[tilespmem:s1], [sflag:$0x1] =	stream.indirect_vreg.gather [hbm4b:s3+s2], $0x80, v4, vm0, $0xb8;
	[tilespmem:$0x18200] =	vst v63  }
0x5c: {  	v3 =	vadd.s32 v1, v3;
	s1 =	simm.s32 $0x9A00  }
0x5d: {  	[tilespmem:s1], [sflag:$0x1] =	stream.indirect_vreg.gather [hbm4b:s5+s2], $0x80, v4, vm0, $0xb8;
	[tilespmem:$0x18200] =	vst v63  }
0x5e: {  	_ = 	snop  }
0x5f: {  	[tilespmem:s11], [sflag:$0x1] =	stream.indirect_vreg.gather [hbm4b:s6+s2], $0x80, v4, vm0, $0xb8;
	[tilespmem:$0x18200] =	vst v63  }
0x60: {  	_ = 	snop  }
0x61: {  	[tilespmem:s8], [sflag:$0x1] =	stream.indirect_vreg.gather [hbm4b:s3+s2], $0x80, v3, vm0, $0xb8;
	[tilespmem:$0x18200] =	vst v63  }
0x62: {  	_ = 	snop  }
0x63: {  	[tilespmem:s9], [sflag:$0x1] =	stream.indirect_vreg.gather [hbm4b:s5+s2], $0x80, v3, vm0, $0xb8;
	[tilespmem:$0x18200] =	vst v63  }
0x64: {  	s13 =	simm.s32 $0xBA00  }
0x65: {  	[tilespmem:s13], [sflag:$0x1] =	stream.indirect_vreg.gather [hbm4b:s6+s2], $0x80, v3, vm0, $0xb8;
	[tilespmem:$0x18200] =	vst v63  }
0x66: {  	_ =	swait.ge [sflag:s10], $0xC000  }
0x67: {  	[sflag:s10] =	ssyncset.done $0x0  }
0x68: {  	s0 =	rddreg [dreg:$0x7];
	[sflag:s10] =	ssyncadd.s32 $0xFFFF4000  }
0x69: {  	[hbm4b:s0+s2] =	stream.linear.scatter [tilespmem:s4], [sflag:$0x2], $0xC000, $0x38;
	[tilespmem:$0x18200] =	vst v63  }
0x6a: {  	v3 =	vld [tilespmem:$0x80];
	_ =	sdelay $0x4  }
0x6b: {  	v52 =	vshrl.u32 v3, $0x3  }
0x6c: {  	v4 =	vmul.u32 $0x30, v52  }
0x6d: {  	v3 =	vand.u32 $0x7, v3  }
0x6e: {  	v3 =	vor.u32 v3, v4  }
0x6f: {  	v4 =	vperm.xlane v3, v0;
	_ =	sdelay $0x1  }
0x70: {  	v4 =	vadd.s32 v1, v4;
	_ =	sdelay $0x3  }
0x71: {  	s0 =	simm.s32 $0xC200;
	v3 =	vperm.xlane v3, v2  }
0x72: {  	[tilespmem:s0], [sflag:$0x1] =	stream.indirect_vreg.gather [hbm4b:s3+s2], $0x80, v4, vm0, $0xb8;
	[tilespmem:$0x18200] =	vst v63  }
0x73: {  	s13 =	simm.s32 $0xCA00;
	v3 =	vadd.s32 v1, v3  }
0x74: {  	[tilespmem:s13], [sflag:$0x1] =	stream.indirect_vreg.gather [hbm4b:s5+s2], $0x80, v4, vm0, $0xb8;
	[tilespmem:$0x18200] =	vst v63  }
0x75: {  	s13 =	simm.s32 $0xD200  }
0x76: {  	[tilespmem:s13], [sflag:$0x1] =	stream.indirect_vreg.gather [hbm4b:s6+s2], $0x80, v4, vm0, $0xb8;
	[tilespmem:$0x18200] =	vst v63  }
0x77: {  	s13 =	simm.s32 $0xDA00  }
0x78: {  	[tilespmem:s13], [sflag:$0x1] =	stream.indirect_vreg.gather [hbm4b:s3+s2], $0x80, v3, vm0, $0xb8;
	[tilespmem:$0x18200] =	vst v63  }
0x79: {  	s13 =	simm.s32 $0xE200  }
0x7a: {  	[tilespmem:s13], [sflag:$0x1] =	stream.indirect_vreg.gather [hbm4b:s5+s2], $0x80, v3, vm0, $0xb8;
	[tilespmem:$0x18200] =	vst v63  }
0x7b: {  	s13 =	simm.s32 $0xEA00  }
0x7c: {  	[tilespmem:s13], [sflag:$0x1] =	stream.indirect_vreg.gather [hbm4b:s6+s2], $0x80, v3, vm0, $0xb8;
	[tilespmem:$0x18200] =	vst v63  }
0x7d: {  	v3 =	vld [tilespmem:$0x90];
	_ =	sdelay $0x4  }
0x7e: {  	v53 =	vshrl.u32 v3, $0x3  }
0x7f: {  	v4 =	vmul.u32 $0x30, v53  }
0x80: {  	v3 =	vand.u32 $0x7, v3  }
0x81: {  	v3 =	vor.u32 v3, v4  }
0x82: {  	v4 =	vperm.xlane v3, v0;
	_ =	sdelay $0x1  }
0x83: {  	v4 =	vadd.s32 v1, v4;
	_ =	sdelay $0x3  }
0x84: {  	s13 =	simm.s32 $0xF200;
	v3 =	vperm.xlane v3, v2  }
0x85: {  	[tilespmem:s13], [sflag:$0x1] =	stream.indirect_vreg.gather [hbm4b:s3+s2], $0x80, v4, vm0, $0xb8;
	[tilespmem:$0x18200] =	vst v63  }
0x86: {  	v3 =	vadd.s32 v1, v3;
	s13 =	simm.s32 $0xFA00  }
0x87: {  	[tilespmem:s13], [sflag:$0x1] =	stream.indirect_vreg.gather [hbm4b:s5+s2], $0x80, v4, vm0, $0xb8;
	[tilespmem:$0x18200] =	vst v63  }
0x88: {  	s13 =	simm.s32 $0x10200  }
0x89: {  	[tilespmem:s13], [sflag:$0x1] =	stream.indirect_vreg.gather [hbm4b:s6+s2], $0x80, v4, vm0, $0xb8;
	[tilespmem:$0x18200] =	vst v63  }
0x8a: {  	s13 =	simm.s32 $0x10A00  }
0x8b: {  	[tilespmem:s13], [sflag:$0x1] =	stream.indirect_vreg.gather [hbm4b:s3+s2], $0x80, v3, vm0, $0xb8;
	[tilespmem:$0x18200] =	vst v63  }
0x8c: {  	s13 =	simm.s32 $0x11200  }
0x8d: {  	[tilespmem:s13], [sflag:$0x1] =	stream.indirect_vreg.gather [hbm4b:s5+s2], $0x80, v3, vm0, $0xb8;
	[tilespmem:$0x18200] =	vst v63  }
0x8e: {  	s13 =	simm.s32 $0x11A00  }
0x8f: {  	[tilespmem:s13], [sflag:$0x1] =	stream.indirect_vreg.gather [hbm4b:s6+s2], $0x80, v3, vm0, $0xb8;
	[tilespmem:$0x18200] =	vst v63  }
0x90: {  	v3 =	vld [tilespmem:$0xA0];
	_ =	sdelay $0x4  }
0x91: {  	v54 =	vshrl.u32 v3, $0x3  }
0x92: {  	v4 =	vmul.u32 $0x30, v54  }
0x93: {  	v3 =	vand.u32 $0x7, v3  }
0x94: {  	v3 =	vor.u32 v3, v4  }
0x95: {  	v4 =	vperm.xlane v3, v0;
	_ =	sdelay $0x1  }
0x96: {  	v4 =	vadd.s32 v1, v4;
	_ =	sdelay $0x3  }
0x97: {  	s13 =	simm.s32 $0x12200;
	v3 =	vperm.xlane v3, v2  }
0x98: {  	[tilespmem:s13], [sflag:$0x1] =	stream.indirect_vreg.gather [hbm4b:s3+s2], $0x80, v4, vm0, $0xb8;
	[tilespmem:$0x18200] =	vst v63  }
0x99: {  	v3 =	vadd.s32 v1, v3;
	s13 =	simm.s32 $0x12A00  }
0x9a: {  	[tilespmem:s13], [sflag:$0x1] =	stream.indirect_vreg.gather [hbm4b:s5+s2], $0x80, v4, vm0, $0xb8;
	[tilespmem:$0x18200] =	vst v63  }
0x9b: {  	s13 =	simm.s32 $0x13200  }
0x9c: {  	[tilespmem:s13], [sflag:$0x1] =	stream.indirect_vreg.gather [hbm4b:s6+s2], $0x80, v4, vm0, $0xb8;
	[tilespmem:$0x18200] =	vst v63  }
0x9d: {  	s13 =	simm.s32 $0x13A00  }
0x9e: {  	[tilespmem:s13], [sflag:$0x1] =	stream.indirect_vreg.gather [hbm4b:s3+s2], $0x80, v3, vm0, $0xb8;
	[tilespmem:$0x18200] =	vst v63  }
0x9f: {  	s13 =	simm.s32 $0x14200  }
0xa0: {  	[tilespmem:s13], [sflag:$0x1] =	stream.indirect_vreg.gather [hbm4b:s5+s2], $0x80, v3, vm0, $0xb8;
	[tilespmem:$0x18200] =	vst v63  }
0xa1: {  	s13 =	simm.s32 $0x14A00  }
0xa2: {  	[tilespmem:s13], [sflag:$0x1] =	stream.indirect_vreg.gather [hbm4b:s6+s2], $0x80, v3, vm0, $0xb8;
	[tilespmem:$0x18200] =	vst v63  }
0xa3: {  	v3 =	vld [tilespmem:$0xB0];
	_ =	sdelay $0x4  }
0xa4: {  	v55 =	vshrl.u32 v3, $0x3  }
0xa5: {  	v4 =	vmul.u32 $0x30, v55  }
0xa6: {  	v3 =	vand.u32 $0x7, v3  }
0xa7: {  	v3 =	vor.u32 v3, v4  }
0xa8: {  	v4 =	vperm.xlane v3, v0;
	_ =	sdelay $0x1  }
0xa9: {  	v4 =	vadd.s32 v1, v4;
	_ =	sdelay $0x3  }
0xaa: {  	s13 =	simm.s32 $0x15200;
	v3 =	vperm.xlane v3, v2  }
0xab: {  	[tilespmem:s13], [sflag:$0x1] =	stream.indirect_vreg.gather [hbm4b:s3+s2], $0x80, v4, vm0, $0xb8;
	[tilespmem:$0x18200] =	vst v63  }
0xac: {  	v3 =	vadd.s32 v1, v3;
	s13 =	simm.s32 $0x15A00  }
0xad: {  	[tilespmem:s13], [sflag:$0x1] =	stream.indirect_vreg.gather [hbm4b:s5+s2], $0x80, v4, vm0, $0xb8;
	[tilespmem:$0x18200] =	vst v63  }
0xae: {  	s13 =	simm.s32 $0x16200  }
0xaf: {  	[tilespmem:s13], [sflag:$0x1] =	stream.indirect_vreg.gather [hbm4b:s6+s2], $0x80, v4, vm0, $0xb8;
	[tilespmem:$0x18200] =	vst v63  }
0xb0: {  	s13 =	simm.s32 $0x16A00  }
0xb1: {  	[tilespmem:s13], [sflag:$0x1] =	stream.indirect_vreg.gather [hbm4b:s3+s2], $0x80, v3, vm0, $0xb8;
	[tilespmem:$0x18200] =	vst v63  }
0xb2: {  	s13 =	simm.s32 $0x17200  }
0xb3: {  	[tilespmem:s13], [sflag:$0x1] =	stream.indirect_vreg.gather [hbm4b:s5+s2], $0x80, v3, vm0, $0xb8;
	[tilespmem:$0x18200] =	vst v63  }
0xb4: {  	s13 =	simm.s32 $0x17A00  }
0xb5: {  	[tilespmem:s13], [sflag:$0x1] =	stream.indirect_vreg.gather [hbm4b:s6+s2], $0x80, v3, vm0, $0xb8;
	[tilespmem:$0x18200] =	vst v63  }
0xb6: {  	_ =	swait.ge [sflag:s10], $0xC000  }
0xb7: {  	[sflag:s10] =	ssyncset.done $0x0  }
0xb8: {  	s13 =	rddreg [dreg:$0x4];
	[sflag:s10] =	ssyncadd.s32 $0xFFFF4000  }
0xb9: {  	[hbm4b:s13+s2] =	stream.linear.scatter [tilespmem:s0], [sflag:$0x2], $0xC000, $0x38;
	[tilespmem:$0x18200] =	vst v63  }
0xba: {  	_ =	swait.ge [sflag:s12], $0xC000  }
0xbb: {  	[sflag:s12] =	ssyncset.done $0x0  }
0xbc: {  	[sflag:s12] =	ssyncadd.s32 $0xFFFF4000  }
0xbd: {  	v3 =	vld [tilespmem:$0x100];
	_ =	sdelay $0x4  }
0xbe: {  	v56 =	vshrl.u32 v3, $0x3  }
0xbf: {  	v4 =	vmul.u32 $0x30, v56  }
0xc0: {  	v3 =	vand.u32 $0x7, v3  }
0xc1: {  	v3 =	vor.u32 v3, v4  }
0xc2: {  	v4 =	vperm.xlane v3, v0;
	_ =	sdelay $0x1  }
0xc3: {  	v4 =	vadd.s32 v1, v4;
	_ =	sdelay $0x3  }
0xc4: {  	v3 =	vperm.xlane v3, v2  }
0xc5: {  	[tilespmem:s4], [sflag:$0x1] =	stream.indirect_vreg.gather [hbm4b:s3+s2], $0x80, v4, vm0, $0xb8;
	[tilespmem:$0x18200] =	vst v63  }
0xc6: {  	v3 =	vadd.s32 v1, v3  }
0xc7: {  	[tilespmem:s14], [sflag:$0x1] =	stream.indirect_vreg.gather [hbm4b:s5+s2], $0x80, v4, vm0, $0xb8;
	[tilespmem:$0x18200] =	vst v63  }
0xc8: {  	_ = 	snop  }
0xc9: {  	[tilespmem:s15], [sflag:$0x1] =	stream.indirect_vreg.gather [hbm4b:s6+s2], $0x80, v4, vm0, $0xb8;
	[tilespmem:$0x18200] =	vst v63  }
0xca: {  	_ = 	snop  }
0xcb: {  	[tilespmem:s16], [sflag:$0x1] =	stream.indirect_vreg.gather [hbm4b:s3+s2], $0x80, v3, vm0, $0xb8;
	[tilespmem:$0x18200] =	vst v63  }
0xcc: {  	_ = 	snop  }
0xcd: {  	[tilespmem:s17], [sflag:$0x1] =	stream.indirect_vreg.gather [hbm4b:s5+s2], $0x80, v3, vm0, $0xb8;
	[tilespmem:$0x18200] =	vst v63  }
0xce: {  	_ = 	snop  }
0xcf: {  	[tilespmem:s18], [sflag:$0x1] =	stream.indirect_vreg.gather [hbm4b:s6+s2], $0x80, v3, vm0, $0xb8;
	[tilespmem:$0x18200] =	vst v63  }
0xd0: {  	v3 =	vld [tilespmem:$0x110];
	_ =	sdelay $0x4  }
0xd1: {  	v57 =	vshrl.u32 v3, $0x3  }
0xd2: {  	v4 =	vmul.u32 $0x30, v57  }
0xd3: {  	v3 =	vand.u32 $0x7, v3  }
0xd4: {  	v3 =	vor.u32 v3, v4  }
0xd5: {  	v4 =	vperm.xlane v3, v0;
	_ =	sdelay $0x1  }
0xd6: {  	v4 =	vadd.s32 v1, v4;
	_ =	sdelay $0x3  }
0xd7: {  	v3 =	vperm.xlane v3, v2  }
0xd8: {  	[tilespmem:s19], [sflag:$0x1] =	stream.indirect_vreg.gather [hbm4b:s3+s2], $0x80, v4, vm0, $0xb8;
	[tilespmem:$0x18200] =	vst v63  }
0xd9: {  	v3 =	vadd.s32 v1, v3  }
0xda: {  	[tilespmem:s20], [sflag:$0x1] =	stream.indirect_vreg.gather [hbm4b:s5+s2], $0x80, v4, vm0, $0xb8;
	[tilespmem:$0x18200] =	vst v63  }
0xdb: {  	_ = 	snop  }
0xdc: {  	[tilespmem:s21], [sflag:$0x1] =	stream.indirect_vreg.gather [hbm4b:s6+s2], $0x80, v4, vm0, $0xb8;
	[tilespmem:$0x18200] =	vst v63  }
0xdd: {  	_ = 	snop  }
0xde: {  	[tilespmem:s22], [sflag:$0x1] =	stream.indirect_vreg.gather [hbm4b:s3+s2], $0x80, v3, vm0, $0xb8;
	[tilespmem:$0x18200] =	vst v63  }
0xdf: {  	_ = 	snop  }
0xe0: {  	[tilespmem:s23], [sflag:$0x1] =	stream.indirect_vreg.gather [hbm4b:s5+s2], $0x80, v3, vm0, $0xb8;
	[tilespmem:$0x18200] =	vst v63  }
0xe1: {  	_ = 	snop  }
0xe2: {  	[tilespmem:s24], [sflag:$0x1] =	stream.indirect_vreg.gather [hbm4b:s6+s2], $0x80, v3, vm0, $0xb8;
	[tilespmem:$0x18200] =	vst v63  }
0xe3: {  	v3 =	vld [tilespmem:$0x120];
	_ =	sdelay $0x4  }
0xe4: {  	v58 =	vshrl.u32 v3, $0x3  }
0xe5: {  	v4 =	vmul.u32 $0x30, v58  }
0xe6: {  	v3 =	vand.u32 $0x7, v3  }
0xe7: {  	v3 =	vor.u32 v3, v4  }
0xe8: {  	v4 =	vperm.xlane v3, v0;
	_ =	sdelay $0x1  }
0xe9: {  	v4 =	vadd.s32 v1, v4;
	_ =	sdelay $0x3  }
0xea: {  	v3 =	vperm.xlane v3, v2  }
0xeb: {  	[tilespmem:s25], [sflag:$0x1] =	stream.indirect_vreg.gather [hbm4b:s3+s2], $0x80, v4, vm0, $0xb8;
	[tilespmem:$0x18200] =	vst v63  }
0xec: {  	v3 =	vadd.s32 v1, v3  }
0xed: {  	[tilespmem:s26], [sflag:$0x1] =	stream.indirect_vreg.gather [hbm4b:s5+s2], $0x80, v4, vm0, $0xb8;
	[tilespmem:$0x18200] =	vst v63  }
0xee: {  	_ = 	snop  }
0xef: {  	[tilespmem:s28], [sflag:$0x1] =	stream.indirect_vreg.gather [hbm4b:s6+s2], $0x80, v4, vm0, $0xb8;
	[tilespmem:$0x18200] =	vst v63  }
0xf0: {  	_ = 	snop  }
0xf1: {  	[tilespmem:s29], [sflag:$0x1] =	stream.indirect_vreg.gather [hbm4b:s3+s2], $0x80, v3, vm0, $0xb8;
	[tilespmem:$0x18200] =	vst v63  }
0xf2: {  	_ = 	snop  }
0xf3: {  	[tilespmem:s30], [sflag:$0x1] =	stream.indirect_vreg.gather [hbm4b:s5+s2], $0x80, v3, vm0, $0xb8;
	[tilespmem:$0x18200] =	vst v63  }
0xf4: {  	_ = 	snop  }
0xf5: {  	[tilespmem:s31], [sflag:$0x1] =	stream.indirect_vreg.gather [hbm4b:s6+s2], $0x80, v3, vm0, $0xb8;
	[tilespmem:$0x18200] =	vst v63  }
0xf6: {  	v3 =	vld [tilespmem:$0x130];
	_ =	sdelay $0x4  }
0xf7: {  	v59 =	vshrl.u32 v3, $0x3  }
0xf8: {  	v4 =	vmul.u32 $0x30, v59  }
0xf9: {  	v3 =	vand.u32 $0x7, v3  }
0xfa: {  	v3 =	vor.u32 v3, v4  }
0xfb: {  	v4 =	vperm.xlane v3, v0;
	_ =	sdelay $0x1  }
0xfc: {  	v4 =	vadd.s32 v1, v4;
	_ =	sdelay $0x3  }
0xfd: {  	s13 =	simm.s32 $0x9200;
	v3 =	vperm.xlane v3, v2  }
0xfe: {  	[tilespmem:s13], [sflag:$0x1] =	stream.indirect_vreg.gather [hbm4b:s3+s2], $0x80, v4, vm0, $0xb8;
	[tilespmem:$0x18200] =	vst v63  }
0xff: {  	v3 =	vadd.s32 v1, v3  }
0x100: {  	[tilespmem:s1], [sflag:$0x1] =	stream.indirect_vreg.gather [hbm4b:s5+s2], $0x80, v4, vm0, $0xb8;
	[tilespmem:$0x18200] =	vst v63  }
0x101: {  	_ = 	snop  }
0x102: {  	[tilespmem:s11], [sflag:$0x1] =	stream.indirect_vreg.gather [hbm4b:s6+s2], $0x80, v4, vm0, $0xb8;
	[tilespmem:$0x18200] =	vst v63  }
0x103: {  	_ = 	snop  }
0x104: {  	[tilespmem:s8], [sflag:$0x1] =	stream.indirect_vreg.gather [hbm4b:s3+s2], $0x80, v3, vm0, $0xb8;
	[tilespmem:$0x18200] =	vst v63  }
0x105: {  	_ = 	snop  }
0x106: {  	[tilespmem:s9], [sflag:$0x1] =	stream.indirect_vreg.gather [hbm4b:s5+s2], $0x80, v3, vm0, $0xb8;
	[tilespmem:$0x18200] =	vst v63  }
0x107: {  	s13 =	simm.s32 $0xBA00  }
0x108: {  	[tilespmem:s13], [sflag:$0x1] =	stream.indirect_vreg.gather [hbm4b:s6+s2], $0x80, v3, vm0, $0xb8;
	[tilespmem:$0x18200] =	vst v63  }
0x109: {  	_ =	swait.ge [sflag:s10], $0xC000  }
0x10a: {  	[sflag:s10] =	ssyncset.done $0x0  }
0x10b: {  	s1 =	rddreg [dreg:$0x5];
	[sflag:s10] =	ssyncadd.s32 $0xFFFF4000  }
0x10c: {  	[hbm4b:s1+s2] =	stream.linear.scatter [tilespmem:s4], [sflag:$0x2], $0xC000, $0x38;
	[tilespmem:$0x18200] =	vst v63  }
0x10d: {  	_ =	swait.ge [sflag:s12], $0xC000  }
0x10e: {  	[sflag:s12] =	ssyncset.done $0x0  }
0x10f: {  	[sflag:s12] =	ssyncadd.s32 $0xFFFF4000  }
0x110: {  	v3 =	vld [tilespmem:$0x180];
	_ =	sdelay $0x4  }
0x111: {  	v60 =	vshrl.u32 v3, $0x3  }
0x112: {  	v4 =	vmul.u32 $0x30, v60  }
0x113: {  	v3 =	vand.u32 $0x7, v3  }
0x114: {  	v3 =	vor.u32 v3, v4  }
0x115: {  	v4 =	vperm.xlane v3, v0;
	_ =	sdelay $0x1  }
0x116: {  	v4 =	vadd.s32 v1, v4;
	_ =	sdelay $0x3  }
0x117: {  	v3 =	vperm.xlane v3, v2  }
0x118: {  	[tilespmem:s0], [sflag:$0x1] =	stream.indirect_vreg.gather [hbm4b:s3+s2], $0x80, v4, vm0, $0xb8;
	[tilespmem:$0x18200] =	vst v63  }
0x119: {  	s13 =	simm.s32 $0xCA00;
	v3 =	vadd.s32 v1, v3  }
0x11a: {  	[tilespmem:s13], [sflag:$0x1] =	stream.indirect_vreg.gather [hbm4b:s5+s2], $0x80, v4, vm0, $0xb8;
	[tilespmem:$0x18200] =	vst v63  }
0x11b: {  	s13 =	simm.s32 $0xD200  }
0x11c: {  	[tilespmem:s13], [sflag:$0x1] =	stream.indirect_vreg.gather [hbm4b:s6+s2], $0x80, v4, vm0, $0xb8;
	[tilespmem:$0x18200] =	vst v63  }
0x11d: {  	s13 =	simm.s32 $0xDA00  }
0x11e: {  	[tilespmem:s13], [sflag:$0x1] =	stream.indirect_vreg.gather [hbm4b:s3+s2], $0x80, v3, vm0, $0xb8;
	[tilespmem:$0x18200] =	vst v63  }
0x11f: {  	s13 =	simm.s32 $0xE200  }
0x120: {  	[tilespmem:s13], [sflag:$0x1] =	stream.indirect_vreg.gather [hbm4b:s5+s2], $0x80, v3, vm0, $0xb8;
	[tilespmem:$0x18200] =	vst v63  }
0x121: {  	s13 =	simm.s32 $0xEA00  }
0x122: {  	[tilespmem:s13], [sflag:$0x1] =	stream.indirect_vreg.gather [hbm4b:s6+s2], $0x80, v3, vm0, $0xb8;
	[tilespmem:$0x18200] =	vst v63  }
0x123: {  	v3 =	vld [tilespmem:$0x190];
	_ =	sdelay $0x4  }
0x124: {  	v61 =	vshrl.u32 v3, $0x3  }
0x125: {  	v4 =	vmul.u32 $0x30, v61  }
0x126: {  	v3 =	vand.u32 $0x7, v3  }
0x127: {  	v3 =	vor.u32 v3, v4  }
0x128: {  	v4 =	vperm.xlane v3, v0;
	_ =	sdelay $0x1  }
0x129: {  	v4 =	vadd.s32 v1, v4;
	_ =	sdelay $0x3  }
0x12a: {  	s13 =	simm.s32 $0xF200;
	v3 =	vperm.xlane v3, v2  }
0x12b: {  	[tilespmem:s13], [sflag:$0x1] =	stream.indirect_vreg.gather [hbm4b:s3+s2], $0x80, v4, vm0, $0xb8;
	[tilespmem:$0x18200] =	vst v63  }
0x12c: {  	v3 =	vadd.s32 v1, v3;
	s13 =	simm.s32 $0xFA00  }
0x12d: {  	[tilespmem:s13], [sflag:$0x1] =	stream.indirect_vreg.gather [hbm4b:s5+s2], $0x80, v4, vm0, $0xb8;
	[tilespmem:$0x18200] =	vst v63  }
0x12e: {  	s13 =	simm.s32 $0x10200  }
0x12f: {  	[tilespmem:s13], [sflag:$0x1] =	stream.indirect_vreg.gather [hbm4b:s6+s2], $0x80, v4, vm0, $0xb8;
	[tilespmem:$0x18200] =	vst v63  }
0x130: {  	s13 =	simm.s32 $0x10A00  }
0x131: {  	[tilespmem:s13], [sflag:$0x1] =	stream.indirect_vreg.gather [hbm4b:s3+s2], $0x80, v3, vm0, $0xb8;
	[tilespmem:$0x18200] =	vst v63  }
0x132: {  	s13 =	simm.s32 $0x11200  }
0x133: {  	[tilespmem:s13], [sflag:$0x1] =	stream.indirect_vreg.gather [hbm4b:s5+s2], $0x80, v3, vm0, $0xb8;
	[tilespmem:$0x18200] =	vst v63  }
0x134: {  	s13 =	simm.s32 $0x11A00  }
0x135: {  	[tilespmem:s13], [sflag:$0x1] =	stream.indirect_vreg.gather [hbm4b:s6+s2], $0x80, v3, vm0, $0xb8;
	[tilespmem:$0x18200] =	vst v63  }
0x136: {  	v3 =	vld [tilespmem:$0x1A0];
	_ =	sdelay $0x4  }
0x137: {  	v62 =	vshrl.u32 v3, $0x3  }
0x138: {  	v4 =	vmul.u32 $0x30, v62  }
0x139: {  	v3 =	vand.u32 $0x7, v3  }
0x13a: {  	v3 =	vor.u32 v3, v4  }
0x13b: {  	v4 =	vperm.xlane v3, v0;
	_ =	sdelay $0x1  }
0x13c: {  	v4 =	vadd.s32 v1, v4;
	_ =	sdelay $0x3  }
0x13d: {  	s13 =	simm.s32 $0x12200;
	v3 =	vperm.xlane v3, v2  }
0x13e: {  	[tilespmem:s13], [sflag:$0x1] =	stream.indirect_vreg.gather [hbm4b:s3+s2], $0x80, v4, vm0, $0xb8;
	[tilespmem:$0x18200] =	vst v63  }
0x13f: {  	v3 =	vadd.s32 v1, v3;
	s13 =	simm.s32 $0x12A00  }
0x140: {  	[tilespmem:s13], [sflag:$0x1] =	stream.indirect_vreg.gather [hbm4b:s5+s2], $0x80, v4, vm0, $0xb8;
	[tilespmem:$0x18200] =	vst v63  }
0x141: {  	s13 =	simm.s32 $0x13200  }
0x142: {  	[tilespmem:s13], [sflag:$0x1] =	stream.indirect_vreg.gather [hbm4b:s6+s2], $0x80, v4, vm0, $0xb8;
	[tilespmem:$0x18200] =	vst v63  }
0x143: {  	s13 =	simm.s32 $0x13A00  }
0x144: {  	[tilespmem:s13], [sflag:$0x1] =	stream.indirect_vreg.gather [hbm4b:s3+s2], $0x80, v3, vm0, $0xb8;
	[tilespmem:$0x18200] =	vst v63  }
0x145: {  	s13 =	simm.s32 $0x14200  }
0x146: {  	[tilespmem:s13], [sflag:$0x1] =	stream.indirect_vreg.gather [hbm4b:s5+s2], $0x80, v3, vm0, $0xb8;
	[tilespmem:$0x18200] =	vst v63  }
0x147: {  	s13 =	simm.s32 $0x14A00  }
0x148: {  	[tilespmem:s13], [sflag:$0x1] =	stream.indirect_vreg.gather [hbm4b:s6+s2], $0x80, v3, vm0, $0xb8;
	[tilespmem:$0x18200] =	vst v63  }
0x149: {  	v3 =	vld [tilespmem:$0x1B0];
	_ =	sdelay $0x4  }
0x14a: {  	v63 =	vshrl.u32 v3, $0x3  }
0x14b: {  	v4 =	vmul.u32 $0x30, v63  }
0x14c: {  	v3 =	vand.u32 $0x7, v3  }
0x14d: {  	v3 =	vor.u32 v3, v4  }
0x14e: {  	v4 =	vperm.xlane v3, v0;
	_ =	sdelay $0x1  }
0x14f: {  	v4 =	vadd.s32 v1, v4;
	_ =	sdelay $0x3  }
0x150: {  	s13 =	simm.s32 $0x15200;
	v3 =	vperm.xlane v3, v2  }
0x151: {  	[tilespmem:s13], [sflag:$0x1] =	stream.indirect_vreg.gather [hbm4b:s3+s2], $0x80, v4, vm0, $0xb8;
	[tilespmem:$0x18200] =	vst v63  }
0x152: {  	v3 =	vadd.s32 v1, v3;
	s13 =	simm.s32 $0x15A00  }
0x153: {  	[tilespmem:s13], [sflag:$0x1] =	stream.indirect_vreg.gather [hbm4b:s5+s2], $0x80, v4, vm0, $0xb8;
	[tilespmem:$0x18200] =	vst v63  }
0x154: {  	s13 =	simm.s32 $0x16200  }
0x155: {  	[tilespmem:s13], [sflag:$0x1] =	stream.indirect_vreg.gather [hbm4b:s6+s2], $0x80, v4, vm0, $0xb8;
	[tilespmem:$0x18200] =	vst v63  }
0x156: {  	s13 =	simm.s32 $0x16A00  }
0x157: {  	[tilespmem:s13], [sflag:$0x1] =	stream.indirect_vreg.gather [hbm4b:s3+s2], $0x80, v3, vm0, $0xb8;
	[tilespmem:$0x18200] =	vst v63  }
0x158: {  	s13 =	simm.s32 $0x17200  }
0x159: {  	[tilespmem:s13], [sflag:$0x1] =	stream.indirect_vreg.gather [hbm4b:s5+s2], $0x80, v3, vm0, $0xb8;
	[tilespmem:$0x18200] =	vst v63  }
0x15a: {  	s13 =	simm.s32 $0x17A00  }
0x15b: {  	[tilespmem:s13], [sflag:$0x1] =	stream.indirect_vreg.gather [hbm4b:s6+s2], $0x80, v3, vm0, $0xb8;
	[tilespmem:$0x18200] =	vst v63  }
0x15c: {  	_ =	swait.ge [sflag:s10], $0xC000  }
0x15d: {  	[sflag:s10] =	ssyncset.done $0x0  }
0x15e: {  	s1 =	rddreg [dreg:$0x6];
	[sflag:s10] =	ssyncadd.s32 $0xFFFF4000  }
0x15f: {  	[hbm4b:s1+s2] =	stream.linear.scatter [tilespmem:s0], [sflag:$0x2], $0xC000, $0x38;
	[tilespmem:$0x18200] =	vst v63  }
0x160: {  	p0 =	sne.s32 s7, $0x1;
	_ =	swait.ge [sflag:s12], $0xC000  }
.Ltmp0:
0x161: {  	[sflag:s12] =	ssyncset.done $0x0;
	(pc) =	sbr.rel @p0 .LBB2_1-.Ltmp0, $4  }
0x162: {  	[sflag:s12] =	ssyncadd.s32 $0xFFFF4000  }
0x163: {  	_ =	swait.ge [sflag:s12], $0xC000  }
0x164: {  	[sflag:s12] =	ssyncset.done $0x0  }
0x165: {  	s7 =	sadd.s32 $0xFFFFFFFF, s7;
	[sflag:s12] =	ssyncadd.s32 $0xFFFF4000  }
0x166: {  	_ =	sfence.sel $0x180000  }
0x167: {  	[bflag:$0x0] =	sbarrier.arrive $0xFFFF  }
0x168: {  	_ =	strace $0x9000004D  }
0x169: {  	s0 =	stileid.u32;
	[bflag:$0x2] =	sbarrier.arrive $0xFFFF  }
0x16a: {  	p0 =	sne.s32 s0, $0x0;
	s0 =	rddreg [dreg:$0x2]  }
0x16b: {  	s0 =	sadd.s32 @!p0 $0x100000, s0  }
0x16c: {  	[sflag:s0] =	ssyncadd.tile.s32 @!p0 $0x1;
	_ =	shalt  }
.Lfunc_end2:
_tile_overlayer_lowered:
.L_overlay_start_2:
0x16d: {  	(tag) =	ssettag $0x2  }
0x16e: {  	s0 =	rddreg [dreg:$0x0];
	s2 =	stileid.u32  }
0x16f: {  	s1 =	rddreg [dreg:$0x1];
	p0 =	sne.s32 s2, $0x0  }
0x170: {  	s3 =	rddreg [dreg:$0x2];
	[bflag:$0x3] =	sbarrier.arrive $0xFFFF;
	s2 =	simm.s32 @!p0 $0x1C03  }
0x171: {  	[timem:s3], [sflag:s2] =	dma.local @!p0 [hbm:s0], s1  }
0x172: {  	s0 =	simm.s32 @!p0 $0x3  }
0x173: {  	_ =	swait.ge @!p0 [sflag:s0], s1  }
0x174: {  	s1 =	ssub.s32 @!p0 $0x0, s1;
	[sflag:s0] =	ssyncset.done @!p0 $0x0  }
0x175: {  	[sflag:s0] =	ssyncadd.s32 @!p0 s1  }
0x176: {  	[bflag:$0x3] =	sbarrier.arrive $0xFFFF  }
0x177: {  	_ =	shalt  }

// kernel: kernel.7.cloned.1.call-start
scs
__scs_entry_jumppad:
0x0: {  	(pc) =	sbr.rel $0x88, $3  }
0x1: {  	(tag) =	ssettag $0x0;
	lr =	simm.s32 $0x1  }
0x2: {  	[smem:$0x3F9C] =	sst lr;
	_ =	strace $0xD0000000  }
0x3: {  	_ = 	snop  }
0x4: {  	_ = 	snop  }
0x5: {  	_ = 	snop  }
0x6: {  	_ = 	snop  }
0x7: {  	_ = 	snop  }
__scs_overlays_trampoline_lowered:
0x8: {  	[smem:$0x3FAB] =	sst s0  }
0x9: {  	[smem:$0x3FAC] =	sst s1  }
0xa: {  	[smem:$0x3FAD] =	sst s2  }
0xb: {  	[smem:$0x3FAE] =	sst s3  }
0xc: {  	[smem:$0x3FAF] =	sst s4  }
0xd: {  	[smem:$0x3FB0] =	sst s5  }
0xe: {  	[smem:$0x3FB1] =	sst s6  }
0xf: {  	[smem:$0x3FB2] =	sst s7  }
0x10: {  	[smem:$0x3FB3] =	sst s8  }
0x11: {  	[smem:$0x3FB4] =	sst s9;
	s0 =	simm.s32 @!p0 $0x0  }
0x12: {  	s1 =	sld [smem:$0x3F9A];
	s0 =	simm.s32 @p0 $0x1  }
0x13: {  	[smem:$0x3FB5] =	sst s0;
	s0 =	simm.s32 @!p1 $0x0  }
0x14: {  	s2 =	sld [smem:$0x3F99];
	s0 =	simm.s32 @p1 $0x1  }
0x15: {  	[smem:$0x3FB6] =	sst s0;
	s0 =	simm.s32 @!p2 $0x0  }
0x16: {  	s3 =	sld [smem:$0x3FDB];
	s0 =	simm.s32 @p2 $0x1  }
0x17: {  	s4 =	simm.s32 $0x1BF5;
	[smem:$0x3FB8] =	sst s0  }
0x18: {  	s0 =	sld [smem:$0x3F9B];
	_ =	swait.ge [sflag:s4], $0x0  }
0x19: {  	s7 =	sld [smem:$0x3F9C]  }
0x1a: {  	s8 =	sadd.s32 $0xFFFFE003, lr  }
0x1b: {  	s9 =	sadd.s32 $0xFFFFFEF7, lr;
	s5 =	simm.s32 $0xFFFFFFFF;
	p2 =	slt.u32 s8, $0xFFFFF086  }
0x1c: {  	p1 =	slt.u32 s9, $0xF7A;
	s5 =	simm.s32 @!p2 $0x0  }
0x1d: {  	s5 =	simm.s32 @p1 $0x1;
	p0 =	seq.s32 s7, s2  }
0x1e: {  	s7 =	smul.u32 @!p0 $0xF7A, s2;
	p2 =	seq.s32 @!p0 s5, $0x0  }
0x1f: {  	s9 =	smul.u32 $0xF7A, s1;
	s8 =	simm.s32 @!p0 $0x1BF5;
	p2 =	por !p2, p0  }
0x20: {  	[sflag:s8] =	ssyncset.s32 @!p0 $0xFFFFF086;
	s6 =	sadd.s32 @!p0 s3, s7;
	s7 =	simm.s32 @!p0 $0x108  }
0x21: {  	s3 =	sadd.s32 s3, s9;
	s6 =	sadd.s32 @!p0 $0x88, s6;
	s7 =	simm.s32 @p2 $0x1082  }
0x22: {  	[simem:s7], [sflag:s8] =	dma.local @!p0 [hbm:s6], $0xF7A  }
0x23: {  	s9 =	sor.u32 $0xD0000000, s2;
	s6 =	simm.s32 $0x108;
	_ =	swait.ge @!p0 [sflag:s8], $0x0  }
0x24: {  	s3 =	sadd.s32 $0x88, s3;
	s6 =	simm.s32 @!p1 $0x1082;
	[sflag:s4] =	ssyncset.s32 $0xFFFFF086  }
0x25: {  	[simem:s6], [sflag:s4] =	dma.local [hbm:s3], $0xF7A  }
0x26: {  	[smem:$0x3F9C] =	sst s1;
	(tag) =	ssettag s2;
	_ =	strace s9  }
0x27: {  	s1 =	sld [smem:$0x3FAC]  }
0x28: {  	s2 =	sld [smem:$0x3FAD]  }
0x29: {  	s4 =	sld [smem:$0x3FAF]  }
0x2a: {  	p0 =	seq.s32 s5, $0x0;
	s5 =	sld [smem:$0x3FB0]  }
0x2b: {  	s6 =	sld [smem:$0x3FB1]  }
0x2c: {  	s7 =	sld [smem:$0x3FB2]  }
0x2d: {  	s3 =	simm.s32 $0x108;
	s8 =	sld [smem:$0x3FB3]  }
0x2e: {  	s3 =	simm.s32 @!p0 $0x1082;
	s9 =	sld [smem:$0x3FB4]  }
0x2f: {  	lr =	sadd.s32 s0, s3;
	s0 =	sld [smem:$0x3FAB]  }
0x30: {  	s3 =	sld [smem:$0x3FAE]  }
0x31: {  	[smem:$0x3FB7] =	sst s10  }
0x32: {  	s10 =	sld [smem:$0x3FB5];
	_ =	sdelay $0x3  }
0x33: {  	p0 =	seq.s32 s10, $0x1;
	s10 =	sld [smem:$0x3FB7];
	_ =	sdelay $0x3  }
0x34: {  	[smem:$0x3FB7] =	sst s10  }
0x35: {  	s10 =	sld [smem:$0x3FB6];
	_ =	sdelay $0x3  }
0x36: {  	p1 =	seq.s32 s10, $0x1;
	s10 =	sld [smem:$0x3FB7];
	_ =	sdelay $0x3  }
0x37: {  	[smem:$0x3FB7] =	sst s10  }
0x38: {  	s10 =	sld [smem:$0x3FB8]  }
0x39: {  	_ = 	snop;
	(pc) =	sbr.ind lr, $3  }
0x3a: {  	_ = 	snop  }
0x3b: {  	_ = 	snop  }
0x3c: {  	p2 =	seq.s32 s10, $0x1;
	s10 =	sld [smem:$0x3FB7]  }
0x3d: {  	_ =	shalt  }
0x3e: {  	_ =	shalt  }
0x3f: {  	_ =	shalt  }
0x40: {  	_ =	shalt  }
0x41: {  	_ =	shalt  }
0x42: {  	_ =	shalt  }
0x43: {  	_ =	shalt  }
0x44: {  	_ =	shalt  }
0x45: {  	_ =	shalt  }
0x46: {  	_ =	shalt  }
0x47: {  	_ =	shalt  }
0x48: {  	_ =	shalt  }
0x49: {  	_ =	shalt  }
0x4a: {  	_ =	shalt  }
0x4b: {  	_ =	shalt  }
0x4c: {  	_ =	shalt  }
0x4d: {  	_ =	shalt  }
0x4e: {  	_ =	shalt  }
0x4f: {  	_ =	shalt  }
0x50: {  	_ =	shalt  }
0x51: {  	_ =	shalt  }
0x52: {  	_ =	shalt  }
0x53: {  	_ =	shalt  }
0x54: {  	_ =	shalt  }
0x55: {  	_ =	shalt  }
0x56: {  	_ =	shalt  }
0x57: {  	_ =	shalt  }
0x58: {  	_ =	shalt  }
0x59: {  	_ =	shalt  }
0x5a: {  	_ =	shalt  }
0x5b: {  	_ =	shalt  }
0x5c: {  	_ =	shalt  }
0x5d: {  	_ =	shalt  }
0x5e: {  	_ =	shalt  }
0x5f: {  	_ =	shalt  }
0x60: {  	_ =	shalt  }
0x61: {  	_ =	shalt  }
0x62: {  	_ =	shalt  }
0x63: {  	_ =	shalt  }
0x64: {  	_ =	shalt  }
0x65: {  	_ =	shalt  }
0x66: {  	_ =	shalt  }
0x67: {  	_ =	shalt  }
0x68: {  	_ =	shalt  }
0x69: {  	_ =	shalt  }
0x6a: {  	_ =	shalt  }
0x6b: {  	_ =	shalt  }
0x6c: {  	_ =	shalt  }
0x6d: {  	_ =	shalt  }
0x6e: {  	_ =	shalt  }
0x6f: {  	_ =	shalt  }
0x70: {  	_ =	shalt  }
0x71: {  	_ =	shalt  }
0x72: {  	_ =	shalt  }
0x73: {  	_ =	shalt  }
0x74: {  	_ =	shalt  }
0x75: {  	_ =	shalt  }
0x76: {  	_ =	shalt  }
0x77: {  	_ =	shalt  }
0x78: {  	_ =	shalt  }
0x79: {  	_ =	shalt  }
0x7a: {  	_ =	shalt  }
0x7b: {  	_ =	shalt  }
0x7c: {  	_ =	shalt  }
0x7d: {  	_ =	shalt  }
0x7e: {  	_ =	shalt  }
0x7f: {  	_ =	shalt  }
0x80: {  	_ =	shalt  }
0x81: {  	_ =	shalt  }
0x82: {  	_ =	shalt  }
0x83: {  	_ =	shalt  }
0x84: {  	_ =	shalt  }
0x85: {  	_ =	shalt  }
0x86: {  	_ =	shalt  }
0x87: {  	_ =	shalt  }
.Lfunc_end0:
.L_simem_size_0:
called_computation_lowered:
.L_overlay_start_0:
0x88: {  	s2 =	sld [smem:$0x3FD9]  }
0x89: {  	s3 =	sld [smem:$0x3FFE];
	_ =	sdelay $0x1  }
0x8a: {  	s1 =	srdreg.scid  }
0x8b: {  	s0 =	sand.u32 $0x1, s1  }
0x8c: {  	s17 =	sshll.u32 s0, $0xA;
	s2 =	sadd.s32 s3, s2  }
0x8d: {  	s2 =	sadd.s32 s2, s17  }
0x8e: {  	[smem:$0x3FC3] =	sst s2  }
0x8f: {  	_ = 	snop  }
0x90: {  	s2 =	sld [smem:$0x3FD0];
	(tm) =	ssettm $0x1  }
0x91: {  	s18 =	sld [smem:$0x3FFB];
	_ =	sdelay $0x3  }
0x92: {  	_ =	strace s18  }
0x93: {  	s3 =	sld [smem:$0x3FFC];
	_ =	sdelay $0x3  }
0x94: {  	_ =	strace s3  }
0x95: {  	s3 =	sld [smem:$0x3FFD];
	_ =	sdelay $0x3  }
0x96: {  	_ =	strace s3  }
0x97: {  	_ =	strace $0x8FFFFFFF  }
0x98: {  	s19 =	sld [smem:$0x3FDB];
	_ =	sdelay $0x1  }
0x99: {  	s4 =	simm.s32 $_scs_section_size  }
0x9a: {  	s5 =	simm.s32 $_size__tile_overlayer_lowered;
	s6 =	simm.s32 $_tile_overlayer_lowered  }
0x9b: {  	s22 =	simm.s32 $0x1BFF;
	s21 =	sshll.u32 s6, $0x1;
	s3 =	sadd.s32 s4, s19  }
0x9c: {  	s7 =	simm.s32 $0x0;
	s20 =	sshll.u32 s5, $0x1;
	s5 =	sadd.s32 s21, s3  }
0x9d: {  	[timem:s7], [sflag:s22] =	dma.local [hbm:s5], s20  }
0x9e: {  	_ =	swait.ge [sflag:s22], s20  }
0x9f: {  	s4 =	ssub.s32 $0x0, s20;
	[sflag:s22] =	ssyncset.done $0x0  }
0xa0: {  	[sflag:s22] =	ssyncadd.s32 s4;
	_ =	sdelay $0x1  }
0xa1: {  	s23 =	simm.s32 $0x1B8B  }
0xa2: {  	_ =	swait.ge [sflag:s23], $0x1  }
0xa3: {  	[sflag:s23] =	ssyncset.done $0x0  }
0xa4: {  	s25 =	simm.s32 $0x1B8E;
	s24 =	sld [smem:$0x3FFE];
	[sflag:s23] =	ssyncadd.s32 $0xFFFFFFFF  }
0xa5: {  	s26 =	simm.s32 $execute0_lowered;
	[smem:$0x3FD2] =	sst s25  }
0xa6: {  	s5 =	sshll.u32 s26, $0x1;
	_ =	strace $0x80000046;
	[dreg:$0x1] =	wrdreg $0xFFFFFFFF  }
0xa7: {  	s28 =	simm.s32 $_size_execute0_lowered;
	s3 =	sadd.s32 s3, s5;
	[dreg:$0x0] =	wrdreg $0x0  }
0xa8: {  	s5 =	sshll.u32 s28, $0x1;
	[dreg:$0x2] =	wrdreg s3  }
0xa9: {  	[dreg:$0x3] =	wrdreg s5  }
0xaa: {  	[dreg:$0x4] =	wrdreg $0xC0  }
0xab: {  	_ =	task [dreg:s7], $0x5FFFF  }
0xac: {  	[dreg:$0x1] =	wrdreg $0xFFFFFFFF  }
0xad: {  	[dreg:$0x0] =	wrdreg $0x60  }
0xae: {  	[dreg:$0x2] =	wrdreg s2  }
0xaf: {  	[dreg:$0x3] =	wrdreg s24  }
0xb0: {  	[dreg:$0x4] =	wrdreg $0x9  }
0xb1: {  	_ =	task.clear_ibuf [dreg:s7], $0x5FFFF;
	_ =	strace $0x90000046  }
0xb2: {  	s29 =	simm.s32 $0x9;
	_ =	strace $0x80000048  }
0xb3: {  	_ =	swait.ge [sflag:s29], $0x1  }
0xb4: {  	[sflag:s29] =	ssyncadd.s32 $0xFFFFFFFF  }
0xb5: {  	_ =	strace $0x90000048  }
0xb6: {  	_ =	sfence  }
0xb7: {  	s30 =	sld [smem:$0x0];
	_ =	sdelay $0x2  }
0xb8: {  	s31 =	sshll.u32 s1, $0xD;
	s1 =	sshrl.u32 s1, $0x2  }
0xb9: {  	s3 =	sand.u32 $0x4000, s31;
	s1 =	sadd.s32 s1, s30  }
0xba: {  	s0 =	sor.u32 s3, s0;
	s1 =	sshll.u32 s1, $0x11  }
0xbb: {  	s0 =	sor.u32 s1, s0  }
0xbc: {  	s0 =	sadd.s32 $0x8F2B, s0  }
0xbd: {  	[sflag:s0] =	ssyncadd.remote.s32 $0x1  }
0xbe: {  	_ =	sfence.sel $0xFFFF  }
0xbf: {  	[dreg:$0x0] =	wrdreg $0xFFFFFFFF;
	(pc) =	sbr.abs _section_cstart, $3  }
0xc0: {  	[dreg:$0x1] =	wrdreg $0xFFFFFFFF  }
0xc1: {  	_ =	task.clear_ibuf [dreg:s7], $0x2FFFF;
	_ =	strace $0x9FFFFFFF  }
0xc2: {  	(tm) =	ssettm $0x7FFFFFFF  }
0xc3: {  	_ =	shalt  }
tec
execute0_lowered:
.L_overlay_start_1:
0x0: {  	(tag) =	ssettag $0x1  }
0x1: {  	s0 =	rddreg [dreg:$0x0]  }
0x2: {  	s6 =	rddreg [dreg:$0x1]  }
0x3: {  	s3 =	srdreg.scid;
	s1 =	stileid.u32;
	s2 =	simm.s32 $0x0  }
0x4: {  	s28 =	simm.s32 $0x880;
	s29 =	simm.s32 $0x1C0;
	s30 =	simm.s32 $0x2C0  }
0x5: {  	s31 =	simm.s32 $0x400;
	s7 =	sand.u32 $0x1, s3;
	s25 =	sshll.u32 s1, $0x1  }
0x6: {  	[smem:$0x7FF] =	sst s2;
	s4 =	sadd.s32 $0x4A00, s6;
	s5 =	sadd.s32 $0x5000, s6  }
0x7: {  	s8 =	sor.u32 s7, s25;
	_ =	strace $0x80000047;
	s7 =	ssub.s32 $0x2, s7  }
0x8: {  	s3 =	sshll.u32 s8, $0x4;
	s10 =	sshll.u32 s8, $0x5;
	s26 =	sshrl.u32 s7, $0x1  }
0x9: {  	s16 =	sshll.u32 s8, $0x8;
	s9 =	sadd.s32 s3, s6;
	s3 =	sadd.s32 $0x4000, s6  }
0xa: {  	s11 =	sadd.s32 s10, s6;
	s0 =	sadd.s32 s0, s10;
	s1 =	ssub.s32 s7, s26  }
0xb: {  	v11 =	vimm.s32 $0xFFEDCBA9;
	s8 =	sor.u32 $0x10, s16;
	s21 =	sor.u32 $0x20, s16;
	s12 =	sor.u32 $0x30, s16  }
0xc: {  	v12 =	vimm.s32 $0x87654321;
	v13 =	vimm.s32 $0xEDCBA987;
	s13 =	sor.u32 $0x40, s16;
	s14 =	sor.u32 $0x50, s16;
	s22 =	sor.u32 $0x60, s16  }
0xd: {  	v15 =	vimm.s32 $0x65432100;
	s23 =	sor.u32 $0x70, s16;
	s24 =	sor.u32 $0x90, s16;
	s25 =	sor.u32 $0xA0, s16  }
0xe: {  	v14 =	vunpack.c.l.s4.s8 v11;
	v12 =	vunpack.c.l.s4.s8 v12;
	v16 =	vunpack.c.l.s4.s8 v13;
	s17 =	sor.u32 $0xB0, s16;
	s18 =	sor.u32 $0xC0, s16;
	s20 =	sor.u32 $0xD0, s16  }
0xf: {  	v0 =	vlaneseq.u32;
	vm0 =	vcmask $0x3F3C;
	v15 =	vunpack.c.l.s4.s8 v15;
	s26 =	sor.u32 $0xF0, s16;
	s10 =	simm.s32 $0x100;
	[dreg:$0x3] =	wrdreg s0  }
0x10: {  	v17 =	vunpack.c.0.s8.s32 v14;
	v18 =	vunpack.c.0.s8.s32 v12;
	v19 =	vunpack.c.0.s8.s32 v16;
	s15 =	sadd.s32 $0x3600, s11;
	s19 =	sadd.s32 $0x3A00, s11;
	s6 =	sadd.s32 $0x3E00, s9  }
0x11: {  	v20 =	vunpack.c.0.s8.s32 v15;
	v2 =	vor.u32 s8, v0;
	v8 =	vor.u32 s23, v0;
	s23 =	sor.u32 $0xE0, s16;
	s7 =	sadd.s32 $0x4600, s11;
	s8 =	smax.u32 s1, $0x1  }
0x12: {  	v1 =	vor.u32 s16, v0;
	v3 =	vor.u32 s21, v0;
	v4 =	vor.u32 s12, v0;
	s9 =	simm.s32 $0x2;
	s11 =	simm.s32 $0x200;
	s12 =	simm.s32 $0x300  }
0x13: {  	v5 =	vor.u32 s13, v0;
	v6 =	vor.u32 s14, v0;
	s13 =	simm.s32 $0x900;
	s14 =	simm.s32 $0x380;
	v12 =	vor.u32 s17, v0;
	s17 =	simm.s32 $0x700  }
0x14: {  	v7 =	vor.u32 s22, v0;
	v13 =	vor.u32 s18, v0;
	s18 =	simm.s32 $0x580;
	v14 =	vor.u32 s20, v0;
	s20 =	simm.s32 $0x140;
	s21 =	simm.s32 $0x240  }
0x15: {  	v10 =	vor.u32 s24, v0;
	v11 =	vor.u32 s25, v0;
	v21 =	vcombine.low v18, v17;
	s22 =	simm.s32 $0x600;
	s24 =	simm.s32 $0x180;
	s25 =	simm.s32 $0x280  }
0x16: {  	v16 =	vor.u32 s26, v0;
	v18 =	vand.u32 $0xF, v19;
	v17 =	vimm.s32 $0x0;
	s26 =	simm.s32 $0x680;
	s0 =	simm.s32 $0x1;
	[dreg:$0x4] =	wrdreg s15  }
0x17: {  	s15 =	sor.u32 $0x80, s16;
	[dreg:$0x5] =	wrdreg s19;
	s16 =	simm.s32 $0x500;
	v15 =	vor.u32 s23, v0;
	v18 =	vcombine.low v20, v18;
	v20 =	vor.u32 $0x80000000, v0  }
0x18: {  	s19 =	simm.s32 $0x780;
	s23 =	simm.s32 $0x800;
	v9 =	vor.u32 s15, v0;
	s15 =	simm.s32 $0x40;
	v19 =	vand.u32 $0xF, v21;
	v21 =	vadd.s32 $0x1, v0  }
.LBB2_1:
0x19: {  	s1 =	rddreg [dreg:$0x3]  }
0x1a: {  	[tilespmem:s2], [sflag:$0x2] =	stream.linear.gather [hbm4b:s1+s2], $0x100, $0x38;
	[tilespmem:$0x980] =	vst v63  }
0x1b: {  	_ =	swait.ge [sflag:s9], $0x100  }
0x1c: {  	[sflag:s9] =	ssyncset.done $0x0  }
0x1d: {  	s1 =	rddreg [dreg:$0x4];
	[sflag:s9] =	ssyncadd.s32 $0xFFFFFF00  }
0x1e: {  	[tilespmem:s10], [sflag:$0x2] =	stream.linear.gather [hbm4b:s1+s2], $0x100, $0x38;
	[tilespmem:$0x980] =	vst v63  }
0x1f: {  	_ =	swait.ge [sflag:s9], $0x100  }
0x20: {  	[sflag:s9] =	ssyncset.done $0x0  }
0x21: {  	s1 =	rddreg [dreg:$0x5];
	[sflag:s9] =	ssyncadd.s32 $0xFFFFFF00  }
0x22: {  	[tilespmem:s11], [sflag:$0x2] =	stream.linear.gather [hbm4b:s1+s2], $0x100, $0x38;
	[tilespmem:$0x980] =	vst v63  }
0x23: {  	_ =	swait.ge [sflag:s9], $0x100  }
0x24: {  	[sflag:s9] =	ssyncset.done $0x0  }
0x25: {  	[sflag:s9] =	ssyncadd.s32 $0xFFFFFF00  }
0x26: {  	[tilespmem:s12], [sflag:$0x2] =	stream.linear.gather [hbm4b:s6+s2], $0x80, $0x38;
	[tilespmem:$0x980] =	vst v63  }
0x27: {  	_ =	swait.ge [sflag:s9], $0x80  }
0x28: {  	[sflag:s9] =	ssyncset.done $0x0  }
0x29: {  	[sflag:s9] =	ssyncadd.s32 $0xFFFFFF80  }
0x2a: {  	v22 =	vld [tilespmem:$0x0];
	_ =	sdelay $0x4  }
0x2b: {  	v22 =	vxor.u32 $0x80000000, v22  }
0x2c: {  	(xrf1) =	vsort.ascd.msk.u32 $0xffff, v22, v0;
	_ =	sdelay $0xb  }
0x2d: {  	[tilespmem:$0x380] =	vst v17  }
0x2e: {  	[tilespmem:$0x390] =	vst v17  }
0x2f: {  	[tilespmem:$0x3A0] =	vst v17;
	v22, v23, _ =	vpop (xrf1)  }
0x30: {  	[tilespmem:$0x3B0] =	vst v17;
	v22 =	vxor.u32 $0x80000000, v22  }
0x31: {  	[tilespmem:$0x900] =	vst v22  }
0x32: {  	v24 =	vld.idx.msk [tilespmem:v18+s13+$0x0], $0xffff;
	_ =	sdelay $0x4  }
0x33: {  	v25 =	vld.idx.msk [tilespmem:v19+s13+$0x0], $0xffff;
	vm1 =	veq.s32 v22, v24  }
0x34: {  	v24 =	vsel vm1, $0x80000000, v20  }
0x35: {  	(xrf0) =	vmax.scan.msk.u32 $0xffff, v24;
	_ =	sdelay $0x2  }
0x36: {  	v53 =	vld.idx.msk [tilespmem:v22+s14+$0x0], $0xffff;
	vm1 =	vne.s32 v22, v25  }
0x37: {  	v54 =	vld.idx.msk [tilespmem:v22+s12+$0x0], $0xffff;
	vm1 =	vmor vm1, vm0;
	_ =	sdelay $0x1  }
0x38: {  	v26, _, _ =	vpop (xrf0)  }
0x39: {  	v26 =	vxor.u32 $0x80000000, v26  }
0x3a: {  	v24 =	vsub.s32 v53, v26  }
0x3b: {  	v25 =	vadd.s32 v54, v24;
	v24 =	vadd.s32 v21, v24  }
0x3c: {  	v25 =	vadd.s32 v0, v25;
	[tilespmem:v22+s14+$0x0] =	vst.idx.msk vm1, v24  }
0x3d: {  	[tilespmem:v23+s13+$0x0] =	vst.idx.msk $0xffff, v25  }
0x3e: {  	v22 =	vld [tilespmem:$0x10];
	_ =	sdelay $0x4  }
0x3f: {  	v22 =	vxor.u32 $0x80000000, v22  }
0x40: {  	(xrf1) =	vsort.ascd.msk.u32 $0xffff, v22, v0;
	_ =	sdelay $0x7  }
0x41: {  	v22 =	vld [tilespmem:$0x900];
	_ =	sdelay $0x4  }
0x42: {  	[tilespmem:$0x400] =	vst v22  }
0x43: {  	[tilespmem:$0x500] =	vst v22;
	v22, v23, _ =	vpop (xrf1)  }
0x44: {  	[tilespmem:$0x700] =	vst v1;
	v22 =	vxor.u32 $0x80000000, v22  }
0x45: {  	[tilespmem:$0x900] =	vst v22  }
0x46: {  	v24 =	vld.idx.msk [tilespmem:v18+s13+$0x0], $0xffff;
	_ =	sdelay $0x4  }
0x47: {  	v25 =	vld.idx.msk [tilespmem:v19+s13+$0x0], $0xffff;
	vm1 =	veq.s32 v22, v24  }
0x48: {  	v24 =	vsel vm1, $0x80000000, v20  }
0x49: {  	(xrf0) =	vmax.scan.msk.u32 $0xffff, v24;
	_ =	sdelay $0x2  }
0x4a: {  	v55 =	vld.idx.msk [tilespmem:v22+s14+$0x0], $0xffff;
	vm1 =	vne.s32 v22, v25  }
0x4b: {  	v56 =	vld.idx.msk [tilespmem:v22+s12+$0x0], $0xffff;
	vm1 =	vmor vm1, vm0;
	_ =	sdelay $0x1  }
0x4c: {  	v57, _, _ =	vpop (xrf0)  }
0x4d: {  	v26 =	vxor.u32 $0x80000000, v57  }
0x4e: {  	v24 =	vsub.s32 v55, v26  }
0x4f: {  	v25 =	vadd.s32 v56, v24;
	v24 =	vadd.s32 v21, v24  }
0x50: {  	v25 =	vadd.s32 v0, v25;
	[tilespmem:v22+s14+$0x0] =	vst.idx.msk vm1, v24  }
0x51: {  	[tilespmem:v23+s13+$0x0] =	vst.idx.msk $0xffff, v25  }
0x52: {  	v22 =	vld [tilespmem:$0x20];
	_ =	sdelay $0x4  }
0x53: {  	v22 =	vxor.u32 $0x80000000, v22  }
0x54: {  	(xrf1) =	vsort.ascd.msk.u32 $0xffff, v22, v0;
	_ =	sdelay $0x7  }
0x55: {  	v22 =	vld [tilespmem:$0x900];
	_ =	sdelay $0x4  }
0x56: {  	[tilespmem:$0x410] =	vst v22  }
0x57: {  	[tilespmem:$0x510] =	vst v22;
	v22, v23, _ =	vpop (xrf1)  }
0x58: {  	[tilespmem:$0x710] =	vst v2;
	v22 =	vxor.u32 $0x80000000, v22  }
0x59: {  	[tilespmem:$0x900] =	vst v22  }
0x5a: {  	v24 =	vld.idx.msk [tilespmem:v18+s13+$0x0], $0xffff;
	_ =	sdelay $0x4  }
0x5b: {  	v25 =	vld.idx.msk [tilespmem:v19+s13+$0x0], $0xffff;
	vm1 =	veq.s32 v22, v24  }
0x5c: {  	v24 =	vsel vm1, $0x80000000, v20  }
0x5d: {  	(xrf0) =	vmax.scan.msk.u32 $0xffff, v24;
	_ =	sdelay $0x2  }
0x5e: {  	v58 =	vld.idx.msk [tilespmem:v22+s14+$0x0], $0xffff;
	vm1 =	vne.s32 v22, v25  }
0x5f: {  	v59 =	vld.idx.msk [tilespmem:v22+s12+$0x0], $0xffff;
	vm1 =	vmor vm1, vm0;
	_ =	sdelay $0x1  }
0x60: {  	v60, _, _ =	vpop (xrf0)  }
0x61: {  	v26 =	vxor.u32 $0x80000000, v60  }
0x62: {  	v24 =	vsub.s32 v58, v26  }
0x63: {  	v25 =	vadd.s32 v59, v24;
	v24 =	vadd.s32 v21, v24  }
0x64: {  	v25 =	vadd.s32 v0, v25;
	[tilespmem:v22+s14+$0x0] =	vst.idx.msk vm1, v24  }
0x65: {  	[tilespmem:v23+s13+$0x0] =	vst.idx.msk $0xffff, v25  }
0x66: {  	v22 =	vld [tilespmem:$0x30];
	_ =	sdelay $0x4  }
0x67: {  	v22 =	vxor.u32 $0x80000000, v22  }
0x68: {  	(xrf1) =	vsort.ascd.msk.u32 $0xffff, v22, v0;
	_ =	sdelay $0x7  }
0x69: {  	v22 =	vld [tilespmem:$0x900];
	_ =	sdelay $0x4  }
0x6a: {  	[tilespmem:$0x420] =	vst v22  }
0x6b: {  	[tilespmem:$0x520] =	vst v22;
	v22, v23, _ =	vpop (xrf1)  }
0x6c: {  	[tilespmem:$0x720] =	vst v3;
	v22 =	vxor.u32 $0x80000000, v22  }
0x6d: {  	[tilespmem:$0x900] =	vst v22  }
0x6e: {  	v24 =	vld.idx.msk [tilespmem:v18+s13+$0x0], $0xffff;
	_ =	sdelay $0x4  }
0x6f: {  	v25 =	vld.idx.msk [tilespmem:v19+s13+$0x0], $0xffff;
	vm1 =	veq.s32 v22, v24  }
0x70: {  	v24 =	vsel vm1, $0x80000000, v20  }
0x71: {  	(xrf0) =	vmax.scan.msk.u32 $0xffff, v24;
	_ =	sdelay $0x2  }
0x72: {  	v61 =	vld.idx.msk [tilespmem:v22+s14+$0x0], $0xffff;
	vm1 =	vne.s32 v22, v25  }
0x73: {  	v62 =	vld.idx.msk [tilespmem:v22+s12+$0x0], $0xffff;
	vm1 =	vmor vm1, vm0;
	_ =	sdelay $0x1  }
0x74: {  	v63, _, _ =	vpop (xrf0)  }
0x75: {  	v26 =	vxor.u32 $0x80000000, v63  }
0x76: {  	v24 =	vsub.s32 v61, v26  }
0x77: {  	v25 =	vadd.s32 v62, v24;
	v24 =	vadd.s32 v21, v24  }
0x78: {  	v25 =	vadd.s32 v0, v25;
	[tilespmem:v22+s14+$0x0] =	vst.idx.msk vm1, v24  }
0x79: {  	[tilespmem:v23+s13+$0x0] =	vst.idx.msk $0xffff, v25  }
0x7a: {  	v22 =	vld [tilespmem:$0x40];
	_ =	sdelay $0x4  }
0x7b: {  	v22 =	vxor.u32 $0x80000000, v22  }
0x7c: {  	(xrf1) =	vsort.ascd.msk.u32 $0xffff, v22, v0;
	_ =	sdelay $0x7  }
0x7d: {  	v22 =	vld [tilespmem:$0x900];
	_ =	sdelay $0x4  }
0x7e: {  	[tilespmem:$0x430] =	vst v22  }
0x7f: {  	[tilespmem:$0x530] =	vst v22;
	v22, v23, _ =	vpop (xrf1)  }
0x80: {  	[tilespmem:$0x730] =	vst v4;
	v22 =	vxor.u32 $0x80000000, v22  }
0x81: {  	[tilespmem:$0x900] =	vst v22  }
0x82: {  	v24 =	vld.idx.msk [tilespmem:v18+s13+$0x0], $0xffff;
	_ =	sdelay $0x4  }
0x83: {  	v25 =	vld.idx.msk [tilespmem:v19+s13+$0x0], $0xffff;
	vm1 =	veq.s32 v22, v24  }
0x84: {  	v24 =	vsel vm1, $0x80000000, v20  }
0x85: {  	(xrf0) =	vmax.scan.msk.u32 $0xffff, v24;
	_ =	sdelay $0x2  }
0x86: {  	v28 =	vld.idx.msk [tilespmem:v22+s14+$0x0], $0xffff;
	vm1 =	vne.s32 v22, v25  }
0x87: {  	v29 =	vld.idx.msk [tilespmem:v22+s12+$0x0], $0xffff;
	vm1 =	vmor vm1, vm0;
	_ =	sdelay $0x1  }
0x88: {  	v30, _, _ =	vpop (xrf0)  }
0x89: {  	v26 =	vxor.u32 $0x80000000, v30  }
0x8a: {  	v24 =	vsub.s32 v28, v26  }
0x8b: {  	v25 =	vadd.s32 v29, v24;
	v24 =	vadd.s32 v21, v24  }
0x8c: {  	v25 =	vadd.s32 v0, v25;
	[tilespmem:v22+s14+$0x0] =	vst.idx.msk vm1, v24  }
0x8d: {  	[tilespmem:v23+s13+$0x0] =	vst.idx.msk $0xffff, v25  }
0x8e: {  	v22 =	vld [tilespmem:$0x50];
	_ =	sdelay $0x4  }
0x8f: {  	v22 =	vxor.u32 $0x80000000, v22  }
0x90: {  	(xrf1) =	vsort.ascd.msk.u32 $0xffff, v22, v0;
	_ =	sdelay $0x7  }
0x91: {  	v22 =	vld [tilespmem:$0x900];
	_ =	sdelay $0x4  }
0x92: {  	[tilespmem:$0x440] =	vst v22  }
0x93: {  	[tilespmem:$0x580] =	vst v22;
	v22, v23, _ =	vpop (xrf1)  }
0x94: {  	[tilespmem:$0x780] =	vst v5;
	v22 =	vxor.u32 $0x80000000, v22  }
0x95: {  	[tilespmem:$0x900] =	vst v22  }
0x96: {  	v24 =	vld.idx.msk [tilespmem:v18+s13+$0x0], $0xffff;
	_ =	sdelay $0x4  }
0x97: {  	v25 =	vld.idx.msk [tilespmem:v19+s13+$0x0], $0xffff;
	vm1 =	veq.s32 v22, v24  }
0x98: {  	v24 =	vsel vm1, $0x80000000, v20  }
0x99: {  	(xrf0) =	vmax.scan.msk.u32 $0xffff, v24;
	_ =	sdelay $0x2  }
0x9a: {  	v31 =	vld.idx.msk [tilespmem:v22+s14+$0x0], $0xffff;
	vm1 =	vne.s32 v22, v25  }
0x9b: {  	v32 =	vld.idx.msk [tilespmem:v22+s12+$0x0], $0xffff;
	vm1 =	vmor vm1, vm0;
	_ =	sdelay $0x1  }
0x9c: {  	v33, _, _ =	vpop (xrf0)  }
0x9d: {  	v26 =	vxor.u32 $0x80000000, v33  }
0x9e: {  	v24 =	vsub.s32 v31, v26  }
0x9f: {  	v25 =	vadd.s32 v32, v24;
	v24 =	vadd.s32 v21, v24  }
0xa0: {  	v25 =	vadd.s32 v0, v25;
	[tilespmem:v22+s14+$0x0] =	vst.idx.msk vm1, v24  }
0xa1: {  	[tilespmem:v23+s13+$0x0] =	vst.idx.msk $0xffff, v25  }
0xa2: {  	v22 =	vld [tilespmem:$0x60];
	_ =	sdelay $0x4  }
0xa3: {  	v22 =	vxor.u32 $0x80000000, v22  }
0xa4: {  	(xrf1) =	vsort.ascd.msk.u32 $0xffff, v22, v0;
	_ =	sdelay $0x7  }
0xa5: {  	v22 =	vld [tilespmem:$0x900];
	_ =	sdelay $0x4  }
0xa6: {  	[tilespmem:$0x450] =	vst v22  }
0xa7: {  	[tilespmem:$0x590] =	vst v22;
	v22, v23, _ =	vpop (xrf1)  }
0xa8: {  	[tilespmem:$0x790] =	vst v6;
	v22 =	vxor.u32 $0x80000000, v22  }
0xa9: {  	[tilespmem:$0x900] =	vst v22  }
0xaa: {  	v24 =	vld.idx.msk [tilespmem:v18+s13+$0x0], $0xffff;
	_ =	sdelay $0x4  }
0xab: {  	v25 =	vld.idx.msk [tilespmem:v19+s13+$0x0], $0xffff;
	vm1 =	veq.s32 v22, v24  }
0xac: {  	v24 =	vsel vm1, $0x80000000, v20  }
0xad: {  	(xrf0) =	vmax.scan.msk.u32 $0xffff, v24;
	_ =	sdelay $0x2  }
0xae: {  	v34 =	vld.idx.msk [tilespmem:v22+s14+$0x0], $0xffff;
	vm1 =	vne.s32 v22, v25  }
0xaf: {  	v35 =	vld.idx.msk [tilespmem:v22+s12+$0x0], $0xffff;
	vm1 =	vmor vm1, vm0;
	_ =	sdelay $0x1  }
0xb0: {  	v36, _, _ =	vpop (xrf0)  }
0xb1: {  	v26 =	vxor.u32 $0x80000000, v36  }
0xb2: {  	v24 =	vsub.s32 v34, v26  }
0xb3: {  	v25 =	vadd.s32 v35, v24;
	v24 =	vadd.s32 v21, v24  }
0xb4: {  	v25 =	vadd.s32 v0, v25;
	[tilespmem:v22+s14+$0x0] =	vst.idx.msk vm1, v24  }
0xb5: {  	[tilespmem:v23+s13+$0x0] =	vst.idx.msk $0xffff, v25  }
0xb6: {  	v22 =	vld [tilespmem:$0x70];
	_ =	sdelay $0x4  }
0xb7: {  	v22 =	vxor.u32 $0x80000000, v22  }
0xb8: {  	(xrf1) =	vsort.ascd.msk.u32 $0xffff, v22, v0;
	_ =	sdelay $0x7  }
0xb9: {  	v22 =	vld [tilespmem:$0x900];
	_ =	sdelay $0x4  }
0xba: {  	[tilespmem:$0x460] =	vst v22  }
0xbb: {  	[tilespmem:$0x5A0] =	vst v22;
	v22, v23, _ =	vpop (xrf1)  }
0xbc: {  	[tilespmem:$0x7A0] =	vst v7;
	v22 =	vxor.u32 $0x80000000, v22  }
0xbd: {  	[tilespmem:$0x900] =	vst v22  }
0xbe: {  	v24 =	vld.idx.msk [tilespmem:v18+s13+$0x0], $0xffff;
	_ =	sdelay $0x4  }
0xbf: {  	v25 =	vld.idx.msk [tilespmem:v19+s13+$0x0], $0xffff;
	vm1 =	veq.s32 v22, v24  }
0xc0: {  	v24 =	vsel vm1, $0x80000000, v20  }
0xc1: {  	(xrf0) =	vmax.scan.msk.u32 $0xffff, v24;
	_ =	sdelay $0x2  }
0xc2: {  	v37 =	vld.idx.msk [tilespmem:v22+s14+$0x0], $0xffff;
	vm1 =	vne.s32 v22, v25  }
0xc3: {  	v38 =	vld.idx.msk [tilespmem:v22+s12+$0x0], $0xffff;
	vm1 =	vmor vm1, vm0;
	_ =	sdelay $0x1  }
0xc4: {  	v39, _, _ =	vpop (xrf0)  }
0xc5: {  	v26 =	vxor.u32 $0x80000000, v39  }
0xc6: {  	v24 =	vsub.s32 v37, v26  }
0xc7: {  	v25 =	vadd.s32 v38, v24;
	v24 =	vadd.s32 v21, v24  }
0xc8: {  	v25 =	vadd.s32 v0, v25;
	[tilespmem:v22+s14+$0x0] =	vst.idx.msk vm1, v24  }
0xc9: {  	[tilespmem:v23+s13+$0x0] =	vst.idx.msk $0xffff, v25  }
0xca: {  	v22 =	vld [tilespmem:$0x80];
	_ =	sdelay $0x4  }
0xcb: {  	v22 =	vxor.u32 $0x80000000, v22  }
0xcc: {  	(xrf1) =	vsort.ascd.msk.u32 $0xffff, v22, v0;
	_ =	sdelay $0x7  }
0xcd: {  	v22 =	vld [tilespmem:$0x900];
	_ =	sdelay $0x4  }
0xce: {  	[tilespmem:$0x470] =	vst v22  }
0xcf: {  	[tilespmem:$0x5B0] =	vst v22;
	v22, v23, _ =	vpop (xrf1)  }
0xd0: {  	[tilespmem:$0x7B0] =	vst v8;
	v22 =	vxor.u32 $0x80000000, v22  }
0xd1: {  	[tilespmem:$0x900] =	vst v22  }
0xd2: {  	v24 =	vld.idx.msk [tilespmem:v18+s13+$0x0], $0xffff;
	_ =	sdelay $0x4  }
0xd3: {  	v25 =	vld.idx.msk [tilespmem:v19+s13+$0x0], $0xffff;
	vm1 =	veq.s32 v22, v24  }
0xd4: {  	v24 =	vsel vm1, $0x80000000, v20  }
0xd5: {  	(xrf0) =	vmax.scan.msk.u32 $0xffff, v24;
	_ =	sdelay $0x2  }
0xd6: {  	v40 =	vld.idx.msk [tilespmem:v22+s14+$0x0], $0xffff;
	vm1 =	vne.s32 v22, v25  }
0xd7: {  	v41 =	vld.idx.msk [tilespmem:v22+s12+$0x0], $0xffff;
	vm1 =	vmor vm1, vm0;
	_ =	sdelay $0x1  }
0xd8: {  	v42, _, _ =	vpop (xrf0)  }
0xd9: {  	v26 =	vxor.u32 $0x80000000, v42  }
0xda: {  	v24 =	vsub.s32 v40, v26  }
0xdb: {  	v25 =	vadd.s32 v41, v24;
	v24 =	vadd.s32 v21, v24  }
0xdc: {  	v25 =	vadd.s32 v0, v25;
	[tilespmem:v22+s14+$0x0] =	vst.idx.msk vm1, v24  }
0xdd: {  	[tilespmem:v23+s13+$0x0] =	vst.idx.msk $0xffff, v25  }
0xde: {  	v22 =	vld [tilespmem:$0x90];
	_ =	sdelay $0x4  }
0xdf: {  	v22 =	vxor.u32 $0x80000000, v22  }
0xe0: {  	(xrf1) =	vsort.ascd.msk.u32 $0xffff, v22, v0;
	_ =	sdelay $0x7  }
0xe1: {  	v22 =	vld [tilespmem:$0x900];
	_ =	sdelay $0x4  }
0xe2: {  	[tilespmem:$0x480] =	vst v22  }
0xe3: {  	[tilespmem:$0x600] =	vst v22;
	v22, v23, _ =	vpop (xrf1)  }
0xe4: {  	[tilespmem:$0x800] =	vst v9;
	v22 =	vxor.u32 $0x80000000, v22  }
0xe5: {  	[tilespmem:$0x900] =	vst v22  }
0xe6: {  	v24 =	vld.idx.msk [tilespmem:v18+s13+$0x0], $0xffff;
	_ =	sdelay $0x4  }
0xe7: {  	v25 =	vld.idx.msk [tilespmem:v19+s13+$0x0], $0xffff;
	vm1 =	veq.s32 v22, v24  }
0xe8: {  	v24 =	vsel vm1, $0x80000000, v20  }
0xe9: {  	(xrf0) =	vmax.scan.msk.u32 $0xffff, v24;
	_ =	sdelay $0x2  }
0xea: {  	v43 =	vld.idx.msk [tilespmem:v22+s14+$0x0], $0xffff;
	vm1 =	vne.s32 v22, v25  }
0xeb: {  	v44 =	vld.idx.msk [tilespmem:v22+s12+$0x0], $0xffff;
	vm1 =	vmor vm1, vm0;
	_ =	sdelay $0x1  }
0xec: {  	v45, _, _ =	vpop (xrf0)  }
0xed: {  	v26 =	vxor.u32 $0x80000000, v45  }
0xee: {  	v24 =	vsub.s32 v43, v26  }
0xef: {  	v25 =	vadd.s32 v44, v24;
	v24 =	vadd.s32 v21, v24  }
0xf0: {  	v25 =	vadd.s32 v0, v25;
	[tilespmem:v22+s14+$0x0] =	vst.idx.msk vm1, v24  }
0xf1: {  	[tilespmem:v23+s13+$0x0] =	vst.idx.msk $0xffff, v25  }
0xf2: {  	v22 =	vld [tilespmem:$0xA0];
	_ =	sdelay $0x4  }
0xf3: {  	v22 =	vxor.u32 $0x80000000, v22  }
0xf4: {  	(xrf1) =	vsort.ascd.msk.u32 $0xffff, v22, v0;
	_ =	sdelay $0x7  }
0xf5: {  	v22 =	vld [tilespmem:$0x900];
	_ =	sdelay $0x4  }
0xf6: {  	[tilespmem:$0x490] =	vst v22  }
0xf7: {  	[tilespmem:$0x610] =	vst v22;
	v22, v23, _ =	vpop (xrf1)  }
0xf8: {  	[tilespmem:$0x810] =	vst v10;
	v22 =	vxor.u32 $0x80000000, v22  }
0xf9: {  	[tilespmem:$0x900] =	vst v22  }
0xfa: {  	v24 =	vld.idx.msk [tilespmem:v18+s13+$0x0], $0xffff;
	_ =	sdelay $0x4  }
0xfb: {  	v25 =	vld.idx.msk [tilespmem:v19+s13+$0x0], $0xffff;
	vm1 =	veq.s32 v22, v24  }
0xfc: {  	v24 =	vsel vm1, $0x80000000, v20  }
0xfd: {  	(xrf0) =	vmax.scan.msk.u32 $0xffff, v24;
	_ =	sdelay $0x2  }
0xfe: {  	v46 =	vld.idx.msk [tilespmem:v22+s14+$0x0], $0xffff;
	vm1 =	vne.s32 v22, v25  }
0xff: {  	v47 =	vld.idx.msk [tilespmem:v22+s12+$0x0], $0xffff;
	vm1 =	vmor vm1, vm0;
	_ =	sdelay $0x1  }
0x100: {  	v48, _, _ =	vpop (xrf0)  }
0x101: {  	v26 =	vxor.u32 $0x80000000, v48  }
0x102: {  	v24 =	vsub.s32 v46, v26  }
0x103: {  	v25 =	vadd.s32 v47, v24;
	v24 =	vadd.s32 v21, v24  }
0x104: {  	v25 =	vadd.s32 v0, v25;
	[tilespmem:v22+s14+$0x0] =	vst.idx.msk vm1, v24  }
0x105: {  	[tilespmem:v23+s13+$0x0] =	vst.idx.msk $0xffff, v25  }
0x106: {  	v22 =	vld [tilespmem:$0xB0];
	_ =	sdelay $0x4  }
0x107: {  	v22 =	vxor.u32 $0x80000000, v22  }
0x108: {  	(xrf1) =	vsort.ascd.msk.u32 $0xffff, v22, v0;
	_ =	sdelay $0x7  }
0x109: {  	v22 =	vld [tilespmem:$0x900];
	_ =	sdelay $0x4  }
0x10a: {  	[tilespmem:$0x4A0] =	vst v22  }
0x10b: {  	[tilespmem:$0x620] =	vst v22;
	v22, v23, _ =	vpop (xrf1)  }
0x10c: {  	[tilespmem:$0x820] =	vst v11;
	v22 =	vxor.u32 $0x80000000, v22  }
0x10d: {  	[tilespmem:$0x900] =	vst v22  }
0x10e: {  	v24 =	vld.idx.msk [tilespmem:v18+s13+$0x0], $0xffff;
	_ =	sdelay $0x4  }
0x10f: {  	v25 =	vld.idx.msk [tilespmem:v19+s13+$0x0], $0xffff;
	vm1 =	veq.s32 v22, v24  }
0x110: {  	v24 =	vsel vm1, $0x80000000, v20  }
0x111: {  	(xrf0) =	vmax.scan.msk.u32 $0xffff, v24;
	_ =	sdelay $0x2  }
0x112: {  	v49 =	vld.idx.msk [tilespmem:v22+s14+$0x0], $0xffff;
	vm1 =	vne.s32 v22, v25  }
0x113: {  	v50 =	vld.idx.msk [tilespmem:v22+s12+$0x0], $0xffff;
	vm1 =	vmor vm1, vm0;
	_ =	sdelay $0x1  }
0x114: {  	v51, _, _ =	vpop (xrf0)  }
0x115: {  	v26 =	vxor.u32 $0x80000000, v51  }
0x116: {  	v24 =	vsub.s32 v49, v26  }
0x117: {  	v25 =	vadd.s32 v50, v24;
	v24 =	vadd.s32 v21, v24  }
0x118: {  	v25 =	vadd.s32 v0, v25;
	[tilespmem:v22+s14+$0x0] =	vst.idx.msk vm1, v24  }
0x119: {  	[tilespmem:v23+s13+$0x0] =	vst.idx.msk $0xffff, v25  }
0x11a: {  	v22 =	vld [tilespmem:$0xC0];
	_ =	sdelay $0x4  }
0x11b: {  	v22 =	vxor.u32 $0x80000000, v22  }
0x11c: {  	(xrf1) =	vsort.ascd.msk.u32 $0xffff, v22, v0;
	_ =	sdelay $0x7  }
0x11d: {  	v22 =	vld [tilespmem:$0x900];
	_ =	sdelay $0x4  }
0x11e: {  	[tilespmem:$0x4B0] =	vst v22  }
0x11f: {  	[tilespmem:$0x630] =	vst v22;
	v22, v23, _ =	vpop (xrf1)  }
0x120: {  	[tilespmem:$0x830] =	vst v12;
	v22 =	vxor.u32 $0x80000000, v22  }
0x121: {  	[tilespmem:$0x900] =	vst v22  }
0x122: {  	v24 =	vld.idx.msk [tilespmem:v18+s13+$0x0], $0xffff;
	_ =	sdelay $0x4  }
0x123: {  	v25 =	vld.idx.msk [tilespmem:v19+s13+$0x0], $0xffff;
	vm1 =	veq.s32 v22, v24  }
0x124: {  	v24 =	vsel vm1, $0x80000000, v20  }
0x125: {  	(xrf0) =	vmax.scan.msk.u32 $0xffff, v24;
	_ =	sdelay $0x2  }
0x126: {  	v52 =	vld.idx.msk [tilespmem:v22+s14+$0x0], $0xffff;
	vm1 =	vne.s32 v22, v25  }
0x127: {  	v53 =	vld.idx.msk [tilespmem:v22+s12+$0x0], $0xffff;
	vm1 =	vmor vm1, vm0;
	_ =	sdelay $0x1  }
0x128: {  	v54, _, _ =	vpop (xrf0)  }
0x129: {  	v26 =	vxor.u32 $0x80000000, v54  }
0x12a: {  	v24 =	vsub.s32 v52, v26  }
0x12b: {  	v25 =	vadd.s32 v53, v24;
	v24 =	vadd.s32 v21, v24  }
0x12c: {  	v25 =	vadd.s32 v0, v25;
	[tilespmem:v22+s14+$0x0] =	vst.idx.msk vm1, v24  }
0x12d: {  	[tilespmem:v23+s13+$0x0] =	vst.idx.msk $0xffff, v25  }
0x12e: {  	v22 =	vld [tilespmem:$0xD0];
	_ =	sdelay $0x4  }
0x12f: {  	v22 =	vxor.u32 $0x80000000, v22  }
0x130: {  	(xrf1) =	vsort.ascd.msk.u32 $0xffff, v22, v0;
	_ =	sdelay $0x7  }
0x131: {  	v22 =	vld [tilespmem:$0x900];
	_ =	sdelay $0x4  }
0x132: {  	[tilespmem:$0x4C0] =	vst v22  }
0x133: {  	[tilespmem:$0x680] =	vst v22;
	v22, v23, _ =	vpop (xrf1)  }
0x134: {  	[tilespmem:$0x880] =	vst v13;
	v22 =	vxor.u32 $0x80000000, v22  }
0x135: {  	[tilespmem:$0x900] =	vst v22  }
0x136: {  	v24 =	vld.idx.msk [tilespmem:v18+s13+$0x0], $0xffff;
	_ =	sdelay $0x4  }
0x137: {  	v25 =	vld.idx.msk [tilespmem:v19+s13+$0x0], $0xffff;
	vm1 =	veq.s32 v22, v24  }
0x138: {  	v24 =	vsel vm1, $0x80000000, v20  }
0x139: {  	(xrf0) =	vmax.scan.msk.u32 $0xffff, v24;
	_ =	sdelay $0x2  }
0x13a: {  	v55 =	vld.idx.msk [tilespmem:v22+s14+$0x0], $0xffff;
	vm1 =	vne.s32 v22, v25  }
0x13b: {  	v56 =	vld.idx.msk [tilespmem:v22+s12+$0x0], $0xffff;
	vm1 =	vmor vm1, vm0;
	_ =	sdelay $0x1  }
0x13c: {  	v57, _, _ =	vpop (xrf0)  }
0x13d: {  	v26 =	vxor.u32 $0x80000000, v57  }
0x13e: {  	v24 =	vsub.s32 v55, v26  }
0x13f: {  	v25 =	vadd.s32 v56, v24;
	v24 =	vadd.s32 v21, v24  }
0x140: {  	v25 =	vadd.s32 v0, v25;
	[tilespmem:v22+s14+$0x0] =	vst.idx.msk vm1, v24  }
0x141: {  	[tilespmem:v23+s13+$0x0] =	vst.idx.msk $0xffff, v25  }
0x142: {  	v22 =	vld [tilespmem:$0xE0];
	_ =	sdelay $0x4  }
0x143: {  	v22 =	vxor.u32 $0x80000000, v22  }
0x144: {  	(xrf1) =	vsort.ascd.msk.u32 $0xffff, v22, v0;
	_ =	sdelay $0x7  }
0x145: {  	v22 =	vld [tilespmem:$0x900];
	_ =	sdelay $0x4  }
0x146: {  	[tilespmem:$0x4D0] =	vst v22  }
0x147: {  	[tilespmem:$0x690] =	vst v22;
	v22, v23, _ =	vpop (xrf1)  }
0x148: {  	[tilespmem:$0x890] =	vst v14;
	v22 =	vxor.u32 $0x80000000, v22  }
0x149: {  	[tilespmem:$0x900] =	vst v22  }
0x14a: {  	v24 =	vld.idx.msk [tilespmem:v18+s13+$0x0], $0xffff;
	_ =	sdelay $0x4  }
0x14b: {  	v25 =	vld.idx.msk [tilespmem:v19+s13+$0x0], $0xffff;
	vm1 =	veq.s32 v22, v24  }
0x14c: {  	v24 =	vsel vm1, $0x80000000, v20  }
0x14d: {  	(xrf0) =	vmax.scan.msk.u32 $0xffff, v24;
	_ =	sdelay $0x2  }
0x14e: {  	v58 =	vld.idx.msk [tilespmem:v22+s14+$0x0], $0xffff;
	vm1 =	vne.s32 v22, v25  }
0x14f: {  	v59 =	vld.idx.msk [tilespmem:v22+s12+$0x0], $0xffff;
	vm1 =	vmor vm1, vm0;
	_ =	sdelay $0x1  }
0x150: {  	v60, _, _ =	vpop (xrf0)  }
0x151: {  	v26 =	vxor.u32 $0x80000000, v60  }
0x152: {  	v24 =	vsub.s32 v58, v26  }
0x153: {  	v25 =	vadd.s32 v59, v24;
	v24 =	vadd.s32 v21, v24  }
0x154: {  	v25 =	vadd.s32 v0, v25;
	[tilespmem:v22+s14+$0x0] =	vst.idx.msk vm1, v24  }
0x155: {  	[tilespmem:v23+s13+$0x0] =	vst.idx.msk $0xffff, v25  }
0x156: {  	v22 =	vld [tilespmem:$0xF0];
	_ =	sdelay $0x4  }
0x157: {  	v22 =	vxor.u32 $0x80000000, v22  }
0x158: {  	(xrf1) =	vsort.ascd.msk.u32 $0xffff, v22, v0;
	_ =	sdelay $0x7  }
0x159: {  	v22 =	vld [tilespmem:$0x900];
	_ =	sdelay $0x4  }
0x15a: {  	[tilespmem:$0x4E0] =	vst v22  }
0x15b: {  	[tilespmem:$0x6A0] =	vst v22;
	v22, v23, _ =	vpop (xrf1)  }
0x15c: {  	[tilespmem:$0x8A0] =	vst v15;
	v22 =	vxor.u32 $0x80000000, v22  }
0x15d: {  	[tilespmem:$0x900] =	vst v22  }
0x15e: {  	v24 =	vld.idx.msk [tilespmem:v18+s13+$0x0], $0xffff;
	_ =	sdelay $0x4  }
0x15f: {  	v25 =	vld.idx.msk [tilespmem:v19+s13+$0x0], $0xffff;
	vm1 =	veq.s32 v22, v24  }
0x160: {  	v24 =	vsel vm1, $0x80000000, v20  }
0x161: {  	(xrf0) =	vmax.scan.msk.u32 $0xffff, v24;
	_ =	sdelay $0x2  }
0x162: {  	v61 =	vld.idx.msk [tilespmem:v22+s14+$0x0], $0xffff;
	vm1 =	vne.s32 v22, v25  }
0x163: {  	v62 =	vld.idx.msk [tilespmem:v22+s12+$0x0], $0xffff;
	vm1 =	vmor vm1, vm0;
	_ =	sdelay $0x1  }
0x164: {  	v63, _, _ =	vpop (xrf0)  }
0x165: {  	v26 =	vxor.u32 $0x80000000, v63  }
0x166: {  	v24 =	vsub.s32 v61, v26  }
0x167: {  	v25 =	vadd.s32 v62, v24;
	v24 =	vadd.s32 v21, v24  }
0x168: {  	v25 =	vadd.s32 v0, v25;
	[tilespmem:v22+s14+$0x0] =	vst.idx.msk vm1, v24  }
0x169: {  	[tilespmem:v23+s13+$0x0] =	vst.idx.msk $0xffff, v25  }
0x16a: {  	v22 =	vld [tilespmem:$0x900];
	_ =	sdelay $0x3  }
0x16b: {  	[tilespmem:$0x8B0] =	vst v16  }
0x16c: {  	[tilespmem:$0x4F0] =	vst v22  }
0x16d: {  	[tilespmem:$0x6B0] =	vst v22  }
0x16e: {  	[hbm4b:s3+s15] =	stream.indirect.scatter [tilespmem:s17], [sflag:$0x1], $0x1, s16, s15, $0xb8;
	[tilespmem:$0x980] =	vst v63  }
0x16f: {  	_ = 	snop  }
0x170: {  	[hbm4b:s4+s15] =	stream.indirect.scatter [tilespmem:s10], [sflag:$0x1], $0x1, s16, s15, $0xb8;
	[tilespmem:$0x980] =	vst v63  }
0x171: {  	_ = 	snop  }
0x172: {  	[hbm4b:s5+s15] =	stream.indirect.scatter [tilespmem:s11], [sflag:$0x1], $0x1, s16, s15, $0xb8;
	[tilespmem:$0x980] =	vst v63  }
0x173: {  	_ = 	snop  }
0x174: {  	[hbm4b:s3+s15] =	stream.indirect.scatter [tilespmem:s19], [sflag:$0x1], $0x1, s18, s15, $0xb8;
	[tilespmem:$0x980] =	vst v63  }
0x175: {  	_ = 	snop  }
0x176: {  	[hbm4b:s4+s15] =	stream.indirect.scatter [tilespmem:s20], [sflag:$0x1], $0x1, s18, s15, $0xb8;
	[tilespmem:$0x980] =	vst v63  }
0x177: {  	_ = 	snop  }
0x178: {  	[hbm4b:s5+s15] =	stream.indirect.scatter [tilespmem:s21], [sflag:$0x1], $0x1, s18, s15, $0xb8;
	[tilespmem:$0x980] =	vst v63  }
0x179: {  	_ = 	snop  }
0x17a: {  	[hbm4b:s3+s15] =	stream.indirect.scatter [tilespmem:s23], [sflag:$0x1], $0x1, s22, s15, $0xb8;
	[tilespmem:$0x980] =	vst v63  }
0x17b: {  	_ = 	snop  }
0x17c: {  	[hbm4b:s4+s15] =	stream.indirect.scatter [tilespmem:s24], [sflag:$0x1], $0x1, s22, s15, $0xb8;
	[tilespmem:$0x980] =	vst v63  }
0x17d: {  	_ = 	snop  }
0x17e: {  	[hbm4b:s5+s15] =	stream.indirect.scatter [tilespmem:s25], [sflag:$0x1], $0x1, s22, s15, $0xb8;
	[tilespmem:$0x980] =	vst v63  }
0x17f: {  	_ = 	snop  }
0x180: {  	[hbm4b:s3+s15] =	stream.indirect.scatter [tilespmem:s28], [sflag:$0x1], $0x1, s26, s15, $0xb8;
	[tilespmem:$0x980] =	vst v63  }
0x181: {  	_ = 	snop  }
0x182: {  	[hbm4b:s4+s15] =	stream.indirect.scatter [tilespmem:s29], [sflag:$0x1], $0x1, s26, s15, $0xb8;
	[tilespmem:$0x980] =	vst v63  }
0x183: {  	_ = 	snop  }
0x184: {  	[hbm4b:s5+s15] =	stream.indirect.scatter [tilespmem:s30], [sflag:$0x1], $0x1, s26, s15, $0xb8;
	[tilespmem:$0x980] =	vst v63  }
0x185: {  	_ = 	snop  }
0x186: {  	[hbm4b:s7+s2] =	stream.linear.scatter [tilespmem:s31], [sflag:$0x2], $0x100, $0x38;
	[tilespmem:$0x980] =	vst v63  }
0x187: {  	_ =	swait.ge [sflag:s9], $0x100  }
0x188: {  	[sflag:s9] =	ssyncset.done $0x0  }
0x189: {  	[sflag:s9] =	ssyncadd.s32 $0xFFFFFF00  }
0x18a: {  	_ =	swait.ge [sflag:s0], $0x40  }
0x18b: {  	[sflag:s0] =	ssyncset.done $0x0  }
0x18c: {  	[sflag:s0] =	ssyncadd.s32 $0xFFFFFFC0  }
0x18d: {  	_ =	swait.ge [sflag:s0], $0x40  }
0x18e: {  	[sflag:s0] =	ssyncset.done $0x0  }
0x18f: {  	[sflag:s0] =	ssyncadd.s32 $0xFFFFFFC0  }
0x190: {  	_ =	swait.ge [sflag:s0], $0x40  }
0x191: {  	[sflag:s0] =	ssyncset.done $0x0  }
0x192: {  	[sflag:s0] =	ssyncadd.s32 $0xFFFFFFC0  }
0x193: {  	_ =	swait.ge [sflag:s0], $0x40  }
0x194: {  	[sflag:s0] =	ssyncset.done $0x0  }
0x195: {  	[sflag:s0] =	ssyncadd.s32 $0xFFFFFFC0  }
0x196: {  	_ =	swait.ge [sflag:s0], $0x40  }
0x197: {  	[sflag:s0] =	ssyncset.done $0x0  }
0x198: {  	[sflag:s0] =	ssyncadd.s32 $0xFFFFFFC0  }
0x199: {  	_ =	swait.ge [sflag:s0], $0x40  }
0x19a: {  	[sflag:s0] =	ssyncset.done $0x0  }
0x19b: {  	[sflag:s0] =	ssyncadd.s32 $0xFFFFFFC0  }
0x19c: {  	_ =	swait.ge [sflag:s0], $0x40  }
0x19d: {  	[sflag:s0] =	ssyncset.done $0x0  }
0x19e: {  	[sflag:s0] =	ssyncadd.s32 $0xFFFFFFC0  }
0x19f: {  	_ =	swait.ge [sflag:s0], $0x40  }
0x1a0: {  	[sflag:s0] =	ssyncset.done $0x0  }
0x1a1: {  	[sflag:s0] =	ssyncadd.s32 $0xFFFFFFC0  }
0x1a2: {  	_ =	swait.ge [sflag:s0], $0x40  }
0x1a3: {  	[sflag:s0] =	ssyncset.done $0x0  }
0x1a4: {  	[sflag:s0] =	ssyncadd.s32 $0xFFFFFFC0  }
0x1a5: {  	_ =	swait.ge [sflag:s0], $0x40  }
0x1a6: {  	[sflag:s0] =	ssyncset.done $0x0  }
0x1a7: {  	[sflag:s0] =	ssyncadd.s32 $0xFFFFFFC0  }
0x1a8: {  	p0 =	sne.s32 s8, $0x1;
	_ =	swait.ge [sflag:s0], $0x40  }
.Ltmp0:
0x1a9: {  	[sflag:s0] =	ssyncset.done $0x0;
	(pc) =	sbr.rel @p0 .LBB2_1-.Ltmp0, $4  }
0x1aa: {  	[sflag:s0] =	ssyncadd.s32 $0xFFFFFFC0  }
0x1ab: {  	_ =	swait.ge [sflag:s0], $0x40  }
0x1ac: {  	[sflag:s0] =	ssyncset.done $0x0  }
0x1ad: {  	s8 =	sadd.s32 $0xFFFFFFFF, s8;
	[sflag:s0] =	ssyncadd.s32 $0xFFFFFFC0  }
0x1ae: {  	_ =	sfence.sel $0x180000  }
0x1af: {  	[bflag:$0x0] =	sbarrier.arrive $0xFFFF  }
0x1b0: {  	_ =	strace $0x90000047  }
0x1b1: {  	s0 =	stileid.u32;
	[bflag:$0x2] =	sbarrier.arrive $0xFFFF  }
0x1b2: {  	p0 =	sne.s32 s0, $0x0;
	s0 =	rddreg [dreg:$0x2]  }
0x1b3: {  	s0 =	sadd.s32 @!p0 $0x100000, s0  }
0x1b4: {  	[sflag:s0] =	ssyncadd.tile.s32 @!p0 $0x1;
	_ =	shalt  }
.Lfunc_end2:
_tile_overlayer_lowered:
.L_overlay_start_2:
0x1b5: {  	(tag) =	ssettag $0x2  }
0x1b6: {  	s0 =	rddreg [dreg:$0x0];
	s2 =	stileid.u32  }
0x1b7: {  	s1 =	rddreg [dreg:$0x1];
	p0 =	sne.s32 s2, $0x0  }
0x1b8: {  	s3 =	rddreg [dreg:$0x2];
	[bflag:$0x3] =	sbarrier.arrive $0xFFFF;
	s2 =	simm.s32 @!p0 $0x1C02  }
0x1b9: {  	[timem:s3], [sflag:s2] =	dma.local @!p0 [hbm:s0], s1  }
0x1ba: {  	s0 =	simm.s32 @!p0 $0x2  }
0x1bb: {  	_ =	swait.ge @!p0 [sflag:s0], s1  }
0x1bc: {  	s1 =	ssub.s32 @!p0 $0x0, s1;
	[sflag:s0] =	ssyncset.done @!p0 $0x0  }
0x1bd: {  	[sflag:s0] =	ssyncadd.s32 @!p0 s1  }
0x1be: {  	[bflag:$0x3] =	sbarrier.arrive $0xFFFF  }
0x1bf: {  	_ =	shalt  }

</sc_bundles>
